<compile_context>
chip_gen: v7x
topology: tpu7x:2x2x1
jax: 0.10.2.dev20260603
libtpu: 0.0.44.dev20260713+nightly
codegen_flags: <defaults>
</compile_context>

<pallas_src>
import functools

import jax
import jax.numpy as jnp
from jax import lax
from jax.experimental import pallas as pl
from jax.experimental.pallas import tpu as pltpu
from jax.experimental.pallas import tpu_sc as plsc

N = 10000
E = 320000
D = 128
G = 256
MID = 256
NC, NS = 2, 16
NW = NC * NS
CH = 128
CPT = 80
TOTCH = NW * CPT
EP = TOTCH * CH
DBLK = 16
NBUF = 4
NP = 10240
STR = NP // NS
BR = 400
NB = N // BR

_mesh = functools.partial(
    plsc.VectorSubcoreMesh,
    core_axis_name="c", subcore_axis_name="s", num_cores=NC, num_subcores=NS)



def _hist_body(dstr, zeros1, out, dst_v, ones_v, hist_sh):
    c = lax.axis_index("c")
    s = lax.axis_index("s")
    w = c * NS + s
    off = pl.multiple_of(s * STR, 128)
    pltpu.sync_copy(dstr.at[pl.ds(pl.multiple_of(w * CPT, 8), CPT)], dst_v)
    pltpu.sync_copy(zeros1.at[pl.ds(off, STR)],
                    hist_sh.at[pl.ds(off, STR)])
    for k in range(CH // 16):
        ones_v[pl.ds(k * 16, 16)] = jnp.ones((16,), jnp.float32)
    plsc.subcore_barrier()

    def step(j, carry):
        pltpu.sync_copy(ones_v, hist_sh.at[dst_v.at[j]], add=True)
        return carry

    lax.fori_loop(0, CPT, step, 0)
    plsc.subcore_barrier()
    oout = pl.multiple_of(c * NP + s * STR, 128)
    pltpu.sync_copy(hist_sh.at[pl.ds(off, STR)],
                    out.at[pl.ds(oout, STR)])


def _sc_histogram(dstp, zeros1):
    return pl.kernel(
        _hist_body,
        out_type=jax.ShapeDtypeStruct((NC * NP,), jnp.float32),
        mesh=_mesh(),
        scratch_types=[
            pltpu.VMEM((CPT, CH), jnp.int32),
            pltpu.VMEM((CH,), jnp.float32),
            pltpu.VMEM_SHARED((NP,), jnp.float32),
        ],
    )(dstp, zeros1)


def _prop_body(ht, srcr, dstr, zeros2, out,
               src_v, dst_v, b0, b1, b2, b3, acc_sh,
               g0, g1, g2, g3, s0, s1, s2, s3):
    c = lax.axis_index("c")
    s = lax.axis_index("s")
    w = c * NS + s
    off = pl.multiple_of(s * STR, 128)
    base = pl.multiple_of(w * CPT, 8)
    bufs = (b0, b1, b2, b3)
    gsems = (g0, g1, g2, g3)
    ssems = (s0, s1, s2, s3)
    pltpu.sync_copy(srcr.at[pl.ds(base, CPT)], src_v)
    pltpu.sync_copy(zeros2.at[pl.ds(off, STR)],
                    acc_sh.at[pl.ds(off, STR)])
    plsc.subcore_barrier()

    for k in range(NBUF - 1):
        pltpu.async_copy(ht.at[src_v.at[k]], bufs[k], gsems[k])

    def sblock(j, carry):
        @pl.when(j > 0)
        def _():
            pltpu.make_async_copy(bufs[NBUF - 1], acc_sh.at[dst_v.at[0]],
                                  ssems[NBUF - 1]).wait()
        db = pl.multiple_of(base + j * DBLK, 8)
        pltpu.sync_copy(dstr.at[pl.ds(db, DBLK)], dst_v)

        def group(i, carry):
            for k in range(NBUF):
                t = j * DBLK + i * NBUF + k
                local = i * NBUF + k
                pltpu.make_async_copy(ht.at[src_v.at[t]], bufs[k],
                                      gsems[k]).wait()
                if k == 0:
                    @pl.when(i > 0)
                    def _():
                        pltpu.make_async_copy(bufs[NBUF - 1],
                                              acc_sh.at[dst_v.at[0]],
                                              ssems[NBUF - 1]).wait()
                else:
                    pltpu.make_async_copy(bufs[k - 1], acc_sh.at[dst_v.at[0]],
                                          ssems[k - 1]).wait()
                pltpu.async_copy(bufs[k], acc_sh.at[dst_v.at[local]],
                                 ssems[k], add=True)

                @pl.when(t + NBUF - 1 < CPT)
                def _(k=k, t=t):
                    pltpu.async_copy(ht.at[src_v.at[t + NBUF - 1]],
                                     bufs[(k + NBUF - 1) % NBUF],
                                     gsems[(k + NBUF - 1) % NBUF])
            return carry

        return lax.fori_loop(0, DBLK // NBUF, group, carry)

    lax.fori_loop(0, CPT // DBLK, sblock, 0)
    pltpu.make_async_copy(bufs[NBUF - 1], acc_sh.at[dst_v.at[0]],
                          ssems[NBUF - 1]).wait()
    plsc.subcore_barrier()
    pltpu.sync_copy(acc_sh.at[pl.ds(off, STR)],
                    out.at[c, pl.ds(off, STR)])


def _sc_propagate(ht, srcp, dstp, zeros2):
    return pl.kernel(
        _prop_body,
        out_type=jax.ShapeDtypeStruct((NC, NP, D), jnp.bfloat16),
        compiler_params=pltpu.CompilerParams(use_tc_tiling_on_sc=False),
        mesh=_mesh(),
        scratch_types=[
            pltpu.VMEM((CPT, CH), jnp.int32),
            pltpu.VMEM((DBLK, CH), jnp.int32),
            pltpu.VMEM((CH, D), jnp.bfloat16),
            pltpu.VMEM((CH, D), jnp.bfloat16),
            pltpu.VMEM((CH, D), jnp.bfloat16),
            pltpu.VMEM((CH, D), jnp.bfloat16),
            pltpu.VMEM_SHARED((NP, D), jnp.bfloat16),
            pltpu.SemaphoreType.DMA,
            pltpu.SemaphoreType.DMA,
            pltpu.SemaphoreType.DMA,
            pltpu.SemaphoreType.DMA,
            pltpu.SemaphoreType.DMA,
            pltpu.SemaphoreType.DMA,
            pltpu.SemaphoreType.DMA,
            pltpu.SemaphoreType.DMA,
        ],
    )(ht, srcp, dstp, zeros2)



def _scale_body(x_ref, d_ref, o_ref):
    o_ref[...] = (x_ref[...] * d_ref[...]).astype(jnp.bfloat16)


def _tc_scale(x, dinv2):
    return pl.pallas_call(
        _scale_body,
        grid=(NB,),
        in_specs=[pl.BlockSpec((BR, D), lambda i: (i, 0)),
                  pl.BlockSpec((BR, D), lambda i: (i, 0))],
        out_specs=pl.BlockSpec((BR, D), lambda i: (i, 0)),
        out_shape=jax.ShapeDtypeStruct((N, D), jnp.bfloat16),
    )(x, dinv2)


def _layer_body(last, s_ref, ht_ref, d_ref, w_ref, b_ref, o_ref):
    d = d_ref[...]
    agg = (s_ref[0] + s_ref[1]).astype(jnp.float32) + ht_ref[...].astype(jnp.float32)
    o = jnp.dot(agg * d, w_ref[...], preferred_element_type=jnp.float32) + b_ref[...]
    if last:
        o_ref[...] = o
    else:
        o_ref[...] = (jnp.maximum(o, 0.0) * d).astype(jnp.bfloat16)


def _tc_layer(S, ht, dinv2, W, b, last):
    return pl.pallas_call(
        functools.partial(_layer_body, last),
        grid=(NB,),
        in_specs=[pl.BlockSpec((NC, BR, D), lambda i: (0, i, 0)),
                  pl.BlockSpec((BR, D), lambda i: (i, 0)),
                  pl.BlockSpec((BR, D), lambda i: (i, 0)),
                  pl.BlockSpec((D, D), lambda i: (0, 0)),
                  pl.BlockSpec((1, D), lambda i: (0, 0))],
        out_specs=pl.BlockSpec((BR, D), lambda i: (i, 0)),
        out_shape=jax.ShapeDtypeStruct((N, D), jnp.bfloat16),
    )(S, ht, dinv2, W, b)


def _pool_body(s_ref, ht_ref, d_ref, w_ref, b_ref, bid_ref,
               wm0_ref, bm0_ref, wm1_ref, bm1_ref, z_ref, sums, cnt):
    i = pl.program_id(0)

    @pl.when(i == 0)
    def _():
        sums[...] = jnp.zeros((G, D), jnp.float32)
        cnt[...] = jnp.zeros((G, D), jnp.float32)

    agg = (s_ref[0] + s_ref[1]).astype(jnp.float32) + ht_ref[...].astype(jnp.float32)
    t = agg * d_ref[...]
    h2 = jnp.dot(t, w_ref[...], preferred_element_type=jnp.float32) + b_ref[...]
    ids = bid_ref[0]
    gid = lax.broadcasted_iota(jnp.int32, (G, BR), 0)
    m = jnp.where(ids == gid, 1.0, 0.0)
    sums[...] += jnp.dot(m, h2, preferred_element_type=jnp.float32)
    cnt[...] += jnp.dot(m, jnp.ones((BR, D), jnp.float32),
                        preferred_element_type=jnp.float32)

    @pl.when(i == NB - 1)
    def _():
        pooled = sums[...] / jnp.maximum(cnt[...], 1.0)
        z1 = jnp.dot(pooled, wm0_ref[...], preferred_element_type=jnp.float32)
        z1 = jnp.maximum(z1 + bm0_ref[...], 0.0)
        z2 = jnp.dot(z1, wm1_ref[...], preferred_element_type=jnp.float32)
        z_ref[...] = jnp.maximum(z2 + bm1_ref[...], 0.0)


def _tc_pool(S, ht, dinv2, W, b, bid, Wm0, bm0, Wm1, bm1):
    return pl.pallas_call(
        _pool_body,
        grid=(NB,),
        in_specs=[pl.BlockSpec((NC, BR, D), lambda i: (0, i, 0)),
                  pl.BlockSpec((BR, D), lambda i: (i, 0)),
                  pl.BlockSpec((BR, D), lambda i: (i, 0)),
                  pl.BlockSpec((D, D), lambda i: (0, 0)),
                  pl.BlockSpec((1, D), lambda i: (0, 0)),
                  pl.BlockSpec((1, 1, BR), lambda i: (i, 0, 0)),
                  pl.BlockSpec((D, MID), lambda i: (0, 0)),
                  pl.BlockSpec((1, MID), lambda i: (0, 0)),
                  pl.BlockSpec((MID, D), lambda i: (0, 0)),
                  pl.BlockSpec((1, D), lambda i: (0, 0))],
        out_specs=pl.BlockSpec((G, D), lambda i: (0, 0)),
        out_shape=jax.ShapeDtypeStruct((G, D), jnp.float32),
        scratch_shapes=[pltpu.VMEM((G, D), jnp.float32),
                        pltpu.VMEM((G, D), jnp.float32)],
    )(S, ht, dinv2, W, b, bid, Wm0, bm0, Wm1, bm1)



def kernel(x, edge_index, batch, W0, b0, W1, b1, W2, b2, Wm0, bm0, Wm1, bm1):
    src = edge_index[0]
    dst = edge_index[1]
    pad = EP - E
    pad_ids = jnp.arange(pad, dtype=jnp.int32)
    srcp = jnp.concatenate([src, pad_ids % N]).reshape(TOTCH, CH)
    dstp = jnp.concatenate([dst, N + pad_ids % (NP - N)]).reshape(TOTCH, CH)
    zeros1 = jnp.zeros((NP,), jnp.float32)
    zeros2 = jnp.zeros((NP, D), jnp.bfloat16)

    counts = _sc_histogram(dstp, zeros1).reshape(NC, NP)
    deg = counts[0, :N] + counts[1, :N] + 1.0
    dinv2 = jnp.broadcast_to(lax.rsqrt(deg)[:, None], (N, D))

    ht = _tc_scale(x, dinv2)
    for W, b in ((W0, b0), (W1, b1)):
        S = _sc_propagate(ht, srcp, dstp, zeros2)
        ht = _tc_layer(S[:, :N, :], ht, dinv2, W, b.reshape(1, D), False)

    S = _sc_propagate(ht, srcp, dstp, zeros2)
    return _tc_pool(S[:, :N, :], ht, dinv2, W2, b2.reshape(1, D),
                    batch.reshape(NB, 1, BR),
                    Wm0, bm0.reshape(1, MID), Wm1, bm1.reshape(1, D))

# --- scband reference (transcript-rebuilt; emitter-appended) ---
"""Pipeline reference for scband-spi-ff-21320217658036 (READ-ONLY COPY).

The authoritative reference and input builder live on the scoring server;
editing this copy changes nothing except your own understanding.
"""

import jax, jax.numpy as jnp
import numpy as np

N = 10000
E = 320000
D_IN = 128
HID = 128
LATENT = 128
MLP_MID = 256
NUM_GRAPHS = 256


def setup_inputs(seed: int = 0) -> dict:
    key = jax.random.key(seed)
    ks = jax.random.split(key, 16)
    x = jax.random.normal(ks[0], (N, D_IN), dtype=jnp.float32)
    edge_index = jax.random.randint(ks[1], (2, E), 0, N, dtype=jnp.int32)
    batch = jnp.sort(jax.random.randint(ks[2], (N,), 0, NUM_GRAPHS, dtype=jnp.int32))
    s = 0.05
    # GCN layer weights (3 layers)
    W0 = jax.random.normal(ks[3], (D_IN, HID), dtype=jnp.float32) * s
    b0 = jnp.zeros((HID,), dtype=jnp.float32)
    W1 = jax.random.normal(ks[4], (HID, HID), dtype=jnp.float32) * s
    b1 = jnp.zeros((HID,), dtype=jnp.float32)
    W2 = jax.random.normal(ks[5], (HID, HID), dtype=jnp.float32) * s
    b2 = jnp.zeros((HID,), dtype=jnp.float32)
    # MLP: hidden_size -> 256 -> latent_size (ReLU after each linear, as in the torch code)
    Wm0 = jax.random.normal(ks[6], (HID, MLP_MID), dtype=jnp.float32) * s
    bm0 = jnp.zeros((MLP_MID,), dtype=jnp.float32)
    Wm1 = jax.random.normal(ks[7], (MLP_MID, LATENT), dtype=jnp.float32) * s
    bm1 = jnp.zeros((LATENT,), dtype=jnp.float32)
    return {"x": x, "edge_index": edge_index, "batch": batch,
            "W0": W0, "b0": b0, "W1": W1, "b1": b1, "W2": W2, "b2": b2,
            "Wm0": Wm0, "bm0": bm0, "Wm1": Wm1, "bm1": bm1}


def _gcn_conv(h, src, dst, norm, W, b):
    msg = h[src] * norm[:, None]
    agg = jax.ops.segment_sum(msg, dst, num_segments=N)
    return agg @ W + b


def reference(x, edge_index, batch, W0, b0, W1, b1, W2, b2, Wm0, bm0, Wm1, bm1):
    # GCN with self-loops and symmetric normalization
    self_loops = jnp.arange(N, dtype=edge_index.dtype)
    src = jnp.concatenate([edge_index[0], self_loops])
    dst = jnp.concatenate([edge_index[1], self_loops])
    deg = jax.ops.segment_sum(jnp.ones_like(dst, dtype=jnp.float32), dst, num_segments=N)
    dinv = jnp.where(deg > 0, 1.0 / jnp.sqrt(deg), 0.0)
    norm = dinv[src] * dinv[dst]
    h = _gcn_conv(x, src, dst, norm, W0, b0)
    h = jax.nn.relu(h)
    h = _gcn_conv(h, src, dst, norm, W1, b1)
    h = jax.nn.relu(h)
    h = _gcn_conv(h, src, dst, norm, W2, b2)
    # global mean pool readout per graph
    sums = jax.ops.segment_sum(h, batch, num_segments=NUM_GRAPHS)
    counts = jax.ops.segment_sum(jnp.ones((N,), dtype=jnp.float32), batch, num_segments=NUM_GRAPHS)
    pooled = sums / jnp.clip(counts, 1.0)[:, None]
    # MLP head (eval mode: projection head is skipped)
    z = jax.nn.relu(pooled @ Wm0 + bm0)
    z = jax.nn.relu(z @ Wm1 + bm1)
    return z

if __name__ == "__main__":
    import jax
    _d = setup_inputs()
    print(jax.jit(kernel)(*tuple(_d.values())))

</pallas_src>

<mosaic_0001>
#map = affine_map<(d0, d1) -> (0, 0)>
#map1 = affine_map<(d0, d1) -> (0, 0, 0)>
module attributes {stable_mosaic.version = 14 : i64} {
  func.func @_prop_body(%arg0: i32, %arg1: i32, %arg2: memref<10000x128xbf16, #tpu.memory_space<hbm>>, %arg3: memref<2560x128xi32, #tpu.memory_space<hbm>>, %arg4: memref<2560x128xi32, #tpu.memory_space<hbm>>, %arg5: memref<10240x128xbf16, #tpu.memory_space<hbm>>, %arg6: memref<2x10240x128xbf16, #tpu.memory_space<hbm>>, %arg7: memref<80x128xi32, #tpu.memory_space<vmem>>, %arg8: memref<16x128xi32, #tpu.memory_space<vmem>>, %arg9: memref<128x128xbf16, #tpu.memory_space<vmem>>, %arg10: memref<128x128xbf16, #tpu.memory_space<vmem>>, %arg11: memref<128x128xbf16, #tpu.memory_space<vmem>>, %arg12: memref<128x128xbf16, #tpu.memory_space<vmem>>, %arg13: memref<10240x128xbf16, #tpu.memory_space<vmem_shared>>, %arg14: memref<!tpu.dma_semaphore, #tpu.memory_space<semaphore_mem>>, %arg15: memref<!tpu.dma_semaphore, #tpu.memory_space<semaphore_mem>>, %arg16: memref<!tpu.dma_semaphore, #tpu.memory_space<semaphore_mem>>, %arg17: memref<!tpu.dma_semaphore, #tpu.memory_space<semaphore_mem>>, %arg18: memref<!tpu.dma_semaphore, #tpu.memory_space<semaphore_mem>>, %arg19: memref<!tpu.dma_semaphore, #tpu.memory_space<semaphore_mem>>, %arg20: memref<!tpu.dma_semaphore, #tpu.memory_space<semaphore_mem>>, %arg21: memref<!tpu.dma_semaphore, #tpu.memory_space<semaphore_mem>>) attributes {dimension_semantics = [#tpu.dimension_semantics<core_parallel>, #tpu.dimension_semantics<subcore_parallel>], iteration_bounds = array<i64: 2, 16>, scalar_prefetch = 0 : i64, scratch_operands = 15 : i64, tpu.core_type = #tpu.core_type<sc_vector_subcore>, window_params = [{transform_indices = #map}, {transform_indices = #map}, {transform_indices = #map}, {transform_indices = #map}, {transform_indices = #map1}]} {
    %mul3A = arith.constant 16 : i32
    %mul3A_0 = arith.muli %arg0, %mul3A : i32
    %add3A = arith.addi %mul3A_0, %arg1 : i32
    %mul3A_1 = arith.constant 640 : i32
    %mul3A_2 = arith.muli %arg1, %mul3A_1 : i32
    %multiple_of3A = tpu.assume_multiple %mul3A_2, 128 : i32
    %mul3A_3 = arith.constant 80 : i32
    %mul3A_4 = arith.muli %add3A, %mul3A_3 : i32
    %multiple_of3A_5 = tpu.assume_multiple %mul3A_4, 8 : i32
    "tpu.region"() ({
      %run_scoped3A = tpu.sem_alloc : memref<!tpu.dma_semaphore, #tpu.memory_space<semaphore_mem>>
      %dma_start3A_38 = arith.constant 0 : i32
      %dma_start3A_39 = tpu.memref_slice %arg3[%multiple_of3A_5, %dma_start3A_38] : memref<2560x128xi32, #tpu.memory_space<hbm>> -> memref<80x128xi32, #tpu.memory_space<hbm>>
      %dma_start3A_40 = arith.constant 0 : i32
      %dma_start3A_41 = tpu.memref_slice %arg3[%multiple_of3A_5, %dma_start3A_40] : memref<2560x128xi32, #tpu.memory_space<hbm>> -> memref<80x128xi32, #tpu.memory_space<hbm>>
      tpu.enqueue_dma source(%dma_start3A_41 : memref<80x128xi32, #tpu.memory_space<hbm>>) target(%arg7 : memref<80x128xi32, #tpu.memory_space<vmem>>) target_semaphore(%run_scoped3A : memref<!tpu.dma_semaphore, #tpu.memory_space<semaphore_mem>>)
      %dma_wait3A_42 = arith.constant 0 : i32
      %dma_wait3A_43 = tpu.memref_slice %arg3[%multiple_of3A_5, %dma_wait3A_42] : memref<2560x128xi32, #tpu.memory_space<hbm>> -> memref<80x128xi32, #tpu.memory_space<hbm>>
      %dma_wait3A_44 = arith.constant 0 : i32
      %dma_wait3A_45 = tpu.memref_slice %arg3[%multiple_of3A_5, %dma_wait3A_44] : memref<2560x128xi32, #tpu.memory_space<hbm>> -> memref<80x128xi32, #tpu.memory_space<hbm>>
      tpu.wait_dma2 semaphore(%run_scoped3A : memref<!tpu.dma_semaphore, #tpu.memory_space<semaphore_mem>>) src(%dma_wait3A_45 : memref<80x128xi32, #tpu.memory_space<hbm>>) dst(%arg7 : memref<80x128xi32, #tpu.memory_space<vmem>>)
      tpu.yield
    }) : () -> ()
    "tpu.region"() ({
      %run_scoped3A = tpu.sem_alloc : memref<!tpu.dma_semaphore, #tpu.memory_space<semaphore_mem>>
      %dma_start3A_38 = arith.constant 0 : i32
      %dma_start3A_39 = tpu.memref_slice %arg13[%multiple_of3A, %dma_start3A_38] : memref<10240x128xbf16, #tpu.memory_space<vmem_shared>> -> memref<640x128xbf16, #tpu.memory_space<vmem_shared>>
      %dma_start3A_40 = arith.constant 0 : i32
      %dma_start3A_41 = tpu.memref_slice %arg5[%multiple_of3A, %dma_start3A_40] : memref<10240x128xbf16, #tpu.memory_space<hbm>> -> memref<640x128xbf16, #tpu.memory_space<hbm>>
      tpu.enqueue_dma source(%dma_start3A_41 : memref<640x128xbf16, #tpu.memory_space<hbm>>) target(%dma_start3A_39 : memref<640x128xbf16, #tpu.memory_space<vmem_shared>>) target_semaphore(%run_scoped3A : memref<!tpu.dma_semaphore, #tpu.memory_space<semaphore_mem>>)
      %dma_wait3A_42 = arith.constant 0 : i32
      %dma_wait3A_43 = tpu.memref_slice %arg13[%multiple_of3A, %dma_wait3A_42] : memref<10240x128xbf16, #tpu.memory_space<vmem_shared>> -> memref<640x128xbf16, #tpu.memory_space<vmem_shared>>
      %dma_wait3A_44 = arith.constant 0 : i32
      %dma_wait3A_45 = tpu.memref_slice %arg5[%multiple_of3A, %dma_wait3A_44] : memref<10240x128xbf16, #tpu.memory_space<hbm>> -> memref<640x128xbf16, #tpu.memory_space<hbm>>
      tpu.wait_dma2 semaphore(%run_scoped3A : memref<!tpu.dma_semaphore, #tpu.memory_space<semaphore_mem>>) src(%dma_wait3A_45 : memref<640x128xbf16, #tpu.memory_space<hbm>>) dst(%dma_wait3A_43 : memref<640x128xbf16, #tpu.memory_space<vmem_shared>>)
      tpu.yield
    }) : () -> ()
    %barrier3A = arith.constant 0 : index
    tpu.barrier barrier_id(%barrier3A)
    %dma_start3A = arith.constant 0 : i32
    %dma_start3A_6 = arith.constant 0 : i32
    %dma_start3A_7 = tpu.memref_slice %arg7[%dma_start3A, %dma_start3A_6] : memref<80x128xi32, #tpu.memory_space<vmem>> -> memref<1x128xi32, #tpu.memory_space<vmem>>
    %dma_start3A_8 = tpu.memref_squeeze %dma_start3A_7 : memref<1x128xi32, #tpu.memory_space<vmem>> -> memref<128xi32, #tpu.memory_space<vmem>>
    %dma_start3A_9 = arith.constant 0 : i32
    %dma_start3A_10 = arith.constant 0 : i32
    %dma_start3A_11 = tpu.memref_slice %arg2[%dma_start3A_9, %dma_start3A_10] : memref<10000x128xbf16, #tpu.memory_space<hbm>> -> memref<10000x128xbf16, #tpu.memory_space<hbm>>
    tpu.enqueue_indirect_dma source(%dma_start3A_11 : memref<10000x128xbf16, #tpu.memory_space<hbm>>) target(%arg9 : memref<128x128xbf16, #tpu.memory_space<vmem>>) offsets(%dma_start3A_8 : memref<128xi32, #tpu.memory_space<vmem>>) semaphore(%arg14 : memref<!tpu.dma_semaphore, #tpu.memory_space<semaphore_mem>>)
    %dma_start3A_12 = arith.constant 1 : i32
    %dma_start3A_13 = arith.constant 0 : i32
    %dma_start3A_14 = tpu.memref_slice %arg7[%dma_start3A_12, %dma_start3A_13] : memref<80x128xi32, #tpu.memory_space<vmem>> -> memref<1x128xi32, #tpu.memory_space<vmem>>
    %dma_start3A_15 = tpu.memref_squeeze %dma_start3A_14 : memref<1x128xi32, #tpu.memory_space<vmem>> -> memref<128xi32, #tpu.memory_space<vmem>>
    %dma_start3A_16 = arith.constant 0 : i32
    %dma_start3A_17 = arith.constant 0 : i32
    %dma_start3A_18 = tpu.memref_slice %arg2[%dma_start3A_16, %dma_start3A_17] : memref<10000x128xbf16, #tpu.memory_space<hbm>> -> memref<10000x128xbf16, #tpu.memory_space<hbm>>
    tpu.enqueue_indirect_dma source(%dma_start3A_18 : memref<10000x128xbf16, #tpu.memory_space<hbm>>) target(%arg10 : memref<128x128xbf16, #tpu.memory_space<vmem>>) offsets(%dma_start3A_15 : memref<128xi32, #tpu.memory_space<vmem>>) semaphore(%arg15 : memref<!tpu.dma_semaphore, #tpu.memory_space<semaphore_mem>>)
    %dma_start3A_19 = arith.constant 2 : i32
    %dma_start3A_20 = arith.constant 0 : i32
    %dma_start3A_21 = tpu.memref_slice %arg7[%dma_start3A_19, %dma_start3A_20] : memref<80x128xi32, #tpu.memory_space<vmem>> -> memref<1x128xi32, #tpu.memory_space<vmem>>
    %dma_start3A_22 = tpu.memref_squeeze %dma_start3A_21 : memref<1x128xi32, #tpu.memory_space<vmem>> -> memref<128xi32, #tpu.memory_space<vmem>>
    %dma_start3A_23 = arith.constant 0 : i32
    %dma_start3A_24 = arith.constant 0 : i32
    %dma_start3A_25 = tpu.memref_slice %arg2[%dma_start3A_23, %dma_start3A_24] : memref<10000x128xbf16, #tpu.memory_space<hbm>> -> memref<10000x128xbf16, #tpu.memory_space<hbm>>
    tpu.enqueue_indirect_dma source(%dma_start3A_25 : memref<10000x128xbf16, #tpu.memory_space<hbm>>) target(%arg11 : memref<128x128xbf16, #tpu.memory_space<vmem>>) offsets(%dma_start3A_22 : memref<128xi32, #tpu.memory_space<vmem>>) semaphore(%arg16 : memref<!tpu.dma_semaphore, #tpu.memory_space<semaphore_mem>>)
    %scan3A = arith.constant 0 : i32
    %scan3A_26 = arith.constant 0 : i32
    %scan3A_27 = arith.constant 5 : i32
    %scan3A_28 = arith.addi %scan3A_26, %scan3A_27 : i32
    %scan3A_29 = arith.constant 1 : i32
    scf.for %scan3A_38 = %scan3A_26 to %scan3A_28 step %scan3A_29  : i32 {
      %gt3A = arith.constant 0 : i32
      %gt3A_39 = arith.cmpi sgt, %scan3A_38, %gt3A : i32
      %convert_element_type3A = arith.extui %gt3A_39 : i1 to i32
      %cond3A = arith.constant 0 : i32
      %cond3A_40 = arith.cmpi ne, %convert_element_type3A, %cond3A : i32
      scf.if %cond3A_40 {
        %dma_wait3A_50 = arith.constant 0 : i32
        %dma_wait3A_51 = arith.constant 0 : i32
        %dma_wait3A_52 = tpu.memref_slice %arg8[%dma_wait3A_50, %dma_wait3A_51] : memref<16x128xi32, #tpu.memory_space<vmem>> -> memref<1x128xi32, #tpu.memory_space<vmem>>
        %dma_wait3A_53 = tpu.memref_squeeze %dma_wait3A_52 : memref<1x128xi32, #tpu.memory_space<vmem>> -> memref<128xi32, #tpu.memory_space<vmem>>
        %dma_wait3A_54 = arith.constant 0 : i32
        %dma_wait3A_55 = arith.constant 0 : i32
        %dma_wait3A_56 = tpu.memref_slice %arg13[%dma_wait3A_54, %dma_wait3A_55] : memref<10240x128xbf16, #tpu.memory_space<vmem_shared>> -> memref<10240x128xbf16, #tpu.memory_space<vmem_shared>>
        tpu.wait_indirect_dma semaphore(%arg21 : memref<!tpu.dma_semaphore, #tpu.memory_space<semaphore_mem>>) src(%arg12 : memref<128x128xbf16, #tpu.memory_space<vmem>>) dst(%dma_wait3A_56 : memref<10240x128xbf16, #tpu.memory_space<vmem_shared>>)
      } else {
      }
      %mul3A_41 = arith.constant 16 : i32
      %mul3A_42 = arith.muli %scan3A_38, %mul3A_41 : i32
      %add3A_43 = arith.addi %multiple_of3A_5, %mul3A_42 : i32
      %multiple_of3A_44 = tpu.assume_multiple %add3A_43, 8 : i32
      "tpu.region"() ({
        %run_scoped3A = tpu.sem_alloc : memref<!tpu.dma_semaphore, #tpu.memory_space<semaphore_mem>>
        %dma_start3A_50 = arith.constant 0 : i32
        %dma_start3A_51 = tpu.memref_slice %arg4[%multiple_of3A_44, %dma_start3A_50] : memref<2560x128xi32, #tpu.memory_space<hbm>> -> memref<16x128xi32, #tpu.memory_space<hbm>>
        %dma_start3A_52 = arith.constant 0 : i32
        %dma_start3A_53 = tpu.memref_slice %arg4[%multiple_of3A_44, %dma_start3A_52] : memref<2560x128xi32, #tpu.memory_space<hbm>> -> memref<16x128xi32, #tpu.memory_space<hbm>>
        tpu.enqueue_dma source(%dma_start3A_53 : memref<16x128xi32, #tpu.memory_space<hbm>>) target(%arg8 : memref<16x128xi32, #tpu.memory_space<vmem>>) target_semaphore(%run_scoped3A : memref<!tpu.dma_semaphore, #tpu.memory_space<semaphore_mem>>)
        %dma_wait3A_54 = arith.constant 0 : i32
        %dma_wait3A_55 = tpu.memref_slice %arg4[%multiple_of3A_44, %dma_wait3A_54] : memref<2560x128xi32, #tpu.memory_space<hbm>> -> memref<16x128xi32, #tpu.memory_space<hbm>>
        %dma_wait3A_56 = arith.constant 0 : i32
        %dma_wait3A_57 = tpu.memref_slice %arg4[%multiple_of3A_44, %dma_wait3A_56] : memref<2560x128xi32, #tpu.memory_space<hbm>> -> memref<16x128xi32, #tpu.memory_space<hbm>>
        tpu.wait_dma2 semaphore(%run_scoped3A : memref<!tpu.dma_semaphore, #tpu.memory_space<semaphore_mem>>) src(%dma_wait3A_57 : memref<16x128xi32, #tpu.memory_space<hbm>>) dst(%arg8 : memref<16x128xi32, #tpu.memory_space<vmem>>)
        tpu.yield
      }) : () -> ()
      %scan3A_45 = arith.constant 0 : i32
      %scan3A_46 = arith.constant 4 : i32
      %scan3A_47 = arith.addi %scan3A_45, %scan3A_46 : i32
      %scan3A_48 = arith.constant 1 : i32
      scf.for %scan3A_50 = %scan3A_45 to %scan3A_47 step %scan3A_48  : i32 {
        %mul3A_51 = arith.constant 16 : i32
        %mul3A_52 = arith.muli %scan3A_38, %mul3A_51 : i32
        %mul3A_53 = arith.constant 4 : i32
        %mul3A_54 = arith.muli %scan3A_50, %mul3A_53 : i32
        %add3A_55 = arith.addi %mul3A_52, %mul3A_54 : i32
        %add3A_56 = arith.constant 0 : i32
        %add3A_57 = arith.addi %add3A_55, %add3A_56 : i32
        %mul3A_58 = arith.constant 4 : i32
        %mul3A_59 = arith.muli %scan3A_50, %mul3A_58 : i32
        %add3A_60 = arith.constant 0 : i32
        %add3A_61 = arith.addi %mul3A_59, %add3A_60 : i32
        %dma_wait3A_62 = arith.constant 0 : i32
        %dma_wait3A_63 = tpu.memref_slice %arg7[%add3A_57, %dma_wait3A_62] : memref<80x128xi32, #tpu.memory_space<vmem>> -> memref<1x128xi32, #tpu.memory_space<vmem>>
        %dma_wait3A_64 = tpu.memref_squeeze %dma_wait3A_63 : memref<1x128xi32, #tpu.memory_space<vmem>> -> memref<128xi32, #tpu.memory_space<vmem>>
        %dma_wait3A_65 = arith.constant 0 : i32
        %dma_wait3A_66 = arith.constant 0 : i32
        %dma_wait3A_67 = tpu.memref_slice %arg2[%dma_wait3A_65, %dma_wait3A_66] : memref<10000x128xbf16, #tpu.memory_space<hbm>> -> memref<10000x128xbf16, #tpu.memory_space<hbm>>
        tpu.wait_indirect_dma semaphore(%arg14 : memref<!tpu.dma_semaphore, #tpu.memory_space<semaphore_mem>>) src(%dma_wait3A_67 : memref<10000x128xbf16, #tpu.memory_space<hbm>>) dst(%arg9 : memref<128x128xbf16, #tpu.memory_space<vmem>>)
        %gt3A_68 = arith.constant 0 : i32
        %gt3A_69 = arith.cmpi sgt, %scan3A_50, %gt3A_68 : i32
        %convert_element_type3A_70 = arith.extui %gt3A_69 : i1 to i32
        %cond3A_71 = arith.constant 0 : i32
        %cond3A_72 = arith.cmpi ne, %convert_element_type3A_70, %cond3A_71 : i32
        scf.if %cond3A_72 {
          %dma_wait3A_203 = arith.constant 0 : i32
          %dma_wait3A_204 = arith.constant 0 : i32
          %dma_wait3A_205 = tpu.memref_slice %arg8[%dma_wait3A_203, %dma_wait3A_204] : memref<16x128xi32, #tpu.memory_space<vmem>> -> memref<1x128xi32, #tpu.memory_space<vmem>>
          %dma_wait3A_206 = tpu.memref_squeeze %dma_wait3A_205 : memref<1x128xi32, #tpu.memory_space<vmem>> -> memref<128xi32, #tpu.memory_space<vmem>>
          %dma_wait3A_207 = arith.constant 0 : i32
          %dma_wait3A_208 = arith.constant 0 : i32
          %dma_wait3A_209 = tpu.memref_slice %arg13[%dma_wait3A_207, %dma_wait3A_208] : memref<10240x128xbf16, #tpu.memory_space<vmem_shared>> -> memref<10240x128xbf16, #tpu.memory_space<vmem_shared>>
          tpu.wait_indirect_dma semaphore(%arg21 : memref<!tpu.dma_semaphore, #tpu.memory_space<semaphore_mem>>) src(%arg12 : memref<128x128xbf16, #tpu.memory_space<vmem>>) dst(%dma_wait3A_209 : memref<10240x128xbf16, #tpu.memory_space<vmem_shared>>)
        } else {
        }
        %dma_start3A_73 = arith.constant 0 : i32
        %dma_start3A_74 = tpu.memref_slice %arg8[%add3A_61, %dma_start3A_73] : memref<16x128xi32, #tpu.memory_space<vmem>> -> memref<1x128xi32, #tpu.memory_space<vmem>>
        %dma_start3A_75 = tpu.memref_squeeze %dma_start3A_74 : memref<1x128xi32, #tpu.memory_space<vmem>> -> memref<128xi32, #tpu.memory_space<vmem>>
        %dma_start3A_76 = arith.constant 0 : i32
        %dma_start3A_77 = arith.constant 0 : i32
        %dma_start3A_78 = tpu.memref_slice %arg13[%dma_start3A_76, %dma_start3A_77] : memref<10240x128xbf16, #tpu.memory_space<vmem_shared>> -> memref<10240x128xbf16, #tpu.memory_space<vmem_shared>>
        tpu.enqueue_indirect_dma source(%arg9 : memref<128x128xbf16, #tpu.memory_space<vmem>>) target(%dma_start3A_78 : memref<10240x128xbf16, #tpu.memory_space<vmem_shared>>) offsets(%dma_start3A_75 : memref<128xi32, #tpu.memory_space<vmem>>) semaphore(%arg18 : memref<!tpu.dma_semaphore, #tpu.memory_space<semaphore_mem>>) {add = true}
        %add3A_79 = arith.constant 4 : i32
        %add3A_80 = arith.addi %add3A_57, %add3A_79 : i32
        %sub3A = arith.constant 1 : i32
        %sub3A_81 = arith.subi %add3A_80, %sub3A : i32
        %lt3A = arith.constant 80 : i32
        %lt3A_82 = arith.cmpi slt, %sub3A_81, %lt3A : i32
        %convert_element_type3A_83 = arith.extui %lt3A_82 : i1 to i32
        %cond3A_84 = arith.constant 0 : i32
        %cond3A_85 = arith.cmpi ne, %convert_element_type3A_83, %cond3A_84 : i32
        scf.if %cond3A_85 {
          %add3A_203 = arith.constant 4 : i32
          %add3A_204 = arith.addi %add3A_57, %add3A_203 : i32
          %sub3A_205 = arith.constant 1 : i32
          %sub3A_206 = arith.subi %add3A_204, %sub3A_205 : i32
          %dma_start3A_207 = arith.constant 0 : i32
          %dma_start3A_208 = tpu.memref_slice %arg7[%sub3A_206, %dma_start3A_207] : memref<80x128xi32, #tpu.memory_space<vmem>> -> memref<1x128xi32, #tpu.memory_space<vmem>>
          %dma_start3A_209 = tpu.memref_squeeze %dma_start3A_208 : memref<1x128xi32, #tpu.memory_space<vmem>> -> memref<128xi32, #tpu.memory_space<vmem>>
          %dma_start3A_210 = arith.constant 0 : i32
          %dma_start3A_211 = arith.constant 0 : i32
          %dma_start3A_212 = tpu.memref_slice %arg2[%dma_start3A_210, %dma_start3A_211] : memref<10000x128xbf16, #tpu.memory_space<hbm>> -> memref<10000x128xbf16, #tpu.memory_space<hbm>>
          tpu.enqueue_indirect_dma source(%dma_start3A_212 : memref<10000x128xbf16, #tpu.memory_space<hbm>>) target(%arg12 : memref<128x128xbf16, #tpu.memory_space<vmem>>) offsets(%dma_start3A_209 : memref<128xi32, #tpu.memory_space<vmem>>) semaphore(%arg17 : memref<!tpu.dma_semaphore, #tpu.memory_space<semaphore_mem>>)
        } else {
        }
        %mul3A_86 = arith.constant 16 : i32
        %mul3A_87 = arith.muli %scan3A_38, %mul3A_86 : i32
        %mul3A_88 = arith.constant 4 : i32
        %mul3A_89 = arith.muli %scan3A_50, %mul3A_88 : i32
        %add3A_90 = arith.addi %mul3A_87, %mul3A_89 : i32
        %add3A_91 = arith.constant 1 : i32
        %add3A_92 = arith.addi %add3A_90, %add3A_91 : i32
        %mul3A_93 = arith.constant 4 : i32
        %mul3A_94 = arith.muli %scan3A_50, %mul3A_93 : i32
        %add3A_95 = arith.constant 1 : i32
        %add3A_96 = arith.addi %mul3A_94, %add3A_95 : i32
        %dma_wait3A_97 = arith.constant 0 : i32
        %dma_wait3A_98 = tpu.memref_slice %arg7[%add3A_92, %dma_wait3A_97] : memref<80x128xi32, #tpu.memory_space<vmem>> -> memref<1x128xi32, #tpu.memory_space<vmem>>
        %dma_wait3A_99 = tpu.memref_squeeze %dma_wait3A_98 : memref<1x128xi32, #tpu.memory_space<vmem>> -> memref<128xi32, #tpu.memory_space<vmem>>
        %dma_wait3A_100 = arith.constant 0 : i32
        %dma_wait3A_101 = arith.constant 0 : i32
        %dma_wait3A_102 = tpu.memref_slice %arg2[%dma_wait3A_100, %dma_wait3A_101] : memref<10000x128xbf16, #tpu.memory_space<hbm>> -> memref<10000x128xbf16, #tpu.memory_space<hbm>>
        tpu.wait_indirect_dma semaphore(%arg15 : memref<!tpu.dma_semaphore, #tpu.memory_space<semaphore_mem>>) src(%dma_wait3A_102 : memref<10000x128xbf16, #tpu.memory_space<hbm>>) dst(%arg10 : memref<128x128xbf16, #tpu.memory_space<vmem>>)
        %dma_wait3A_103 = arith.constant 0 : i32
        %dma_wait3A_104 = arith.constant 0 : i32
        %dma_wait3A_105 = tpu.memref_slice %arg8[%dma_wait3A_103, %dma_wait3A_104] : memref<16x128xi32, #tpu.memory_space<vmem>> -> memref<1x128xi32, #tpu.memory_space<vmem>>
        %dma_wait3A_106 = tpu.memref_squeeze %dma_wait3A_105 : memref<1x128xi32, #tpu.memory_space<vmem>> -> memref<128xi32, #tpu.memory_space<vmem>>
        %dma_wait3A_107 = arith.constant 0 : i32
        %dma_wait3A_108 = arith.constant 0 : i32
        %dma_wait3A_109 = tpu.memref_slice %arg13[%dma_wait3A_107, %dma_wait3A_108] : memref<10240x128xbf16, #tpu.memory_space<vmem_shared>> -> memref<10240x128xbf16, #tpu.memory_space<vmem_shared>>
        tpu.wait_indirect_dma semaphore(%arg18 : memref<!tpu.dma_semaphore, #tpu.memory_space<semaphore_mem>>) src(%arg9 : memref<128x128xbf16, #tpu.memory_space<vmem>>) dst(%dma_wait3A_109 : memref<10240x128xbf16, #tpu.memory_space<vmem_shared>>)
        %dma_start3A_110 = arith.constant 0 : i32
        %dma_start3A_111 = tpu.memref_slice %arg8[%add3A_96, %dma_start3A_110] : memref<16x128xi32, #tpu.memory_space<vmem>> -> memref<1x128xi32, #tpu.memory_space<vmem>>
        %dma_start3A_112 = tpu.memref_squeeze %dma_start3A_111 : memref<1x128xi32, #tpu.memory_space<vmem>> -> memref<128xi32, #tpu.memory_space<vmem>>
        %dma_start3A_113 = arith.constant 0 : i32
        %dma_start3A_114 = arith.constant 0 : i32
        %dma_start3A_115 = tpu.memref_slice %arg13[%dma_start3A_113, %dma_start3A_114] : memref<10240x128xbf16, #tpu.memory_space<vmem_shared>> -> memref<10240x128xbf16, #tpu.memory_space<vmem_shared>>
        tpu.enqueue_indirect_dma source(%arg10 : memref<128x128xbf16, #tpu.memory_space<vmem>>) target(%dma_start3A_115 : memref<10240x128xbf16, #tpu.memory_space<vmem_shared>>) offsets(%dma_start3A_112 : memref<128xi32, #tpu.memory_space<vmem>>) semaphore(%arg19 : memref<!tpu.dma_semaphore, #tpu.memory_space<semaphore_mem>>) {add = true}
        %add3A_116 = arith.constant 4 : i32
        %add3A_117 = arith.addi %add3A_92, %add3A_116 : i32
        %sub3A_118 = arith.constant 1 : i32
        %sub3A_119 = arith.subi %add3A_117, %sub3A_118 : i32
        %lt3A_120 = arith.constant 80 : i32
        %lt3A_121 = arith.cmpi slt, %sub3A_119, %lt3A_120 : i32
        %convert_element_type3A_122 = arith.extui %lt3A_121 : i1 to i32
        %cond3A_123 = arith.constant 0 : i32
        %cond3A_124 = arith.cmpi ne, %convert_element_type3A_122, %cond3A_123 : i32
        scf.if %cond3A_124 {
          %add3A_203 = arith.constant 4 : i32
          %add3A_204 = arith.addi %add3A_92, %add3A_203 : i32
          %sub3A_205 = arith.constant 1 : i32
          %sub3A_206 = arith.subi %add3A_204, %sub3A_205 : i32
          %dma_start3A_207 = arith.constant 0 : i32
          %dma_start3A_208 = tpu.memref_slice %arg7[%sub3A_206, %dma_start3A_207] : memref<80x128xi32, #tpu.memory_space<vmem>> -> memref<1x128xi32, #tpu.memory_space<vmem>>
          %dma_start3A_209 = tpu.memref_squeeze %dma_start3A_208 : memref<1x128xi32, #tpu.memory_space<vmem>> -> memref<128xi32, #tpu.memory_space<vmem>>
          %dma_start3A_210 = arith.constant 0 : i32
          %dma_start3A_211 = arith.constant 0 : i32
          %dma_start3A_212 = tpu.memref_slice %arg2[%dma_start3A_210, %dma_start3A_211] : memref<10000x128xbf16, #tpu.memory_space<hbm>> -> memref<10000x128xbf16, #tpu.memory_space<hbm>>
          tpu.enqueue_indirect_dma source(%dma_start3A_212 : memref<10000x128xbf16, #tpu.memory_space<hbm>>) target(%arg9 : memref<128x128xbf16, #tpu.memory_space<vmem>>) offsets(%dma_start3A_209 : memref<128xi32, #tpu.memory_space<vmem>>) semaphore(%arg14 : memref<!tpu.dma_semaphore, #tpu.memory_space<semaphore_mem>>)
        } else {
        }
        %mul3A_125 = arith.constant 16 : i32
        %mul3A_126 = arith.muli %scan3A_38, %mul3A_125 : i32
        %mul3A_127 = arith.constant 4 : i32
        %mul3A_128 = arith.muli %scan3A_50, %mul3A_127 : i32
        %add3A_129 = arith.addi %mul3A_126, %mul3A_128 : i32
        %add3A_130 = arith.constant 2 : i32
        %add3A_131 = arith.addi %add3A_129, %add3A_130 : i32
        %mul3A_132 = arith.constant 4 : i32
        %mul3A_133 = arith.muli %scan3A_50, %mul3A_132 : i32
        %add3A_134 = arith.constant 2 : i32
        %add3A_135 = arith.addi %mul3A_133, %add3A_134 : i32
        %dma_wait3A_136 = arith.constant 0 : i32
        %dma_wait3A_137 = tpu.memref_slice %arg7[%add3A_131, %dma_wait3A_136] : memref<80x128xi32, #tpu.memory_space<vmem>> -> memref<1x128xi32, #tpu.memory_space<vmem>>
        %dma_wait3A_138 = tpu.memref_squeeze %dma_wait3A_137 : memref<1x128xi32, #tpu.memory_space<vmem>> -> memref<128xi32, #tpu.memory_space<vmem>>
        %dma_wait3A_139 = arith.constant 0 : i32
        %dma_wait3A_140 = arith.constant 0 : i32
        %dma_wait3A_141 = tpu.memref_slice %arg2[%dma_wait3A_139, %dma_wait3A_140] : memref<10000x128xbf16, #tpu.memory_space<hbm>> -> memref<10000x128xbf16, #tpu.memory_space<hbm>>
        tpu.wait_indirect_dma semaphore(%arg16 : memref<!tpu.dma_semaphore, #tpu.memory_space<semaphore_mem>>) src(%dma_wait3A_141 : memref<10000x128xbf16, #tpu.memory_space<hbm>>) dst(%arg11 : memref<128x128xbf16, #tpu.memory_space<vmem>>)
        %dma_wait3A_142 = arith.constant 0 : i32
        %dma_wait3A_143 = arith.constant 0 : i32
        %dma_wait3A_144 = tpu.memref_slice %arg8[%dma_wait3A_142, %dma_wait3A_143] : memref<16x128xi32, #tpu.memory_space<vmem>> -> memref<1x128xi32, #tpu.memory_space<vmem>>
        %dma_wait3A_145 = tpu.memref_squeeze %dma_wait3A_144 : memref<1x128xi32, #tpu.memory_space<vmem>> -> memref<128xi32, #tpu.memory_space<vmem>>
        %dma_wait3A_146 = arith.constant 0 : i32
        %dma_wait3A_147 = arith.constant 0 : i32
        %dma_wait3A_148 = tpu.memref_slice %arg13[%dma_wait3A_146, %dma_wait3A_147] : memref<10240x128xbf16, #tpu.memory_space<vmem_shared>> -> memref<10240x128xbf16, #tpu.memory_space<vmem_shared>>
        tpu.wait_indirect_dma semaphore(%arg19 : memref<!tpu.dma_semaphore, #tpu.memory_space<semaphore_mem>>) src(%arg10 : memref<128x128xbf16, #tpu.memory_space<vmem>>) dst(%dma_wait3A_148 : memref<10240x128xbf16, #tpu.memory_space<vmem_shared>>)
        %dma_start3A_149 = arith.constant 0 : i32
        %dma_start3A_150 = tpu.memref_slice %arg8[%add3A_135, %dma_start3A_149] : memref<16x128xi32, #tpu.memory_space<vmem>> -> memref<1x128xi32, #tpu.memory_space<vmem>>
        %dma_start3A_151 = tpu.memref_squeeze %dma_start3A_150 : memref<1x128xi32, #tpu.memory_space<vmem>> -> memref<128xi32, #tpu.memory_space<vmem>>
        %dma_start3A_152 = arith.constant 0 : i32
        %dma_start3A_153 = arith.constant 0 : i32
        %dma_start3A_154 = tpu.memref_slice %arg13[%dma_start3A_152, %dma_start3A_153] : memref<10240x128xbf16, #tpu.memory_space<vmem_shared>> -> memref<10240x128xbf16, #tpu.memory_space<vmem_shared>>
        tpu.enqueue_indirect_dma source(%arg11 : memref<128x128xbf16, #tpu.memory_space<vmem>>) target(%dma_start3A_154 : memref<10240x128xbf16, #tpu.memory_space<vmem_shared>>) offsets(%dma_start3A_151 : memref<128xi32, #tpu.memory_space<vmem>>) semaphore(%arg20 : memref<!tpu.dma_semaphore, #tpu.memory_space<semaphore_mem>>) {add = true}
        %add3A_155 = arith.constant 4 : i32
        %add3A_156 = arith.addi %add3A_131, %add3A_155 : i32
        %sub3A_157 = arith.constant 1 : i32
        %sub3A_158 = arith.subi %add3A_156, %sub3A_157 : i32
        %lt3A_159 = arith.constant 80 : i32
        %lt3A_160 = arith.cmpi slt, %sub3A_158, %lt3A_159 : i32
        %convert_element_type3A_161 = arith.extui %lt3A_160 : i1 to i32
        %cond3A_162 = arith.constant 0 : i32
        %cond3A_163 = arith.cmpi ne, %convert_element_type3A_161, %cond3A_162 : i32
        scf.if %cond3A_163 {
          %add3A_203 = arith.constant 4 : i32
          %add3A_204 = arith.addi %add3A_131, %add3A_203 : i32
          %sub3A_205 = arith.constant 1 : i32
          %sub3A_206 = arith.subi %add3A_204, %sub3A_205 : i32
          %dma_start3A_207 = arith.constant 0 : i32
          %dma_start3A_208 = tpu.memref_slice %arg7[%sub3A_206, %dma_start3A_207] : memref<80x128xi32, #tpu.memory_space<vmem>> -> memref<1x128xi32, #tpu.memory_space<vmem>>
          %dma_start3A_209 = tpu.memref_squeeze %dma_start3A_208 : memref<1x128xi32, #tpu.memory_space<vmem>> -> memref<128xi32, #tpu.memory_space<vmem>>
          %dma_start3A_210 = arith.constant 0 : i32
          %dma_start3A_211 = arith.constant 0 : i32
          %dma_start3A_212 = tpu.memref_slice %arg2[%dma_start3A_210, %dma_start3A_211] : memref<10000x128xbf16, #tpu.memory_space<hbm>> -> memref<10000x128xbf16, #tpu.memory_space<hbm>>
          tpu.enqueue_indirect_dma source(%dma_start3A_212 : memref<10000x128xbf16, #tpu.memory_space<hbm>>) target(%arg10 : memref<128x128xbf16, #tpu.memory_space<vmem>>) offsets(%dma_start3A_209 : memref<128xi32, #tpu.memory_space<vmem>>) semaphore(%arg15 : memref<!tpu.dma_semaphore, #tpu.memory_space<semaphore_mem>>)
        } else {
        }
        %mul3A_164 = arith.constant 16 : i32
        %mul3A_165 = arith.muli %scan3A_38, %mul3A_164 : i32
        %mul3A_166 = arith.constant 4 : i32
        %mul3A_167 = arith.muli %scan3A_50, %mul3A_166 : i32
        %add3A_168 = arith.addi %mul3A_165, %mul3A_167 : i32
        %add3A_169 = arith.constant 3 : i32
        %add3A_170 = arith.addi %add3A_168, %add3A_169 : i32
        %mul3A_171 = arith.constant 4 : i32
        %mul3A_172 = arith.muli %scan3A_50, %mul3A_171 : i32
        %add3A_173 = arith.constant 3 : i32
        %add3A_174 = arith.addi %mul3A_172, %add3A_173 : i32
        %dma_wait3A_175 = arith.constant 0 : i32
        %dma_wait3A_176 = tpu.memref_slice %arg7[%add3A_170, %dma_wait3A_175] : memref<80x128xi32, #tpu.memory_space<vmem>> -> memref<1x128xi32, #tpu.memory_space<vmem>>
        %dma_wait3A_177 = tpu.memref_squeeze %dma_wait3A_176 : memref<1x128xi32, #tpu.memory_space<vmem>> -> memref<128xi32, #tpu.memory_space<vmem>>
        %dma_wait3A_178 = arith.constant 0 : i32
        %dma_wait3A_179 = arith.constant 0 : i32
        %dma_wait3A_180 = tpu.memref_slice %arg2[%dma_wait3A_178, %dma_wait3A_179] : memref<10000x128xbf16, #tpu.memory_space<hbm>> -> memref<10000x128xbf16, #tpu.memory_space<hbm>>
        tpu.wait_indirect_dma semaphore(%arg17 : memref<!tpu.dma_semaphore, #tpu.memory_space<semaphore_mem>>) src(%dma_wait3A_180 : memref<10000x128xbf16, #tpu.memory_space<hbm>>) dst(%arg12 : memref<128x128xbf16, #tpu.memory_space<vmem>>)
        %dma_wait3A_181 = arith.constant 0 : i32
        %dma_wait3A_182 = arith.constant 0 : i32
        %dma_wait3A_183 = tpu.memref_slice %arg8[%dma_wait3A_181, %dma_wait3A_182] : memref<16x128xi32, #tpu.memory_space<vmem>> -> memref<1x128xi32, #tpu.memory_space<vmem>>
        %dma_wait3A_184 = tpu.memref_squeeze %dma_wait3A_183 : memref<1x128xi32, #tpu.memory_space<vmem>> -> memref<128xi32, #tpu.memory_space<vmem>>
        %dma_wait3A_185 = arith.constant 0 : i32
        %dma_wait3A_186 = arith.constant 0 : i32
        %dma_wait3A_187 = tpu.memref_slice %arg13[%dma_wait3A_185, %dma_wait3A_186] : memref<10240x128xbf16, #tpu.memory_space<vmem_shared>> -> memref<10240x128xbf16, #tpu.memory_space<vmem_shared>>
        tpu.wait_indirect_dma semaphore(%arg20 : memref<!tpu.dma_semaphore, #tpu.memory_space<semaphore_mem>>) src(%arg11 : memref<128x128xbf16, #tpu.memory_space<vmem>>) dst(%dma_wait3A_187 : memref<10240x128xbf16, #tpu.memory_space<vmem_shared>>)
        %dma_start3A_188 = arith.constant 0 : i32
        %dma_start3A_189 = tpu.memref_slice %arg8[%add3A_174, %dma_start3A_188] : memref<16x128xi32, #tpu.memory_space<vmem>> -> memref<1x128xi32, #tpu.memory_space<vmem>>
        %dma_start3A_190 = tpu.memref_squeeze %dma_start3A_189 : memref<1x128xi32, #tpu.memory_space<vmem>> -> memref<128xi32, #tpu.memory_space<vmem>>
        %dma_start3A_191 = arith.constant 0 : i32
        %dma_start3A_192 = arith.constant 0 : i32
        %dma_start3A_193 = tpu.memref_slice %arg13[%dma_start3A_191, %dma_start3A_192] : memref<10240x128xbf16, #tpu.memory_space<vmem_shared>> -> memref<10240x128xbf16, #tpu.memory_space<vmem_shared>>
        tpu.enqueue_indirect_dma source(%arg12 : memref<128x128xbf16, #tpu.memory_space<vmem>>) target(%dma_start3A_193 : memref<10240x128xbf16, #tpu.memory_space<vmem_shared>>) offsets(%dma_start3A_190 : memref<128xi32, #tpu.memory_space<vmem>>) semaphore(%arg21 : memref<!tpu.dma_semaphore, #tpu.memory_space<semaphore_mem>>) {add = true}
        %add3A_194 = arith.constant 4 : i32
        %add3A_195 = arith.addi %add3A_170, %add3A_194 : i32
        %sub3A_196 = arith.constant 1 : i32
        %sub3A_197 = arith.subi %add3A_195, %sub3A_196 : i32
        %lt3A_198 = arith.constant 80 : i32
        %lt3A_199 = arith.cmpi slt, %sub3A_197, %lt3A_198 : i32
        %convert_element_type3A_200 = arith.extui %lt3A_199 : i1 to i32
        %cond3A_201 = arith.constant 0 : i32
        %cond3A_202 = arith.cmpi ne, %convert_element_type3A_200, %cond3A_201 : i32
        scf.if %cond3A_202 {
          %add3A_203 = arith.constant 4 : i32
          %add3A_204 = arith.addi %add3A_170, %add3A_203 : i32
          %sub3A_205 = arith.constant 1 : i32
          %sub3A_206 = arith.subi %add3A_204, %sub3A_205 : i32
          %dma_start3A_207 = arith.constant 0 : i32
          %dma_start3A_208 = tpu.memref_slice %arg7[%sub3A_206, %dma_start3A_207] : memref<80x128xi32, #tpu.memory_space<vmem>> -> memref<1x128xi32, #tpu.memory_space<vmem>>
          %dma_start3A_209 = tpu.memref_squeeze %dma_start3A_208 : memref<1x128xi32, #tpu.memory_space<vmem>> -> memref<128xi32, #tpu.memory_space<vmem>>
          %dma_start3A_210 = arith.constant 0 : i32
          %dma_start3A_211 = arith.constant 0 : i32
          %dma_start3A_212 = tpu.memref_slice %arg2[%dma_start3A_210, %dma_start3A_211] : memref<10000x128xbf16, #tpu.memory_space<hbm>> -> memref<10000x128xbf16, #tpu.memory_space<hbm>>
          tpu.enqueue_indirect_dma source(%dma_start3A_212 : memref<10000x128xbf16, #tpu.memory_space<hbm>>) target(%arg11 : memref<128x128xbf16, #tpu.memory_space<vmem>>) offsets(%dma_start3A_209 : memref<128xi32, #tpu.memory_space<vmem>>) semaphore(%arg16 : memref<!tpu.dma_semaphore, #tpu.memory_space<semaphore_mem>>)
        } else {
        }
      }
      %scan3A_49 = arith.constant 4 : i32
    }
    %scan3A_30 = arith.constant 5 : i32
    %dma_wait3A = arith.constant 0 : i32
    %dma_wait3A_31 = arith.constant 0 : i32
    %dma_wait3A_32 = tpu.memref_slice %arg8[%dma_wait3A, %dma_wait3A_31] : memref<16x128xi32, #tpu.memory_space<vmem>> -> memref<1x128xi32, #tpu.memory_space<vmem>>
    %dma_wait3A_33 = tpu.memref_squeeze %dma_wait3A_32 : memref<1x128xi32, #tpu.memory_space<vmem>> -> memref<128xi32, #tpu.memory_space<vmem>>
    %dma_wait3A_34 = arith.constant 0 : i32
    %dma_wait3A_35 = arith.constant 0 : i32
    %dma_wait3A_36 = tpu.memref_slice %arg13[%dma_wait3A_34, %dma_wait3A_35] : memref<10240x128xbf16, #tpu.memory_space<vmem_shared>> -> memref<10240x128xbf16, #tpu.memory_space<vmem_shared>>
    tpu.wait_indirect_dma semaphore(%arg21 : memref<!tpu.dma_semaphore, #tpu.memory_space<semaphore_mem>>) src(%arg12 : memref<128x128xbf16, #tpu.memory_space<vmem>>) dst(%dma_wait3A_36 : memref<10240x128xbf16, #tpu.memory_space<vmem_shared>>)
    %barrier3A_37 = arith.constant 0 : index
    tpu.barrier barrier_id(%barrier3A_37)
    "tpu.region"() ({
      %run_scoped3A = tpu.sem_alloc : memref<!tpu.dma_semaphore, #tpu.memory_space<semaphore_mem>>
      %dma_start3A_38 = arith.constant 0 : i32
      %dma_start3A_39 = tpu.memref_slice %arg6[%arg0, %multiple_of3A, %dma_start3A_38] : memref<2x10240x128xbf16, #tpu.memory_space<hbm>> -> memref<1x640x128xbf16, #tpu.memory_space<hbm>>
      %dma_start3A_40 = tpu.memref_squeeze %dma_start3A_39 : memref<1x640x128xbf16, #tpu.memory_space<hbm>> -> memref<640x128xbf16, #tpu.memory_space<hbm>>
      %dma_start3A_41 = arith.constant 0 : i32
      %dma_start3A_42 = tpu.memref_slice %arg13[%multiple_of3A, %dma_start3A_41] : memref<10240x128xbf16, #tpu.memory_space<vmem_shared>> -> memref<640x128xbf16, #tpu.memory_space<vmem_shared>>
      tpu.enqueue_dma source(%dma_start3A_42 : memref<640x128xbf16, #tpu.memory_space<vmem_shared>>) target(%dma_start3A_40 : memref<640x128xbf16, #tpu.memory_space<hbm>>) target_semaphore(%run_scoped3A : memref<!tpu.dma_semaphore, #tpu.memory_space<semaphore_mem>>)
      %dma_wait3A_43 = arith.constant 0 : i32
      %dma_wait3A_44 = tpu.memref_slice %arg6[%arg0, %multiple_of3A, %dma_wait3A_43] : memref<2x10240x128xbf16, #tpu.memory_space<hbm>> -> memref<1x640x128xbf16, #tpu.memory_space<hbm>>
      %dma_wait3A_45 = tpu.memref_squeeze %dma_wait3A_44 : memref<1x640x128xbf16, #tpu.memory_space<hbm>> -> memref<640x128xbf16, #tpu.memory_space<hbm>>
      %dma_wait3A_46 = arith.constant 0 : i32
      %dma_wait3A_47 = tpu.memref_slice %arg13[%multiple_of3A, %dma_wait3A_46] : memref<10240x128xbf16, #tpu.memory_space<vmem_shared>> -> memref<640x128xbf16, #tpu.memory_space<vmem_shared>>
      tpu.wait_dma2 semaphore(%run_scoped3A : memref<!tpu.dma_semaphore, #tpu.memory_space<semaphore_mem>>) src(%dma_wait3A_47 : memref<640x128xbf16, #tpu.memory_space<vmem_shared>>) dst(%dma_wait3A_45 : memref<640x128xbf16, #tpu.memory_space<hbm>>)
      tpu.yield
    }) : () -> ()
    return
  }
}

#map = affine_map<(d0, d1) -> (0, 0)>
#map1 = affine_map<(d0, d1) -> (0)>
module attributes {stable_mosaic.version = 14 : i64} {
  func.func @_hist_body(%arg0: i32, %arg1: i32, %arg2: memref<2560x128xi32, #tpu.memory_space<hbm>>, %arg3: memref<10240xf32, #tpu.memory_space<hbm>>, %arg4: memref<20480xf32, #tpu.memory_space<hbm>>, %arg5: memref<80x128xi32, #tpu.memory_space<vmem>>, %arg6: memref<128xf32, #tpu.memory_space<vmem>>, %arg7: memref<10240xf32, #tpu.memory_space<vmem_shared>>) attributes {dimension_semantics = [#tpu.dimension_semantics<core_parallel>, #tpu.dimension_semantics<subcore_parallel>], iteration_bounds = array<i64: 2, 16>, scalar_prefetch = 0 : i64, scratch_operands = 3 : i64, tpu.core_type = #tpu.core_type<sc_vector_subcore>, window_params = [{transform_indices = #map}, {transform_indices = #map1}, {transform_indices = #map1}]} {
    %mul3A = arith.constant 16 : i32
    %mul3A_0 = arith.muli %arg0, %mul3A : i32
    %add3A = arith.addi %mul3A_0, %arg1 : i32
    %mul3A_1 = arith.constant 640 : i32
    %mul3A_2 = arith.muli %arg1, %mul3A_1 : i32
    %multiple_of3A = tpu.assume_multiple %mul3A_2, 128 : i32
    %mul3A_3 = arith.constant 80 : i32
    %mul3A_4 = arith.muli %add3A, %mul3A_3 : i32
    %multiple_of3A_5 = tpu.assume_multiple %mul3A_4, 8 : i32
    "tpu.region"() ({
      %run_scoped3A = tpu.sem_alloc : memref<!tpu.dma_semaphore, #tpu.memory_space<semaphore_mem>>
      %dma_start3A = arith.constant 0 : i32
      %dma_start3A_64 = tpu.memref_slice %arg2[%multiple_of3A_5, %dma_start3A] : memref<2560x128xi32, #tpu.memory_space<hbm>> -> memref<80x128xi32, #tpu.memory_space<hbm>>
      %dma_start3A_65 = arith.constant 0 : i32
      %dma_start3A_66 = tpu.memref_slice %arg2[%multiple_of3A_5, %dma_start3A_65] : memref<2560x128xi32, #tpu.memory_space<hbm>> -> memref<80x128xi32, #tpu.memory_space<hbm>>
      tpu.enqueue_dma source(%dma_start3A_66 : memref<80x128xi32, #tpu.memory_space<hbm>>) target(%arg5 : memref<80x128xi32, #tpu.memory_space<vmem>>) target_semaphore(%run_scoped3A : memref<!tpu.dma_semaphore, #tpu.memory_space<semaphore_mem>>)
      %dma_wait3A = arith.constant 0 : i32
      %dma_wait3A_67 = tpu.memref_slice %arg2[%multiple_of3A_5, %dma_wait3A] : memref<2560x128xi32, #tpu.memory_space<hbm>> -> memref<80x128xi32, #tpu.memory_space<hbm>>
      %dma_wait3A_68 = arith.constant 0 : i32
      %dma_wait3A_69 = tpu.memref_slice %arg2[%multiple_of3A_5, %dma_wait3A_68] : memref<2560x128xi32, #tpu.memory_space<hbm>> -> memref<80x128xi32, #tpu.memory_space<hbm>>
      tpu.wait_dma2 semaphore(%run_scoped3A : memref<!tpu.dma_semaphore, #tpu.memory_space<semaphore_mem>>) src(%dma_wait3A_69 : memref<80x128xi32, #tpu.memory_space<hbm>>) dst(%arg5 : memref<80x128xi32, #tpu.memory_space<vmem>>)
      tpu.yield
    }) : () -> ()
    "tpu.region"() ({
      %run_scoped3A = tpu.sem_alloc : memref<!tpu.dma_semaphore, #tpu.memory_space<semaphore_mem>>
      %dma_start3A = tpu.memref_slice %arg7[%multiple_of3A] : memref<10240xf32, #tpu.memory_space<vmem_shared>> -> memref<640xf32, #tpu.memory_space<vmem_shared>>
      %dma_start3A_64 = tpu.memref_slice %arg3[%multiple_of3A] : memref<10240xf32, #tpu.memory_space<hbm>> -> memref<640xf32, #tpu.memory_space<hbm>>
      tpu.enqueue_dma source(%dma_start3A_64 : memref<640xf32, #tpu.memory_space<hbm>>) target(%dma_start3A : memref<640xf32, #tpu.memory_space<vmem_shared>>) target_semaphore(%run_scoped3A : memref<!tpu.dma_semaphore, #tpu.memory_space<semaphore_mem>>)
      %dma_wait3A = tpu.memref_slice %arg7[%multiple_of3A] : memref<10240xf32, #tpu.memory_space<vmem_shared>> -> memref<640xf32, #tpu.memory_space<vmem_shared>>
      %dma_wait3A_65 = tpu.memref_slice %arg3[%multiple_of3A] : memref<10240xf32, #tpu.memory_space<hbm>> -> memref<640xf32, #tpu.memory_space<hbm>>
      tpu.wait_dma2 semaphore(%run_scoped3A : memref<!tpu.dma_semaphore, #tpu.memory_space<semaphore_mem>>) src(%dma_wait3A_65 : memref<640xf32, #tpu.memory_space<hbm>>) dst(%dma_wait3A : memref<640xf32, #tpu.memory_space<vmem_shared>>)
      tpu.yield
    }) : () -> ()
    %broadcast_in_dim3A = arith.constant 1.000000e+00 : f32
    %broadcast_in_dim3A_6 = vector.broadcast %broadcast_in_dim3A : f32 to vector<16xf32>
    %swap3A = arith.constant 0 : index
    %swap3A_7 = tpu.vector_load %arg6[%swap3A] {strides = array<i32>} : memref<128xf32, #tpu.memory_space<vmem>>, vector<16xf32>,
    %swap3A_8 = vector.shape_cast %swap3A_7 : vector<16xf32> to vector<16xf32>
    %swap3A_9 = vector.shape_cast %broadcast_in_dim3A_6 : vector<16xf32> to vector<16xf32>
    tpu.vector_store %arg6[%swap3A], %swap3A_9 {strides = array<i32>} : memref<128xf32, #tpu.memory_space<vmem>>, vector<16xf32>,
    %broadcast_in_dim3A_10 = arith.constant 1.000000e+00 : f32
    %broadcast_in_dim3A_11 = vector.broadcast %broadcast_in_dim3A_10 : f32 to vector<16xf32>
    %swap3A_12 = arith.constant 16 : index
    %swap3A_13 = tpu.vector_load %arg6[%swap3A_12] {strides = array<i32>} : memref<128xf32, #tpu.memory_space<vmem>>, vector<16xf32>,
    %swap3A_14 = vector.shape_cast %swap3A_13 : vector<16xf32> to vector<16xf32>
    %swap3A_15 = vector.shape_cast %broadcast_in_dim3A_11 : vector<16xf32> to vector<16xf32>
    tpu.vector_store %arg6[%swap3A_12], %swap3A_15 {strides = array<i32>} : memref<128xf32, #tpu.memory_space<vmem>>, vector<16xf32>,
    %broadcast_in_dim3A_16 = arith.constant 1.000000e+00 : f32
    %broadcast_in_dim3A_17 = vector.broadcast %broadcast_in_dim3A_16 : f32 to vector<16xf32>
    %swap3A_18 = arith.constant 32 : index
    %swap3A_19 = tpu.vector_load %arg6[%swap3A_18] {strides = array<i32>} : memref<128xf32, #tpu.memory_space<vmem>>, vector<16xf32>,
    %swap3A_20 = vector.shape_cast %swap3A_19 : vector<16xf32> to vector<16xf32>
    %swap3A_21 = vector.shape_cast %broadcast_in_dim3A_17 : vector<16xf32> to vector<16xf32>
    tpu.vector_store %arg6[%swap3A_18], %swap3A_21 {strides = array<i32>} : memref<128xf32, #tpu.memory_space<vmem>>, vector<16xf32>,
    %broadcast_in_dim3A_22 = arith.constant 1.000000e+00 : f32
    %broadcast_in_dim3A_23 = vector.broadcast %broadcast_in_dim3A_22 : f32 to vector<16xf32>
    %swap3A_24 = arith.constant 48 : index
    %swap3A_25 = tpu.vector_load %arg6[%swap3A_24] {strides = array<i32>} : memref<128xf32, #tpu.memory_space<vmem>>, vector<16xf32>,
    %swap3A_26 = vector.shape_cast %swap3A_25 : vector<16xf32> to vector<16xf32>
    %swap3A_27 = vector.shape_cast %broadcast_in_dim3A_23 : vector<16xf32> to vector<16xf32>
    tpu.vector_store %arg6[%swap3A_24], %swap3A_27 {strides = array<i32>} : memref<128xf32, #tpu.memory_space<vmem>>, vector<16xf32>,
    %broadcast_in_dim3A_28 = arith.constant 1.000000e+00 : f32
    %broadcast_in_dim3A_29 = vector.broadcast %broadcast_in_dim3A_28 : f32 to vector<16xf32>
    %swap3A_30 = arith.constant 64 : index
    %swap3A_31 = tpu.vector_load %arg6[%swap3A_30] {strides = array<i32>} : memref<128xf32, #tpu.memory_space<vmem>>, vector<16xf32>,
    %swap3A_32 = vector.shape_cast %swap3A_31 : vector<16xf32> to vector<16xf32>
    %swap3A_33 = vector.shape_cast %broadcast_in_dim3A_29 : vector<16xf32> to vector<16xf32>
    tpu.vector_store %arg6[%swap3A_30], %swap3A_33 {strides = array<i32>} : memref<128xf32, #tpu.memory_space<vmem>>, vector<16xf32>,
    %broadcast_in_dim3A_34 = arith.constant 1.000000e+00 : f32
    %broadcast_in_dim3A_35 = vector.broadcast %broadcast_in_dim3A_34 : f32 to vector<16xf32>
    %swap3A_36 = arith.constant 80 : index
    %swap3A_37 = tpu.vector_load %arg6[%swap3A_36] {strides = array<i32>} : memref<128xf32, #tpu.memory_space<vmem>>, vector<16xf32>,
    %swap3A_38 = vector.shape_cast %swap3A_37 : vector<16xf32> to vector<16xf32>
    %swap3A_39 = vector.shape_cast %broadcast_in_dim3A_35 : vector<16xf32> to vector<16xf32>
    tpu.vector_store %arg6[%swap3A_36], %swap3A_39 {strides = array<i32>} : memref<128xf32, #tpu.memory_space<vmem>>, vector<16xf32>,
    %broadcast_in_dim3A_40 = arith.constant 1.000000e+00 : f32
    %broadcast_in_dim3A_41 = vector.broadcast %broadcast_in_dim3A_40 : f32 to vector<16xf32>
    %swap3A_42 = arith.constant 96 : index
    %swap3A_43 = tpu.vector_load %arg6[%swap3A_42] {strides = array<i32>} : memref<128xf32, #tpu.memory_space<vmem>>, vector<16xf32>,
    %swap3A_44 = vector.shape_cast %swap3A_43 : vector<16xf32> to vector<16xf32>
    %swap3A_45 = vector.shape_cast %broadcast_in_dim3A_41 : vector<16xf32> to vector<16xf32>
    tpu.vector_store %arg6[%swap3A_42], %swap3A_45 {strides = array<i32>} : memref<128xf32, #tpu.memory_space<vmem>>, vector<16xf32>,
    %broadcast_in_dim3A_46 = arith.constant 1.000000e+00 : f32
    %broadcast_in_dim3A_47 = vector.broadcast %broadcast_in_dim3A_46 : f32 to vector<16xf32>
    %swap3A_48 = arith.constant 112 : index
    %swap3A_49 = tpu.vector_load %arg6[%swap3A_48] {strides = array<i32>} : memref<128xf32, #tpu.memory_space<vmem>>, vector<16xf32>,
    %swap3A_50 = vector.shape_cast %swap3A_49 : vector<16xf32> to vector<16xf32>
    %swap3A_51 = vector.shape_cast %broadcast_in_dim3A_47 : vector<16xf32> to vector<16xf32>
    tpu.vector_store %arg6[%swap3A_48], %swap3A_51 {strides = array<i32>} : memref<128xf32, #tpu.memory_space<vmem>>, vector<16xf32>,
    %barrier3A = arith.constant 0 : index
    tpu.barrier barrier_id(%barrier3A)
    %scan3A = arith.constant 0 : i32
    %scan3A_52 = arith.constant 0 : i32
    %scan3A_53 = arith.constant 80 : i32
    %scan3A_54 = arith.addi %scan3A_52, %scan3A_53 : i32
    %scan3A_55 = arith.constant 1 : i32
    scf.for %scan3A_64 = %scan3A_52 to %scan3A_54 step %scan3A_55  : i32 {
      "tpu.region"() ({
        %run_scoped3A = tpu.sem_alloc : memref<!tpu.dma_semaphore, #tpu.memory_space<semaphore_mem>>
        %dma_start3A = arith.constant 0 : i32
        %dma_start3A_65 = tpu.memref_slice %arg5[%scan3A_64, %dma_start3A] : memref<80x128xi32, #tpu.memory_space<vmem>> -> memref<1x128xi32, #tpu.memory_space<vmem>>
        %dma_start3A_66 = tpu.memref_squeeze %dma_start3A_65 : memref<1x128xi32, #tpu.memory_space<vmem>> -> memref<128xi32, #tpu.memory_space<vmem>>
        %dma_start3A_67 = arith.constant 0 : i32
        %dma_start3A_68 = tpu.memref_slice %arg7[%dma_start3A_67] : memref<10240xf32, #tpu.memory_space<vmem_shared>> -> memref<10240xf32, #tpu.memory_space<vmem_shared>>
        tpu.enqueue_indirect_dma source(%arg6 : memref<128xf32, #tpu.memory_space<vmem>>) target(%dma_start3A_68 : memref<10240xf32, #tpu.memory_space<vmem_shared>>) offsets(%dma_start3A_66 : memref<128xi32, #tpu.memory_space<vmem>>) semaphore(%run_scoped3A : memref<!tpu.dma_semaphore, #tpu.memory_space<semaphore_mem>>) {add = true}
        %dma_wait3A = arith.constant 0 : i32
        %dma_wait3A_69 = tpu.memref_slice %arg5[%scan3A_64, %dma_wait3A] : memref<80x128xi32, #tpu.memory_space<vmem>> -> memref<1x128xi32, #tpu.memory_space<vmem>>
        %dma_wait3A_70 = tpu.memref_squeeze %dma_wait3A_69 : memref<1x128xi32, #tpu.memory_space<vmem>> -> memref<128xi32, #tpu.memory_space<vmem>>
        %dma_wait3A_71 = arith.constant 0 : i32
        %dma_wait3A_72 = tpu.memref_slice %arg7[%dma_wait3A_71] : memref<10240xf32, #tpu.memory_space<vmem_shared>> -> memref<10240xf32, #tpu.memory_space<vmem_shared>>
        tpu.wait_indirect_dma semaphore(%run_scoped3A : memref<!tpu.dma_semaphore, #tpu.memory_space<semaphore_mem>>) src(%arg6 : memref<128xf32, #tpu.memory_space<vmem>>) dst(%dma_wait3A_72 : memref<10240xf32, #tpu.memory_space<vmem_shared>>)
        tpu.yield
      }) : () -> ()
    }
    %scan3A_56 = arith.constant 80 : i32
    %barrier3A_57 = arith.constant 0 : index
    tpu.barrier barrier_id(%barrier3A_57)
    %mul3A_58 = arith.constant 10240 : i32
    %mul3A_59 = arith.muli %arg0, %mul3A_58 : i32
    %mul3A_60 = arith.constant 640 : i32
    %mul3A_61 = arith.muli %arg1, %mul3A_60 : i32
    %add3A_62 = arith.addi %mul3A_59, %mul3A_61 : i32
    %multiple_of3A_63 = tpu.assume_multiple %add3A_62, 128 : i32
    "tpu.region"() ({
      %run_scoped3A = tpu.sem_alloc : memref<!tpu.dma_semaphore, #tpu.memory_space<semaphore_mem>>
      %dma_start3A = tpu.memref_slice %arg4[%multiple_of3A_63] : memref<20480xf32, #tpu.memory_space<hbm>> -> memref<640xf32, #tpu.memory_space<hbm>>
      %dma_start3A_64 = tpu.memref_slice %arg7[%multiple_of3A] : memref<10240xf32, #tpu.memory_space<vmem_shared>> -> memref<640xf32, #tpu.memory_space<vmem_shared>>
      tpu.enqueue_dma source(%dma_start3A_64 : memref<640xf32, #tpu.memory_space<vmem_shared>>) target(%dma_start3A : memref<640xf32, #tpu.memory_space<hbm>>) target_semaphore(%run_scoped3A : memref<!tpu.dma_semaphore, #tpu.memory_space<semaphore_mem>>)
      %dma_wait3A = tpu.memref_slice %arg4[%multiple_of3A_63] : memref<20480xf32, #tpu.memory_space<hbm>> -> memref<640xf32, #tpu.memory_space<hbm>>
      %dma_wait3A_65 = tpu.memref_slice %arg7[%multiple_of3A] : memref<10240xf32, #tpu.memory_space<vmem_shared>> -> memref<640xf32, #tpu.memory_space<vmem_shared>>
      tpu.wait_dma2 semaphore(%run_scoped3A : memref<!tpu.dma_semaphore, #tpu.memory_space<semaphore_mem>>) src(%dma_wait3A_65 : memref<640xf32, #tpu.memory_space<vmem_shared>>) dst(%dma_wait3A : memref<640xf32, #tpu.memory_space<hbm>>)
      tpu.yield
    }) : () -> ()
    return
  }
}

#map = affine_map<(d0, d1) -> (0, 0)>
#map1 = affine_map<(d0, d1) -> (0, 0, 0)>
module attributes {stable_mosaic.version = 14 : i64} {
  func.func @_prop_body(%arg0: i32, %arg1: i32, %arg2: memref<10000x128xbf16, #tpu.memory_space<hbm>>, %arg3: memref<2560x128xi32, #tpu.memory_space<hbm>>, %arg4: memref<2560x128xi32, #tpu.memory_space<hbm>>, %arg5: memref<10240x128xbf16, #tpu.memory_space<hbm>>, %arg6: memref<2x10240x128xbf16, #tpu.memory_space<hbm>>, %arg7: memref<80x128xi32, #tpu.memory_space<vmem>>, %arg8: memref<16x128xi32, #tpu.memory_space<vmem>>, %arg9: memref<128x128xbf16, #tpu.memory_space<vmem>>, %arg10: memref<128x128xbf16, #tpu.memory_space<vmem>>, %arg11: memref<128x128xbf16, #tpu.memory_space<vmem>>, %arg12: memref<128x128xbf16, #tpu.memory_space<vmem>>, %arg13: memref<10240x128xbf16, #tpu.memory_space<vmem_shared>>, %arg14: memref<!tpu.dma_semaphore, #tpu.memory_space<semaphore_mem>>, %arg15: memref<!tpu.dma_semaphore, #tpu.memory_space<semaphore_mem>>, %arg16: memref<!tpu.dma_semaphore, #tpu.memory_space<semaphore_mem>>, %arg17: memref<!tpu.dma_semaphore, #tpu.memory_space<semaphore_mem>>, %arg18: memref<!tpu.dma_semaphore, #tpu.memory_space<semaphore_mem>>, %arg19: memref<!tpu.dma_semaphore, #tpu.memory_space<semaphore_mem>>, %arg20: memref<!tpu.dma_semaphore, #tpu.memory_space<semaphore_mem>>, %arg21: memref<!tpu.dma_semaphore, #tpu.memory_space<semaphore_mem>>) attributes {dimension_semantics = [#tpu.dimension_semantics<core_parallel>, #tpu.dimension_semantics<subcore_parallel>], iteration_bounds = array<i64: 2, 16>, scalar_prefetch = 0 : i64, scratch_operands = 15 : i64, tpu.core_type = #tpu.core_type<sc_vector_subcore>, window_params = [{transform_indices = #map}, {transform_indices = #map}, {transform_indices = #map}, {transform_indices = #map}, {transform_indices = #map1}]} {
    %mul3A = arith.constant 16 : i32
    %mul3A_0 = arith.muli %arg0, %mul3A : i32
    %add3A = arith.addi %mul3A_0, %arg1 : i32
    %mul3A_1 = arith.constant 640 : i32
    %mul3A_2 = arith.muli %arg1, %mul3A_1 : i32
    %multiple_of3A = tpu.assume_multiple %mul3A_2, 128 : i32
    %mul3A_3 = arith.constant 80 : i32
    %mul3A_4 = arith.muli %add3A, %mul3A_3 : i32
    %multiple_of3A_5 = tpu.assume_multiple %mul3A_4, 8 : i32
    "tpu.region"() ({
      %run_scoped3A = tpu.sem_alloc : memref<!tpu.dma_semaphore, #tpu.memory_space<semaphore_mem>>
      %dma_start3A_38 = arith.constant 0 : i32
      %dma_start3A_39 = tpu.memref_slice %arg3[%multiple_of3A_5, %dma_start3A_38] : memref<2560x128xi32, #tpu.memory_space<hbm>> -> memref<80x128xi32, #tpu.memory_space<hbm>>
      %dma_start3A_40 = arith.constant 0 : i32
      %dma_start3A_41 = tpu.memref_slice %arg3[%multiple_of3A_5, %dma_start3A_40] : memref<2560x128xi32, #tpu.memory_space<hbm>> -> memref<80x128xi32, #tpu.memory_space<hbm>>
      tpu.enqueue_dma source(%dma_start3A_41 : memref<80x128xi32, #tpu.memory_space<hbm>>) target(%arg7 : memref<80x128xi32, #tpu.memory_space<vmem>>) target_semaphore(%run_scoped3A : memref<!tpu.dma_semaphore, #tpu.memory_space<semaphore_mem>>)
      %dma_wait3A_42 = arith.constant 0 : i32
      %dma_wait3A_43 = tpu.memref_slice %arg3[%multiple_of3A_5, %dma_wait3A_42] : memref<2560x128xi32, #tpu.memory_space<hbm>> -> memref<80x128xi32, #tpu.memory_space<hbm>>
      %dma_wait3A_44 = arith.constant 0 : i32
      %dma_wait3A_45 = tpu.memref_slice %arg3[%multiple_of3A_5, %dma_wait3A_44] : memref<2560x128xi32, #tpu.memory_space<hbm>> -> memref<80x128xi32, #tpu.memory_space<hbm>>
      tpu.wait_dma2 semaphore(%run_scoped3A : memref<!tpu.dma_semaphore, #tpu.memory_space<semaphore_mem>>) src(%dma_wait3A_45 : memref<80x128xi32, #tpu.memory_space<hbm>>) dst(%arg7 : memref<80x128xi32, #tpu.memory_space<vmem>>)
      tpu.yield
    }) : () -> ()
    "tpu.region"() ({
      %run_scoped3A = tpu.sem_alloc : memref<!tpu.dma_semaphore, #tpu.memory_space<semaphore_mem>>
      %dma_start3A_38 = arith.constant 0 : i32
      %dma_start3A_39 = tpu.memref_slice %arg13[%multiple_of3A, %dma_start3A_38] : memref<10240x128xbf16, #tpu.memory_space<vmem_shared>> -> memref<640x128xbf16, #tpu.memory_space<vmem_shared>>
      %dma_start3A_40 = arith.constant 0 : i32
      %dma_start3A_41 = tpu.memref_slice %arg5[%multiple_of3A, %dma_start3A_40] : memref<10240x128xbf16, #tpu.memory_space<hbm>> -> memref<640x128xbf16, #tpu.memory_space<hbm>>
      tpu.enqueue_dma source(%dma_start3A_41 : memref<640x128xbf16, #tpu.memory_space<hbm>>) target(%dma_start3A_39 : memref<640x128xbf16, #tpu.memory_space<vmem_shared>>) target_semaphore(%run_scoped3A : memref<!tpu.dma_semaphore, #tpu.memory_space<semaphore_mem>>)
      %dma_wait3A_42 = arith.constant 0 : i32
      %dma_wait3A_43 = tpu.memref_slice %arg13[%multiple_of3A, %dma_wait3A_42] : memref<10240x128xbf16, #tpu.memory_space<vmem_shared>> -> memref<640x128xbf16, #tpu.memory_space<vmem_shared>>
      %dma_wait3A_44 = arith.constant 0 : i32
      %dma_wait3A_45 = tpu.memref_slice %arg5[%multiple_of3A, %dma_wait3A_44] : memref<10240x128xbf16, #tpu.memory_space<hbm>> -> memref<640x128xbf16, #tpu.memory_space<hbm>>
      tpu.wait_dma2 semaphore(%run_scoped3A : memref<!tpu.dma_semaphore, #tpu.memory_space<semaphore_mem>>) src(%dma_wait3A_45 : memref<640x128xbf16, #tpu.memory_space<hbm>>) dst(%dma_wait3A_43 : memref<640x128xbf16, #tpu.memory_space<vmem_shared>>)
      tpu.yield
    }) : () -> ()
    %barrier3A = arith.constant 0 : index
    tpu.barrier barrier_id(%barrier3A)
    %dma_start3A = arith.constant 0 : i32
    %dma_start3A_6 = arith.constant 0 : i32
    %dma_start3A_7 = tpu.memref_slice %arg7[%dma_start3A, %dma_start3A_6] : memref<80x128xi32, #tpu.memory_space<vmem>> -> memref<1x128xi32, #tpu.memory_space<vmem>>
    %dma_start3A_8 = tpu.memref_squeeze %dma_start3A_7 : memref<1x128xi32, #tpu.memory_space<vmem>> -> memref<128xi32, #tpu.memory_space<vmem>>
    %dma_start3A_9 = arith.constant 0 : i32
    %dma_start3A_10 = arith.constant 0 : i32
    %dma_start3A_11 = tpu.memref_slice %arg2[%dma_start3A_9, %dma_start3A_10] : memref<10000x128xbf16, #tpu.memory_space<hbm>> -> memref<10000x128xbf16, #tpu.memory_space<hbm>>
    tpu.enqueue_indirect_dma source(%dma_start3A_11 : memref<10000x128xbf16, #tpu.memory_space<hbm>>) target(%arg9 : memref<128x128xbf16, #tpu.memory_space<vmem>>) offsets(%dma_start3A_8 : memref<128xi32, #tpu.memory_space<vmem>>) semaphore(%arg14 : memref<!tpu.dma_semaphore, #tpu.memory_space<semaphore_mem>>)
    %dma_start3A_12 = arith.constant 1 : i32
    %dma_start3A_13 = arith.constant 0 : i32
    %dma_start3A_14 = tpu.memref_slice %arg7[%dma_start3A_12, %dma_start3A_13] : memref<80x128xi32, #tpu.memory_space<vmem>> -> memref<1x128xi32, #tpu.memory_space<vmem>>
    %dma_start3A_15 = tpu.memref_squeeze %dma_start3A_14 : memref<1x128xi32, #tpu.memory_space<vmem>> -> memref<128xi32, #tpu.memory_space<vmem>>
    %dma_start3A_16 = arith.constant 0 : i32
    %dma_start3A_17 = arith.constant 0 : i32
    %dma_start3A_18 = tpu.memref_slice %arg2[%dma_start3A_16, %dma_start3A_17] : memref<10000x128xbf16, #tpu.memory_space<hbm>> -> memref<10000x128xbf16, #tpu.memory_space<hbm>>
    tpu.enqueue_indirect_dma source(%dma_start3A_18 : memref<10000x128xbf16, #tpu.memory_space<hbm>>) target(%arg10 : memref<128x128xbf16, #tpu.memory_space<vmem>>) offsets(%dma_start3A_15 : memref<128xi32, #tpu.memory_space<vmem>>) semaphore(%arg15 : memref<!tpu.dma_semaphore, #tpu.memory_space<semaphore_mem>>)
    %dma_start3A_19 = arith.constant 2 : i32
    %dma_start3A_20 = arith.constant 0 : i32
    %dma_start3A_21 = tpu.memref_slice %arg7[%dma_start3A_19, %dma_start3A_20] : memref<80x128xi32, #tpu.memory_space<vmem>> -> memref<1x128xi32, #tpu.memory_space<vmem>>
    %dma_start3A_22 = tpu.memref_squeeze %dma_start3A_21 : memref<1x128xi32, #tpu.memory_space<vmem>> -> memref<128xi32, #tpu.memory_space<vmem>>
    %dma_start3A_23 = arith.constant 0 : i32
    %dma_start3A_24 = arith.constant 0 : i32
    %dma_start3A_25 = tpu.memref_slice %arg2[%dma_start3A_23, %dma_start3A_24] : memref<10000x128xbf16, #tpu.memory_space<hbm>> -> memref<10000x128xbf16, #tpu.memory_space<hbm>>
    tpu.enqueue_indirect_dma source(%dma_start3A_25 : memref<10000x128xbf16, #tpu.memory_space<hbm>>) target(%arg11 : memref<128x128xbf16, #tpu.memory_space<vmem>>) offsets(%dma_start3A_22 : memref<128xi32, #tpu.memory_space<vmem>>) semaphore(%arg16 : memref<!tpu.dma_semaphore, #tpu.memory_space<semaphore_mem>>)
    %scan3A = arith.constant 0 : i32
    %scan3A_26 = arith.constant 0 : i32
    %scan3A_27 = arith.constant 5 : i32
    %scan3A_28 = arith.addi %scan3A_26, %scan3A_27 : i32
    %scan3A_29 = arith.constant 1 : i32
    scf.for %scan3A_38 = %scan3A_26 to %scan3A_28 step %scan3A_29  : i32 {
      %gt3A = arith.constant 0 : i32
      %gt3A_39 = arith.cmpi sgt, %scan3A_38, %gt3A : i32
      %convert_element_type3A = arith.extui %gt3A_39 : i1 to i32
      %cond3A = arith.constant 0 : i32
      %cond3A_40 = arith.cmpi ne, %convert_element_type3A, %cond3A : i32
      scf.if %cond3A_40 {
        %dma_wait3A_50 = arith.constant 0 : i32
        %dma_wait3A_51 = arith.constant 0 : i32
        %dma_wait3A_52 = tpu.memref_slice %arg8[%dma_wait3A_50, %dma_wait3A_51] : memref<16x128xi32, #tpu.memory_space<vmem>> -> memref<1x128xi32, #tpu.memory_space<vmem>>
        %dma_wait3A_53 = tpu.memref_squeeze %dma_wait3A_52 : memref<1x128xi32, #tpu.memory_space<vmem>> -> memref<128xi32, #tpu.memory_space<vmem>>
        %dma_wait3A_54 = arith.constant 0 : i32
        %dma_wait3A_55 = arith.constant 0 : i32
        %dma_wait3A_56 = tpu.memref_slice %arg13[%dma_wait3A_54, %dma_wait3A_55] : memref<10240x128xbf16, #tpu.memory_space<vmem_shared>> -> memref<10240x128xbf16, #tpu.memory_space<vmem_shared>>
        tpu.wait_indirect_dma semaphore(%arg21 : memref<!tpu.dma_semaphore, #tpu.memory_space<semaphore_mem>>) src(%arg12 : memref<128x128xbf16, #tpu.memory_space<vmem>>) dst(%dma_wait3A_56 : memref<10240x128xbf16, #tpu.memory_space<vmem_shared>>)
      } else {
      }
      %mul3A_41 = arith.constant 16 : i32
      %mul3A_42 = arith.muli %scan3A_38, %mul3A_41 : i32
      %add3A_43 = arith.addi %multiple_of3A_5, %mul3A_42 : i32
      %multiple_of3A_44 = tpu.assume_multiple %add3A_43, 8 : i32
      "tpu.region"() ({
        %run_scoped3A = tpu.sem_alloc : memref<!tpu.dma_semaphore, #tpu.memory_space<semaphore_mem>>
        %dma_start3A_50 = arith.constant 0 : i32
        %dma_start3A_51 = tpu.memref_slice %arg4[%multiple_of3A_44, %dma_start3A_50] : memref<2560x128xi32, #tpu.memory_space<hbm>> -> memref<16x128xi32, #tpu.memory_space<hbm>>
        %dma_start3A_52 = arith.constant 0 : i32
        %dma_start3A_53 = tpu.memref_slice %arg4[%multiple_of3A_44, %dma_start3A_52] : memref<2560x128xi32, #tpu.memory_space<hbm>> -> memref<16x128xi32, #tpu.memory_space<hbm>>
        tpu.enqueue_dma source(%dma_start3A_53 : memref<16x128xi32, #tpu.memory_space<hbm>>) target(%arg8 : memref<16x128xi32, #tpu.memory_space<vmem>>) target_semaphore(%run_scoped3A : memref<!tpu.dma_semaphore, #tpu.memory_space<semaphore_mem>>)
        %dma_wait3A_54 = arith.constant 0 : i32
        %dma_wait3A_55 = tpu.memref_slice %arg4[%multiple_of3A_44, %dma_wait3A_54] : memref<2560x128xi32, #tpu.memory_space<hbm>> -> memref<16x128xi32, #tpu.memory_space<hbm>>
        %dma_wait3A_56 = arith.constant 0 : i32
        %dma_wait3A_57 = tpu.memref_slice %arg4[%multiple_of3A_44, %dma_wait3A_56] : memref<2560x128xi32, #tpu.memory_space<hbm>> -> memref<16x128xi32, #tpu.memory_space<hbm>>
        tpu.wait_dma2 semaphore(%run_scoped3A : memref<!tpu.dma_semaphore, #tpu.memory_space<semaphore_mem>>) src(%dma_wait3A_57 : memref<16x128xi32, #tpu.memory_space<hbm>>) dst(%arg8 : memref<16x128xi32, #tpu.memory_space<vmem>>)
        tpu.yield
      }) : () -> ()
      %scan3A_45 = arith.constant 0 : i32
      %scan3A_46 = arith.constant 4 : i32
      %scan3A_47 = arith.addi %scan3A_45, %scan3A_46 : i32
      %scan3A_48 = arith.constant 1 : i32
      scf.for %scan3A_50 = %scan3A_45 to %scan3A_47 step %scan3A_48  : i32 {
        %mul3A_51 = arith.constant 16 : i32
        %mul3A_52 = arith.muli %scan3A_38, %mul3A_51 : i32
        %mul3A_53 = arith.constant 4 : i32
        %mul3A_54 = arith.muli %scan3A_50, %mul3A_53 : i32
        %add3A_55 = arith.addi %mul3A_52, %mul3A_54 : i32
        %add3A_56 = arith.constant 0 : i32
        %add3A_57 = arith.addi %add3A_55, %add3A_56 : i32
        %mul3A_58 = arith.constant 4 : i32
        %mul3A_59 = arith.muli %scan3A_50, %mul3A_58 : i32
        %add3A_60 = arith.constant 0 : i32
        %add3A_61 = arith.addi %mul3A_59, %add3A_60 : i32
        %dma_wait3A_62 = arith.constant 0 : i32
        %dma_wait3A_63 = tpu.memref_slice %arg7[%add3A_57, %dma_wait3A_62] : memref<80x128xi32, #tpu.memory_space<vmem>> -> memref<1x128xi32, #tpu.memory_space<vmem>>
        %dma_wait3A_64 = tpu.memref_squeeze %dma_wait3A_63 : memref<1x128xi32, #tpu.memory_space<vmem>> -> memref<128xi32, #tpu.memory_space<vmem>>
        %dma_wait3A_65 = arith.constant 0 : i32
        %dma_wait3A_66 = arith.constant 0 : i32
        %dma_wait3A_67 = tpu.memref_slice %arg2[%dma_wait3A_65, %dma_wait3A_66] : memref<10000x128xbf16, #tpu.memory_space<hbm>> -> memref<10000x128xbf16, #tpu.memory_space<hbm>>
        tpu.wait_indirect_dma semaphore(%arg14 : memref<!tpu.dma_semaphore, #tpu.memory_space<semaphore_mem>>) src(%dma_wait3A_67 : memref<10000x128xbf16, #tpu.memory_space<hbm>>) dst(%arg9 : memref<128x128xbf16, #tpu.memory_space<vmem>>)
        %gt3A_68 = arith.constant 0 : i32
        %gt3A_69 = arith.cmpi sgt, %scan3A_50, %gt3A_68 : i32
        %convert_element_type3A_70 = arith.extui %gt3A_69 : i1 to i32
        %cond3A_71 = arith.constant 0 : i32
        %cond3A_72 = arith.cmpi ne, %convert_element_type3A_70, %cond3A_71 : i32
        scf.if %cond3A_72 {
          %dma_wait3A_203 = arith.constant 0 : i32
          %dma_wait3A_204 = arith.constant 0 : i32
          %dma_wait3A_205 = tpu.memref_slice %arg8[%dma_wait3A_203, %dma_wait3A_204] : memref<16x128xi32, #tpu.memory_space<vmem>> -> memref<1x128xi32, #tpu.memory_space<vmem>>
          %dma_wait3A_206 = tpu.memref_squeeze %dma_wait3A_205 : memref<1x128xi32, #tpu.memory_space<vmem>> -> memref<128xi32, #tpu.memory_space<vmem>>
          %dma_wait3A_207 = arith.constant 0 : i32
          %dma_wait3A_208 = arith.constant 0 : i32
          %dma_wait3A_209 = tpu.memref_slice %arg13[%dma_wait3A_207, %dma_wait3A_208] : memref<10240x128xbf16, #tpu.memory_space<vmem_shared>> -> memref<10240x128xbf16, #tpu.memory_space<vmem_shared>>
          tpu.wait_indirect_dma semaphore(%arg21 : memref<!tpu.dma_semaphore, #tpu.memory_space<semaphore_mem>>) src(%arg12 : memref<128x128xbf16, #tpu.memory_space<vmem>>) dst(%dma_wait3A_209 : memref<10240x128xbf16, #tpu.memory_space<vmem_shared>>)
        } else {
        }
        %dma_start3A_73 = arith.constant 0 : i32
        %dma_start3A_74 = tpu.memref_slice %arg8[%add3A_61, %dma_start3A_73] : memref<16x128xi32, #tpu.memory_space<vmem>> -> memref<1x128xi32, #tpu.memory_space<vmem>>
        %dma_start3A_75 = tpu.memref_squeeze %dma_start3A_74 : memref<1x128xi32, #tpu.memory_space<vmem>> -> memref<128xi32, #tpu.memory_space<vmem>>
        %dma_start3A_76 = arith.constant 0 : i32
        %dma_start3A_77 = arith.constant 0 : i32
        %dma_start3A_78 = tpu.memref_slice %arg13[%dma_start3A_76, %dma_start3A_77] : memref<10240x128xbf16, #tpu.memory_space<vmem_shared>> -> memref<10240x128xbf16, #tpu.memory_space<vmem_shared>>
        tpu.enqueue_indirect_dma source(%arg9 : memref<128x128xbf16, #tpu.memory_space<vmem>>) target(%dma_start3A_78 : memref<10240x128xbf16, #tpu.memory_space<vmem_shared>>) offsets(%dma_start3A_75 : memref<128xi32, #tpu.memory_space<vmem>>) semaphore(%arg18 : memref<!tpu.dma_semaphore, #tpu.memory_space<semaphore_mem>>) {add = true}
        %add3A_79 = arith.constant 4 : i32
        %add3A_80 = arith.addi %add3A_57, %add3A_79 : i32
        %sub3A = arith.constant 1 : i32
        %sub3A_81 = arith.subi %add3A_80, %sub3A : i32
        %lt3A = arith.constant 80 : i32
        %lt3A_82 = arith.cmpi slt, %sub3A_81, %lt3A : i32
        %convert_element_type3A_83 = arith.extui %lt3A_82 : i1 to i32
        %cond3A_84 = arith.constant 0 : i32
        %cond3A_85 = arith.cmpi ne, %convert_element_type3A_83, %cond3A_84 : i32
        scf.if %cond3A_85 {
          %add3A_203 = arith.constant 4 : i32
          %add3A_204 = arith.addi %add3A_57, %add3A_203 : i32
          %sub3A_205 = arith.constant 1 : i32
          %sub3A_206 = arith.subi %add3A_204, %sub3A_205 : i32
          %dma_start3A_207 = arith.constant 0 : i32
          %dma_start3A_208 = tpu.memref_slice %arg7[%sub3A_206, %dma_start3A_207] : memref<80x128xi32, #tpu.memory_space<vmem>> -> memref<1x128xi32, #tpu.memory_space<vmem>>
          %dma_start3A_209 = tpu.memref_squeeze %dma_start3A_208 : memref<1x128xi32, #tpu.memory_space<vmem>> -> memref<128xi32, #tpu.memory_space<vmem>>
          %dma_start3A_210 = arith.constant 0 : i32
          %dma_start3A_211 = arith.constant 0 : i32
          %dma_start3A_212 = tpu.memref_slice %arg2[%dma_start3A_210, %dma_start3A_211] : memref<10000x128xbf16, #tpu.memory_space<hbm>> -> memref<10000x128xbf16, #tpu.memory_space<hbm>>
          tpu.enqueue_indirect_dma source(%dma_start3A_212 : memref<10000x128xbf16, #tpu.memory_space<hbm>>) target(%arg12 : memref<128x128xbf16, #tpu.memory_space<vmem>>) offsets(%dma_start3A_209 : memref<128xi32, #tpu.memory_space<vmem>>) semaphore(%arg17 : memref<!tpu.dma_semaphore, #tpu.memory_space<semaphore_mem>>)
        } else {
        }
        %mul3A_86 = arith.constant 16 : i32
        %mul3A_87 = arith.muli %scan3A_38, %mul3A_86 : i32
        %mul3A_88 = arith.constant 4 : i32
        %mul3A_89 = arith.muli %scan3A_50, %mul3A_88 : i32
        %add3A_90 = arith.addi %mul3A_87, %mul3A_89 : i32
        %add3A_91 = arith.constant 1 : i32
        %add3A_92 = arith.addi %add3A_90, %add3A_91 : i32
        %mul3A_93 = arith.constant 4 : i32
        %mul3A_94 = arith.muli %scan3A_50, %mul3A_93 : i32
        %add3A_95 = arith.constant 1 : i32
        %add3A_96 = arith.addi %mul3A_94, %add3A_95 : i32
        %dma_wait3A_97 = arith.constant 0 : i32
        %dma_wait3A_98 = tpu.memref_slice %arg7[%add3A_92, %dma_wait3A_97] : memref<80x128xi32, #tpu.memory_space<vmem>> -> memref<1x128xi32, #tpu.memory_space<vmem>>
        %dma_wait3A_99 = tpu.memref_squeeze %dma_wait3A_98 : memref<1x128xi32, #tpu.memory_space<vmem>> -> memref<128xi32, #tpu.memory_space<vmem>>
        %dma_wait3A_100 = arith.constant 0 : i32
        %dma_wait3A_101 = arith.constant 0 : i32
        %dma_wait3A_102 = tpu.memref_slice %arg2[%dma_wait3A_100, %dma_wait3A_101] : memref<10000x128xbf16, #tpu.memory_space<hbm>> -> memref<10000x128xbf16, #tpu.memory_space<hbm>>
        tpu.wait_indirect_dma semaphore(%arg15 : memref<!tpu.dma_semaphore, #tpu.memory_space<semaphore_mem>>) src(%dma_wait3A_102 : memref<10000x128xbf16, #tpu.memory_space<hbm>>) dst(%arg10 : memref<128x128xbf16, #tpu.memory_space<vmem>>)
        %dma_wait3A_103 = arith.constant 0 : i32
        %dma_wait3A_104 = arith.constant 0 : i32
        %dma_wait3A_105 = tpu.memref_slice %arg8[%dma_wait3A_103, %dma_wait3A_104] : memref<16x128xi32, #tpu.memory_space<vmem>> -> memref<1x128xi32, #tpu.memory_space<vmem>>
        %dma_wait3A_106 = tpu.memref_squeeze %dma_wait3A_105 : memref<1x128xi32, #tpu.memory_space<vmem>> -> memref<128xi32, #tpu.memory_space<vmem>>
        %dma_wait3A_107 = arith.constant 0 : i32
        %dma_wait3A_108 = arith.constant 0 : i32
        %dma_wait3A_109 = tpu.memref_slice %arg13[%dma_wait3A_107, %dma_wait3A_108] : memref<10240x128xbf16, #tpu.memory_space<vmem_shared>> -> memref<10240x128xbf16, #tpu.memory_space<vmem_shared>>
        tpu.wait_indirect_dma semaphore(%arg18 : memref<!tpu.dma_semaphore, #tpu.memory_space<semaphore_mem>>) src(%arg9 : memref<128x128xbf16, #tpu.memory_space<vmem>>) dst(%dma_wait3A_109 : memref<10240x128xbf16, #tpu.memory_space<vmem_shared>>)
        %dma_start3A_110 = arith.constant 0 : i32
        %dma_start3A_111 = tpu.memref_slice %arg8[%add3A_96, %dma_start3A_110] : memref<16x128xi32, #tpu.memory_space<vmem>> -> memref<1x128xi32, #tpu.memory_space<vmem>>
        %dma_start3A_112 = tpu.memref_squeeze %dma_start3A_111 : memref<1x128xi32, #tpu.memory_space<vmem>> -> memref<128xi32, #tpu.memory_space<vmem>>
        %dma_start3A_113 = arith.constant 0 : i32
        %dma_start3A_114 = arith.constant 0 : i32
        %dma_start3A_115 = tpu.memref_slice %arg13[%dma_start3A_113, %dma_start3A_114] : memref<10240x128xbf16, #tpu.memory_space<vmem_shared>> -> memref<10240x128xbf16, #tpu.memory_space<vmem_shared>>
        tpu.enqueue_indirect_dma source(%arg10 : memref<128x128xbf16, #tpu.memory_space<vmem>>) target(%dma_start3A_115 : memref<10240x128xbf16, #tpu.memory_space<vmem_shared>>) offsets(%dma_start3A_112 : memref<128xi32, #tpu.memory_space<vmem>>) semaphore(%arg19 : memref<!tpu.dma_semaphore, #tpu.memory_space<semaphore_mem>>) {add = true}
        %add3A_116 = arith.constant 4 : i32
        %add3A_117 = arith.addi %add3A_92, %add3A_116 : i32
        %sub3A_118 = arith.constant 1 : i32
        %sub3A_119 = arith.subi %add3A_117, %sub3A_118 : i32
        %lt3A_120 = arith.constant 80 : i32
        %lt3A_121 = arith.cmpi slt, %sub3A_119, %lt3A_120 : i32
        %convert_element_type3A_122 = arith.extui %lt3A_121 : i1 to i32
        %cond3A_123 = arith.constant 0 : i32
        %cond3A_124 = arith.cmpi ne, %convert_element_type3A_122, %cond3A_123 : i32
        scf.if %cond3A_124 {
          %add3A_203 = arith.constant 4 : i32
          %add3A_204 = arith.addi %add3A_92, %add3A_203 : i32
          %sub3A_205 = arith.constant 1 : i32
          %sub3A_206 = arith.subi %add3A_204, %sub3A_205 : i32
          %dma_start3A_207 = arith.constant 0 : i32
          %dma_start3A_208 = tpu.memref_slice %arg7[%sub3A_206, %dma_start3A_207] : memref<80x128xi32, #tpu.memory_space<vmem>> -> memref<1x128xi32, #tpu.memory_space<vmem>>
          %dma_start3A_209 = tpu.memref_squeeze %dma_start3A_208 : memref<1x128xi32, #tpu.memory_space<vmem>> -> memref<128xi32, #tpu.memory_space<vmem>>
          %dma_start3A_210 = arith.constant 0 : i32
          %dma_start3A_211 = arith.constant 0 : i32
          %dma_start3A_212 = tpu.memref_slice %arg2[%dma_start3A_210, %dma_start3A_211] : memref<10000x128xbf16, #tpu.memory_space<hbm>> -> memref<10000x128xbf16, #tpu.memory_space<hbm>>
          tpu.enqueue_indirect_dma source(%dma_start3A_212 : memref<10000x128xbf16, #tpu.memory_space<hbm>>) target(%arg9 : memref<128x128xbf16, #tpu.memory_space<vmem>>) offsets(%dma_start3A_209 : memref<128xi32, #tpu.memory_space<vmem>>) semaphore(%arg14 : memref<!tpu.dma_semaphore, #tpu.memory_space<semaphore_mem>>)
        } else {
        }
        %mul3A_125 = arith.constant 16 : i32
        %mul3A_126 = arith.muli %scan3A_38, %mul3A_125 : i32
        %mul3A_127 = arith.constant 4 : i32
        %mul3A_128 = arith.muli %scan3A_50, %mul3A_127 : i32
        %add3A_129 = arith.addi %mul3A_126, %mul3A_128 : i32
        %add3A_130 = arith.constant 2 : i32
        %add3A_131 = arith.addi %add3A_129, %add3A_130 : i32
        %mul3A_132 = arith.constant 4 : i32
        %mul3A_133 = arith.muli %scan3A_50, %mul3A_132 : i32
        %add3A_134 = arith.constant 2 : i32
        %add3A_135 = arith.addi %mul3A_133, %add3A_134 : i32
        %dma_wait3A_136 = arith.constant 0 : i32
        %dma_wait3A_137 = tpu.memref_slice %arg7[%add3A_131, %dma_wait3A_136] : memref<80x128xi32, #tpu.memory_space<vmem>> -> memref<1x128xi32, #tpu.memory_space<vmem>>
        %dma_wait3A_138 = tpu.memref_squeeze %dma_wait3A_137 : memref<1x128xi32, #tpu.memory_space<vmem>> -> memref<128xi32, #tpu.memory_space<vmem>>
        %dma_wait3A_139 = arith.constant 0 : i32
        %dma_wait3A_140 = arith.constant 0 : i32
        %dma_wait3A_141 = tpu.memref_slice %arg2[%dma_wait3A_139, %dma_wait3A_140] : memref<10000x128xbf16, #tpu.memory_space<hbm>> -> memref<10000x128xbf16, #tpu.memory_space<hbm>>
        tpu.wait_indirect_dma semaphore(%arg16 : memref<!tpu.dma_semaphore, #tpu.memory_space<semaphore_mem>>) src(%dma_wait3A_141 : memref<10000x128xbf16, #tpu.memory_space<hbm>>) dst(%arg11 : memref<128x128xbf16, #tpu.memory_space<vmem>>)
        %dma_wait3A_142 = arith.constant 0 : i32
        %dma_wait3A_143 = arith.constant 0 : i32
        %dma_wait3A_144 = tpu.memref_slice %arg8[%dma_wait3A_142, %dma_wait3A_143] : memref<16x128xi32, #tpu.memory_space<vmem>> -> memref<1x128xi32, #tpu.memory_space<vmem>>
        %dma_wait3A_145 = tpu.memref_squeeze %dma_wait3A_144 : memref<1x128xi32, #tpu.memory_space<vmem>> -> memref<128xi32, #tpu.memory_space<vmem>>
        %dma_wait3A_146 = arith.constant 0 : i32
        %dma_wait3A_147 = arith.constant 0 : i32
        %dma_wait3A_148 = tpu.memref_slice %arg13[%dma_wait3A_146, %dma_wait3A_147] : memref<10240x128xbf16, #tpu.memory_space<vmem_shared>> -> memref<10240x128xbf16, #tpu.memory_space<vmem_shared>>
        tpu.wait_indirect_dma semaphore(%arg19 : memref<!tpu.dma_semaphore, #tpu.memory_space<semaphore_mem>>) src(%arg10 : memref<128x128xbf16, #tpu.memory_space<vmem>>) dst(%dma_wait3A_148 : memref<10240x128xbf16, #tpu.memory_space<vmem_shared>>)
        %dma_start3A_149 = arith.constant 0 : i32
        %dma_start3A_150 = tpu.memref_slice %arg8[%add3A_135, %dma_start3A_149] : memref<16x128xi32, #tpu.memory_space<vmem>> -> memref<1x128xi32, #tpu.memory_space<vmem>>
        %dma_start3A_151 = tpu.memref_squeeze %dma_start3A_150 : memref<1x128xi32, #tpu.memory_space<vmem>> -> memref<128xi32, #tpu.memory_space<vmem>>
        %dma_start3A_152 = arith.constant 0 : i32
        %dma_start3A_153 = arith.constant 0 : i32
        %dma_start3A_154 = tpu.memref_slice %arg13[%dma_start3A_152, %dma_start3A_153] : memref<10240x128xbf16, #tpu.memory_space<vmem_shared>> -> memref<10240x128xbf16, #tpu.memory_space<vmem_shared>>
        tpu.enqueue_indirect_dma source(%arg11 : memref<128x128xbf16, #tpu.memory_space<vmem>>) target(%dma_start3A_154 : memref<10240x128xbf16, #tpu.memory_space<vmem_shared>>) offsets(%dma_start3A_151 : memref<128xi32, #tpu.memory_space<vmem>>) semaphore(%arg20 : memref<!tpu.dma_semaphore, #tpu.memory_space<semaphore_mem>>) {add = true}
        %add3A_155 = arith.constant 4 : i32
        %add3A_156 = arith.addi %add3A_131, %add3A_155 : i32
        %sub3A_157 = arith.constant 1 : i32
        %sub3A_158 = arith.subi %add3A_156, %sub3A_157 : i32
        %lt3A_159 = arith.constant 80 : i32
        %lt3A_160 = arith.cmpi slt, %sub3A_158, %lt3A_159 : i32
        %convert_element_type3A_161 = arith.extui %lt3A_160 : i1 to i32
        %cond3A_162 = arith.constant 0 : i32
        %cond3A_163 = arith.cmpi ne, %convert_element_type3A_161, %cond3A_162 : i32
        scf.if %cond3A_163 {
          %add3A_203 = arith.constant 4 : i32
          %add3A_204 = arith.addi %add3A_131, %add3A_203 : i32
          %sub3A_205 = arith.constant 1 : i32
          %sub3A_206 = arith.subi %add3A_204, %sub3A_205 : i32
          %dma_start3A_207 = arith.constant 0 : i32
          %dma_start3A_208 = tpu.memref_slice %arg7[%sub3A_206, %dma_start3A_207] : memref<80x128xi32, #tpu.memory_space<vmem>> -> memref<1x128xi32, #tpu.memory_space<vmem>>
          %dma_start3A_209 = tpu.memref_squeeze %dma_start3A_208 : memref<1x128xi32, #tpu.memory_space<vmem>> -> memref<128xi32, #tpu.memory_space<vmem>>
          %dma_start3A_210 = arith.constant 0 : i32
          %dma_start3A_211 = arith.constant 0 : i32
          %dma_start3A_212 = tpu.memref_slice %arg2[%dma_start3A_210, %dma_start3A_211] : memref<10000x128xbf16, #tpu.memory_space<hbm>> -> memref<10000x128xbf16, #tpu.memory_space<hbm>>
          tpu.enqueue_indirect_dma source(%dma_start3A_212 : memref<10000x128xbf16, #tpu.memory_space<hbm>>) target(%arg10 : memref<128x128xbf16, #tpu.memory_space<vmem>>) offsets(%dma_start3A_209 : memref<128xi32, #tpu.memory_space<vmem>>) semaphore(%arg15 : memref<!tpu.dma_semaphore, #tpu.memory_space<semaphore_mem>>)
        } else {
        }
        %mul3A_164 = arith.constant 16 : i32
        %mul3A_165 = arith.muli %scan3A_38, %mul3A_164 : i32
        %mul3A_166 = arith.constant 4 : i32
        %mul3A_167 = arith.muli %scan3A_50, %mul3A_166 : i32
        %add3A_168 = arith.addi %mul3A_165, %mul3A_167 : i32
        %add3A_169 = arith.constant 3 : i32
        %add3A_170 = arith.addi %add3A_168, %add3A_169 : i32
        %mul3A_171 = arith.constant 4 : i32
        %mul3A_172 = arith.muli %scan3A_50, %mul3A_171 : i32
        %add3A_173 = arith.constant 3 : i32
        %add3A_174 = arith.addi %mul3A_172, %add3A_173 : i32
        %dma_wait3A_175 = arith.constant 0 : i32
        %dma_wait3A_176 = tpu.memref_slice %arg7[%add3A_170, %dma_wait3A_175] : memref<80x128xi32, #tpu.memory_space<vmem>> -> memref<1x128xi32, #tpu.memory_space<vmem>>
        %dma_wait3A_177 = tpu.memref_squeeze %dma_wait3A_176 : memref<1x128xi32, #tpu.memory_space<vmem>> -> memref<128xi32, #tpu.memory_space<vmem>>
        %dma_wait3A_178 = arith.constant 0 : i32
        %dma_wait3A_179 = arith.constant 0 : i32
        %dma_wait3A_180 = tpu.memref_slice %arg2[%dma_wait3A_178, %dma_wait3A_179] : memref<10000x128xbf16, #tpu.memory_space<hbm>> -> memref<10000x128xbf16, #tpu.memory_space<hbm>>
        tpu.wait_indirect_dma semaphore(%arg17 : memref<!tpu.dma_semaphore, #tpu.memory_space<semaphore_mem>>) src(%dma_wait3A_180 : memref<10000x128xbf16, #tpu.memory_space<hbm>>) dst(%arg12 : memref<128x128xbf16, #tpu.memory_space<vmem>>)
        %dma_wait3A_181 = arith.constant 0 : i32
        %dma_wait3A_182 = arith.constant 0 : i32
        %dma_wait3A_183 = tpu.memref_slice %arg8[%dma_wait3A_181, %dma_wait3A_182] : memref<16x128xi32, #tpu.memory_space<vmem>> -> memref<1x128xi32, #tpu.memory_space<vmem>>
        %dma_wait3A_184 = tpu.memref_squeeze %dma_wait3A_183 : memref<1x128xi32, #tpu.memory_space<vmem>> -> memref<128xi32, #tpu.memory_space<vmem>>
        %dma_wait3A_185 = arith.constant 0 : i32
        %dma_wait3A_186 = arith.constant 0 : i32
        %dma_wait3A_187 = tpu.memref_slice %arg13[%dma_wait3A_185, %dma_wait3A_186] : memref<10240x128xbf16, #tpu.memory_space<vmem_shared>> -> memref<10240x128xbf16, #tpu.memory_space<vmem_shared>>
        tpu.wait_indirect_dma semaphore(%arg20 : memref<!tpu.dma_semaphore, #tpu.memory_space<semaphore_mem>>) src(%arg11 : memref<128x128xbf16, #tpu.memory_space<vmem>>) dst(%dma_wait3A_187 : memref<10240x128xbf16, #tpu.memory_space<vmem_shared>>)
        %dma_start3A_188 = arith.constant 0 : i32
        %dma_start3A_189 = tpu.memref_slice %arg8[%add3A_174, %dma_start3A_188] : memref<16x128xi32, #tpu.memory_space<vmem>> -> memref<1x128xi32, #tpu.memory_space<vmem>>
        %dma_start3A_190 = tpu.memref_squeeze %dma_start3A_189 : memref<1x128xi32, #tpu.memory_space<vmem>> -> memref<128xi32, #tpu.memory_space<vmem>>
        %dma_start3A_191 = arith.constant 0 : i32
        %dma_start3A_192 = arith.constant 0 : i32
        %dma_start3A_193 = tpu.memref_slice %arg13[%dma_start3A_191, %dma_start3A_192] : memref<10240x128xbf16, #tpu.memory_space<vmem_shared>> -> memref<10240x128xbf16, #tpu.memory_space<vmem_shared>>
        tpu.enqueue_indirect_dma source(%arg12 : memref<128x128xbf16, #tpu.memory_space<vmem>>) target(%dma_start3A_193 : memref<10240x128xbf16, #tpu.memory_space<vmem_shared>>) offsets(%dma_start3A_190 : memref<128xi32, #tpu.memory_space<vmem>>) semaphore(%arg21 : memref<!tpu.dma_semaphore, #tpu.memory_space<semaphore_mem>>) {add = true}
        %add3A_194 = arith.constant 4 : i32
        %add3A_195 = arith.addi %add3A_170, %add3A_194 : i32
        %sub3A_196 = arith.constant 1 : i32
        %sub3A_197 = arith.subi %add3A_195, %sub3A_196 : i32
        %lt3A_198 = arith.constant 80 : i32
        %lt3A_199 = arith.cmpi slt, %sub3A_197, %lt3A_198 : i32
        %convert_element_type3A_200 = arith.extui %lt3A_199 : i1 to i32
        %cond3A_201 = arith.constant 0 : i32
        %cond3A_202 = arith.cmpi ne, %convert_element_type3A_200, %cond3A_201 : i32
        scf.if %cond3A_202 {
          %add3A_203 = arith.constant 4 : i32
          %add3A_204 = arith.addi %add3A_170, %add3A_203 : i32
          %sub3A_205 = arith.constant 1 : i32
          %sub3A_206 = arith.subi %add3A_204, %sub3A_205 : i32
          %dma_start3A_207 = arith.constant 0 : i32
          %dma_start3A_208 = tpu.memref_slice %arg7[%sub3A_206, %dma_start3A_207] : memref<80x128xi32, #tpu.memory_space<vmem>> -> memref<1x128xi32, #tpu.memory_space<vmem>>
          %dma_start3A_209 = tpu.memref_squeeze %dma_start3A_208 : memref<1x128xi32, #tpu.memory_space<vmem>> -> memref<128xi32, #tpu.memory_space<vmem>>
          %dma_start3A_210 = arith.constant 0 : i32
          %dma_start3A_211 = arith.constant 0 : i32
          %dma_start3A_212 = tpu.memref_slice %arg2[%dma_start3A_210, %dma_start3A_211] : memref<10000x128xbf16, #tpu.memory_space<hbm>> -> memref<10000x128xbf16, #tpu.memory_space<hbm>>
          tpu.enqueue_indirect_dma source(%dma_start3A_212 : memref<10000x128xbf16, #tpu.memory_space<hbm>>) target(%arg11 : memref<128x128xbf16, #tpu.memory_space<vmem>>) offsets(%dma_start3A_209 : memref<128xi32, #tpu.memory_space<vmem>>) semaphore(%arg16 : memref<!tpu.dma_semaphore, #tpu.memory_space<semaphore_mem>>)
        } else {
        }
      }
      %scan3A_49 = arith.constant 4 : i32
    }
    %scan3A_30 = arith.constant 5 : i32
    %dma_wait3A = arith.constant 0 : i32
    %dma_wait3A_31 = arith.constant 0 : i32
    %dma_wait3A_32 = tpu.memref_slice %arg8[%dma_wait3A, %dma_wait3A_31] : memref<16x128xi32, #tpu.memory_space<vmem>> -> memref<1x128xi32, #tpu.memory_space<vmem>>
    %dma_wait3A_33 = tpu.memref_squeeze %dma_wait3A_32 : memref<1x128xi32, #tpu.memory_space<vmem>> -> memref<128xi32, #tpu.memory_space<vmem>>
    %dma_wait3A_34 = arith.constant 0 : i32
    %dma_wait3A_35 = arith.constant 0 : i32
    %dma_wait3A_36 = tpu.memref_slice %arg13[%dma_wait3A_34, %dma_wait3A_35] : memref<10240x128xbf16, #tpu.memory_space<vmem_shared>> -> memref<10240x128xbf16, #tpu.memory_space<vmem_shared>>
    tpu.wait_indirect_dma semaphore(%arg21 : memref<!tpu.dma_semaphore, #tpu.memory_space<semaphore_mem>>) src(%arg12 : memref<128x128xbf16, #tpu.memory_space<vmem>>) dst(%dma_wait3A_36 : memref<10240x128xbf16, #tpu.memory_space<vmem_shared>>)
    %barrier3A_37 = arith.constant 0 : index
    tpu.barrier barrier_id(%barrier3A_37)
    "tpu.region"() ({
      %run_scoped3A = tpu.sem_alloc : memref<!tpu.dma_semaphore, #tpu.memory_space<semaphore_mem>>
      %dma_start3A_38 = arith.constant 0 : i32
      %dma_start3A_39 = tpu.memref_slice %arg6[%arg0, %multiple_of3A, %dma_start3A_38] : memref<2x10240x128xbf16, #tpu.memory_space<hbm>> -> memref<1x640x128xbf16, #tpu.memory_space<hbm>>
      %dma_start3A_40 = tpu.memref_squeeze %dma_start3A_39 : memref<1x640x128xbf16, #tpu.memory_space<hbm>> -> memref<640x128xbf16, #tpu.memory_space<hbm>>
      %dma_start3A_41 = arith.constant 0 : i32
      %dma_start3A_42 = tpu.memref_slice %arg13[%multiple_of3A, %dma_start3A_41] : memref<10240x128xbf16, #tpu.memory_space<vmem_shared>> -> memref<640x128xbf16, #tpu.memory_space<vmem_shared>>
      tpu.enqueue_dma source(%dma_start3A_42 : memref<640x128xbf16, #tpu.memory_space<vmem_shared>>) target(%dma_start3A_40 : memref<640x128xbf16, #tpu.memory_space<hbm>>) target_semaphore(%run_scoped3A : memref<!tpu.dma_semaphore, #tpu.memory_space<semaphore_mem>>)
      %dma_wait3A_43 = arith.constant 0 : i32
      %dma_wait3A_44 = tpu.memref_slice %arg6[%arg0, %multiple_of3A, %dma_wait3A_43] : memref<2x10240x128xbf16, #tpu.memory_space<hbm>> -> memref<1x640x128xbf16, #tpu.memory_space<hbm>>
      %dma_wait3A_45 = tpu.memref_squeeze %dma_wait3A_44 : memref<1x640x128xbf16, #tpu.memory_space<hbm>> -> memref<640x128xbf16, #tpu.memory_space<hbm>>
      %dma_wait3A_46 = arith.constant 0 : i32
      %dma_wait3A_47 = tpu.memref_slice %arg13[%multiple_of3A, %dma_wait3A_46] : memref<10240x128xbf16, #tpu.memory_space<vmem_shared>> -> memref<640x128xbf16, #tpu.memory_space<vmem_shared>>
      tpu.wait_dma2 semaphore(%run_scoped3A : memref<!tpu.dma_semaphore, #tpu.memory_space<semaphore_mem>>) src(%dma_wait3A_47 : memref<640x128xbf16, #tpu.memory_space<vmem_shared>>) dst(%dma_wait3A_45 : memref<640x128xbf16, #tpu.memory_space<hbm>>)
      tpu.yield
    }) : () -> ()
    return
  }
}

#map = affine_map<(d0, d1) -> (0, 0)>
#map1 = affine_map<(d0, d1) -> (0, 0, 0)>
module attributes {stable_mosaic.version = 14 : i64} {
  func.func @_prop_body(%arg0: i32, %arg1: i32, %arg2: memref<10000x128xbf16, #tpu.memory_space<hbm>>, %arg3: memref<2560x128xi32, #tpu.memory_space<hbm>>, %arg4: memref<2560x128xi32, #tpu.memory_space<hbm>>, %arg5: memref<10240x128xbf16, #tpu.memory_space<hbm>>, %arg6: memref<2x10240x128xbf16, #tpu.memory_space<hbm>>, %arg7: memref<80x128xi32, #tpu.memory_space<vmem>>, %arg8: memref<16x128xi32, #tpu.memory_space<vmem>>, %arg9: memref<128x128xbf16, #tpu.memory_space<vmem>>, %arg10: memref<128x128xbf16, #tpu.memory_space<vmem>>, %arg11: memref<128x128xbf16, #tpu.memory_space<vmem>>, %arg12: memref<128x128xbf16, #tpu.memory_space<vmem>>, %arg13: memref<10240x128xbf16, #tpu.memory_space<vmem_shared>>, %arg14: memref<!tpu.dma_semaphore, #tpu.memory_space<semaphore_mem>>, %arg15: memref<!tpu.dma_semaphore, #tpu.memory_space<semaphore_mem>>, %arg16: memref<!tpu.dma_semaphore, #tpu.memory_space<semaphore_mem>>, %arg17: memref<!tpu.dma_semaphore, #tpu.memory_space<semaphore_mem>>, %arg18: memref<!tpu.dma_semaphore, #tpu.memory_space<semaphore_mem>>, %arg19: memref<!tpu.dma_semaphore, #tpu.memory_space<semaphore_mem>>, %arg20: memref<!tpu.dma_semaphore, #tpu.memory_space<semaphore_mem>>, %arg21: memref<!tpu.dma_semaphore, #tpu.memory_space<semaphore_mem>>) attributes {dimension_semantics = [#tpu.dimension_semantics<core_parallel>, #tpu.dimension_semantics<subcore_parallel>], iteration_bounds = array<i64: 2, 16>, scalar_prefetch = 0 : i64, scratch_operands = 15 : i64, tpu.core_type = #tpu.core_type<sc_vector_subcore>, window_params = [{transform_indices = #map}, {transform_indices = #map}, {transform_indices = #map}, {transform_indices = #map}, {transform_indices = #map1}]} {
    %mul3A = arith.constant 16 : i32
    %mul3A_0 = arith.muli %arg0, %mul3A : i32
    %add3A = arith.addi %mul3A_0, %arg1 : i32
    %mul3A_1 = arith.constant 640 : i32
    %mul3A_2 = arith.muli %arg1, %mul3A_1 : i32
    %multiple_of3A = tpu.assume_multiple %mul3A_2, 128 : i32
    %mul3A_3 = arith.constant 80 : i32
    %mul3A_4 = arith.muli %add3A, %mul3A_3 : i32
    %multiple_of3A_5 = tpu.assume_multiple %mul3A_4, 8 : i32
    "tpu.region"() ({
      %run_scoped3A = tpu.sem_alloc : memref<!tpu.dma_semaphore, #tpu.memory_space<semaphore_mem>>
      %dma_start3A_38 = arith.constant 0 : i32
      %dma_start3A_39 = tpu.memref_slice %arg3[%multiple_of3A_5, %dma_start3A_38] : memref<2560x128xi32, #tpu.memory_space<hbm>> -> memref<80x128xi32, #tpu.memory_space<hbm>>
      %dma_start3A_40 = arith.constant 0 : i32
      %dma_start3A_41 = tpu.memref_slice %arg3[%multiple_of3A_5, %dma_start3A_40] : memref<2560x128xi32, #tpu.memory_space<hbm>> -> memref<80x128xi32, #tpu.memory_space<hbm>>
      tpu.enqueue_dma source(%dma_start3A_41 : memref<80x128xi32, #tpu.memory_space<hbm>>) target(%arg7 : memref<80x128xi32, #tpu.memory_space<vmem>>) target_semaphore(%run_scoped3A : memref<!tpu.dma_semaphore, #tpu.memory_space<semaphore_mem>>)
      %dma_wait3A_42 = arith.constant 0 : i32
      %dma_wait3A_43 = tpu.memref_slice %arg3[%multiple_of3A_5, %dma_wait3A_42] : memref<2560x128xi32, #tpu.memory_space<hbm>> -> memref<80x128xi32, #tpu.memory_space<hbm>>
      %dma_wait3A_44 = arith.constant 0 : i32
      %dma_wait3A_45 = tpu.memref_slice %arg3[%multiple_of3A_5, %dma_wait3A_44] : memref<2560x128xi32, #tpu.memory_space<hbm>> -> memref<80x128xi32, #tpu.memory_space<hbm>>
      tpu.wait_dma2 semaphore(%run_scoped3A : memref<!tpu.dma_semaphore, #tpu.memory_space<semaphore_mem>>) src(%dma_wait3A_45 : memref<80x128xi32, #tpu.memory_space<hbm>>) dst(%arg7 : memref<80x128xi32, #tpu.memory_space<vmem>>)
      tpu.yield
    }) : () -> ()
    "tpu.region"() ({
      %run_scoped3A = tpu.sem_alloc : memref<!tpu.dma_semaphore, #tpu.memory_space<semaphore_mem>>
      %dma_start3A_38 = arith.constant 0 : i32
      %dma_start3A_39 = tpu.memref_slice %arg13[%multiple_of3A, %dma_start3A_38] : memref<10240x128xbf16, #tpu.memory_space<vmem_shared>> -> memref<640x128xbf16, #tpu.memory_space<vmem_shared>>
      %dma_start3A_40 = arith.constant 0 : i32
      %dma_start3A_41 = tpu.memref_slice %arg5[%multiple_of3A, %dma_start3A_40] : memref<10240x128xbf16, #tpu.memory_space<hbm>> -> memref<640x128xbf16, #tpu.memory_space<hbm>>
      tpu.enqueue_dma source(%dma_start3A_41 : memref<640x128xbf16, #tpu.memory_space<hbm>>) target(%dma_start3A_39 : memref<640x128xbf16, #tpu.memory_space<vmem_shared>>) target_semaphore(%run_scoped3A : memref<!tpu.dma_semaphore, #tpu.memory_space<semaphore_mem>>)
      %dma_wait3A_42 = arith.constant 0 : i32
      %dma_wait3A_43 = tpu.memref_slice %arg13[%multiple_of3A, %dma_wait3A_42] : memref<10240x128xbf16, #tpu.memory_space<vmem_shared>> -> memref<640x128xbf16, #tpu.memory_space<vmem_shared>>
      %dma_wait3A_44 = arith.constant 0 : i32
      %dma_wait3A_45 = tpu.memref_slice %arg5[%multiple_of3A, %dma_wait3A_44] : memref<10240x128xbf16, #tpu.memory_space<hbm>> -> memref<640x128xbf16, #tpu.memory_space<hbm>>
      tpu.wait_dma2 semaphore(%run_scoped3A : memref<!tpu.dma_semaphore, #tpu.memory_space<semaphore_mem>>) src(%dma_wait3A_45 : memref<640x128xbf16, #tpu.memory_space<hbm>>) dst(%dma_wait3A_43 : memref<640x128xbf16, #tpu.memory_space<vmem_shared>>)
      tpu.yield
    }) : () -> ()
    %barrier3A = arith.constant 0 : index
    tpu.barrier barrier_id(%barrier3A)
    %dma_start3A = arith.constant 0 : i32
    %dma_start3A_6 = arith.constant 0 : i32
    %dma_start3A_7 = tpu.memref_slice %arg7[%dma_start3A, %dma_start3A_6] : memref<80x128xi32, #tpu.memory_space<vmem>> -> memref<1x128xi32, #tpu.memory_space<vmem>>
    %dma_start3A_8 = tpu.memref_squeeze %dma_start3A_7 : memref<1x128xi32, #tpu.memory_space<vmem>> -> memref<128xi32, #tpu.memory_space<vmem>>
    %dma_start3A_9 = arith.constant 0 : i32
    %dma_start3A_10 = arith.constant 0 : i32
    %dma_start3A_11 = tpu.memref_slice %arg2[%dma_start3A_9, %dma_start3A_10] : memref<10000x128xbf16, #tpu.memory_space<hbm>> -> memref<10000x128xbf16, #tpu.memory_space<hbm>>
    tpu.enqueue_indirect_dma source(%dma_start3A_11 : memref<10000x128xbf16, #tpu.memory_space<hbm>>) target(%arg9 : memref<128x128xbf16, #tpu.memory_space<vmem>>) offsets(%dma_start3A_8 : memref<128xi32, #tpu.memory_space<vmem>>) semaphore(%arg14 : memref<!tpu.dma_semaphore, #tpu.memory_space<semaphore_mem>>)
    %dma_start3A_12 = arith.constant 1 : i32
    %dma_start3A_13 = arith.constant 0 : i32
    %dma_start3A_14 = tpu.memref_slice %arg7[%dma_start3A_12, %dma_start3A_13] : memref<80x128xi32, #tpu.memory_space<vmem>> -> memref<1x128xi32, #tpu.memory_space<vmem>>
    %dma_start3A_15 = tpu.memref_squeeze %dma_start3A_14 : memref<1x128xi32, #tpu.memory_space<vmem>> -> memref<128xi32, #tpu.memory_space<vmem>>
    %dma_start3A_16 = arith.constant 0 : i32
    %dma_start3A_17 = arith.constant 0 : i32
    %dma_start3A_18 = tpu.memref_slice %arg2[%dma_start3A_16, %dma_start3A_17] : memref<10000x128xbf16, #tpu.memory_space<hbm>> -> memref<10000x128xbf16, #tpu.memory_space<hbm>>
    tpu.enqueue_indirect_dma source(%dma_start3A_18 : memref<10000x128xbf16, #tpu.memory_space<hbm>>) target(%arg10 : memref<128x128xbf16, #tpu.memory_space<vmem>>) offsets(%dma_start3A_15 : memref<128xi32, #tpu.memory_space<vmem>>) semaphore(%arg15 : memref<!tpu.dma_semaphore, #tpu.memory_space<semaphore_mem>>)
    %dma_start3A_19 = arith.constant 2 : i32
    %dma_start3A_20 = arith.constant 0 : i32
    %dma_start3A_21 = tpu.memref_slice %arg7[%dma_start3A_19, %dma_start3A_20] : memref<80x128xi32, #tpu.memory_space<vmem>> -> memref<1x128xi32, #tpu.memory_space<vmem>>
    %dma_start3A_22 = tpu.memref_squeeze %dma_start3A_21 : memref<1x128xi32, #tpu.memory_space<vmem>> -> memref<128xi32, #tpu.memory_space<vmem>>
    %dma_start3A_23 = arith.constant 0 : i32
    %dma_start3A_24 = arith.constant 0 : i32
    %dma_start3A_25 = tpu.memref_slice %arg2[%dma_start3A_23, %dma_start3A_24] : memref<10000x128xbf16, #tpu.memory_space<hbm>> -> memref<10000x128xbf16, #tpu.memory_space<hbm>>
    tpu.enqueue_indirect_dma source(%dma_start3A_25 : memref<10000x128xbf16, #tpu.memory_space<hbm>>) target(%arg11 : memref<128x128xbf16, #tpu.memory_space<vmem>>) offsets(%dma_start3A_22 : memref<128xi32, #tpu.memory_space<vmem>>) semaphore(%arg16 : memref<!tpu.dma_semaphore, #tpu.memory_space<semaphore_mem>>)
    %scan3A = arith.constant 0 : i32
    %scan3A_26 = arith.constant 0 : i32
    %scan3A_27 = arith.constant 5 : i32
    %scan3A_28 = arith.addi %scan3A_26, %scan3A_27 : i32
    %scan3A_29 = arith.constant 1 : i32
    scf.for %scan3A_38 = %scan3A_26 to %scan3A_28 step %scan3A_29  : i32 {
      %gt3A = arith.constant 0 : i32
      %gt3A_39 = arith.cmpi sgt, %scan3A_38, %gt3A : i32
      %convert_element_type3A = arith.extui %gt3A_39 : i1 to i32
      %cond3A = arith.constant 0 : i32
      %cond3A_40 = arith.cmpi ne, %convert_element_type3A, %cond3A : i32
      scf.if %cond3A_40 {
        %dma_wait3A_50 = arith.constant 0 : i32
        %dma_wait3A_51 = arith.constant 0 : i32
        %dma_wait3A_52 = tpu.memref_slice %arg8[%dma_wait3A_50, %dma_wait3A_51] : memref<16x128xi32, #tpu.memory_space<vmem>> -> memref<1x128xi32, #tpu.memory_space<vmem>>
        %dma_wait3A_53 = tpu.memref_squeeze %dma_wait3A_52 : memref<1x128xi32, #tpu.memory_space<vmem>> -> memref<128xi32, #tpu.memory_space<vmem>>
        %dma_wait3A_54 = arith.constant 0 : i32
        %dma_wait3A_55 = arith.constant 0 : i32
        %dma_wait3A_56 = tpu.memref_slice %arg13[%dma_wait3A_54, %dma_wait3A_55] : memref<10240x128xbf16, #tpu.memory_space<vmem_shared>> -> memref<10240x128xbf16, #tpu.memory_space<vmem_shared>>
        tpu.wait_indirect_dma semaphore(%arg21 : memref<!tpu.dma_semaphore, #tpu.memory_space<semaphore_mem>>) src(%arg12 : memref<128x128xbf16, #tpu.memory_space<vmem>>) dst(%dma_wait3A_56 : memref<10240x128xbf16, #tpu.memory_space<vmem_shared>>)
      } else {
      }
      %mul3A_41 = arith.constant 16 : i32
      %mul3A_42 = arith.muli %scan3A_38, %mul3A_41 : i32
      %add3A_43 = arith.addi %multiple_of3A_5, %mul3A_42 : i32
      %multiple_of3A_44 = tpu.assume_multiple %add3A_43, 8 : i32
      "tpu.region"() ({
        %run_scoped3A = tpu.sem_alloc : memref<!tpu.dma_semaphore, #tpu.memory_space<semaphore_mem>>
        %dma_start3A_50 = arith.constant 0 : i32
        %dma_start3A_51 = tpu.memref_slice %arg4[%multiple_of3A_44, %dma_start3A_50] : memref<2560x128xi32, #tpu.memory_space<hbm>> -> memref<16x128xi32, #tpu.memory_space<hbm>>
        %dma_start3A_52 = arith.constant 0 : i32
        %dma_start3A_53 = tpu.memref_slice %arg4[%multiple_of3A_44, %dma_start3A_52] : memref<2560x128xi32, #tpu.memory_space<hbm>> -> memref<16x128xi32, #tpu.memory_space<hbm>>
        tpu.enqueue_dma source(%dma_start3A_53 : memref<16x128xi32, #tpu.memory_space<hbm>>) target(%arg8 : memref<16x128xi32, #tpu.memory_space<vmem>>) target_semaphore(%run_scoped3A : memref<!tpu.dma_semaphore, #tpu.memory_space<semaphore_mem>>)
        %dma_wait3A_54 = arith.constant 0 : i32
        %dma_wait3A_55 = tpu.memref_slice %arg4[%multiple_of3A_44, %dma_wait3A_54] : memref<2560x128xi32, #tpu.memory_space<hbm>> -> memref<16x128xi32, #tpu.memory_space<hbm>>
        %dma_wait3A_56 = arith.constant 0 : i32
        %dma_wait3A_57 = tpu.memref_slice %arg4[%multiple_of3A_44, %dma_wait3A_56] : memref<2560x128xi32, #tpu.memory_space<hbm>> -> memref<16x128xi32, #tpu.memory_space<hbm>>
        tpu.wait_dma2 semaphore(%run_scoped3A : memref<!tpu.dma_semaphore, #tpu.memory_space<semaphore_mem>>) src(%dma_wait3A_57 : memref<16x128xi32, #tpu.memory_space<hbm>>) dst(%arg8 : memref<16x128xi32, #tpu.memory_space<vmem>>)
        tpu.yield
      }) : () -> ()
      %scan3A_45 = arith.constant 0 : i32
      %scan3A_46 = arith.constant 4 : i32
      %scan3A_47 = arith.addi %scan3A_45, %scan3A_46 : i32
      %scan3A_48 = arith.constant 1 : i32
      scf.for %scan3A_50 = %scan3A_45 to %scan3A_47 step %scan3A_48  : i32 {
        %mul3A_51 = arith.constant 16 : i32
        %mul3A_52 = arith.muli %scan3A_38, %mul3A_51 : i32
        %mul3A_53 = arith.constant 4 : i32
        %mul3A_54 = arith.muli %scan3A_50, %mul3A_53 : i32
        %add3A_55 = arith.addi %mul3A_52, %mul3A_54 : i32
        %add3A_56 = arith.constant 0 : i32
        %add3A_57 = arith.addi %add3A_55, %add3A_56 : i32
        %mul3A_58 = arith.constant 4 : i32
        %mul3A_59 = arith.muli %scan3A_50, %mul3A_58 : i32
        %add3A_60 = arith.constant 0 : i32
        %add3A_61 = arith.addi %mul3A_59, %add3A_60 : i32
        %dma_wait3A_62 = arith.constant 0 : i32
        %dma_wait3A_63 = tpu.memref_slice %arg7[%add3A_57, %dma_wait3A_62] : memref<80x128xi32, #tpu.memory_space<vmem>> -> memref<1x128xi32, #tpu.memory_space<vmem>>
        %dma_wait3A_64 = tpu.memref_squeeze %dma_wait3A_63 : memref<1x128xi32, #tpu.memory_space<vmem>> -> memref<128xi32, #tpu.memory_space<vmem>>
        %dma_wait3A_65 = arith.constant 0 : i32
        %dma_wait3A_66 = arith.constant 0 : i32
        %dma_wait3A_67 = tpu.memref_slice %arg2[%dma_wait3A_65, %dma_wait3A_66] : memref<10000x128xbf16, #tpu.memory_space<hbm>> -> memref<10000x128xbf16, #tpu.memory_space<hbm>>
        tpu.wait_indirect_dma semaphore(%arg14 : memref<!tpu.dma_semaphore, #tpu.memory_space<semaphore_mem>>) src(%dma_wait3A_67 : memref<10000x128xbf16, #tpu.memory_space<hbm>>) dst(%arg9 : memref<128x128xbf16, #tpu.memory_space<vmem>>)
        %gt3A_68 = arith.constant 0 : i32
        %gt3A_69 = arith.cmpi sgt, %scan3A_50, %gt3A_68 : i32
        %convert_element_type3A_70 = arith.extui %gt3A_69 : i1 to i32
        %cond3A_71 = arith.constant 0 : i32
        %cond3A_72 = arith.cmpi ne, %convert_element_type3A_70, %cond3A_71 : i32
        scf.if %cond3A_72 {
          %dma_wait3A_203 = arith.constant 0 : i32
          %dma_wait3A_204 = arith.constant 0 : i32
          %dma_wait3A_205 = tpu.memref_slice %arg8[%dma_wait3A_203, %dma_wait3A_204] : memref<16x128xi32, #tpu.memory_space<vmem>> -> memref<1x128xi32, #tpu.memory_space<vmem>>
          %dma_wait3A_206 = tpu.memref_squeeze %dma_wait3A_205 : memref<1x128xi32, #tpu.memory_space<vmem>> -> memref<128xi32, #tpu.memory_space<vmem>>
          %dma_wait3A_207 = arith.constant 0 : i32
          %dma_wait3A_208 = arith.constant 0 : i32
          %dma_wait3A_209 = tpu.memref_slice %arg13[%dma_wait3A_207, %dma_wait3A_208] : memref<10240x128xbf16, #tpu.memory_space<vmem_shared>> -> memref<10240x128xbf16, #tpu.memory_space<vmem_shared>>
          tpu.wait_indirect_dma semaphore(%arg21 : memref<!tpu.dma_semaphore, #tpu.memory_space<semaphore_mem>>) src(%arg12 : memref<128x128xbf16, #tpu.memory_space<vmem>>) dst(%dma_wait3A_209 : memref<10240x128xbf16, #tpu.memory_space<vmem_shared>>)
        } else {
        }
        %dma_start3A_73 = arith.constant 0 : i32
        %dma_start3A_74 = tpu.memref_slice %arg8[%add3A_61, %dma_start3A_73] : memref<16x128xi32, #tpu.memory_space<vmem>> -> memref<1x128xi32, #tpu.memory_space<vmem>>
        %dma_start3A_75 = tpu.memref_squeeze %dma_start3A_74 : memref<1x128xi32, #tpu.memory_space<vmem>> -> memref<128xi32, #tpu.memory_space<vmem>>
        %dma_start3A_76 = arith.constant 0 : i32
        %dma_start3A_77 = arith.constant 0 : i32
        %dma_start3A_78 = tpu.memref_slice %arg13[%dma_start3A_76, %dma_start3A_77] : memref<10240x128xbf16, #tpu.memory_space<vmem_shared>> -> memref<10240x128xbf16, #tpu.memory_space<vmem_shared>>
        tpu.enqueue_indirect_dma source(%arg9 : memref<128x128xbf16, #tpu.memory_space<vmem>>) target(%dma_start3A_78 : memref<10240x128xbf16, #tpu.memory_space<vmem_shared>>) offsets(%dma_start3A_75 : memref<128xi32, #tpu.memory_space<vmem>>) semaphore(%arg18 : memref<!tpu.dma_semaphore, #tpu.memory_space<semaphore_mem>>) {add = true}
        %add3A_79 = arith.constant 4 : i32
        %add3A_80 = arith.addi %add3A_57, %add3A_79 : i32
        %sub3A = arith.constant 1 : i32
        %sub3A_81 = arith.subi %add3A_80, %sub3A : i32
        %lt3A = arith.constant 80 : i32
        %lt3A_82 = arith.cmpi slt, %sub3A_81, %lt3A : i32
        %convert_element_type3A_83 = arith.extui %lt3A_82 : i1 to i32
        %cond3A_84 = arith.constant 0 : i32
        %cond3A_85 = arith.cmpi ne, %convert_element_type3A_83, %cond3A_84 : i32
        scf.if %cond3A_85 {
          %add3A_203 = arith.constant 4 : i32
          %add3A_204 = arith.addi %add3A_57, %add3A_203 : i32
          %sub3A_205 = arith.constant 1 : i32
          %sub3A_206 = arith.subi %add3A_204, %sub3A_205 : i32
          %dma_start3A_207 = arith.constant 0 : i32
          %dma_start3A_208 = tpu.memref_slice %arg7[%sub3A_206, %dma_start3A_207] : memref<80x128xi32, #tpu.memory_space<vmem>> -> memref<1x128xi32, #tpu.memory_space<vmem>>
          %dma_start3A_209 = tpu.memref_squeeze %dma_start3A_208 : memref<1x128xi32, #tpu.memory_space<vmem>> -> memref<128xi32, #tpu.memory_space<vmem>>
          %dma_start3A_210 = arith.constant 0 : i32
          %dma_start3A_211 = arith.constant 0 : i32
          %dma_start3A_212 = tpu.memref_slice %arg2[%dma_start3A_210, %dma_start3A_211] : memref<10000x128xbf16, #tpu.memory_space<hbm>> -> memref<10000x128xbf16, #tpu.memory_space<hbm>>
          tpu.enqueue_indirect_dma source(%dma_start3A_212 : memref<10000x128xbf16, #tpu.memory_space<hbm>>) target(%arg12 : memref<128x128xbf16, #tpu.memory_space<vmem>>) offsets(%dma_start3A_209 : memref<128xi32, #tpu.memory_space<vmem>>) semaphore(%arg17 : memref<!tpu.dma_semaphore, #tpu.memory_space<semaphore_mem>>)
        } else {
        }
        %mul3A_86 = arith.constant 16 : i32
        %mul3A_87 = arith.muli %scan3A_38, %mul3A_86 : i32
        %mul3A_88 = arith.constant 4 : i32
        %mul3A_89 = arith.muli %scan3A_50, %mul3A_88 : i32
        %add3A_90 = arith.addi %mul3A_87, %mul3A_89 : i32
        %add3A_91 = arith.constant 1 : i32
        %add3A_92 = arith.addi %add3A_90, %add3A_91 : i32
        %mul3A_93 = arith.constant 4 : i32
        %mul3A_94 = arith.muli %scan3A_50, %mul3A_93 : i32
        %add3A_95 = arith.constant 1 : i32
        %add3A_96 = arith.addi %mul3A_94, %add3A_95 : i32
        %dma_wait3A_97 = arith.constant 0 : i32
        %dma_wait3A_98 = tpu.memref_slice %arg7[%add3A_92, %dma_wait3A_97] : memref<80x128xi32, #tpu.memory_space<vmem>> -> memref<1x128xi32, #tpu.memory_space<vmem>>
        %dma_wait3A_99 = tpu.memref_squeeze %dma_wait3A_98 : memref<1x128xi32, #tpu.memory_space<vmem>> -> memref<128xi32, #tpu.memory_space<vmem>>
        %dma_wait3A_100 = arith.constant 0 : i32
        %dma_wait3A_101 = arith.constant 0 : i32
        %dma_wait3A_102 = tpu.memref_slice %arg2[%dma_wait3A_100, %dma_wait3A_101] : memref<10000x128xbf16, #tpu.memory_space<hbm>> -> memref<10000x128xbf16, #tpu.memory_space<hbm>>
        tpu.wait_indirect_dma semaphore(%arg15 : memref<!tpu.dma_semaphore, #tpu.memory_space<semaphore_mem>>) src(%dma_wait3A_102 : memref<10000x128xbf16, #tpu.memory_space<hbm>>) dst(%arg10 : memref<128x128xbf16, #tpu.memory_space<vmem>>)
        %dma_wait3A_103 = arith.constant 0 : i32
        %dma_wait3A_104 = arith.constant 0 : i32
        %dma_wait3A_105 = tpu.memref_slice %arg8[%dma_wait3A_103, %dma_wait3A_104] : memref<16x128xi32, #tpu.memory_space<vmem>> -> memref<1x128xi32, #tpu.memory_space<vmem>>
        %dma_wait3A_106 = tpu.memref_squeeze %dma_wait3A_105 : memref<1x128xi32, #tpu.memory_space<vmem>> -> memref<128xi32, #tpu.memory_space<vmem>>
        %dma_wait3A_107 = arith.constant 0 : i32
        %dma_wait3A_108 = arith.constant 0 : i32
        %dma_wait3A_109 = tpu.memref_slice %arg13[%dma_wait3A_107, %dma_wait3A_108] : memref<10240x128xbf16, #tpu.memory_space<vmem_shared>> -> memref<10240x128xbf16, #tpu.memory_space<vmem_shared>>
        tpu.wait_indirect_dma semaphore(%arg18 : memref<!tpu.dma_semaphore, #tpu.memory_space<semaphore_mem>>) src(%arg9 : memref<128x128xbf16, #tpu.memory_space<vmem>>) dst(%dma_wait3A_109 : memref<10240x128xbf16, #tpu.memory_space<vmem_shared>>)
        %dma_start3A_110 = arith.constant 0 : i32
        %dma_start3A_111 = tpu.memref_slice %arg8[%add3A_96, %dma_start3A_110] : memref<16x128xi32, #tpu.memory_space<vmem>> -> memref<1x128xi32, #tpu.memory_space<vmem>>
        %dma_start3A_112 = tpu.memref_squeeze %dma_start3A_111 : memref<1x128xi32, #tpu.memory_space<vmem>> -> memref<128xi32, #tpu.memory_space<vmem>>
        %dma_start3A_113 = arith.constant 0 : i32
        %dma_start3A_114 = arith.constant 0 : i32
        %dma_start3A_115 = tpu.memref_slice %arg13[%dma_start3A_113, %dma_start3A_114] : memref<10240x128xbf16, #tpu.memory_space<vmem_shared>> -> memref<10240x128xbf16, #tpu.memory_space<vmem_shared>>
        tpu.enqueue_indirect_dma source(%arg10 : memref<128x128xbf16, #tpu.memory_space<vmem>>) target(%dma_start3A_115 : memref<10240x128xbf16, #tpu.memory_space<vmem_shared>>) offsets(%dma_start3A_112 : memref<128xi32, #tpu.memory_space<vmem>>) semaphore(%arg19 : memref<!tpu.dma_semaphore, #tpu.memory_space<semaphore_mem>>) {add = true}
        %add3A_116 = arith.constant 4 : i32
        %add3A_117 = arith.addi %add3A_92, %add3A_116 : i32
        %sub3A_118 = arith.constant 1 : i32
        %sub3A_119 = arith.subi %add3A_117, %sub3A_118 : i32
        %lt3A_120 = arith.constant 80 : i32
        %lt3A_121 = arith.cmpi slt, %sub3A_119, %lt3A_120 : i32
        %convert_element_type3A_122 = arith.extui %lt3A_121 : i1 to i32
        %cond3A_123 = arith.constant 0 : i32
        %cond3A_124 = arith.cmpi ne, %convert_element_type3A_122, %cond3A_123 : i32
        scf.if %cond3A_124 {
          %add3A_203 = arith.constant 4 : i32
          %add3A_204 = arith.addi %add3A_92, %add3A_203 : i32
          %sub3A_205 = arith.constant 1 : i32
          %sub3A_206 = arith.subi %add3A_204, %sub3A_205 : i32
          %dma_start3A_207 = arith.constant 0 : i32
          %dma_start3A_208 = tpu.memref_slice %arg7[%sub3A_206, %dma_start3A_207] : memref<80x128xi32, #tpu.memory_space<vmem>> -> memref<1x128xi32, #tpu.memory_space<vmem>>
          %dma_start3A_209 = tpu.memref_squeeze %dma_start3A_208 : memref<1x128xi32, #tpu.memory_space<vmem>> -> memref<128xi32, #tpu.memory_space<vmem>>
          %dma_start3A_210 = arith.constant 0 : i32
          %dma_start3A_211 = arith.constant 0 : i32
          %dma_start3A_212 = tpu.memref_slice %arg2[%dma_start3A_210, %dma_start3A_211] : memref<10000x128xbf16, #tpu.memory_space<hbm>> -> memref<10000x128xbf16, #tpu.memory_space<hbm>>
          tpu.enqueue_indirect_dma source(%dma_start3A_212 : memref<10000x128xbf16, #tpu.memory_space<hbm>>) target(%arg9 : memref<128x128xbf16, #tpu.memory_space<vmem>>) offsets(%dma_start3A_209 : memref<128xi32, #tpu.memory_space<vmem>>) semaphore(%arg14 : memref<!tpu.dma_semaphore, #tpu.memory_space<semaphore_mem>>)
        } else {
        }
        %mul3A_125 = arith.constant 16 : i32
        %mul3A_126 = arith.muli %scan3A_38, %mul3A_125 : i32
        %mul3A_127 = arith.constant 4 : i32
        %mul3A_128 = arith.muli %scan3A_50, %mul3A_127 : i32
        %add3A_129 = arith.addi %mul3A_126, %mul3A_128 : i32
        %add3A_130 = arith.constant 2 : i32
        %add3A_131 = arith.addi %add3A_129, %add3A_130 : i32
        %mul3A_132 = arith.constant 4 : i32
        %mul3A_133 = arith.muli %scan3A_50, %mul3A_132 : i32
        %add3A_134 = arith.constant 2 : i32
        %add3A_135 = arith.addi %mul3A_133, %add3A_134 : i32
        %dma_wait3A_136 = arith.constant 0 : i32
        %dma_wait3A_137 = tpu.memref_slice %arg7[%add3A_131, %dma_wait3A_136] : memref<80x128xi32, #tpu.memory_space<vmem>> -> memref<1x128xi32, #tpu.memory_space<vmem>>
        %dma_wait3A_138 = tpu.memref_squeeze %dma_wait3A_137 : memref<1x128xi32, #tpu.memory_space<vmem>> -> memref<128xi32, #tpu.memory_space<vmem>>
        %dma_wait3A_139 = arith.constant 0 : i32
        %dma_wait3A_140 = arith.constant 0 : i32
        %dma_wait3A_141 = tpu.memref_slice %arg2[%dma_wait3A_139, %dma_wait3A_140] : memref<10000x128xbf16, #tpu.memory_space<hbm>> -> memref<10000x128xbf16, #tpu.memory_space<hbm>>
        tpu.wait_indirect_dma semaphore(%arg16 : memref<!tpu.dma_semaphore, #tpu.memory_space<semaphore_mem>>) src(%dma_wait3A_141 : memref<10000x128xbf16, #tpu.memory_space<hbm>>) dst(%arg11 : memref<128x128xbf16, #tpu.memory_space<vmem>>)
        %dma_wait3A_142 = arith.constant 0 : i32
        %dma_wait3A_143 = arith.constant 0 : i32
        %dma_wait3A_144 = tpu.memref_slice %arg8[%dma_wait3A_142, %dma_wait3A_143] : memref<16x128xi32, #tpu.memory_space<vmem>> -> memref<1x128xi32, #tpu.memory_space<vmem>>
        %dma_wait3A_145 = tpu.memref_squeeze %dma_wait3A_144 : memref<1x128xi32, #tpu.memory_space<vmem>> -> memref<128xi32, #tpu.memory_space<vmem>>
        %dma_wait3A_146 = arith.constant 0 : i32
        %dma_wait3A_147 = arith.constant 0 : i32
        %dma_wait3A_148 = tpu.memref_slice %arg13[%dma_wait3A_146, %dma_wait3A_147] : memref<10240x128xbf16, #tpu.memory_space<vmem_shared>> -> memref<10240x128xbf16, #tpu.memory_space<vmem_shared>>
        tpu.wait_indirect_dma semaphore(%arg19 : memref<!tpu.dma_semaphore, #tpu.memory_space<semaphore_mem>>) src(%arg10 : memref<128x128xbf16, #tpu.memory_space<vmem>>) dst(%dma_wait3A_148 : memref<10240x128xbf16, #tpu.memory_space<vmem_shared>>)
        %dma_start3A_149 = arith.constant 0 : i32
        %dma_start3A_150 = tpu.memref_slice %arg8[%add3A_135, %dma_start3A_149] : memref<16x128xi32, #tpu.memory_space<vmem>> -> memref<1x128xi32, #tpu.memory_space<vmem>>
        %dma_start3A_151 = tpu.memref_squeeze %dma_start3A_150 : memref<1x128xi32, #tpu.memory_space<vmem>> -> memref<128xi32, #tpu.memory_space<vmem>>
        %dma_start3A_152 = arith.constant 0 : i32
        %dma_start3A_153 = arith.constant 0 : i32
        %dma_start3A_154 = tpu.memref_slice %arg13[%dma_start3A_152, %dma_start3A_153] : memref<10240x128xbf16, #tpu.memory_space<vmem_shared>> -> memref<10240x128xbf16, #tpu.memory_space<vmem_shared>>
        tpu.enqueue_indirect_dma source(%arg11 : memref<128x128xbf16, #tpu.memory_space<vmem>>) target(%dma_start3A_154 : memref<10240x128xbf16, #tpu.memory_space<vmem_shared>>) offsets(%dma_start3A_151 : memref<128xi32, #tpu.memory_space<vmem>>) semaphore(%arg20 : memref<!tpu.dma_semaphore, #tpu.memory_space<semaphore_mem>>) {add = true}
        %add3A_155 = arith.constant 4 : i32
        %add3A_156 = arith.addi %add3A_131, %add3A_155 : i32
        %sub3A_157 = arith.constant 1 : i32
        %sub3A_158 = arith.subi %add3A_156, %sub3A_157 : i32
        %lt3A_159 = arith.constant 80 : i32
        %lt3A_160 = arith.cmpi slt, %sub3A_158, %lt3A_159 : i32
        %convert_element_type3A_161 = arith.extui %lt3A_160 : i1 to i32
        %cond3A_162 = arith.constant 0 : i32
        %cond3A_163 = arith.cmpi ne, %convert_element_type3A_161, %cond3A_162 : i32
        scf.if %cond3A_163 {
          %add3A_203 = arith.constant 4 : i32
          %add3A_204 = arith.addi %add3A_131, %add3A_203 : i32
          %sub3A_205 = arith.constant 1 : i32
          %sub3A_206 = arith.subi %add3A_204, %sub3A_205 : i32
          %dma_start3A_207 = arith.constant 0 : i32
          %dma_start3A_208 = tpu.memref_slice %arg7[%sub3A_206, %dma_start3A_207] : memref<80x128xi32, #tpu.memory_space<vmem>> -> memref<1x128xi32, #tpu.memory_space<vmem>>
          %dma_start3A_209 = tpu.memref_squeeze %dma_start3A_208 : memref<1x128xi32, #tpu.memory_space<vmem>> -> memref<128xi32, #tpu.memory_space<vmem>>
          %dma_start3A_210 = arith.constant 0 : i32
          %dma_start3A_211 = arith.constant 0 : i32
          %dma_start3A_212 = tpu.memref_slice %arg2[%dma_start3A_210, %dma_start3A_211] : memref<10000x128xbf16, #tpu.memory_space<hbm>> -> memref<10000x128xbf16, #tpu.memory_space<hbm>>
          tpu.enqueue_indirect_dma source(%dma_start3A_212 : memref<10000x128xbf16, #tpu.memory_space<hbm>>) target(%arg10 : memref<128x128xbf16, #tpu.memory_space<vmem>>) offsets(%dma_start3A_209 : memref<128xi32, #tpu.memory_space<vmem>>) semaphore(%arg15 : memref<!tpu.dma_semaphore, #tpu.memory_space<semaphore_mem>>)
        } else {
        }
        %mul3A_164 = arith.constant 16 : i32
        %mul3A_165 = arith.muli %scan3A_38, %mul3A_164 : i32
        %mul3A_166 = arith.constant 4 : i32
        %mul3A_167 = arith.muli %scan3A_50, %mul3A_166 : i32
        %add3A_168 = arith.addi %mul3A_165, %mul3A_167 : i32
        %add3A_169 = arith.constant 3 : i32
        %add3A_170 = arith.addi %add3A_168, %add3A_169 : i32
        %mul3A_171 = arith.constant 4 : i32
        %mul3A_172 = arith.muli %scan3A_50, %mul3A_171 : i32
        %add3A_173 = arith.constant 3 : i32
        %add3A_174 = arith.addi %mul3A_172, %add3A_173 : i32
        %dma_wait3A_175 = arith.constant 0 : i32
        %dma_wait3A_176 = tpu.memref_slice %arg7[%add3A_170, %dma_wait3A_175] : memref<80x128xi32, #tpu.memory_space<vmem>> -> memref<1x128xi32, #tpu.memory_space<vmem>>
        %dma_wait3A_177 = tpu.memref_squeeze %dma_wait3A_176 : memref<1x128xi32, #tpu.memory_space<vmem>> -> memref<128xi32, #tpu.memory_space<vmem>>
        %dma_wait3A_178 = arith.constant 0 : i32
        %dma_wait3A_179 = arith.constant 0 : i32
        %dma_wait3A_180 = tpu.memref_slice %arg2[%dma_wait3A_178, %dma_wait3A_179] : memref<10000x128xbf16, #tpu.memory_space<hbm>> -> memref<10000x128xbf16, #tpu.memory_space<hbm>>
        tpu.wait_indirect_dma semaphore(%arg17 : memref<!tpu.dma_semaphore, #tpu.memory_space<semaphore_mem>>) src(%dma_wait3A_180 : memref<10000x128xbf16, #tpu.memory_space<hbm>>) dst(%arg12 : memref<128x128xbf16, #tpu.memory_space<vmem>>)
        %dma_wait3A_181 = arith.constant 0 : i32
        %dma_wait3A_182 = arith.constant 0 : i32
        %dma_wait3A_183 = tpu.memref_slice %arg8[%dma_wait3A_181, %dma_wait3A_182] : memref<16x128xi32, #tpu.memory_space<vmem>> -> memref<1x128xi32, #tpu.memory_space<vmem>>
        %dma_wait3A_184 = tpu.memref_squeeze %dma_wait3A_183 : memref<1x128xi32, #tpu.memory_space<vmem>> -> memref<128xi32, #tpu.memory_space<vmem>>
        %dma_wait3A_185 = arith.constant 0 : i32
        %dma_wait3A_186 = arith.constant 0 : i32
        %dma_wait3A_187 = tpu.memref_slice %arg13[%dma_wait3A_185, %dma_wait3A_186] : memref<10240x128xbf16, #tpu.memory_space<vmem_shared>> -> memref<10240x128xbf16, #tpu.memory_space<vmem_shared>>
        tpu.wait_indirect_dma semaphore(%arg20 : memref<!tpu.dma_semaphore, #tpu.memory_space<semaphore_mem>>) src(%arg11 : memref<128x128xbf16, #tpu.memory_space<vmem>>) dst(%dma_wait3A_187 : memref<10240x128xbf16, #tpu.memory_space<vmem_shared>>)
        %dma_start3A_188 = arith.constant 0 : i32
        %dma_start3A_189 = tpu.memref_slice %arg8[%add3A_174, %dma_start3A_188] : memref<16x128xi32, #tpu.memory_space<vmem>> -> memref<1x128xi32, #tpu.memory_space<vmem>>
        %dma_start3A_190 = tpu.memref_squeeze %dma_start3A_189 : memref<1x128xi32, #tpu.memory_space<vmem>> -> memref<128xi32, #tpu.memory_space<vmem>>
        %dma_start3A_191 = arith.constant 0 : i32
        %dma_start3A_192 = arith.constant 0 : i32
        %dma_start3A_193 = tpu.memref_slice %arg13[%dma_start3A_191, %dma_start3A_192] : memref<10240x128xbf16, #tpu.memory_space<vmem_shared>> -> memref<10240x128xbf16, #tpu.memory_space<vmem_shared>>
        tpu.enqueue_indirect_dma source(%arg12 : memref<128x128xbf16, #tpu.memory_space<vmem>>) target(%dma_start3A_193 : memref<10240x128xbf16, #tpu.memory_space<vmem_shared>>) offsets(%dma_start3A_190 : memref<128xi32, #tpu.memory_space<vmem>>) semaphore(%arg21 : memref<!tpu.dma_semaphore, #tpu.memory_space<semaphore_mem>>) {add = true}
        %add3A_194 = arith.constant 4 : i32
        %add3A_195 = arith.addi %add3A_170, %add3A_194 : i32
        %sub3A_196 = arith.constant 1 : i32
        %sub3A_197 = arith.subi %add3A_195, %sub3A_196 : i32
        %lt3A_198 = arith.constant 80 : i32
        %lt3A_199 = arith.cmpi slt, %sub3A_197, %lt3A_198 : i32
        %convert_element_type3A_200 = arith.extui %lt3A_199 : i1 to i32
        %cond3A_201 = arith.constant 0 : i32
        %cond3A_202 = arith.cmpi ne, %convert_element_type3A_200, %cond3A_201 : i32
        scf.if %cond3A_202 {
          %add3A_203 = arith.constant 4 : i32
          %add3A_204 = arith.addi %add3A_170, %add3A_203 : i32
          %sub3A_205 = arith.constant 1 : i32
          %sub3A_206 = arith.subi %add3A_204, %sub3A_205 : i32
          %dma_start3A_207 = arith.constant 0 : i32
          %dma_start3A_208 = tpu.memref_slice %arg7[%sub3A_206, %dma_start3A_207] : memref<80x128xi32, #tpu.memory_space<vmem>> -> memref<1x128xi32, #tpu.memory_space<vmem>>
          %dma_start3A_209 = tpu.memref_squeeze %dma_start3A_208 : memref<1x128xi32, #tpu.memory_space<vmem>> -> memref<128xi32, #tpu.memory_space<vmem>>
          %dma_start3A_210 = arith.constant 0 : i32
          %dma_start3A_211 = arith.constant 0 : i32
          %dma_start3A_212 = tpu.memref_slice %arg2[%dma_start3A_210, %dma_start3A_211] : memref<10000x128xbf16, #tpu.memory_space<hbm>> -> memref<10000x128xbf16, #tpu.memory_space<hbm>>
          tpu.enqueue_indirect_dma source(%dma_start3A_212 : memref<10000x128xbf16, #tpu.memory_space<hbm>>) target(%arg11 : memref<128x128xbf16, #tpu.memory_space<vmem>>) offsets(%dma_start3A_209 : memref<128xi32, #tpu.memory_space<vmem>>) semaphore(%arg16 : memref<!tpu.dma_semaphore, #tpu.memory_space<semaphore_mem>>)
        } else {
        }
      }
      %scan3A_49 = arith.constant 4 : i32
    }
    %scan3A_30 = arith.constant 5 : i32
    %dma_wait3A = arith.constant 0 : i32
    %dma_wait3A_31 = arith.constant 0 : i32
    %dma_wait3A_32 = tpu.memref_slice %arg8[%dma_wait3A, %dma_wait3A_31] : memref<16x128xi32, #tpu.memory_space<vmem>> -> memref<1x128xi32, #tpu.memory_space<vmem>>
    %dma_wait3A_33 = tpu.memref_squeeze %dma_wait3A_32 : memref<1x128xi32, #tpu.memory_space<vmem>> -> memref<128xi32, #tpu.memory_space<vmem>>
    %dma_wait3A_34 = arith.constant 0 : i32
    %dma_wait3A_35 = arith.constant 0 : i32
    %dma_wait3A_36 = tpu.memref_slice %arg13[%dma_wait3A_34, %dma_wait3A_35] : memref<10240x128xbf16, #tpu.memory_space<vmem_shared>> -> memref<10240x128xbf16, #tpu.memory_space<vmem_shared>>
    tpu.wait_indirect_dma semaphore(%arg21 : memref<!tpu.dma_semaphore, #tpu.memory_space<semaphore_mem>>) src(%arg12 : memref<128x128xbf16, #tpu.memory_space<vmem>>) dst(%dma_wait3A_36 : memref<10240x128xbf16, #tpu.memory_space<vmem_shared>>)
    %barrier3A_37 = arith.constant 0 : index
    tpu.barrier barrier_id(%barrier3A_37)
    "tpu.region"() ({
      %run_scoped3A = tpu.sem_alloc : memref<!tpu.dma_semaphore, #tpu.memory_space<semaphore_mem>>
      %dma_start3A_38 = arith.constant 0 : i32
      %dma_start3A_39 = tpu.memref_slice %arg6[%arg0, %multiple_of3A, %dma_start3A_38] : memref<2x10240x128xbf16, #tpu.memory_space<hbm>> -> memref<1x640x128xbf16, #tpu.memory_space<hbm>>
      %dma_start3A_40 = tpu.memref_squeeze %dma_start3A_39 : memref<1x640x128xbf16, #tpu.memory_space<hbm>> -> memref<640x128xbf16, #tpu.memory_space<hbm>>
      %dma_start3A_41 = arith.constant 0 : i32
      %dma_start3A_42 = tpu.memref_slice %arg13[%multiple_of3A, %dma_start3A_41] : memref<10240x128xbf16, #tpu.memory_space<vmem_shared>> -> memref<640x128xbf16, #tpu.memory_space<vmem_shared>>
      tpu.enqueue_dma source(%dma_start3A_42 : memref<640x128xbf16, #tpu.memory_space<vmem_shared>>) target(%dma_start3A_40 : memref<640x128xbf16, #tpu.memory_space<hbm>>) target_semaphore(%run_scoped3A : memref<!tpu.dma_semaphore, #tpu.memory_space<semaphore_mem>>)
      %dma_wait3A_43 = arith.constant 0 : i32
      %dma_wait3A_44 = tpu.memref_slice %arg6[%arg0, %multiple_of3A, %dma_wait3A_43] : memref<2x10240x128xbf16, #tpu.memory_space<hbm>> -> memref<1x640x128xbf16, #tpu.memory_space<hbm>>
      %dma_wait3A_45 = tpu.memref_squeeze %dma_wait3A_44 : memref<1x640x128xbf16, #tpu.memory_space<hbm>> -> memref<640x128xbf16, #tpu.memory_space<hbm>>
      %dma_wait3A_46 = arith.constant 0 : i32
      %dma_wait3A_47 = tpu.memref_slice %arg13[%multiple_of3A, %dma_wait3A_46] : memref<10240x128xbf16, #tpu.memory_space<vmem_shared>> -> memref<640x128xbf16, #tpu.memory_space<vmem_shared>>
      tpu.wait_dma2 semaphore(%run_scoped3A : memref<!tpu.dma_semaphore, #tpu.memory_space<semaphore_mem>>) src(%dma_wait3A_47 : memref<640x128xbf16, #tpu.memory_space<vmem_shared>>) dst(%dma_wait3A_45 : memref<640x128xbf16, #tpu.memory_space<hbm>>)
      tpu.yield
    }) : () -> ()
    return
  }
}

module attributes {stable_mosaic.version = 14 : i64} {
  func.func @_scale_body(%arg0: i32, %arg1: memref<400x128xf32, #tpu.memory_space<vmem>>, %arg2: memref<400x128xf32, #tpu.memory_space<vmem>>, %arg3: memref<400x128xbf16, #tpu.memory_space<vmem>>) attributes {dimension_semantics = [#tpu.dimension_semantics<arbitrary>], iteration_bounds = array<i64: 25>, scalar_prefetch = 0 : i64, scratch_operands = 0 : i64, tpu.core_type = #tpu.core_type<tc>, window_params = [{transform_indices = @transform_0, window_bounds = array<i64: 400, 128>}, {transform_indices = @transform_1, window_bounds = array<i64: 400, 128>}, {transform_indices = @transform_2, window_bounds = array<i64: 400, 128>}]} {
    %get3A = arith.constant 0 : index
    %get3A_0 = arith.constant 0 : index
    %get3A_1 = vector.load %arg1[%get3A, %get3A_0] : memref<400x128xf32, #tpu.memory_space<vmem>>, vector<400x128xf32>
    %get3A_2 = arith.constant 0 : index
    %get3A_3 = arith.constant 0 : index
    %get3A_4 = vector.load %arg2[%get3A_2, %get3A_3] : memref<400x128xf32, #tpu.memory_space<vmem>>, vector<400x128xf32>
    %mul3A = arith.mulf %get3A_1, %get3A_4 : vector<400x128xf32>
    %convert_element_type3A = arith.truncf %mul3A : vector<400x128xf32> to vector<400x128xbf16>
    %swap3A = arith.constant 0 : index
    %swap3A_5 = arith.constant 0 : index
    %swap3A_6 = vector.load %arg3[%swap3A, %swap3A_5] : memref<400x128xbf16, #tpu.memory_space<vmem>>, vector<400x128xbf16>
    tpu.vector_store %arg3[%swap3A, %swap3A_5], %convert_element_type3A {strides = array<i32>} : memref<400x128xbf16, #tpu.memory_space<vmem>>, vector<400x128xbf16>,
    return
  }
  func.func @transform_0(%arg0: i32) -> (i32, i32) {
    %c0_i32 = arith.constant 0 : i32
    %c0_i32_0 = arith.constant 0 : i32
    return %arg0, %c0_i32 : i32, i32
  }
  func.func @transform_1(%arg0: i32) -> (i32, i32) {
    %c0_i32 = arith.constant 0 : i32
    %c0_i32_0 = arith.constant 0 : i32
    return %arg0, %c0_i32 : i32, i32
  }
  func.func @transform_2(%arg0: i32) -> (i32, i32) {
    %c0_i32 = arith.constant 0 : i32
    %c0_i32_0 = arith.constant 0 : i32
    return %arg0, %c0_i32 : i32, i32
  }
}

module attributes {stable_mosaic.version = 14 : i64} {
  func.func @_layer_body(%arg0: i32, %arg1: memref<2x400x128xbf16, #tpu.memory_space<vmem>>, %arg2: memref<400x128xbf16, #tpu.memory_space<vmem>>, %arg3: memref<400x128xf32, #tpu.memory_space<vmem>>, %arg4: memref<128x128xf32, #tpu.memory_space<vmem>>, %arg5: memref<1x128xf32, #tpu.memory_space<vmem>>, %arg6: memref<400x128xbf16, #tpu.memory_space<vmem>>) attributes {dimension_semantics = [#tpu.dimension_semantics<arbitrary>], iteration_bounds = array<i64: 25>, scalar_prefetch = 0 : i64, scratch_operands = 0 : i64, tpu.core_type = #tpu.core_type<tc>, window_params = [{transform_indices = @transform_0, window_bounds = array<i64: 2, 400, 128>}, {transform_indices = @transform_1, window_bounds = array<i64: 400, 128>}, {transform_indices = @transform_2, window_bounds = array<i64: 400, 128>}, {pipeline_mode = #tpu.pipeline_mode<synchronous>, transform_indices = @transform_3, window_bounds = array<i64: 128, 128>}, {pipeline_mode = #tpu.pipeline_mode<synchronous>, transform_indices = @transform_4, window_bounds = array<i64: 1, 128>}, {transform_indices = @transform_5, window_bounds = array<i64: 400, 128>}]} {
    %get3A = arith.constant 0 : index
    %get3A_0 = arith.constant 0 : index
    %get3A_1 = vector.load %arg3[%get3A, %get3A_0] : memref<400x128xf32, #tpu.memory_space<vmem>>, vector<400x128xf32>
    %get3A_2 = arith.constant 0 : index
    %get3A_3 = arith.constant 0 : index
    %get3A_4 = arith.constant 0 : index
    %get3A_5 = vector.load %arg1[%get3A_2, %get3A_3, %get3A_4] : memref<2x400x128xbf16, #tpu.memory_space<vmem>>, vector<1x400x128xbf16>
    %get3A_6 = vector.shape_cast %get3A_5 : vector<1x400x128xbf16> to vector<400x128xbf16>
    %get3A_7 = arith.constant 1 : index
    %get3A_8 = arith.constant 0 : index
    %get3A_9 = arith.constant 0 : index
    %get3A_10 = vector.load %arg1[%get3A_7, %get3A_8, %get3A_9] : memref<2x400x128xbf16, #tpu.memory_space<vmem>>, vector<1x400x128xbf16>
    %get3A_11 = vector.shape_cast %get3A_10 : vector<1x400x128xbf16> to vector<400x128xbf16>
    %add3A = arith.addf %get3A_6, %get3A_11 : vector<400x128xbf16>
    %convert_element_type3A = arith.extf %add3A : vector<400x128xbf16> to vector<400x128xf32>
    %get3A_12 = arith.constant 0 : index
    %get3A_13 = arith.constant 0 : index
    %get3A_14 = vector.load %arg2[%get3A_12, %get3A_13] : memref<400x128xbf16, #tpu.memory_space<vmem>>, vector<400x128xbf16>
    %convert_element_type3A_15 = arith.extf %get3A_14 : vector<400x128xbf16> to vector<400x128xf32>
    %add3A_16 = arith.addf %convert_element_type3A, %convert_element_type3A_15 : vector<400x128xf32>
    %mul3A = arith.mulf %add3A_16, %get3A_1 : vector<400x128xf32>
    %get3A_17 = arith.constant 0 : index
    %get3A_18 = arith.constant 0 : index
    %get3A_19 = vector.load %arg4[%get3A_17, %get3A_18] : memref<128x128xf32, #tpu.memory_space<vmem>>, vector<128x128xf32>
    %dot_general3A = arith.constant dense<0.000000e+00> : vector<400x128xf32>
    %dot_general3A_20 = tpu.matmul %mul3A, %get3A_19, %dot_general3A {dimension_numbers = #tpu.dot_dimension_numbers<[1], [0], [0], [1], [0, 0, 1, 1], [], []>, transpose_lhs_hint = false} : vector<400x128xf32>, vector<128x128xf32>, vector<400x128xf32> -> vector<400x128xf32>
    %get3A_21 = arith.constant 0 : index
    %get3A_22 = arith.constant 0 : index
    %get3A_23 = vector.load %arg5[%get3A_21, %get3A_22] : memref<1x128xf32, #tpu.memory_space<vmem>>, vector<1x128xf32>
    %add3A_24 = vector.broadcast %get3A_23 : vector<1x128xf32> to vector<400x128xf32>
    %add3A_25 = arith.addf %dot_general3A_20, %add3A_24 : vector<400x128xf32>
    %max3A = arith.constant 0.000000e+00 : f32
    %max3A_26 = vector.broadcast %max3A : f32 to vector<400x128xf32>
    %max3A_27 = arith.maximumf %add3A_25, %max3A_26 : vector<400x128xf32>
    %mul3A_28 = arith.mulf %max3A_27, %get3A_1 : vector<400x128xf32>
    %convert_element_type3A_29 = arith.truncf %mul3A_28 : vector<400x128xf32> to vector<400x128xbf16>
    %swap3A = arith.constant 0 : index
    %swap3A_30 = arith.constant 0 : index
    %swap3A_31 = vector.load %arg6[%swap3A, %swap3A_30] : memref<400x128xbf16, #tpu.memory_space<vmem>>, vector<400x128xbf16>
    tpu.vector_store %arg6[%swap3A, %swap3A_30], %convert_element_type3A_29 {strides = array<i32>} : memref<400x128xbf16, #tpu.memory_space<vmem>>, vector<400x128xbf16>,
    return
  }
  func.func @transform_0(%arg0: i32) -> (i32, i32, i32) {
    %c0_i32 = arith.constant 0 : i32
    %c0_i32_0 = arith.constant 0 : i32
    %c0_i32_1 = arith.constant 0 : i32
    return %c0_i32, %arg0, %c0_i32_0 : i32, i32, i32
  }
  func.func @transform_1(%arg0: i32) -> (i32, i32) {
    %c0_i32 = arith.constant 0 : i32
    %c0_i32_0 = arith.constant 0 : i32
    return %arg0, %c0_i32 : i32, i32
  }
  func.func @transform_2(%arg0: i32) -> (i32, i32) {
    %c0_i32 = arith.constant 0 : i32
    %c0_i32_0 = arith.constant 0 : i32
    return %arg0, %c0_i32 : i32, i32
  }
  func.func @transform_3(%arg0: i32) -> (i32, i32) {
    %c0_i32 = arith.constant 0 : i32
    %c0_i32_0 = arith.constant 0 : i32
    %c0_i32_1 = arith.constant 0 : i32
    return %c0_i32, %c0_i32_0 : i32, i32
  }
  func.func @transform_4(%arg0: i32) -> (i32, i32) {
    %c0_i32 = arith.constant 0 : i32
    %c0_i32_0 = arith.constant 0 : i32
    %c0_i32_1 = arith.constant 0 : i32
    return %c0_i32, %c0_i32_0 : i32, i32
  }
  func.func @transform_5(%arg0: i32) -> (i32, i32) {
    %c0_i32 = arith.constant 0 : i32
    %c0_i32_0 = arith.constant 0 : i32
    return %arg0, %c0_i32 : i32, i32
  }
}

module attributes {stable_mosaic.version = 14 : i64} {
  func.func @_pool_body(%arg0: i32, %arg1: memref<2x400x128xbf16, #tpu.memory_space<vmem>>, %arg2: memref<400x128xbf16, #tpu.memory_space<vmem>>, %arg3: memref<400x128xf32, #tpu.memory_space<vmem>>, %arg4: memref<128x128xf32, #tpu.memory_space<vmem>>, %arg5: memref<1x128xf32, #tpu.memory_space<vmem>>, %arg6: memref<1x1x400xi32, #tpu.memory_space<vmem>>, %arg7: memref<128x256xf32, #tpu.memory_space<vmem>>, %arg8: memref<1x256xf32, #tpu.memory_space<vmem>>, %arg9: memref<256x128xf32, #tpu.memory_space<vmem>>, %arg10: memref<1x128xf32, #tpu.memory_space<vmem>>, %arg11: memref<256x128xf32, #tpu.memory_space<vmem>>, %arg12: memref<256x128xf32, #tpu.memory_space<vmem>>, %arg13: memref<256x128xf32, #tpu.memory_space<vmem>>) attributes {dimension_semantics = [#tpu.dimension_semantics<arbitrary>], iteration_bounds = array<i64: 25>, scalar_prefetch = 0 : i64, scratch_operands = 2 : i64, tpu.core_type = #tpu.core_type<tc>, window_params = [{transform_indices = @transform_0, window_bounds = array<i64: 2, 400, 128>}, {transform_indices = @transform_1, window_bounds = array<i64: 400, 128>}, {transform_indices = @transform_2, window_bounds = array<i64: 400, 128>}, {pipeline_mode = #tpu.pipeline_mode<synchronous>, transform_indices = @transform_3, window_bounds = array<i64: 128, 128>}, {pipeline_mode = #tpu.pipeline_mode<synchronous>, transform_indices = @transform_4, window_bounds = array<i64: 1, 128>}, {transform_indices = @transform_5, window_bounds = array<i64: 1, 1, 400>}, {pipeline_mode = #tpu.pipeline_mode<synchronous>, transform_indices = @transform_6, window_bounds = array<i64: 128, 256>}, {pipeline_mode = #tpu.pipeline_mode<synchronous>, transform_indices = @transform_7, window_bounds = array<i64: 1, 256>}, {pipeline_mode = #tpu.pipeline_mode<synchronous>, transform_indices = @transform_8, window_bounds = array<i64: 256, 128>}, {pipeline_mode = #tpu.pipeline_mode<synchronous>, transform_indices = @transform_9, window_bounds = array<i64: 1, 128>}, {pipeline_mode = #tpu.pipeline_mode<synchronous>, transform_indices = @transform_10, window_bounds = array<i64: 256, 128>}]} {
    %eq3A = arith.constant 0 : i32
    %eq3A_0 = arith.cmpi eq, %arg0, %eq3A : i32
    %convert_element_type3A = arith.extui %eq3A_0 : i1 to i32
    %cond3A = arith.constant 0 : i32
    %cond3A_1 = arith.cmpi ne, %convert_element_type3A, %cond3A : i32
    scf.if %cond3A_1 {
      %broadcast_in_dim3A_62 = arith.constant 0.000000e+00 : f32
      %broadcast_in_dim3A_63 = vector.broadcast %broadcast_in_dim3A_62 : f32 to vector<256x128xf32>
      %swap3A_64 = arith.constant 0 : index
      %swap3A_65 = arith.constant 0 : index
      %swap3A_66 = vector.load %arg12[%swap3A_64, %swap3A_65] : memref<256x128xf32, #tpu.memory_space<vmem>>, vector<256x128xf32>
      tpu.vector_store %arg12[%swap3A_64, %swap3A_65], %broadcast_in_dim3A_63 {strides = array<i32>} : memref<256x128xf32, #tpu.memory_space<vmem>>, vector<256x128xf32>,
      %broadcast_in_dim3A_67 = arith.constant 0.000000e+00 : f32
      %broadcast_in_dim3A_68 = vector.broadcast %broadcast_in_dim3A_67 : f32 to vector<256x128xf32>
      %swap3A_69 = arith.constant 0 : index
      %swap3A_70 = arith.constant 0 : index
      %swap3A_71 = vector.load %arg13[%swap3A_69, %swap3A_70] : memref<256x128xf32, #tpu.memory_space<vmem>>, vector<256x128xf32>
      tpu.vector_store %arg13[%swap3A_69, %swap3A_70], %broadcast_in_dim3A_68 {strides = array<i32>} : memref<256x128xf32, #tpu.memory_space<vmem>>, vector<256x128xf32>,
    } else {
    }
    %get3A = arith.constant 0 : index
    %get3A_2 = arith.constant 0 : index
    %get3A_3 = arith.constant 0 : index
    %get3A_4 = vector.load %arg1[%get3A, %get3A_2, %get3A_3] : memref<2x400x128xbf16, #tpu.memory_space<vmem>>, vector<1x400x128xbf16>
    %get3A_5 = vector.shape_cast %get3A_4 : vector<1x400x128xbf16> to vector<400x128xbf16>
    %get3A_6 = arith.constant 1 : index
    %get3A_7 = arith.constant 0 : index
    %get3A_8 = arith.constant 0 : index
    %get3A_9 = vector.load %arg1[%get3A_6, %get3A_7, %get3A_8] : memref<2x400x128xbf16, #tpu.memory_space<vmem>>, vector<1x400x128xbf16>
    %get3A_10 = vector.shape_cast %get3A_9 : vector<1x400x128xbf16> to vector<400x128xbf16>
    %add3A = arith.addf %get3A_5, %get3A_10 : vector<400x128xbf16>
    %convert_element_type3A_11 = arith.extf %add3A : vector<400x128xbf16> to vector<400x128xf32>
    %get3A_12 = arith.constant 0 : index
    %get3A_13 = arith.constant 0 : index
    %get3A_14 = vector.load %arg2[%get3A_12, %get3A_13] : memref<400x128xbf16, #tpu.memory_space<vmem>>, vector<400x128xbf16>
    %convert_element_type3A_15 = arith.extf %get3A_14 : vector<400x128xbf16> to vector<400x128xf32>
    %add3A_16 = arith.addf %convert_element_type3A_11, %convert_element_type3A_15 : vector<400x128xf32>
    %get3A_17 = arith.constant 0 : index
    %get3A_18 = arith.constant 0 : index
    %get3A_19 = vector.load %arg3[%get3A_17, %get3A_18] : memref<400x128xf32, #tpu.memory_space<vmem>>, vector<400x128xf32>
    %mul3A = arith.mulf %add3A_16, %get3A_19 : vector<400x128xf32>
    %get3A_20 = arith.constant 0 : index
    %get3A_21 = arith.constant 0 : index
    %get3A_22 = vector.load %arg4[%get3A_20, %get3A_21] : memref<128x128xf32, #tpu.memory_space<vmem>>, vector<128x128xf32>
    %dot_general3A = arith.constant dense<0.000000e+00> : vector<400x128xf32>
    %dot_general3A_23 = tpu.matmul %mul3A, %get3A_22, %dot_general3A {dimension_numbers = #tpu.dot_dimension_numbers<[1], [0], [0], [1], [0, 0, 1, 1], [], []>, transpose_lhs_hint = false} : vector<400x128xf32>, vector<128x128xf32>, vector<400x128xf32> -> vector<400x128xf32>
    %get3A_24 = arith.constant 0 : index
    %get3A_25 = arith.constant 0 : index
    %get3A_26 = vector.load %arg5[%get3A_24, %get3A_25] : memref<1x128xf32, #tpu.memory_space<vmem>>, vector<1x128xf32>
    %add3A_27 = vector.broadcast %get3A_26 : vector<1x128xf32> to vector<400x128xf32>
    %add3A_28 = arith.addf %dot_general3A_23, %add3A_27 : vector<400x128xf32>
    %get3A_29 = arith.constant 0 : index
    %get3A_30 = arith.constant 0 : index
    %get3A_31 = arith.constant 0 : index
    %get3A_32 = vector.load %arg6[%get3A_29, %get3A_30, %get3A_31] : memref<1x1x400xi32, #tpu.memory_space<vmem>>, vector<1x1x400xi32>
    %get3A_33 = vector.shape_cast %get3A_32 : vector<1x1x400xi32> to vector<1x400xi32>
    %iota3A = tpu.iota {dimensions = array<i32: 0>} : vector<256x400xi32>
    %eq3A_34 = vector.broadcast %get3A_33 : vector<1x400xi32> to vector<256x400xi32>
    %eq3A_35 = arith.cmpi eq, %eq3A_34, %iota3A : vector<256x400xi32>
    %jit3A = arith.constant 1.000000e+00 : f32
    %jit3A_36 = arith.constant 0.000000e+00 : f32
    %broadcast_in_dim3A = vector.broadcast %jit3A : f32 to vector<256x400xf32>
    %broadcast_in_dim3A_37 = vector.broadcast %jit3A_36 : f32 to vector<256x400xf32>
    %select_n3A = arith.select %eq3A_35, %broadcast_in_dim3A, %broadcast_in_dim3A_37 : vector<256x400xi1>, vector<256x400xf32>
    %get3A_38 = arith.constant 0 : index
    %get3A_39 = arith.constant 0 : index
    %get3A_40 = vector.load %arg12[%get3A_38, %get3A_39] : memref<256x128xf32, #tpu.memory_space<vmem>>, vector<256x128xf32>
    %dot_general3A_41 = arith.constant dense<0.000000e+00> : vector<256x128xf32>
    %dot_general3A_42 = tpu.matmul %select_n3A, %add3A_28, %dot_general3A_41 {dimension_numbers = #tpu.dot_dimension_numbers<[1], [0], [0], [1], [0, 0, 1, 1], [], []>, transpose_lhs_hint = false} : vector<256x400xf32>, vector<400x128xf32>, vector<256x128xf32> -> vector<256x128xf32>
    %add3A_43 = arith.addf %get3A_40, %dot_general3A_42 : vector<256x128xf32>
    %swap3A = arith.constant 0 : index
    %swap3A_44 = arith.constant 0 : index
    %swap3A_45 = vector.load %arg12[%swap3A, %swap3A_44] : memref<256x128xf32, #tpu.memory_space<vmem>>, vector<256x128xf32>
    tpu.vector_store %arg12[%swap3A, %swap3A_44], %add3A_43 {strides = array<i32>} : memref<256x128xf32, #tpu.memory_space<vmem>>, vector<256x128xf32>,
    %get3A_46 = arith.constant 0 : index
    %get3A_47 = arith.constant 0 : index
    %get3A_48 = vector.load %arg13[%get3A_46, %get3A_47] : memref<256x128xf32, #tpu.memory_space<vmem>>, vector<256x128xf32>
    %broadcast_in_dim3A_49 = arith.constant 1.000000e+00 : f32
    %broadcast_in_dim3A_50 = vector.broadcast %broadcast_in_dim3A_49 : f32 to vector<400x128xf32>
    %dot_general3A_51 = arith.constant dense<0.000000e+00> : vector<256x128xf32>
    %dot_general3A_52 = tpu.matmul %select_n3A, %broadcast_in_dim3A_50, %dot_general3A_51 {dimension_numbers = #tpu.dot_dimension_numbers<[1], [0], [0], [1], [0, 0, 1, 1], [], []>, transpose_lhs_hint = false} : vector<256x400xf32>, vector<400x128xf32>, vector<256x128xf32> -> vector<256x128xf32>
    %add3A_53 = arith.addf %get3A_48, %dot_general3A_52 : vector<256x128xf32>
    %swap3A_54 = arith.constant 0 : index
    %swap3A_55 = arith.constant 0 : index
    %swap3A_56 = vector.load %arg13[%swap3A_54, %swap3A_55] : memref<256x128xf32, #tpu.memory_space<vmem>>, vector<256x128xf32>
    tpu.vector_store %arg13[%swap3A_54, %swap3A_55], %add3A_53 {strides = array<i32>} : memref<256x128xf32, #tpu.memory_space<vmem>>, vector<256x128xf32>,
    %eq3A_57 = arith.constant 24 : i32
    %eq3A_58 = arith.cmpi eq, %arg0, %eq3A_57 : i32
    %convert_element_type3A_59 = arith.extui %eq3A_58 : i1 to i32
    %cond3A_60 = arith.constant 0 : i32
    %cond3A_61 = arith.cmpi ne, %convert_element_type3A_59, %cond3A_60 : i32
    scf.if %cond3A_61 {
      %get3A_62 = arith.constant 0 : index
      %get3A_63 = arith.constant 0 : index
      %get3A_64 = vector.load %arg12[%get3A_62, %get3A_63] : memref<256x128xf32, #tpu.memory_space<vmem>>, vector<256x128xf32>
      %get3A_65 = arith.constant 0 : index
      %get3A_66 = arith.constant 0 : index
      %get3A_67 = vector.load %arg13[%get3A_65, %get3A_66] : memref<256x128xf32, #tpu.memory_space<vmem>>, vector<256x128xf32>
      %max3A = arith.constant 1.000000e+00 : f32
      %max3A_68 = vector.broadcast %max3A : f32 to vector<256x128xf32>
      %max3A_69 = arith.maximumf %get3A_67, %max3A_68 : vector<256x128xf32>
      %div3A = arith.divf %get3A_64, %max3A_69 : vector<256x128xf32>
      %get3A_70 = arith.constant 0 : index
      %get3A_71 = arith.constant 0 : index
      %get3A_72 = vector.load %arg7[%get3A_70, %get3A_71] : memref<128x256xf32, #tpu.memory_space<vmem>>, vector<128x256xf32>
      %dot_general3A_73 = arith.constant dense<0.000000e+00> : vector<256x256xf32>
      %dot_general3A_74 = tpu.matmul %div3A, %get3A_72, %dot_general3A_73 {dimension_numbers = #tpu.dot_dimension_numbers<[1], [0], [0], [1], [0, 0, 1, 1], [], []>, transpose_lhs_hint = false} : vector<256x128xf32>, vector<128x256xf32>, vector<256x256xf32> -> vector<256x256xf32>
      %get3A_75 = arith.constant 0 : index
      %get3A_76 = arith.constant 0 : index
      %get3A_77 = vector.load %arg8[%get3A_75, %get3A_76] : memref<1x256xf32, #tpu.memory_space<vmem>>, vector<1x256xf32>
      %add3A_78 = vector.broadcast %get3A_77 : vector<1x256xf32> to vector<256x256xf32>
      %add3A_79 = arith.addf %dot_general3A_74, %add3A_78 : vector<256x256xf32>
      %max3A_80 = arith.constant 0.000000e+00 : f32
      %max3A_81 = vector.broadcast %max3A_80 : f32 to vector<256x256xf32>
      %max3A_82 = arith.maximumf %add3A_79, %max3A_81 : vector<256x256xf32>
      %get3A_83 = arith.constant 0 : index
      %get3A_84 = arith.constant 0 : index
      %get3A_85 = vector.load %arg9[%get3A_83, %get3A_84] : memref<256x128xf32, #tpu.memory_space<vmem>>, vector<256x128xf32>
      %dot_general3A_86 = arith.constant dense<0.000000e+00> : vector<256x128xf32>
      %dot_general3A_87 = tpu.matmul %max3A_82, %get3A_85, %dot_general3A_86 {dimension_numbers = #tpu.dot_dimension_numbers<[1], [0], [0], [1], [0, 0, 1, 1], [], []>, transpose_lhs_hint = false} : vector<256x256xf32>, vector<256x128xf32>, vector<256x128xf32> -> vector<256x128xf32>
      %get3A_88 = arith.constant 0 : index
      %get3A_89 = arith.constant 0 : index
      %get3A_90 = vector.load %arg10[%get3A_88, %get3A_89] : memref<1x128xf32, #tpu.memory_space<vmem>>, vector<1x128xf32>
      %add3A_91 = vector.broadcast %get3A_90 : vector<1x128xf32> to vector<256x128xf32>
      %add3A_92 = arith.addf %dot_general3A_87, %add3A_91 : vector<256x128xf32>
      %max3A_93 = arith.constant 0.000000e+00 : f32
      %max3A_94 = vector.broadcast %max3A_93 : f32 to vector<256x128xf32>
      %max3A_95 = arith.maximumf %add3A_92, %max3A_94 : vector<256x128xf32>
      %swap3A_96 = arith.constant 0 : index
      %swap3A_97 = arith.constant 0 : index
      %swap3A_98 = vector.load %arg11[%swap3A_96, %swap3A_97] : memref<256x128xf32, #tpu.memory_space<vmem>>, vector<256x128xf32>
      tpu.vector_store %arg11[%swap3A_96, %swap3A_97], %max3A_95 {strides = array<i32>} : memref<256x128xf32, #tpu.memory_space<vmem>>, vector<256x128xf32>,
    } else {
    }
    return
  }
  func.func @transform_0(%arg0: i32) -> (i32, i32, i32) {
    %c0_i32 = arith.constant 0 : i32
    %c0_i32_0 = arith.constant 0 : i32
    %c0_i32_1 = arith.constant 0 : i32
    return %c0_i32, %arg0, %c0_i32_0 : i32, i32, i32
  }
  func.func @transform_1(%arg0: i32) -> (i32, i32) {
    %c0_i32 = arith.constant 0 : i32
    %c0_i32_0 = arith.constant 0 : i32
    return %arg0, %c0_i32 : i32, i32
  }
  func.func @transform_2(%arg0: i32) -> (i32, i32) {
    %c0_i32 = arith.constant 0 : i32
    %c0_i32_0 = arith.constant 0 : i32
    return %arg0, %c0_i32 : i32, i32
  }
  func.func @transform_3(%arg0: i32) -> (i32, i32) {
    %c0_i32 = arith.constant 0 : i32
    %c0_i32_0 = arith.constant 0 : i32
    %c0_i32_1 = arith.constant 0 : i32
    return %c0_i32, %c0_i32_0 : i32, i32
  }
  func.func @transform_4(%arg0: i32) -> (i32, i32) {
    %c0_i32 = arith.constant 0 : i32
    %c0_i32_0 = arith.constant 0 : i32
    %c0_i32_1 = arith.constant 0 : i32
    return %c0_i32, %c0_i32_0 : i32, i32
  }
  func.func @transform_5(%arg0: i32) -> (i32, i32, i32) {
    %c0_i32 = arith.constant 0 : i32
    %c0_i32_0 = arith.constant 0 : i32
    %c0_i32_1 = arith.constant 0 : i32
    return %arg0, %c0_i32, %c0_i32_0 : i32, i32, i32
  }
  func.func @transform_6(%arg0: i32) -> (i32, i32) {
    %c0_i32 = arith.constant 0 : i32
    %c0_i32_0 = arith.constant 0 : i32
    %c0_i32_1 = arith.constant 0 : i32
    return %c0_i32, %c0_i32_0 : i32, i32
  }
  func.func @transform_7(%arg0: i32) -> (i32, i32) {
    %c0_i32 = arith.constant 0 : i32
    %c0_i32_0 = arith.constant 0 : i32
    %c0_i32_1 = arith.constant 0 : i32
    return %c0_i32, %c0_i32_0 : i32, i32
  }
  func.func @transform_8(%arg0: i32) -> (i32, i32) {
    %c0_i32 = arith.constant 0 : i32
    %c0_i32_0 = arith.constant 0 : i32
    %c0_i32_1 = arith.constant 0 : i32
    return %c0_i32, %c0_i32_0 : i32, i32
  }
  func.func @transform_9(%arg0: i32) -> (i32, i32) {
    %c0_i32 = arith.constant 0 : i32
    %c0_i32_0 = arith.constant 0 : i32
    %c0_i32_1 = arith.constant 0 : i32
    return %c0_i32, %c0_i32_0 : i32, i32
  }
  func.func @transform_10(%arg0: i32) -> (i32, i32) {
    %c0_i32 = arith.constant 0 : i32
    %c0_i32_0 = arith.constant 0 : i32
    %c0_i32_1 = arith.constant 0 : i32
    return %c0_i32, %c0_i32_0 : i32, i32
  }
}

</mosaic_0001>

<sc_bundles>
// kernel: kernel.10.cloned.1.call-start
scs
__scs_entry_jumppad:
0x0: {  	(pc) =	sbr.rel $0x88, $3  }
0x1: {  	(tag) =	ssettag $0x0;
	lr =	simm.s32 $0x1  }
0x2: {  	[smem:$0x3F94] =	sst lr;
	_ =	strace $0xD0000000  }
0x3: {  	_ = 	snop  }
0x4: {  	_ = 	snop  }
0x5: {  	_ = 	snop  }
0x6: {  	_ = 	snop  }
0x7: {  	_ = 	snop  }
__scs_overlays_trampoline_lowered:
0x8: {  	[smem:$0x3FA3] =	sst s0  }
0x9: {  	[smem:$0x3FA4] =	sst s1  }
0xa: {  	[smem:$0x3FA5] =	sst s2  }
0xb: {  	[smem:$0x3FA6] =	sst s3  }
0xc: {  	[smem:$0x3FA7] =	sst s4  }
0xd: {  	[smem:$0x3FA8] =	sst s5  }
0xe: {  	[smem:$0x3FA9] =	sst s6  }
0xf: {  	[smem:$0x3FAA] =	sst s7  }
0x10: {  	[smem:$0x3FAB] =	sst s8  }
0x11: {  	[smem:$0x3FAC] =	sst s9;
	s0 =	simm.s32 @!p0 $0x0  }
0x12: {  	s1 =	sld [smem:$0x3F92];
	s0 =	simm.s32 @p0 $0x1  }
0x13: {  	[smem:$0x3FAD] =	sst s0;
	s0 =	simm.s32 @!p1 $0x0  }
0x14: {  	s2 =	sld [smem:$0x3F91];
	s0 =	simm.s32 @p1 $0x1  }
0x15: {  	[smem:$0x3FAE] =	sst s0;
	s0 =	simm.s32 @!p2 $0x0  }
0x16: {  	s3 =	sld [smem:$0x3FDB];
	s0 =	simm.s32 @p2 $0x1  }
0x17: {  	s4 =	simm.s32 $0x1BF5;
	[smem:$0x3FB0] =	sst s0  }
0x18: {  	s0 =	sld [smem:$0x3F93];
	_ =	swait.ge [sflag:s4], $0x0  }
0x19: {  	s7 =	sld [smem:$0x3F94]  }
0x1a: {  	s8 =	sadd.s32 $0xFFFFE003, lr  }
0x1b: {  	s9 =	sadd.s32 $0xFFFFFEF7, lr;
	s5 =	simm.s32 $0xFFFFFFFF;
	p2 =	slt.u32 s8, $0xFFFFF086  }
0x1c: {  	p1 =	slt.u32 s9, $0xF7A;
	s5 =	simm.s32 @!p2 $0x0  }
0x1d: {  	s5 =	simm.s32 @p1 $0x1;
	p0 =	seq.s32 s7, s2  }
0x1e: {  	s7 =	smul.u32 @!p0 $0xF7A, s2;
	p2 =	seq.s32 @!p0 s5, $0x0  }
0x1f: {  	s9 =	smul.u32 $0xF7A, s1;
	s8 =	simm.s32 @!p0 $0x1BF5;
	p2 =	por !p2, p0  }
0x20: {  	[sflag:s8] =	ssyncset.s32 @!p0 $0xFFFFF086;
	s6 =	sadd.s32 @!p0 s3, s7;
	s7 =	simm.s32 @!p0 $0x108  }
0x21: {  	s3 =	sadd.s32 s3, s9;
	s6 =	sadd.s32 @!p0 $0x88, s6;
	s7 =	simm.s32 @p2 $0x1082  }
0x22: {  	[simem:s7], [sflag:s8] =	dma.local @!p0 [hbm:s6], $0xF7A  }
0x23: {  	s9 =	sor.u32 $0xD0000000, s2;
	s6 =	simm.s32 $0x108;
	_ =	swait.ge @!p0 [sflag:s8], $0x0  }
0x24: {  	s3 =	sadd.s32 $0x88, s3;
	s6 =	simm.s32 @!p1 $0x1082;
	[sflag:s4] =	ssyncset.s32 $0xFFFFF086  }
0x25: {  	[simem:s6], [sflag:s4] =	dma.local [hbm:s3], $0xF7A  }
0x26: {  	[smem:$0x3F94] =	sst s1;
	(tag) =	ssettag s2;
	_ =	strace s9  }
0x27: {  	s1 =	sld [smem:$0x3FA4]  }
0x28: {  	s2 =	sld [smem:$0x3FA5]  }
0x29: {  	s4 =	sld [smem:$0x3FA7]  }
0x2a: {  	p0 =	seq.s32 s5, $0x0;
	s5 =	sld [smem:$0x3FA8]  }
0x2b: {  	s6 =	sld [smem:$0x3FA9]  }
0x2c: {  	s7 =	sld [smem:$0x3FAA]  }
0x2d: {  	s3 =	simm.s32 $0x108;
	s8 =	sld [smem:$0x3FAB]  }
0x2e: {  	s3 =	simm.s32 @!p0 $0x1082;
	s9 =	sld [smem:$0x3FAC]  }
0x2f: {  	lr =	sadd.s32 s0, s3;
	s0 =	sld [smem:$0x3FA3]  }
0x30: {  	s3 =	sld [smem:$0x3FA6]  }
0x31: {  	[smem:$0x3FAF] =	sst s10  }
0x32: {  	s10 =	sld [smem:$0x3FAD];
	_ =	sdelay $0x3  }
0x33: {  	p0 =	seq.s32 s10, $0x1;
	s10 =	sld [smem:$0x3FAF];
	_ =	sdelay $0x3  }
0x34: {  	[smem:$0x3FAF] =	sst s10  }
0x35: {  	s10 =	sld [smem:$0x3FAE];
	_ =	sdelay $0x3  }
0x36: {  	p1 =	seq.s32 s10, $0x1;
	s10 =	sld [smem:$0x3FAF];
	_ =	sdelay $0x3  }
0x37: {  	[smem:$0x3FAF] =	sst s10  }
0x38: {  	s10 =	sld [smem:$0x3FB0]  }
0x39: {  	_ = 	snop;
	(pc) =	sbr.ind lr, $3  }
0x3a: {  	_ = 	snop  }
0x3b: {  	_ = 	snop  }
0x3c: {  	p2 =	seq.s32 s10, $0x1;
	s10 =	sld [smem:$0x3FAF]  }
0x3d: {  	_ =	shalt  }
0x3e: {  	_ =	shalt  }
0x3f: {  	_ =	shalt  }
0x40: {  	_ =	shalt  }
0x41: {  	_ =	shalt  }
0x42: {  	_ =	shalt  }
0x43: {  	_ =	shalt  }
0x44: {  	_ =	shalt  }
0x45: {  	_ =	shalt  }
0x46: {  	_ =	shalt  }
0x47: {  	_ =	shalt  }
0x48: {  	_ =	shalt  }
0x49: {  	_ =	shalt  }
0x4a: {  	_ =	shalt  }
0x4b: {  	_ =	shalt  }
0x4c: {  	_ =	shalt  }
0x4d: {  	_ =	shalt  }
0x4e: {  	_ =	shalt  }
0x4f: {  	_ =	shalt  }
0x50: {  	_ =	shalt  }
0x51: {  	_ =	shalt  }
0x52: {  	_ =	shalt  }
0x53: {  	_ =	shalt  }
0x54: {  	_ =	shalt  }
0x55: {  	_ =	shalt  }
0x56: {  	_ =	shalt  }
0x57: {  	_ =	shalt  }
0x58: {  	_ =	shalt  }
0x59: {  	_ =	shalt  }
0x5a: {  	_ =	shalt  }
0x5b: {  	_ =	shalt  }
0x5c: {  	_ =	shalt  }
0x5d: {  	_ =	shalt  }
0x5e: {  	_ =	shalt  }
0x5f: {  	_ =	shalt  }
0x60: {  	_ =	shalt  }
0x61: {  	_ =	shalt  }
0x62: {  	_ =	shalt  }
0x63: {  	_ =	shalt  }
0x64: {  	_ =	shalt  }
0x65: {  	_ =	shalt  }
0x66: {  	_ =	shalt  }
0x67: {  	_ =	shalt  }
0x68: {  	_ =	shalt  }
0x69: {  	_ =	shalt  }
0x6a: {  	_ =	shalt  }
0x6b: {  	_ =	shalt  }
0x6c: {  	_ =	shalt  }
0x6d: {  	_ =	shalt  }
0x6e: {  	_ =	shalt  }
0x6f: {  	_ =	shalt  }
0x70: {  	_ =	shalt  }
0x71: {  	_ =	shalt  }
0x72: {  	_ =	shalt  }
0x73: {  	_ =	shalt  }
0x74: {  	_ =	shalt  }
0x75: {  	_ =	shalt  }
0x76: {  	_ =	shalt  }
0x77: {  	_ =	shalt  }
0x78: {  	_ =	shalt  }
0x79: {  	_ =	shalt  }
0x7a: {  	_ =	shalt  }
0x7b: {  	_ =	shalt  }
0x7c: {  	_ =	shalt  }
0x7d: {  	_ =	shalt  }
0x7e: {  	_ =	shalt  }
0x7f: {  	_ =	shalt  }
0x80: {  	_ =	shalt  }
0x81: {  	_ =	shalt  }
0x82: {  	_ =	shalt  }
0x83: {  	_ =	shalt  }
0x84: {  	_ =	shalt  }
0x85: {  	_ =	shalt  }
0x86: {  	_ =	shalt  }
0x87: {  	_ =	shalt  }
.Lfunc_end0:
.L_simem_size_0:
called_computation_lowered:
.L_overlay_start_0:
0x88: {  	s2 =	sld [smem:$0x3FD9]  }
0x89: {  	s3 =	sld [smem:$0x3FFE];
	_ =	sdelay $0x1  }
0x8a: {  	s1 =	srdreg.scid  }
0x8b: {  	s0 =	sand.u32 $0x1, s1  }
0x8c: {  	s17 =	sshll.u32 s0, $0xA;
	s2 =	sadd.s32 s3, s2  }
0x8d: {  	s2 =	sadd.s32 s2, s17  }
0x8e: {  	[smem:$0x3FBB] =	sst s2  }
0x8f: {  	_ = 	snop  }
0x90: {  	s2 =	sld [smem:$0x3FD0];
	(tm) =	ssettm $0x1  }
0x91: {  	s18 =	sld [smem:$0x3FFB];
	_ =	sdelay $0x3  }
0x92: {  	_ =	strace s18  }
0x93: {  	s3 =	sld [smem:$0x3FFC];
	_ =	sdelay $0x3  }
0x94: {  	_ =	strace s3  }
0x95: {  	s3 =	sld [smem:$0x3FFD];
	_ =	sdelay $0x3  }
0x96: {  	_ =	strace s3  }
0x97: {  	_ =	strace $0x8FFFFFFF  }
0x98: {  	s19 =	sld [smem:$0x3FDB];
	_ =	sdelay $0x1  }
0x99: {  	s4 =	simm.s32 $_scs_section_size  }
0x9a: {  	s5 =	simm.s32 $_size__tile_overlayer_lowered;
	s6 =	simm.s32 $_tile_overlayer_lowered  }
0x9b: {  	s22 =	simm.s32 $0x1BFF;
	s21 =	sshll.u32 s6, $0x1;
	s3 =	sadd.s32 s4, s19  }
0x9c: {  	s7 =	simm.s32 $0x0;
	s20 =	sshll.u32 s5, $0x1;
	s5 =	sadd.s32 s21, s3  }
0x9d: {  	[timem:s7], [sflag:s22] =	dma.local [hbm:s5], s20  }
0x9e: {  	_ =	swait.ge [sflag:s22], s20  }
0x9f: {  	s4 =	ssub.s32 $0x0, s20;
	[sflag:s22] =	ssyncset.done $0x0  }
0xa0: {  	[sflag:s22] =	ssyncadd.s32 s4;
	_ =	sdelay $0x1  }
0xa1: {  	s23 =	simm.s32 $0x1B8B  }
0xa2: {  	_ =	swait.ge [sflag:s23], $0x1  }
0xa3: {  	[sflag:s23] =	ssyncset.done $0x0  }
0xa4: {  	s25 =	simm.s32 $0x1B8E;
	s24 =	sld [smem:$0x3FFE];
	[sflag:s23] =	ssyncadd.s32 $0xFFFFFFFF  }
0xa5: {  	s26 =	simm.s32 $execute0_lowered;
	[smem:$0x3FD2] =	sst s25  }
0xa6: {  	s5 =	sshll.u32 s26, $0x1;
	_ =	strace $0x80000046;
	[dreg:$0x1] =	wrdreg $0xFFFFFFFF  }
0xa7: {  	s28 =	simm.s32 $_size_execute0_lowered;
	s3 =	sadd.s32 s3, s5;
	[dreg:$0x0] =	wrdreg $0x0  }
0xa8: {  	s5 =	sshll.u32 s28, $0x1;
	[dreg:$0x2] =	wrdreg s3  }
0xa9: {  	[dreg:$0x3] =	wrdreg s5  }
0xaa: {  	[dreg:$0x4] =	wrdreg $0xC0  }
0xab: {  	_ =	task [dreg:s7], $0x5FFFF  }
0xac: {  	[dreg:$0x1] =	wrdreg $0xFFFFFFFF  }
0xad: {  	[dreg:$0x0] =	wrdreg $0x60  }
0xae: {  	[dreg:$0x2] =	wrdreg s24  }
0xaf: {  	[dreg:$0x3] =	wrdreg s2  }
0xb0: {  	[dreg:$0x4] =	wrdreg $0x28800  }
0xb1: {  	[dreg:$0x5] =	wrdreg $0x9  }
0xb2: {  	_ =	task.clear_ibuf [dreg:s7], $0x6FFFF;
	_ =	strace $0x90000046  }
0xb3: {  	s29 =	simm.s32 $0x9;
	_ =	strace $0x80000048  }
0xb4: {  	_ =	swait.ge [sflag:s29], $0x1  }
0xb5: {  	[sflag:s29] =	ssyncadd.s32 $0xFFFFFFFF  }
0xb6: {  	_ =	strace $0x90000048  }
0xb7: {  	_ =	sfence  }
0xb8: {  	s30 =	sld [smem:$0x0];
	_ =	sdelay $0x2  }
0xb9: {  	s31 =	sshll.u32 s1, $0xD;
	s1 =	sshrl.u32 s1, $0x2  }
0xba: {  	s3 =	sand.u32 $0x4000, s31;
	s1 =	sadd.s32 s1, s30  }
0xbb: {  	s0 =	sor.u32 s3, s0;
	s1 =	sshll.u32 s1, $0x11  }
0xbc: {  	s0 =	sor.u32 s1, s0  }
0xbd: {  	s0 =	sadd.s32 $0x8F2B, s0  }
0xbe: {  	[sflag:s0] =	ssyncadd.remote.s32 $0x1  }
0xbf: {  	_ =	sfence.sel $0xFFFF  }
0xc0: {  	[dreg:$0x0] =	wrdreg $0xFFFFFFFF;
	(pc) =	sbr.abs _section_cstart, $3  }
0xc1: {  	[dreg:$0x1] =	wrdreg $0xFFFFFFFF  }
0xc2: {  	_ =	task.clear_ibuf [dreg:s7], $0x2FFFF;
	_ =	strace $0x9FFFFFFF  }
0xc3: {  	(tm) =	ssettm $0x7FFFFFFF  }
tec
execute0_lowered:
.L_overlay_start_1:
0x0: {  	(tag) =	ssettag $0x1  }
0x1: {  	s4 =	rddreg [dreg:$0x0]  }
0x2: {  	s6 =	rddreg [dreg:$0x1]  }
0x3: {  	s1 =	rddreg [dreg:$0x2]  }
0x4: {  	s2 =	srdreg.scid;
	s0 =	rddreg [dreg:$0x3]  }
0x5: {  	s3 =	simm.s32 $0x0;
	s12 =	simm.s32 $0x2800;
	s13 =	simm.s32 $0x0  }
0x6: {  	s5 =	sand.u32 $0x1, s2;
	s2 =	stileid.u32;
	[smem:$0x7FF] =	sst s3  }
0x7: {  	s7 =	sshll.u32 s5, $0x4;
	s8 =	smul.u32 $0x280, s2;
	_ =	strace $0x80000047  }
0x8: {  	s10 =	ssub.s32 $0x2, s5;
	s5 =	smul.u32 $0x2800, s5;
	s7 =	sor.u32 s2, s7  }
0x9: {  	s31 =	sshll.u32 s2, $0x6;
	s29 =	sshrl.u32 s10, $0x1;
	s7 =	smul.u32 $0x500, s7  }
0xa: {  	s9 =	sshrl.u32 s8, $0x3;
	s10 =	ssub.s32 s10, s29;
	s30 =	sadd.s32 s8, s5  }
0xb: {  	s11 =	sadd.s32 s8, s1;
	s8 =	simm.s32 $0x1;
	s7 =	sadd.s32 s7, s4  }
0xc: {  	s9 =	sadd.s32 s9, s4;
	s4 =	sadd.s32 $0x2200, s7;
	s7 =	sshrl.u32 s30, $0x3  }
0xd: {  	s5 =	sadd.s32 $0x16200, s9;
	s9 =	sor.u32 $0x1C01, s31;
	s6 =	sadd.s32 s6, s7  }
0xe: {  	v0 =	vimm.f32 $1.000000000e+00;
	s7 =	smax.u32 s10, $0x1;
	s10 =	sshrl.u32 s11, $0x3;
	s11 =	simm.s32 $0x80  }
.LBB2_1:
0xf: {  	[tilespmem:s3], [sflag:$0x1] =	stream.linear.gather [hbm4b:s4+s3], $0x2800, $0x38;
	[tilespmem:$0x2B00] =	vst v63  }
0x10: {  	_ =	swait.ge [sflag:s8], $0x2800  }
0x11: {  	[sflag:s8] =	ssyncset.done $0x0  }
0x12: {  	[sflag:s8] =	ssyncadd.s32 $0xFFFFD800  }
0x13: {  	[spmem:s10], [sflag:s9] =	dma.local [hbm:s5], $0x50  }
0x14: {  	_ =	swait.ge [sflag:s8], $0x50  }
0x15: {  	[sflag:s8] =	ssyncset.done $0x0  }
0x16: {  	[sflag:s8] =	ssyncadd.s32 $0xFFFFFFB0  }
0x17: {  	[tilespmem:$0x2800] =	vst v0  }
0x18: {  	[tilespmem:$0x2810] =	vst v0  }
0x19: {  	[tilespmem:$0x2820] =	vst v0  }
0x1a: {  	[tilespmem:$0x2830] =	vst v0  }
0x1b: {  	[tilespmem:$0x2840] =	vst v0  }
0x1c: {  	[tilespmem:$0x2850] =	vst v0  }
0x1d: {  	[tilespmem:$0x2860] =	vst v0  }
0x1e: {  	[tilespmem:$0x2870] =	vst v0  }
0x1f: {  	s14 =	simm.s32 $0x0;
	[bflag:$0x0] =	sbarrier.arrive $0xFFFF  }
0x20: {  	[spmem:s1] =	stream.indirect.scatter.add.f32 [tilespmem:s12], [sflag:$0x1], $0x1, s14, s11, $0xb8;
	[tilespmem:$0x2B00] =	vst v63  }
0x21: {  	_ =	swait.ge [sflag:s8], $0x80  }
0x22: {  	s14 =	simm.s32 $0x200;
	[sflag:s8] =	ssyncset.done $0x0  }
.LBB2_2:
0x23: {  	s15 =	sshra.s32 s14, $0x2;
	[sflag:s8] =	ssyncadd.s32 $0xFFFFFF80;
	p0 =	sne.s32 s14, $0x9E00  }
0x24: {  	[spmem:s1] =	stream.indirect.scatter.add.f32 [tilespmem:s12], [sflag:$0x1], $0x1, s15, s11, $0xb8;
	[tilespmem:$0x2B00] =	vst v63  }
.Ltmp0:
0x25: {  	_ = 	snop;
	(pc) =	sbr.rel @p0 .LBB2_2-.Ltmp0, $4  }
0x26: {  	_ = 	snop  }
0x27: {  	s14 =	sadd.s32 $0x200, s14  }
0x28: {  	_ =	swait.ge [sflag:s8], $0x80  }
0x29: {  	[sflag:s8] =	ssyncset.done $0x0  }
0x2a: {  	s13 =	sadd.s32 $0x1, s13  }
0x2b: {  	[sflag:s8] =	ssyncadd.s32 $0xFFFFFF80;
	p0 =	sne.s32 s13, s7  }
.Ltmp1:
0x2c: {  	[bflag:$0x0] =	sbarrier.arrive $0xFFFF;
	(pc) =	sbr.rel @p0 .LBB2_1-.Ltmp1, $4  }
0x2d: {  	[hbm:s6], [sflag:s9] =	dma.local [spmem:s10], $0x50  }
0x2e: {  	_ =	swait.ge [sflag:s8], $0x50  }
0x2f: {  	[sflag:s8] =	ssyncset.done $0x0  }
0x30: {  	[sflag:s8] =	ssyncadd.s32 $0xFFFFFFB0  }
0x31: {  	_ =	sfence.sel $0x180000  }
0x32: {  	[bflag:$0x0] =	sbarrier.arrive $0xFFFF  }
0x33: {  	p0 =	sne.s32 s2, $0x0;
	_ =	strace $0x90000047  }
0x34: {  	s0 =	sadd.s32 @!p0 $0x100000, s0;
	[bflag:$0x2] =	sbarrier.arrive $0xFFFF  }
0x35: {  	[sflag:s0] =	ssyncadd.tile.s32 @!p0 $0x1;
	_ =	shalt  }
.Lfunc_end2:
_tile_overlayer_lowered:
.L_overlay_start_2:
0x36: {  	(tag) =	ssettag $0x2  }
0x37: {  	s0 =	rddreg [dreg:$0x0];
	s2 =	stileid.u32  }
0x38: {  	s1 =	rddreg [dreg:$0x1];
	p0 =	sne.s32 s2, $0x0  }
0x39: {  	s3 =	rddreg [dreg:$0x2];
	[bflag:$0x3] =	sbarrier.arrive $0xFFFF;
	s2 =	simm.s32 @!p0 $0x1C01  }
0x3a: {  	[timem:s3], [sflag:s2] =	dma.local @!p0 [hbm:s0], s1  }
0x3b: {  	s0 =	simm.s32 @!p0 $0x1  }
0x3c: {  	_ =	swait.ge @!p0 [sflag:s0], s1  }
0x3d: {  	s1 =	ssub.s32 @!p0 $0x0, s1;
	[sflag:s0] =	ssyncset.done @!p0 $0x0  }
0x3e: {  	[sflag:s0] =	ssyncadd.s32 @!p0 s1  }
0x3f: {  	[bflag:$0x3] =	sbarrier.arrive $0xFFFF  }
0x40: {  	_ =	shalt  }

// kernel: kernel.13.cloned.1.call-start
scs
__scs_entry_jumppad:
0x0: {  	(pc) =	sbr.rel $0x88, $3  }
0x1: {  	(tag) =	ssettag $0x0;
	lr =	simm.s32 $0x1  }
0x2: {  	[smem:$0x3F94] =	sst lr;
	_ =	strace $0xD0000000  }
0x3: {  	_ = 	snop  }
0x4: {  	_ = 	snop  }
0x5: {  	_ = 	snop  }
0x6: {  	_ = 	snop  }
0x7: {  	_ = 	snop  }
__scs_overlays_trampoline_lowered:
0x8: {  	[smem:$0x3FA3] =	sst s0  }
0x9: {  	[smem:$0x3FA4] =	sst s1  }
0xa: {  	[smem:$0x3FA5] =	sst s2  }
0xb: {  	[smem:$0x3FA6] =	sst s3  }
0xc: {  	[smem:$0x3FA7] =	sst s4  }
0xd: {  	[smem:$0x3FA8] =	sst s5  }
0xe: {  	[smem:$0x3FA9] =	sst s6  }
0xf: {  	[smem:$0x3FAA] =	sst s7  }
0x10: {  	[smem:$0x3FAB] =	sst s8  }
0x11: {  	[smem:$0x3FAC] =	sst s9;
	s0 =	simm.s32 @!p0 $0x0  }
0x12: {  	s1 =	sld [smem:$0x3F92];
	s0 =	simm.s32 @p0 $0x1  }
0x13: {  	[smem:$0x3FAD] =	sst s0;
	s0 =	simm.s32 @!p1 $0x0  }
0x14: {  	s2 =	sld [smem:$0x3F91];
	s0 =	simm.s32 @p1 $0x1  }
0x15: {  	[smem:$0x3FAE] =	sst s0;
	s0 =	simm.s32 @!p2 $0x0  }
0x16: {  	s3 =	sld [smem:$0x3FDB];
	s0 =	simm.s32 @p2 $0x1  }
0x17: {  	s4 =	simm.s32 $0x1BF5;
	[smem:$0x3FB0] =	sst s0  }
0x18: {  	s0 =	sld [smem:$0x3F93];
	_ =	swait.ge [sflag:s4], $0x0  }
0x19: {  	s7 =	sld [smem:$0x3F94]  }
0x1a: {  	s8 =	sadd.s32 $0xFFFFE003, lr  }
0x1b: {  	s9 =	sadd.s32 $0xFFFFFEF7, lr;
	s5 =	simm.s32 $0xFFFFFFFF;
	p2 =	slt.u32 s8, $0xFFFFF086  }
0x1c: {  	p1 =	slt.u32 s9, $0xF7A;
	s5 =	simm.s32 @!p2 $0x0  }
0x1d: {  	s5 =	simm.s32 @p1 $0x1;
	p0 =	seq.s32 s7, s2  }
0x1e: {  	s7 =	smul.u32 @!p0 $0xF7A, s2;
	p2 =	seq.s32 @!p0 s5, $0x0  }
0x1f: {  	s9 =	smul.u32 $0xF7A, s1;
	s8 =	simm.s32 @!p0 $0x1BF5;
	p2 =	por !p2, p0  }
0x20: {  	[sflag:s8] =	ssyncset.s32 @!p0 $0xFFFFF086;
	s6 =	sadd.s32 @!p0 s3, s7;
	s7 =	simm.s32 @!p0 $0x108  }
0x21: {  	s3 =	sadd.s32 s3, s9;
	s6 =	sadd.s32 @!p0 $0x88, s6;
	s7 =	simm.s32 @p2 $0x1082  }
0x22: {  	[simem:s7], [sflag:s8] =	dma.local @!p0 [hbm:s6], $0xF7A  }
0x23: {  	s9 =	sor.u32 $0xD0000000, s2;
	s6 =	simm.s32 $0x108;
	_ =	swait.ge @!p0 [sflag:s8], $0x0  }
0x24: {  	s3 =	sadd.s32 $0x88, s3;
	s6 =	simm.s32 @!p1 $0x1082;
	[sflag:s4] =	ssyncset.s32 $0xFFFFF086  }
0x25: {  	[simem:s6], [sflag:s4] =	dma.local [hbm:s3], $0xF7A  }
0x26: {  	[smem:$0x3F94] =	sst s1;
	(tag) =	ssettag s2;
	_ =	strace s9  }
0x27: {  	s1 =	sld [smem:$0x3FA4]  }
0x28: {  	s2 =	sld [smem:$0x3FA5]  }
0x29: {  	s4 =	sld [smem:$0x3FA7]  }
0x2a: {  	p0 =	seq.s32 s5, $0x0;
	s5 =	sld [smem:$0x3FA8]  }
0x2b: {  	s6 =	sld [smem:$0x3FA9]  }
0x2c: {  	s7 =	sld [smem:$0x3FAA]  }
0x2d: {  	s3 =	simm.s32 $0x108;
	s8 =	sld [smem:$0x3FAB]  }
0x2e: {  	s3 =	simm.s32 @!p0 $0x1082;
	s9 =	sld [smem:$0x3FAC]  }
0x2f: {  	lr =	sadd.s32 s0, s3;
	s0 =	sld [smem:$0x3FA3]  }
0x30: {  	s3 =	sld [smem:$0x3FA6]  }
0x31: {  	[smem:$0x3FAF] =	sst s10  }
0x32: {  	s10 =	sld [smem:$0x3FAD];
	_ =	sdelay $0x3  }
0x33: {  	p0 =	seq.s32 s10, $0x1;
	s10 =	sld [smem:$0x3FAF];
	_ =	sdelay $0x3  }
0x34: {  	[smem:$0x3FAF] =	sst s10  }
0x35: {  	s10 =	sld [smem:$0x3FAE];
	_ =	sdelay $0x3  }
0x36: {  	p1 =	seq.s32 s10, $0x1;
	s10 =	sld [smem:$0x3FAF];
	_ =	sdelay $0x3  }
0x37: {  	[smem:$0x3FAF] =	sst s10  }
0x38: {  	s10 =	sld [smem:$0x3FB0]  }
0x39: {  	_ = 	snop;
	(pc) =	sbr.ind lr, $3  }
0x3a: {  	_ = 	snop  }
0x3b: {  	_ = 	snop  }
0x3c: {  	p2 =	seq.s32 s10, $0x1;
	s10 =	sld [smem:$0x3FAF]  }
0x3d: {  	_ =	shalt  }
0x3e: {  	_ =	shalt  }
0x3f: {  	_ =	shalt  }
0x40: {  	_ =	shalt  }
0x41: {  	_ =	shalt  }
0x42: {  	_ =	shalt  }
0x43: {  	_ =	shalt  }
0x44: {  	_ =	shalt  }
0x45: {  	_ =	shalt  }
0x46: {  	_ =	shalt  }
0x47: {  	_ =	shalt  }
0x48: {  	_ =	shalt  }
0x49: {  	_ =	shalt  }
0x4a: {  	_ =	shalt  }
0x4b: {  	_ =	shalt  }
0x4c: {  	_ =	shalt  }
0x4d: {  	_ =	shalt  }
0x4e: {  	_ =	shalt  }
0x4f: {  	_ =	shalt  }
0x50: {  	_ =	shalt  }
0x51: {  	_ =	shalt  }
0x52: {  	_ =	shalt  }
0x53: {  	_ =	shalt  }
0x54: {  	_ =	shalt  }
0x55: {  	_ =	shalt  }
0x56: {  	_ =	shalt  }
0x57: {  	_ =	shalt  }
0x58: {  	_ =	shalt  }
0x59: {  	_ =	shalt  }
0x5a: {  	_ =	shalt  }
0x5b: {  	_ =	shalt  }
0x5c: {  	_ =	shalt  }
0x5d: {  	_ =	shalt  }
0x5e: {  	_ =	shalt  }
0x5f: {  	_ =	shalt  }
0x60: {  	_ =	shalt  }
0x61: {  	_ =	shalt  }
0x62: {  	_ =	shalt  }
0x63: {  	_ =	shalt  }
0x64: {  	_ =	shalt  }
0x65: {  	_ =	shalt  }
0x66: {  	_ =	shalt  }
0x67: {  	_ =	shalt  }
0x68: {  	_ =	shalt  }
0x69: {  	_ =	shalt  }
0x6a: {  	_ =	shalt  }
0x6b: {  	_ =	shalt  }
0x6c: {  	_ =	shalt  }
0x6d: {  	_ =	shalt  }
0x6e: {  	_ =	shalt  }
0x6f: {  	_ =	shalt  }
0x70: {  	_ =	shalt  }
0x71: {  	_ =	shalt  }
0x72: {  	_ =	shalt  }
0x73: {  	_ =	shalt  }
0x74: {  	_ =	shalt  }
0x75: {  	_ =	shalt  }
0x76: {  	_ =	shalt  }
0x77: {  	_ =	shalt  }
0x78: {  	_ =	shalt  }
0x79: {  	_ =	shalt  }
0x7a: {  	_ =	shalt  }
0x7b: {  	_ =	shalt  }
0x7c: {  	_ =	shalt  }
0x7d: {  	_ =	shalt  }
0x7e: {  	_ =	shalt  }
0x7f: {  	_ =	shalt  }
0x80: {  	_ =	shalt  }
0x81: {  	_ =	shalt  }
0x82: {  	_ =	shalt  }
0x83: {  	_ =	shalt  }
0x84: {  	_ =	shalt  }
0x85: {  	_ =	shalt  }
0x86: {  	_ =	shalt  }
0x87: {  	_ =	shalt  }
.Lfunc_end0:
.L_simem_size_0:
called_computation.1_lowered:
.L_overlay_start_0:
0x88: {  	s2 =	sld [smem:$0x3FD9]  }
0x89: {  	s3 =	sld [smem:$0x3FFE];
	_ =	sdelay $0x1  }
0x8a: {  	s1 =	srdreg.scid  }
0x8b: {  	s0 =	sand.u32 $0x1, s1  }
0x8c: {  	s16 =	sshll.u32 s0, $0xA;
	s2 =	sadd.s32 s3, s2  }
0x8d: {  	s2 =	sadd.s32 s2, s16  }
0x8e: {  	[smem:$0x3FBB] =	sst s2  }
0x8f: {  	_ = 	snop  }
0x90: {  	(tm) =	ssettm $0x1  }
0x91: {  	s17 =	sld [smem:$0x3FFB];
	_ =	sdelay $0x3  }
0x92: {  	_ =	strace s17  }
0x93: {  	s2 =	sld [smem:$0x3FFC];
	_ =	sdelay $0x3  }
0x94: {  	_ =	strace s2  }
0x95: {  	s2 =	sld [smem:$0x3FFD];
	_ =	sdelay $0x3  }
0x96: {  	_ =	strace s2  }
0x97: {  	_ =	strace $0x8FFFFFFF  }
0x98: {  	s18 =	sld [smem:$0x3FDB];
	_ =	sdelay $0x1  }
0x99: {  	s19 =	simm.s32 $_scs_section_size  }
0x9a: {  	s4 =	simm.s32 $_size__tile_overlayer_lowered;
	s5 =	simm.s32 $_tile_overlayer_lowered  }
0x9b: {  	s22 =	simm.s32 $0x1BFF;
	s21 =	sshll.u32 s5, $0x1;
	s2 =	sadd.s32 s19, s18  }
0x9c: {  	s6 =	simm.s32 $0x0;
	s20 =	sshll.u32 s4, $0x1;
	s4 =	sadd.s32 s21, s2  }
0x9d: {  	[timem:s6], [sflag:s22] =	dma.local [hbm:s4], s20  }
0x9e: {  	_ =	swait.ge [sflag:s22], s20  }
0x9f: {  	s3 =	ssub.s32 $0x0, s20;
	[sflag:s22] =	ssyncset.done $0x0  }
0xa0: {  	[sflag:s22] =	ssyncadd.s32 s3;
	_ =	sdelay $0x1  }
0xa1: {  	s23 =	simm.s32 $0x1B8B  }
0xa2: {  	_ =	swait.ge [sflag:s23], $0x1  }
0xa3: {  	[sflag:s23] =	ssyncset.done $0x0  }
0xa4: {  	s25 =	simm.s32 $0x1B8E;
	s24 =	sld [smem:$0x3FFE];
	[sflag:s23] =	ssyncadd.s32 $0xFFFFFFFF  }
0xa5: {  	s26 =	simm.s32 $execute0_lowered;
	[smem:$0x3FD2] =	sst s25  }
0xa6: {  	s4 =	sshll.u32 s26, $0x1;
	_ =	strace $0x80000049;
	[dreg:$0x1] =	wrdreg $0xFFFFFFFF  }
0xa7: {  	s28 =	simm.s32 $_size_execute0_lowered;
	s2 =	sadd.s32 s2, s4;
	[dreg:$0x0] =	wrdreg $0x0  }
0xa8: {  	s4 =	sshll.u32 s28, $0x1;
	[dreg:$0x2] =	wrdreg s2  }
0xa9: {  	[dreg:$0x3] =	wrdreg s4  }
0xaa: {  	[dreg:$0x4] =	wrdreg $0xC0  }
0xab: {  	_ =	task [dreg:s6], $0x5FFFF  }
0xac: {  	[dreg:$0x1] =	wrdreg $0xFFFFFFFF  }
0xad: {  	[dreg:$0x0] =	wrdreg $0x60  }
0xae: {  	[dreg:$0x2] =	wrdreg s24  }
0xaf: {  	[dreg:$0x3] =	wrdreg $0xB0000  }
0xb0: {  	[dreg:$0x4] =	wrdreg $0x9  }
0xb1: {  	_ =	task.clear_ibuf [dreg:s6], $0x5FFFF;
	_ =	strace $0x90000049  }
0xb2: {  	s29 =	simm.s32 $0x9;
	_ =	strace $0x8000004B  }
0xb3: {  	_ =	swait.ge [sflag:s29], $0x1  }
0xb4: {  	[sflag:s29] =	ssyncadd.s32 $0xFFFFFFFF  }
0xb5: {  	_ =	strace $0x9000004B  }
0xb6: {  	_ =	sfence  }
0xb7: {  	s30 =	sld [smem:$0x0];
	_ =	sdelay $0x2  }
0xb8: {  	s31 =	sshll.u32 s1, $0xD;
	s1 =	sshrl.u32 s1, $0x2  }
0xb9: {  	s3 =	sand.u32 $0x4000, s31;
	s1 =	sadd.s32 s1, s30  }
0xba: {  	s0 =	sor.u32 s3, s0;
	s1 =	sshll.u32 s1, $0x11  }
0xbb: {  	s0 =	sor.u32 s1, s0  }
0xbc: {  	s0 =	sadd.s32 $0x8F2B, s0  }
0xbd: {  	[sflag:s0] =	ssyncadd.remote.s32 $0x1  }
0xbe: {  	_ =	sfence.sel $0xFFFF  }
0xbf: {  	[dreg:$0x0] =	wrdreg $0xFFFFFFFF;
	(pc) =	sbr.abs _section_cstart, $3  }
0xc0: {  	[dreg:$0x1] =	wrdreg $0xFFFFFFFF  }
0xc1: {  	_ =	task.clear_ibuf [dreg:s6], $0x2FFFF;
	_ =	strace $0x9FFFFFFF  }
0xc2: {  	(tm) =	ssettm $0x7FFFFFFF  }
0xc3: {  	_ =	shalt  }
tec
execute0_lowered:
.L_overlay_start_1:
0x0: {  	(tag) =	ssettag $0x1  }
0x1: {  	s0 =	srdreg.scid  }
0x2: {  	s11 =	stileid.u32;
	s5 =	rddreg [dreg:$0x0]  }
0x3: {  	s2 =	rddreg [dreg:$0x1];
	s3 =	simm.s32 $0x0;
	s13 =	simm.s32 $0x2880  }
0x4: {  	s15 =	simm.s32 $0x2900;
	s16 =	simm.s32 $0x2980;
	s17 =	simm.s32 $0x2A00  }
0x5: {  	s18 =	simm.s32 $0x2A80;
	s19 =	simm.s32 $0x2B00;
	s20 =	simm.s32 $0x2B80  }
0x6: {  	s21 =	simm.s32 $0x2C00;
	s22 =	simm.s32 $0x2C80;
	[smem:$0x7FF] =	sst s3  }
0x7: {  	s23 =	simm.s32 $0x2D00;
	_ =	strace $0x8000004A;
	[dreg:$0x3] =	wrdreg s13  }
0x8: {  	s24 =	simm.s32 $0x2D80;
	s25 =	simm.s32 $0x2E00;
	[dreg:$0x4] =	wrdreg s15  }
0x9: {  	s26 =	simm.s32 $0x2E80;
	s30 =	simm.s32 $0x2F00;
	[dreg:$0x5] =	wrdreg s16  }
0xa: {  	s28 =	simm.s32 $0x8;
	s29 =	simm.s32 $0x0;
	[dreg:$0x6] =	wrdreg s17  }
0xb: {  	s0 =	sand.u32 $0x1, s0;
	s7 =	smul.u32 $0x14000, s11;
	[dreg:$0x7] =	wrdreg s18  }
0xc: {  	s4 =	sadd.s32 $0x2A800, s5;
	s10 =	smul.u32 $0x500, s11;
	[dreg:$0x8] =	wrdreg s19  }
0xd: {  	s14 =	sshll.u32 s11, $0x6;
	s6 =	smul.u32 $0x5000, s0;
	[dreg:$0x9] =	wrdreg s20  }
0xe: {  	s1 =	sshll.u32 s0, $0x4;
	s8 =	smul.u32 $0x140000, s0;
	[dreg:$0xa] =	wrdreg s21  }
0xf: {  	s0 =	ssub.s32 $0x2, s0;
	s13 =	simm.s32 $0x80;
	[dreg:$0xb] =	wrdreg s22  }
0x10: {  	s15 =	simm.s32 $0x5000;
	s17 =	simm.s32 $0x7000;
	[dreg:$0xc] =	wrdreg s23  }
0x11: {  	s18 =	simm.s32 $0x2800;
	s19 =	simm.s32 $0x1;
	[dreg:$0xd] =	wrdreg s24  }
0x12: {  	s20 =	simm.s32 $0x9000;
	s21 =	simm.s32 $0x2;
	[dreg:$0xe] =	wrdreg s25  }
0x13: {  	s22 =	simm.s32 $0x5;
	[dreg:$0xf] =	wrdreg s26;
	s23 =	simm.s32 $0x3  }
0x14: {  	[dreg:$0x10] =	wrdreg s30;
	s24 =	simm.s32 $0x6;
	s25 =	simm.s32 $0x4  }
0x15: {  	s1 =	sor.u32 s11, s1;
	s9 =	sshrl.u32 s7, $0x4;
	s31 =	sshrl.u32 s0, $0x1  }
0x16: {  	s1 =	smul.u32 $0x500, s1;
	s6 =	sadd.s32 s6, s5;
	s8 =	sadd.s32 s7, s8  }
0x17: {  	s9 =	sadd.s32 s9, s5;
	s0 =	ssub.s32 s0, s31;
	s31 =	simm.s32 $0x2F80  }
0x18: {  	s8 =	sshrl.u32 s8, $0x4;
	s9 =	sadd.s32 $0x16800, s9;
	[dreg:$0x11] =	wrdreg s31  }
0x19: {  	s0 =	smax.u32 s0, $0x1;
	s12 =	sadd.s32 s10, s6;
	[dreg:$0x13] =	wrdreg s9  }
0x1a: {  	s1 =	sadd.s32 s1, s5;
	[dreg:$0x15] =	wrdreg s0;
	s0 =	sadd.s32 $0x2200, s12  }
0x1b: {  	s5 =	sadd.s32 s8, s5;
	s1 =	sadd.s32 $0xC200, s1;
	[dreg:$0x16] =	wrdreg s0  }
0x1c: {  	s7 =	sshrl.u32 s7, $0x1;
	s5 =	sadd.s32 $0x3E200, s5;
	[dreg:$0x12] =	wrdreg s1  }
0x1d: {  	s8 =	sadd.s32 s7, s2;
	[dreg:$0x14] =	wrdreg s5;
	s5 =	sor.u32 $0x1C09, s14  }
0x1e: {  	s26 =	simm.s32 $0x7;
	s1 =	sshrl.u32 s8, $0x3;
	[dreg:$0x17] =	wrdreg s5  }
0x1f: {  	s10 =	simm.s32 $0x9;
	s14 =	simm.s32 $0x3000;
	[dreg:$0x18] =	wrdreg s1  }
.LBB2_1:
0x20: {  	s0 =	rddreg [dreg:$0x12]  }
0x21: {  	[tilespmem:s3], [sflag:$0x9] =	stream.linear.gather [hbm4b:s0+s3], $0x2800, $0x38;
	[tilespmem:$0x15000] =	vst v63  }
0x22: {  	_ =	swait.ge [sflag:s10], $0x2800  }
0x23: {  	[sflag:s10] =	ssyncset.done $0x0  }
0x24: {  	s6 =	rddreg [dreg:$0x13];
	[sflag:s10] =	ssyncadd.s32 $0xFFFFD800  }
0x25: {  	[spmem:s1], [sflag:s5] =	dma.local [hbm:s6], $0x1400  }
0x26: {  	_ =	swait.ge [sflag:s10], $0x1400  }
0x27: {  	[sflag:s10] =	ssyncset.done $0x0  }
0x28: {  	[sflag:s10] =	ssyncadd.s32 $0xFFFFEC00  }
0x29: {  	[bflag:$0x0] =	sbarrier.arrive $0xFFFF  }
0x2a: {  	[tilespmem:s14], [sflag:$0x1] =	stream.indirect.gather [hbm4b:s4+s13], $0x40, s3, s13, $0xb8;
	[tilespmem:$0x15000] =	vst v63  }
0x2b: {  	p0 =	por $0x1, $0x1  }
0x2c: {  	[tilespmem:s15], [sflag:$0x2] =	stream.indirect.gather [hbm4b:s4+s13], $0x40, s13, s13, $0xb8;
	[tilespmem:$0x15000] =	vst v63  }
0x2d: {  	s7 =	simm.s32 $0x100;
	s0 =	simm.s32 @!p0 $0x8  }
0x2e: {  	[tilespmem:s17], [sflag:$0x3] =	stream.indirect.gather [hbm4b:s4+s13], $0x40, s7, s13, $0xb8;
	[tilespmem:$0x15000] =	vst v63  }
0x2f: {  	_ =	swait.ge @!p0 [sflag:s0], $0x2000  }
0x30: {  	[sflag:s0] =	ssyncset.done @!p0 $0x0  }
0x31: {  	s6 =	rddreg [dreg:$0x16];
	[sflag:s0] =	ssyncadd.s32 @!p0 $0xFFFFE000  }
0x32: {  	[tilespmem:s18], [sflag:$0x9] =	stream.linear.gather [hbm4b:s6+s3], $0x800, $0x38;
	[tilespmem:$0x15000] =	vst v63  }
0x33: {  	_ =	swait.ge [sflag:s10], $0x800  }
0x34: {  	[sflag:s10] =	ssyncset.done $0x0  }
0x35: {  	[sflag:s10] =	ssyncadd.s32 $0xFFFFF800  }
0x36: {  	_ =	swait.ge [sflag:s19], $0x2000  }
0x37: {  	[sflag:s19] =	ssyncset.done $0x0  }
0x38: {  	[sflag:s19] =	ssyncadd.s32 $0xFFFFE000  }
0x39: {  	[spmem:s2] =	stream.indirect.scatter.add.bf16 [tilespmem:s14], [sflag:$0x5], $0x40, s18, s13, $0xb8;
	[tilespmem:$0x15000] =	vst v63  }
0x3a: {  	s8 =	simm.s32 $0x180  }
0x3b: {  	[tilespmem:s20], [sflag:$0x4] =	stream.indirect.gather [hbm4b:s4+s13], $0x40, s8, s13, $0xb8;
	[tilespmem:$0x15000] =	vst v63  }
0x3c: {  	_ =	swait.ge [sflag:s21], $0x2000  }
0x3d: {  	[sflag:s21] =	ssyncset.done $0x0  }
0x3e: {  	[sflag:s21] =	ssyncadd.s32 $0xFFFFE000  }
0x3f: {  	_ =	swait.ge [sflag:s22], $0x2000  }
0x40: {  	[sflag:s22] =	ssyncset.done $0x0  }
0x41: {  	s9 =	rddreg [dreg:$0x3];
	[sflag:s22] =	ssyncadd.s32 $0xFFFFE000  }
0x42: {  	[spmem:s2] =	stream.indirect.scatter.add.bf16 [tilespmem:s15], [sflag:$0x6], $0x40, s9, s13, $0xb8;
	[tilespmem:$0x15000] =	vst v63  }
0x43: {  	s11 =	simm.s32 $0x200  }
0x44: {  	[tilespmem:s14], [sflag:$0x1] =	stream.indirect.gather [hbm4b:s4+s13], $0x40, s11, s13, $0xb8;
	[tilespmem:$0x15000] =	vst v63  }
0x45: {  	_ =	swait.ge [sflag:s23], $0x2000  }
0x46: {  	[sflag:s23] =	ssyncset.done $0x0  }
0x47: {  	[sflag:s23] =	ssyncadd.s32 $0xFFFFE000  }
0x48: {  	_ =	swait.ge [sflag:s24], $0x2000  }
0x49: {  	[sflag:s24] =	ssyncset.done $0x0  }
0x4a: {  	s12 =	rddreg [dreg:$0x4];
	[sflag:s24] =	ssyncadd.s32 $0xFFFFE000  }
0x4b: {  	[spmem:s2] =	stream.indirect.scatter.add.bf16 [tilespmem:s17], [sflag:$0x7], $0x40, s12, s13, $0xb8;
	[tilespmem:$0x15000] =	vst v63  }
0x4c: {  	s16 =	simm.s32 $0x280  }
0x4d: {  	[tilespmem:s15], [sflag:$0x2] =	stream.indirect.gather [hbm4b:s4+s13], $0x40, s16, s13, $0xb8;
	[tilespmem:$0x15000] =	vst v63  }
0x4e: {  	_ =	swait.ge [sflag:s25], $0x2000  }
0x4f: {  	[sflag:s25] =	ssyncset.done $0x0  }
0x50: {  	[sflag:s25] =	ssyncadd.s32 $0xFFFFE000  }
0x51: {  	_ =	swait.ge [sflag:s26], $0x2000  }
0x52: {  	[sflag:s26] =	ssyncset.done $0x0  }
0x53: {  	s1 =	rddreg [dreg:$0x5];
	[sflag:s26] =	ssyncadd.s32 $0xFFFFE000  }
0x54: {  	[spmem:s2] =	stream.indirect.scatter.add.bf16 [tilespmem:s20], [sflag:$0x8], $0x40, s1, s13, $0xb8;
	[tilespmem:$0x15000] =	vst v63  }
0x55: {  	s5 =	simm.s32 $0x300  }
0x56: {  	[tilespmem:s17], [sflag:$0x3] =	stream.indirect.gather [hbm4b:s4+s13], $0x40, s5, s13, $0xb8;
	[tilespmem:$0x15000] =	vst v63  }
0x57: {  	_ =	swait.ge [sflag:s19], $0x2000  }
0x58: {  	[sflag:s19] =	ssyncset.done $0x0  }
0x59: {  	[sflag:s19] =	ssyncadd.s32 $0xFFFFE000  }
0x5a: {  	_ =	swait.ge [sflag:s28], $0x2000  }
0x5b: {  	[sflag:s28] =	ssyncset.done $0x0  }
0x5c: {  	s7 =	rddreg [dreg:$0x6];
	[sflag:s28] =	ssyncadd.s32 $0xFFFFE000  }
0x5d: {  	[spmem:s2] =	stream.indirect.scatter.add.bf16 [tilespmem:s14], [sflag:$0x5], $0x40, s7, s13, $0xb8;
	[tilespmem:$0x15000] =	vst v63  }
0x5e: {  	s8 =	simm.s32 $0x380  }
0x5f: {  	[tilespmem:s20], [sflag:$0x4] =	stream.indirect.gather [hbm4b:s4+s13], $0x40, s8, s13, $0xb8;
	[tilespmem:$0x15000] =	vst v63  }
0x60: {  	_ =	swait.ge [sflag:s21], $0x2000  }
0x61: {  	[sflag:s21] =	ssyncset.done $0x0  }
0x62: {  	[sflag:s21] =	ssyncadd.s32 $0xFFFFE000  }
0x63: {  	_ =	swait.ge [sflag:s22], $0x2000  }
0x64: {  	[sflag:s22] =	ssyncset.done $0x0  }
0x65: {  	p0 =	por $0x0, $0x0;
	s9 =	rddreg [dreg:$0x7];
	[sflag:s22] =	ssyncadd.s32 $0xFFFFE000  }
0x66: {  	[spmem:s2] =	stream.indirect.scatter.add.bf16 [tilespmem:s15], [sflag:$0x6], $0x40, s9, s13, $0xb8;
	[tilespmem:$0x15000] =	vst v63  }
0x67: {  	s0 =	simm.s32 @!p0 $0x80;
	s1 =	simm.s32 @!p0 $0x3000;
	s5 =	simm.s32 @!p0 $0x400  }
0x68: {  	[tilespmem:s1], [sflag:$0x1] =	stream.indirect.gather @!p0 [hbm4b:s4+s0], $0x40, s5, s0, $0xb8;
	[tilespmem:$0x15000] =	vst v63  }
0x69: {  	_ =	swait.ge [sflag:s23], $0x2000  }
0x6a: {  	[sflag:s23] =	ssyncset.done $0x0  }
0x6b: {  	[sflag:s23] =	ssyncadd.s32 $0xFFFFE000  }
0x6c: {  	_ =	swait.ge [sflag:s24], $0x2000  }
0x6d: {  	[sflag:s24] =	ssyncset.done $0x0  }
0x6e: {  	p0 =	por $0x0, $0x0;
	s11 =	rddreg [dreg:$0x8];
	[sflag:s24] =	ssyncadd.s32 $0xFFFFE000  }
0x6f: {  	[spmem:s2] =	stream.indirect.scatter.add.bf16 [tilespmem:s17], [sflag:$0x7], $0x40, s11, s13, $0xb8;
	[tilespmem:$0x15000] =	vst v63  }
0x70: {  	s0 =	simm.s32 @!p0 $0x80;
	s1 =	simm.s32 @!p0 $0x5000;
	s5 =	simm.s32 @!p0 $0x480  }
0x71: {  	[tilespmem:s1], [sflag:$0x2] =	stream.indirect.gather @!p0 [hbm4b:s4+s0], $0x40, s5, s0, $0xb8;
	[tilespmem:$0x15000] =	vst v63  }
0x72: {  	_ =	swait.ge [sflag:s25], $0x2000  }
0x73: {  	[sflag:s25] =	ssyncset.done $0x0  }
0x74: {  	[sflag:s25] =	ssyncadd.s32 $0xFFFFE000  }
0x75: {  	_ =	swait.ge [sflag:s26], $0x2000  }
0x76: {  	[sflag:s26] =	ssyncset.done $0x0  }
0x77: {  	p0 =	por $0x0, $0x0;
	s12 =	rddreg [dreg:$0x9];
	[sflag:s26] =	ssyncadd.s32 $0xFFFFE000  }
0x78: {  	[spmem:s2] =	stream.indirect.scatter.add.bf16 [tilespmem:s20], [sflag:$0x8], $0x40, s12, s13, $0xb8;
	[tilespmem:$0x15000] =	vst v63  }
0x79: {  	s0 =	simm.s32 @!p0 $0x80;
	s1 =	simm.s32 @!p0 $0x7000;
	s5 =	simm.s32 @!p0 $0x500  }
0x7a: {  	[tilespmem:s1], [sflag:$0x3] =	stream.indirect.gather @!p0 [hbm4b:s4+s0], $0x40, s5, s0, $0xb8;
	[tilespmem:$0x15000] =	vst v63  }
0x7b: {  	_ =	swait.ge [sflag:s19], $0x2000  }
0x7c: {  	[sflag:s19] =	ssyncset.done $0x0  }
0x7d: {  	[sflag:s19] =	ssyncadd.s32 $0xFFFFE000  }
0x7e: {  	_ =	swait.ge [sflag:s28], $0x2000  }
0x7f: {  	[sflag:s28] =	ssyncset.done $0x0  }
0x80: {  	s16 =	rddreg [dreg:$0xa];
	[sflag:s28] =	ssyncadd.s32 $0xFFFFE000  }
0x81: {  	[spmem:s2] =	stream.indirect.scatter.add.bf16 [tilespmem:s14], [sflag:$0x5], $0x40, s16, s13, $0xb8;
	[tilespmem:$0x15000] =	vst v63  }
0x82: {  	s1 =	simm.s32 $0x580  }
0x83: {  	[tilespmem:s20], [sflag:$0x4] =	stream.indirect.gather [hbm4b:s4+s13], $0x40, s1, s13, $0xb8;
	[tilespmem:$0x15000] =	vst v63  }
0x84: {  	_ =	swait.ge [sflag:s21], $0x2000  }
0x85: {  	[sflag:s21] =	ssyncset.done $0x0  }
0x86: {  	[sflag:s21] =	ssyncadd.s32 $0xFFFFE000  }
0x87: {  	_ =	swait.ge [sflag:s22], $0x2000  }
0x88: {  	[sflag:s22] =	ssyncset.done $0x0  }
0x89: {  	p0 =	por $0x0, $0x0;
	s5 =	rddreg [dreg:$0xb];
	[sflag:s22] =	ssyncadd.s32 $0xFFFFE000  }
0x8a: {  	[spmem:s2] =	stream.indirect.scatter.add.bf16 [tilespmem:s15], [sflag:$0x6], $0x40, s5, s13, $0xb8;
	[tilespmem:$0x15000] =	vst v63  }
0x8b: {  	s0 =	simm.s32 @!p0 $0x80;
	s1 =	simm.s32 @!p0 $0x3000;
	s5 =	simm.s32 @!p0 $0x600  }
0x8c: {  	[tilespmem:s1], [sflag:$0x1] =	stream.indirect.gather @!p0 [hbm4b:s4+s0], $0x40, s5, s0, $0xb8;
	[tilespmem:$0x15000] =	vst v63  }
0x8d: {  	_ =	swait.ge [sflag:s23], $0x2000  }
0x8e: {  	[sflag:s23] =	ssyncset.done $0x0  }
0x8f: {  	[sflag:s23] =	ssyncadd.s32 $0xFFFFE000  }
0x90: {  	_ =	swait.ge [sflag:s24], $0x2000  }
0x91: {  	[sflag:s24] =	ssyncset.done $0x0  }
0x92: {  	p0 =	por $0x0, $0x0;
	s7 =	rddreg [dreg:$0xc];
	[sflag:s24] =	ssyncadd.s32 $0xFFFFE000  }
0x93: {  	[spmem:s2] =	stream.indirect.scatter.add.bf16 [tilespmem:s17], [sflag:$0x7], $0x40, s7, s13, $0xb8;
	[tilespmem:$0x15000] =	vst v63  }
0x94: {  	s0 =	simm.s32 @!p0 $0x80;
	s1 =	simm.s32 @!p0 $0x5000;
	s5 =	simm.s32 @!p0 $0x680  }
0x95: {  	[tilespmem:s1], [sflag:$0x2] =	stream.indirect.gather @!p0 [hbm4b:s4+s0], $0x40, s5, s0, $0xb8;
	[tilespmem:$0x15000] =	vst v63  }
0x96: {  	_ =	swait.ge [sflag:s25], $0x2000  }
0x97: {  	[sflag:s25] =	ssyncset.done $0x0  }
0x98: {  	[sflag:s25] =	ssyncadd.s32 $0xFFFFE000  }
0x99: {  	_ =	swait.ge [sflag:s26], $0x2000  }
0x9a: {  	[sflag:s26] =	ssyncset.done $0x0  }
0x9b: {  	p0 =	por $0x0, $0x0;
	s8 =	rddreg [dreg:$0xd];
	[sflag:s26] =	ssyncadd.s32 $0xFFFFE000  }
0x9c: {  	[spmem:s2] =	stream.indirect.scatter.add.bf16 [tilespmem:s20], [sflag:$0x8], $0x40, s8, s13, $0xb8;
	[tilespmem:$0x15000] =	vst v63  }
0x9d: {  	s0 =	simm.s32 @!p0 $0x80;
	s1 =	simm.s32 @!p0 $0x7000;
	s5 =	simm.s32 @!p0 $0x700  }
0x9e: {  	[tilespmem:s1], [sflag:$0x3] =	stream.indirect.gather @!p0 [hbm4b:s4+s0], $0x40, s5, s0, $0xb8;
	[tilespmem:$0x15000] =	vst v63  }
0x9f: {  	_ =	swait.ge [sflag:s19], $0x2000  }
0xa0: {  	[sflag:s19] =	ssyncset.done $0x0  }
0xa1: {  	[sflag:s19] =	ssyncadd.s32 $0xFFFFE000  }
0xa2: {  	_ =	swait.ge [sflag:s28], $0x2000  }
0xa3: {  	[sflag:s28] =	ssyncset.done $0x0  }
0xa4: {  	s9 =	rddreg [dreg:$0xe];
	[sflag:s28] =	ssyncadd.s32 $0xFFFFE000  }
0xa5: {  	[spmem:s2] =	stream.indirect.scatter.add.bf16 [tilespmem:s14], [sflag:$0x5], $0x40, s9, s13, $0xb8;
	[tilespmem:$0x15000] =	vst v63  }
0xa6: {  	s11 =	simm.s32 $0x780  }
0xa7: {  	[tilespmem:s20], [sflag:$0x4] =	stream.indirect.gather [hbm4b:s4+s13], $0x40, s11, s13, $0xb8;
	[tilespmem:$0x15000] =	vst v63  }
0xa8: {  	_ =	swait.ge [sflag:s21], $0x2000  }
0xa9: {  	[sflag:s21] =	ssyncset.done $0x0  }
0xaa: {  	[sflag:s21] =	ssyncadd.s32 $0xFFFFE000  }
0xab: {  	_ =	swait.ge [sflag:s22], $0x2000  }
0xac: {  	[sflag:s22] =	ssyncset.done $0x0  }
0xad: {  	p0 =	por $0x0, $0x0;
	s12 =	rddreg [dreg:$0xf];
	[sflag:s22] =	ssyncadd.s32 $0xFFFFE000  }
0xae: {  	[spmem:s2] =	stream.indirect.scatter.add.bf16 [tilespmem:s15], [sflag:$0x6], $0x40, s12, s13, $0xb8;
	[tilespmem:$0x15000] =	vst v63  }
0xaf: {  	s0 =	simm.s32 @!p0 $0x80;
	s1 =	simm.s32 @!p0 $0x3000;
	s5 =	simm.s32 @!p0 $0x800  }
0xb0: {  	[tilespmem:s1], [sflag:$0x1] =	stream.indirect.gather @!p0 [hbm4b:s4+s0], $0x40, s5, s0, $0xb8;
	[tilespmem:$0x15000] =	vst v63  }
0xb1: {  	_ =	swait.ge [sflag:s23], $0x2000  }
0xb2: {  	[sflag:s23] =	ssyncset.done $0x0  }
0xb3: {  	[sflag:s23] =	ssyncadd.s32 $0xFFFFE000  }
0xb4: {  	_ =	swait.ge [sflag:s24], $0x2000  }
0xb5: {  	[sflag:s24] =	ssyncset.done $0x0  }
0xb6: {  	p0 =	por $0x0, $0x0;
	s16 =	rddreg [dreg:$0x10];
	[sflag:s24] =	ssyncadd.s32 $0xFFFFE000  }
0xb7: {  	[spmem:s2] =	stream.indirect.scatter.add.bf16 [tilespmem:s17], [sflag:$0x7], $0x40, s16, s13, $0xb8;
	[tilespmem:$0x15000] =	vst v63  }
0xb8: {  	s0 =	simm.s32 @!p0 $0x80;
	s1 =	simm.s32 @!p0 $0x5000;
	s5 =	simm.s32 @!p0 $0x880  }
0xb9: {  	[tilespmem:s1], [sflag:$0x2] =	stream.indirect.gather @!p0 [hbm4b:s4+s0], $0x40, s5, s0, $0xb8;
	[tilespmem:$0x15000] =	vst v63  }
0xba: {  	s30 =	simm.s32 $0x2000;
	_ =	swait.ge [sflag:s25], $0x2000  }
0xbb: {  	s31 =	simm.s32 $0x1C;
	p2 =	por $0x0, $0x0;
	[sflag:s25] =	ssyncset.done $0x0  }
0xbc: {  	p1 =	por $0x0, $0x0;
	s7 =	simm.s32 @!p2 $0x7000;
	[sflag:s25] =	ssyncadd.s32 $0xFFFFE000  }
0xbd: {  	s0 =	simm.s32 $0x4000;
	s1 =	sadd.s32 $0x100, s6;
	_ =	swait.ge [sflag:s26], $0x2000  }
0xbe: {  	s5 =	simm.s32 @!p2 $0x0;
	s6 =	rddreg [dreg:$0x11];
	[sflag:s26] =	ssyncset.done $0x0  }
.LBB2_2:
0xbf: {  	[sflag:s26] =	ssyncadd.s32 $0xFFFFE000  }
0xc0: {  	[spmem:s2] =	stream.indirect.scatter.add.bf16 [tilespmem:s20], [sflag:$0x8], $0x40, s6, s13, $0xb8;
	[tilespmem:$0x15000] =	vst v63  }
0xc1: {  	s8 =	sadd.s32 @!p2 $0x900, s5;
	s9 =	simm.s32 @!p2 $0x80;
	s6 =	simm.s32 @!p1 $0x8  }
0xc2: {  	[tilespmem:s7], [sflag:$0x3] =	stream.indirect.gather @!p2 [hbm4b:s4+s9], $0x40, s8, s9, $0xb8;
	[tilespmem:$0x15000] =	vst v63  }
0xc3: {  	_ =	swait.ge @!p1 [sflag:s6], $0x2000  }
0xc4: {  	[sflag:s6] =	ssyncset.done @!p1 $0x0  }
0xc5: {  	[sflag:s6] =	ssyncadd.s32 @!p1 $0xFFFFE000  }
0xc6: {  	[tilespmem:s18], [sflag:$0x9] =	stream.linear.gather [hbm4b:s1+s3], $0x800, $0x38;
	[tilespmem:$0x15000] =	vst v63  }
0xc7: {  	_ =	swait.ge [sflag:s10], $0x800  }
0xc8: {  	[sflag:s10] =	ssyncset.done $0x0  }
0xc9: {  	[sflag:s10] =	ssyncadd.s32 $0xFFFFF800  }
0xca: {  	_ =	swait.ge [sflag:s19], $0x2000  }
0xcb: {  	s16 =	smov.u32 s30;
	[sflag:s19] =	ssyncset.done $0x0  }
0xcc: {  	s6 =	sshra.s32 s16, $0x2;
	[sflag:s19] =	ssyncadd.s32 $0xFFFFE000  }
0xcd: {  	[spmem:s2] =	stream.indirect.scatter.add.bf16 [tilespmem:s14], [sflag:$0x5], $0x40, s18, s13, $0xb8;
	[tilespmem:$0x15000] =	vst v63  }
0xce: {  	s11 =	sadd.s32 $0x180, s6  }
0xcf: {  	[tilespmem:s20], [sflag:$0x4] =	stream.indirect.gather [hbm4b:s4+s13], $0x40, s11, s13, $0xb8;
	[tilespmem:$0x15000] =	vst v63  }
0xd0: {  	_ =	swait.ge [sflag:s21], $0x2000  }
0xd1: {  	[sflag:s21] =	ssyncset.done $0x0  }
0xd2: {  	[sflag:s21] =	ssyncadd.s32 $0xFFFFE000  }
0xd3: {  	_ =	swait.ge [sflag:s22], $0x2000  }
0xd4: {  	[sflag:s22] =	ssyncset.done $0x0  }
0xd5: {  	s12 =	rddreg [dreg:$0x3];
	[sflag:s22] =	ssyncadd.s32 $0xFFFFE000  }
0xd6: {  	[spmem:s2] =	stream.indirect.scatter.add.bf16 [tilespmem:s15], [sflag:$0x6], $0x40, s12, s13, $0xb8;
	[tilespmem:$0x15000] =	vst v63  }
0xd7: {  	s8 =	sadd.s32 $0x200, s6  }
0xd8: {  	[tilespmem:s14], [sflag:$0x1] =	stream.indirect.gather [hbm4b:s4+s13], $0x40, s8, s13, $0xb8;
	[tilespmem:$0x15000] =	vst v63  }
0xd9: {  	_ =	swait.ge [sflag:s23], $0x2000  }
0xda: {  	[sflag:s23] =	ssyncset.done $0x0  }
0xdb: {  	[sflag:s23] =	ssyncadd.s32 $0xFFFFE000  }
0xdc: {  	_ =	swait.ge [sflag:s24], $0x2000  }
0xdd: {  	[sflag:s24] =	ssyncset.done $0x0  }
0xde: {  	s9 =	rddreg [dreg:$0x4];
	[sflag:s24] =	ssyncadd.s32 $0xFFFFE000  }
0xdf: {  	[spmem:s2] =	stream.indirect.scatter.add.bf16 [tilespmem:s17], [sflag:$0x7], $0x40, s9, s13, $0xb8;
	[tilespmem:$0x15000] =	vst v63  }
0xe0: {  	s11 =	sadd.s32 $0x280, s6  }
0xe1: {  	[tilespmem:s15], [sflag:$0x2] =	stream.indirect.gather [hbm4b:s4+s13], $0x40, s11, s13, $0xb8;
	[tilespmem:$0x15000] =	vst v63  }
0xe2: {  	_ =	swait.ge [sflag:s25], $0x2000  }
0xe3: {  	[sflag:s25] =	ssyncset.done $0x0  }
0xe4: {  	[sflag:s25] =	ssyncadd.s32 $0xFFFFE000  }
0xe5: {  	_ =	swait.ge [sflag:s26], $0x2000  }
0xe6: {  	[sflag:s26] =	ssyncset.done $0x0  }
0xe7: {  	s12 =	rddreg [dreg:$0x5];
	[sflag:s26] =	ssyncadd.s32 $0xFFFFE000  }
0xe8: {  	[spmem:s2] =	stream.indirect.scatter.add.bf16 [tilespmem:s20], [sflag:$0x8], $0x40, s12, s13, $0xb8;
	[tilespmem:$0x15000] =	vst v63  }
0xe9: {  	s8 =	sadd.s32 $0x300, s6  }
0xea: {  	[tilespmem:s17], [sflag:$0x3] =	stream.indirect.gather [hbm4b:s4+s13], $0x40, s8, s13, $0xb8;
	[tilespmem:$0x15000] =	vst v63  }
0xeb: {  	_ =	swait.ge [sflag:s19], $0x2000  }
0xec: {  	[sflag:s19] =	ssyncset.done $0x0  }
0xed: {  	[sflag:s19] =	ssyncadd.s32 $0xFFFFE000  }
0xee: {  	_ =	swait.ge [sflag:s28], $0x2000  }
0xef: {  	[sflag:s28] =	ssyncset.done $0x0  }
0xf0: {  	s9 =	rddreg [dreg:$0x6];
	[sflag:s28] =	ssyncadd.s32 $0xFFFFE000  }
0xf1: {  	[spmem:s2] =	stream.indirect.scatter.add.bf16 [tilespmem:s14], [sflag:$0x5], $0x40, s9, s13, $0xb8;
	[tilespmem:$0x15000] =	vst v63  }
0xf2: {  	s11 =	sadd.s32 $0x380, s6  }
0xf3: {  	[tilespmem:s20], [sflag:$0x4] =	stream.indirect.gather [hbm4b:s4+s13], $0x40, s11, s13, $0xb8;
	[tilespmem:$0x15000] =	vst v63  }
0xf4: {  	_ =	swait.ge [sflag:s21], $0x2000  }
0xf5: {  	[sflag:s21] =	ssyncset.done $0x0  }
0xf6: {  	[sflag:s21] =	ssyncadd.s32 $0xFFFFE000  }
0xf7: {  	s7 =	sadd.s32 $0xFFFFFFF8, s31;
	_ =	swait.ge [sflag:s22], $0x2000  }
0xf8: {  	p1 =	sgt.u32 s7, $0x4B;
	[sflag:s22] =	ssyncset.done $0x0  }
0xf9: {  	s9 =	sshra.s32 @!p1 s16, $0x2;
	s8 =	rddreg [dreg:$0x7];
	[sflag:s22] =	ssyncadd.s32 $0xFFFFE000  }
0xfa: {  	[spmem:s2] =	stream.indirect.scatter.add.bf16 [tilespmem:s15], [sflag:$0x6], $0x40, s8, s13, $0xb8;
	[tilespmem:$0x15000] =	vst v63  }
0xfb: {  	s12 =	simm.s32 @!p1 $0x3000;
	s9 =	sadd.s32 @!p1 $0x400, s9;
	s11 =	simm.s32 @!p1 $0x80  }
0xfc: {  	[tilespmem:s12], [sflag:$0x1] =	stream.indirect.gather @!p1 [hbm4b:s4+s11], $0x40, s9, s11, $0xb8;
	[tilespmem:$0x15000] =	vst v63  }
0xfd: {  	_ =	swait.ge [sflag:s23], $0x2000  }
0xfe: {  	[sflag:s23] =	ssyncset.done $0x0  }
0xff: {  	[sflag:s23] =	ssyncadd.s32 $0xFFFFE000  }
0x100: {  	_ =	swait.ge [sflag:s24], $0x2000  }
0x101: {  	p1 =	sgt.u32 s7, $0x4A;
	[sflag:s24] =	ssyncset.done $0x0  }
0x102: {  	s9 =	sshra.s32 @!p1 s16, $0x2;
	s8 =	rddreg [dreg:$0x8];
	[sflag:s24] =	ssyncadd.s32 $0xFFFFE000  }
0x103: {  	[spmem:s2] =	stream.indirect.scatter.add.bf16 [tilespmem:s17], [sflag:$0x7], $0x40, s8, s13, $0xb8;
	[tilespmem:$0x15000] =	vst v63  }
0x104: {  	s11 =	simm.s32 @!p1 $0x80;
	s12 =	simm.s32 @!p1 $0x5000;
	s9 =	sadd.s32 @!p1 $0x480, s9  }
0x105: {  	[tilespmem:s12], [sflag:$0x2] =	stream.indirect.gather @!p1 [hbm4b:s4+s11], $0x40, s9, s11, $0xb8;
	[tilespmem:$0x15000] =	vst v63  }
0x106: {  	_ =	swait.ge [sflag:s25], $0x2000  }
0x107: {  	[sflag:s25] =	ssyncset.done $0x0  }
0x108: {  	[sflag:s25] =	ssyncadd.s32 $0xFFFFE000  }
0x109: {  	_ =	swait.ge [sflag:s26], $0x2000  }
0x10a: {  	p1 =	sgt.u32 s7, $0x49;
	[sflag:s26] =	ssyncset.done $0x0  }
0x10b: {  	s7 =	sshra.s32 @!p1 s16, $0x2;
	s12 =	rddreg [dreg:$0x9];
	[sflag:s26] =	ssyncadd.s32 $0xFFFFE000  }
0x10c: {  	[spmem:s2] =	stream.indirect.scatter.add.bf16 [tilespmem:s20], [sflag:$0x8], $0x40, s12, s13, $0xb8;
	[tilespmem:$0x15000] =	vst v63  }
0x10d: {  	s9 =	simm.s32 @!p1 $0x80;
	s11 =	simm.s32 @!p1 $0x7000;
	s7 =	sadd.s32 @!p1 $0x500, s7  }
0x10e: {  	[tilespmem:s11], [sflag:$0x3] =	stream.indirect.gather @!p1 [hbm4b:s4+s9], $0x40, s7, s9, $0xb8;
	[tilespmem:$0x15000] =	vst v63  }
0x10f: {  	_ =	swait.ge [sflag:s19], $0x2000  }
0x110: {  	[sflag:s19] =	ssyncset.done $0x0  }
0x111: {  	[sflag:s19] =	ssyncadd.s32 $0xFFFFE000  }
0x112: {  	_ =	swait.ge [sflag:s28], $0x2000  }
0x113: {  	[sflag:s28] =	ssyncset.done $0x0  }
0x114: {  	s9 =	rddreg [dreg:$0xa];
	[sflag:s28] =	ssyncadd.s32 $0xFFFFE000  }
0x115: {  	[spmem:s2] =	stream.indirect.scatter.add.bf16 [tilespmem:s14], [sflag:$0x5], $0x40, s9, s13, $0xb8;
	[tilespmem:$0x15000] =	vst v63  }
0x116: {  	s11 =	sadd.s32 $0x580, s6  }
0x117: {  	[tilespmem:s20], [sflag:$0x4] =	stream.indirect.gather [hbm4b:s4+s13], $0x40, s11, s13, $0xb8;
	[tilespmem:$0x15000] =	vst v63  }
0x118: {  	_ =	swait.ge [sflag:s21], $0x2000  }
0x119: {  	[sflag:s21] =	ssyncset.done $0x0  }
0x11a: {  	[sflag:s21] =	ssyncadd.s32 $0xFFFFE000  }
0x11b: {  	s7 =	sadd.s32 $0xFFFFFFFC, s31;
	_ =	swait.ge [sflag:s22], $0x2000  }
0x11c: {  	p1 =	sgt.u32 s7, $0x4B;
	[sflag:s22] =	ssyncset.done $0x0  }
0x11d: {  	s9 =	sshra.s32 @!p1 s16, $0x2;
	s8 =	rddreg [dreg:$0xb];
	[sflag:s22] =	ssyncadd.s32 $0xFFFFE000  }
0x11e: {  	[spmem:s2] =	stream.indirect.scatter.add.bf16 [tilespmem:s15], [sflag:$0x6], $0x40, s8, s13, $0xb8;
	[tilespmem:$0x15000] =	vst v63  }
0x11f: {  	s12 =	simm.s32 @!p1 $0x3000;
	s9 =	sadd.s32 @!p1 $0x600, s9;
	s11 =	simm.s32 @!p1 $0x80  }
0x120: {  	[tilespmem:s12], [sflag:$0x1] =	stream.indirect.gather @!p1 [hbm4b:s4+s11], $0x40, s9, s11, $0xb8;
	[tilespmem:$0x15000] =	vst v63  }
0x121: {  	_ =	swait.ge [sflag:s23], $0x2000  }
0x122: {  	[sflag:s23] =	ssyncset.done $0x0  }
0x123: {  	[sflag:s23] =	ssyncadd.s32 $0xFFFFE000  }
0x124: {  	_ =	swait.ge [sflag:s24], $0x2000  }
0x125: {  	p1 =	sgt.u32 s7, $0x4A;
	[sflag:s24] =	ssyncset.done $0x0  }
0x126: {  	s9 =	sshra.s32 @!p1 s16, $0x2;
	s8 =	rddreg [dreg:$0xc];
	[sflag:s24] =	ssyncadd.s32 $0xFFFFE000  }
0x127: {  	[spmem:s2] =	stream.indirect.scatter.add.bf16 [tilespmem:s17], [sflag:$0x7], $0x40, s8, s13, $0xb8;
	[tilespmem:$0x15000] =	vst v63  }
0x128: {  	s11 =	simm.s32 @!p1 $0x80;
	s12 =	simm.s32 @!p1 $0x5000;
	s9 =	sadd.s32 @!p1 $0x680, s9  }
0x129: {  	[tilespmem:s12], [sflag:$0x2] =	stream.indirect.gather @!p1 [hbm4b:s4+s11], $0x40, s9, s11, $0xb8;
	[tilespmem:$0x15000] =	vst v63  }
0x12a: {  	_ =	swait.ge [sflag:s25], $0x2000  }
0x12b: {  	[sflag:s25] =	ssyncset.done $0x0  }
0x12c: {  	[sflag:s25] =	ssyncadd.s32 $0xFFFFE000  }
0x12d: {  	_ =	swait.ge [sflag:s26], $0x2000  }
0x12e: {  	p1 =	sgt.u32 s7, $0x49;
	[sflag:s26] =	ssyncset.done $0x0  }
0x12f: {  	s7 =	sshra.s32 @!p1 s16, $0x2;
	s12 =	rddreg [dreg:$0xd];
	[sflag:s26] =	ssyncadd.s32 $0xFFFFE000  }
0x130: {  	[spmem:s2] =	stream.indirect.scatter.add.bf16 [tilespmem:s20], [sflag:$0x8], $0x40, s12, s13, $0xb8;
	[tilespmem:$0x15000] =	vst v63  }
0x131: {  	s9 =	simm.s32 @!p1 $0x80;
	s11 =	simm.s32 @!p1 $0x7000;
	s7 =	sadd.s32 @!p1 $0x700, s7  }
0x132: {  	[tilespmem:s11], [sflag:$0x3] =	stream.indirect.gather @!p1 [hbm4b:s4+s9], $0x40, s7, s9, $0xb8;
	[tilespmem:$0x15000] =	vst v63  }
0x133: {  	_ =	swait.ge [sflag:s19], $0x2000  }
0x134: {  	[sflag:s19] =	ssyncset.done $0x0  }
0x135: {  	[sflag:s19] =	ssyncadd.s32 $0xFFFFE000  }
0x136: {  	_ =	swait.ge [sflag:s28], $0x2000  }
0x137: {  	[sflag:s28] =	ssyncset.done $0x0  }
0x138: {  	s9 =	rddreg [dreg:$0xe];
	[sflag:s28] =	ssyncadd.s32 $0xFFFFE000  }
0x139: {  	[spmem:s2] =	stream.indirect.scatter.add.bf16 [tilespmem:s14], [sflag:$0x5], $0x40, s9, s13, $0xb8;
	[tilespmem:$0x15000] =	vst v63  }
0x13a: {  	s6 =	sadd.s32 $0x780, s6  }
0x13b: {  	[tilespmem:s20], [sflag:$0x4] =	stream.indirect.gather [hbm4b:s4+s13], $0x40, s6, s13, $0xb8;
	[tilespmem:$0x15000] =	vst v63  }
0x13c: {  	_ =	swait.ge [sflag:s21], $0x2000  }
0x13d: {  	[sflag:s21] =	ssyncset.done $0x0  }
0x13e: {  	[sflag:s21] =	ssyncadd.s32 $0xFFFFE000  }
0x13f: {  	_ =	swait.ge [sflag:s22], $0x2000  }
0x140: {  	p1 =	sgt.u32 s31, $0x4B;
	[sflag:s22] =	ssyncset.done $0x0  }
0x141: {  	s7 =	sshra.s32 @!p1 s16, $0x2;
	s11 =	rddreg [dreg:$0xf];
	[sflag:s22] =	ssyncadd.s32 $0xFFFFE000  }
0x142: {  	[spmem:s2] =	stream.indirect.scatter.add.bf16 [tilespmem:s15], [sflag:$0x6], $0x40, s11, s13, $0xb8;
	[tilespmem:$0x15000] =	vst v63  }
0x143: {  	s8 =	simm.s32 @!p1 $0x80;
	s7 =	sadd.s32 @!p1 $0x800, s7;
	s9 =	simm.s32 @!p1 $0x3000  }
0x144: {  	[tilespmem:s9], [sflag:$0x1] =	stream.indirect.gather @!p1 [hbm4b:s4+s8], $0x40, s7, s8, $0xb8;
	[tilespmem:$0x15000] =	vst v63  }
0x145: {  	_ =	swait.ge [sflag:s23], $0x2000  }
0x146: {  	[sflag:s23] =	ssyncset.done $0x0  }
0x147: {  	[sflag:s23] =	ssyncadd.s32 $0xFFFFE000  }
0x148: {  	s30 =	smov.u32 s0;
	s0 =	sadd.s32 $0x2000, s0;
	_ =	swait.ge [sflag:s24], $0x2000  }
0x149: {  	p0 =	sne.s32 s0, $0xA000;
	p1 =	sgt.u32 s31, $0x4A;
	[sflag:s24] =	ssyncset.done $0x0  }
0x14a: {  	s7 =	sshra.s32 @!p1 s16, $0x2;
	s12 =	rddreg [dreg:$0x10];
	[sflag:s24] =	ssyncadd.s32 $0xFFFFE000  }
0x14b: {  	[spmem:s2] =	stream.indirect.scatter.add.bf16 [tilespmem:s17], [sflag:$0x7], $0x40, s12, s13, $0xb8;
	[tilespmem:$0x15000] =	vst v63  }
0x14c: {  	s8 =	simm.s32 @!p1 $0x80;
	s9 =	simm.s32 @!p1 $0x5000;
	s7 =	sadd.s32 @!p1 $0x880, s7  }
0x14d: {  	[tilespmem:s9], [sflag:$0x2] =	stream.indirect.gather @!p1 [hbm4b:s4+s8], $0x40, s7, s8, $0xb8;
	[tilespmem:$0x15000] =	vst v63  }
.Ltmp0:
0x14e: {  	s5 =	smov.u32 s31;
	_ =	swait.ge [sflag:s25], $0x2000;
	(pc) =	sbr.rel @p0 .LBB2_2-.Ltmp0, $4  }
0x14f: {  	p2 =	sgt.u32 s5, $0x49;
	[sflag:s25] =	ssyncset.done $0x0  }
0x150: {  	s5 =	sshra.s32 @!p2 s16, $0x2;
	s1 =	sadd.s32 $0x100, s1;
	[sflag:s25] =	ssyncadd.s32 $0xFFFFE000  }
0x151: {  	s31 =	sadd.s32 $0x10, s31;
	p1 =	seq.s32 s30, $0x0;
	_ =	swait.ge [sflag:s26], $0x2000  }
0x152: {  	s7 =	simm.s32 @!p2 $0x7000;
	s6 =	rddreg [dreg:$0x11];
	[sflag:s26] =	ssyncset.done $0x0  }
0x153: {  	[sflag:s26] =	ssyncadd.s32 $0xFFFFE000  }
0x154: {  	[spmem:s2] =	stream.indirect.scatter.add.bf16 [tilespmem:s20], [sflag:$0x8], $0x40, s6, s13, $0xb8;
	[tilespmem:$0x15000] =	vst v63  }
0x155: {  	s0 =	sadd.s32 @!p2 $0x900, s5;
	s5 =	simm.s32 @!p2 $0x80;
	s6 =	simm.s32 @!p1 $0x8  }
0x156: {  	[tilespmem:s7], [sflag:$0x3] =	stream.indirect.gather @!p2 [hbm4b:s4+s5], $0x40, s0, s5, $0xb8;
	[tilespmem:$0x15000] =	vst v63  }
0x157: {  	_ =	swait.ge @!p1 [sflag:s6], $0x2000  }
0x158: {  	[sflag:s6] =	ssyncset.done @!p1 $0x0  }
0x159: {  	[sflag:s6] =	ssyncadd.s32 @!p1 $0xFFFFE000  }
0x15a: {  	[tilespmem:s18], [sflag:$0x9] =	stream.linear.gather [hbm4b:s1+s3], $0x800, $0x38;
	[tilespmem:$0x15000] =	vst v63  }
0x15b: {  	_ =	swait.ge [sflag:s10], $0x800  }
0x15c: {  	[sflag:s10] =	ssyncset.done $0x0  }
0x15d: {  	[sflag:s10] =	ssyncadd.s32 $0xFFFFF800  }
0x15e: {  	_ =	swait.ge [sflag:s19], $0x2000  }
0x15f: {  	[sflag:s19] =	ssyncset.done $0x0  }
0x160: {  	s0 =	sshra.s32 s30, $0x2;
	[sflag:s19] =	ssyncadd.s32 $0xFFFFE000  }
0x161: {  	[spmem:s2] =	stream.indirect.scatter.add.bf16 [tilespmem:s14], [sflag:$0x5], $0x40, s18, s13, $0xb8;
	[tilespmem:$0x15000] =	vst v63  }
0x162: {  	s11 =	sadd.s32 $0x180, s0  }
0x163: {  	[tilespmem:s20], [sflag:$0x4] =	stream.indirect.gather [hbm4b:s4+s13], $0x40, s11, s13, $0xb8;
	[tilespmem:$0x15000] =	vst v63  }
0x164: {  	_ =	swait.ge [sflag:s21], $0x2000  }
0x165: {  	[sflag:s21] =	ssyncset.done $0x0  }
0x166: {  	[sflag:s21] =	ssyncadd.s32 $0xFFFFE000  }
0x167: {  	_ =	swait.ge [sflag:s22], $0x2000  }
0x168: {  	[sflag:s22] =	ssyncset.done $0x0  }
0x169: {  	s12 =	rddreg [dreg:$0x3];
	[sflag:s22] =	ssyncadd.s32 $0xFFFFE000  }
0x16a: {  	[spmem:s2] =	stream.indirect.scatter.add.bf16 [tilespmem:s15], [sflag:$0x6], $0x40, s12, s13, $0xb8;
	[tilespmem:$0x15000] =	vst v63  }
0x16b: {  	s16 =	sadd.s32 $0x200, s0  }
0x16c: {  	[tilespmem:s14], [sflag:$0x1] =	stream.indirect.gather [hbm4b:s4+s13], $0x40, s16, s13, $0xb8;
	[tilespmem:$0x15000] =	vst v63  }
0x16d: {  	_ =	swait.ge [sflag:s23], $0x2000  }
0x16e: {  	[sflag:s23] =	ssyncset.done $0x0  }
0x16f: {  	[sflag:s23] =	ssyncadd.s32 $0xFFFFE000  }
0x170: {  	_ =	swait.ge [sflag:s24], $0x2000  }
0x171: {  	[sflag:s24] =	ssyncset.done $0x0  }
0x172: {  	s5 =	rddreg [dreg:$0x4];
	[sflag:s24] =	ssyncadd.s32 $0xFFFFE000  }
0x173: {  	[spmem:s2] =	stream.indirect.scatter.add.bf16 [tilespmem:s17], [sflag:$0x7], $0x40, s5, s13, $0xb8;
	[tilespmem:$0x15000] =	vst v63  }
0x174: {  	s6 =	sadd.s32 $0x280, s0  }
0x175: {  	[tilespmem:s15], [sflag:$0x2] =	stream.indirect.gather [hbm4b:s4+s13], $0x40, s6, s13, $0xb8;
	[tilespmem:$0x15000] =	vst v63  }
0x176: {  	_ =	swait.ge [sflag:s25], $0x2000  }
0x177: {  	[sflag:s25] =	ssyncset.done $0x0  }
0x178: {  	[sflag:s25] =	ssyncadd.s32 $0xFFFFE000  }
0x179: {  	_ =	swait.ge [sflag:s26], $0x2000  }
0x17a: {  	[sflag:s26] =	ssyncset.done $0x0  }
0x17b: {  	s7 =	rddreg [dreg:$0x5];
	[sflag:s26] =	ssyncadd.s32 $0xFFFFE000  }
0x17c: {  	[spmem:s2] =	stream.indirect.scatter.add.bf16 [tilespmem:s20], [sflag:$0x8], $0x40, s7, s13, $0xb8;
	[tilespmem:$0x15000] =	vst v63  }
0x17d: {  	s8 =	sadd.s32 $0x300, s0  }
0x17e: {  	[tilespmem:s17], [sflag:$0x3] =	stream.indirect.gather [hbm4b:s4+s13], $0x40, s8, s13, $0xb8;
	[tilespmem:$0x15000] =	vst v63  }
0x17f: {  	_ =	swait.ge [sflag:s19], $0x2000  }
0x180: {  	[sflag:s19] =	ssyncset.done $0x0  }
0x181: {  	[sflag:s19] =	ssyncadd.s32 $0xFFFFE000  }
0x182: {  	_ =	swait.ge [sflag:s28], $0x2000  }
0x183: {  	[sflag:s28] =	ssyncset.done $0x0  }
0x184: {  	s9 =	rddreg [dreg:$0x6];
	[sflag:s28] =	ssyncadd.s32 $0xFFFFE000  }
0x185: {  	[spmem:s2] =	stream.indirect.scatter.add.bf16 [tilespmem:s14], [sflag:$0x5], $0x40, s9, s13, $0xb8;
	[tilespmem:$0x15000] =	vst v63  }
0x186: {  	s11 =	sadd.s32 $0x380, s0  }
0x187: {  	[tilespmem:s20], [sflag:$0x4] =	stream.indirect.gather [hbm4b:s4+s13], $0x40, s11, s13, $0xb8;
	[tilespmem:$0x15000] =	vst v63  }
0x188: {  	_ =	swait.ge [sflag:s21], $0x2000  }
0x189: {  	[sflag:s21] =	ssyncset.done $0x0  }
0x18a: {  	[sflag:s21] =	ssyncadd.s32 $0xFFFFE000  }
0x18b: {  	s12 =	sadd.s32 $0xFFFFFFF8, s31;
	_ =	swait.ge [sflag:s22], $0x2000  }
0x18c: {  	p0 =	sgt.u32 s12, $0x4B;
	[sflag:s22] =	ssyncset.done $0x0  }
0x18d: {  	s6 =	sshra.s32 @!p0 s30, $0x2;
	s16 =	rddreg [dreg:$0x7];
	[sflag:s22] =	ssyncadd.s32 $0xFFFFE000  }
0x18e: {  	[spmem:s2] =	stream.indirect.scatter.add.bf16 [tilespmem:s15], [sflag:$0x6], $0x40, s16, s13, $0xb8;
	[tilespmem:$0x15000] =	vst v63  }
0x18f: {  	s5 =	simm.s32 @!p0 $0x80;
	s6 =	sadd.s32 @!p0 $0x400, s6;
	s7 =	simm.s32 @!p0 $0x3000  }
0x190: {  	[tilespmem:s7], [sflag:$0x1] =	stream.indirect.gather @!p0 [hbm4b:s4+s5], $0x40, s6, s5, $0xb8;
	[tilespmem:$0x15000] =	vst v63  }
0x191: {  	_ =	swait.ge [sflag:s23], $0x2000  }
0x192: {  	[sflag:s23] =	ssyncset.done $0x0  }
0x193: {  	[sflag:s23] =	ssyncadd.s32 $0xFFFFE000  }
0x194: {  	_ =	swait.ge [sflag:s24], $0x2000  }
0x195: {  	p0 =	sgt.u32 s12, $0x4A;
	[sflag:s24] =	ssyncset.done $0x0  }
0x196: {  	s6 =	sshra.s32 @!p0 s30, $0x2;
	s7 =	rddreg [dreg:$0x8];
	[sflag:s24] =	ssyncadd.s32 $0xFFFFE000  }
0x197: {  	[spmem:s2] =	stream.indirect.scatter.add.bf16 [tilespmem:s17], [sflag:$0x7], $0x40, s7, s13, $0xb8;
	[tilespmem:$0x15000] =	vst v63  }
0x198: {  	s5 =	simm.s32 @!p0 $0x80;
	s6 =	sadd.s32 @!p0 $0x480, s6;
	s7 =	simm.s32 @!p0 $0x5000  }
0x199: {  	[tilespmem:s7], [sflag:$0x2] =	stream.indirect.gather @!p0 [hbm4b:s4+s5], $0x40, s6, s5, $0xb8;
	[tilespmem:$0x15000] =	vst v63  }
0x19a: {  	_ =	swait.ge [sflag:s25], $0x2000  }
0x19b: {  	[sflag:s25] =	ssyncset.done $0x0  }
0x19c: {  	[sflag:s25] =	ssyncadd.s32 $0xFFFFE000  }
0x19d: {  	_ =	swait.ge [sflag:s26], $0x2000  }
0x19e: {  	p0 =	sgt.u32 s12, $0x49;
	[sflag:s26] =	ssyncset.done $0x0  }
0x19f: {  	s1 =	sshra.s32 @!p0 s30, $0x2;
	s8 =	rddreg [dreg:$0x9];
	[sflag:s26] =	ssyncadd.s32 $0xFFFFE000  }
0x1a0: {  	[spmem:s2] =	stream.indirect.scatter.add.bf16 [tilespmem:s20], [sflag:$0x8], $0x40, s8, s13, $0xb8;
	[tilespmem:$0x15000] =	vst v63  }
0x1a1: {  	s5 =	simm.s32 @!p0 $0x80;
	s6 =	simm.s32 @!p0 $0x7000;
	s1 =	sadd.s32 @!p0 $0x500, s1  }
0x1a2: {  	[tilespmem:s6], [sflag:$0x3] =	stream.indirect.gather @!p0 [hbm4b:s4+s5], $0x40, s1, s5, $0xb8;
	[tilespmem:$0x15000] =	vst v63  }
0x1a3: {  	_ =	swait.ge [sflag:s19], $0x2000  }
0x1a4: {  	[sflag:s19] =	ssyncset.done $0x0  }
0x1a5: {  	[sflag:s19] =	ssyncadd.s32 $0xFFFFE000  }
0x1a6: {  	_ =	swait.ge [sflag:s28], $0x2000  }
0x1a7: {  	[sflag:s28] =	ssyncset.done $0x0  }
0x1a8: {  	s9 =	rddreg [dreg:$0xa];
	[sflag:s28] =	ssyncadd.s32 $0xFFFFE000  }
0x1a9: {  	[spmem:s2] =	stream.indirect.scatter.add.bf16 [tilespmem:s14], [sflag:$0x5], $0x40, s9, s13, $0xb8;
	[tilespmem:$0x15000] =	vst v63  }
0x1aa: {  	s11 =	sadd.s32 $0x580, s0  }
0x1ab: {  	[tilespmem:s20], [sflag:$0x4] =	stream.indirect.gather [hbm4b:s4+s13], $0x40, s11, s13, $0xb8;
	[tilespmem:$0x15000] =	vst v63  }
0x1ac: {  	_ =	swait.ge [sflag:s21], $0x2000  }
0x1ad: {  	[sflag:s21] =	ssyncset.done $0x0  }
0x1ae: {  	[sflag:s21] =	ssyncadd.s32 $0xFFFFE000  }
0x1af: {  	s12 =	sadd.s32 $0xFFFFFFFC, s31;
	_ =	swait.ge [sflag:s22], $0x2000  }
0x1b0: {  	p0 =	sgt.u32 s12, $0x4B;
	[sflag:s22] =	ssyncset.done $0x0  }
0x1b1: {  	s6 =	sshra.s32 @!p0 s30, $0x2;
	s16 =	rddreg [dreg:$0xb];
	[sflag:s22] =	ssyncadd.s32 $0xFFFFE000  }
0x1b2: {  	[spmem:s2] =	stream.indirect.scatter.add.bf16 [tilespmem:s15], [sflag:$0x6], $0x40, s16, s13, $0xb8;
	[tilespmem:$0x15000] =	vst v63  }
0x1b3: {  	s5 =	simm.s32 @!p0 $0x80;
	s7 =	simm.s32 @!p0 $0x3000;
	s6 =	sadd.s32 @!p0 $0x600, s6  }
0x1b4: {  	[tilespmem:s7], [sflag:$0x1] =	stream.indirect.gather @!p0 [hbm4b:s4+s5], $0x40, s6, s5, $0xb8;
	[tilespmem:$0x15000] =	vst v63  }
0x1b5: {  	_ =	swait.ge [sflag:s23], $0x2000  }
0x1b6: {  	[sflag:s23] =	ssyncset.done $0x0  }
0x1b7: {  	[sflag:s23] =	ssyncadd.s32 $0xFFFFE000  }
0x1b8: {  	_ =	swait.ge [sflag:s24], $0x2000  }
0x1b9: {  	p0 =	sgt.u32 s12, $0x4A;
	[sflag:s24] =	ssyncset.done $0x0  }
0x1ba: {  	s6 =	sshra.s32 @!p0 s30, $0x2;
	s7 =	rddreg [dreg:$0xc];
	[sflag:s24] =	ssyncadd.s32 $0xFFFFE000  }
0x1bb: {  	[spmem:s2] =	stream.indirect.scatter.add.bf16 [tilespmem:s17], [sflag:$0x7], $0x40, s7, s13, $0xb8;
	[tilespmem:$0x15000] =	vst v63  }
0x1bc: {  	s5 =	simm.s32 @!p0 $0x80;
	s6 =	sadd.s32 @!p0 $0x680, s6;
	s7 =	simm.s32 @!p0 $0x5000  }
0x1bd: {  	[tilespmem:s7], [sflag:$0x2] =	stream.indirect.gather @!p0 [hbm4b:s4+s5], $0x40, s6, s5, $0xb8;
	[tilespmem:$0x15000] =	vst v63  }
0x1be: {  	_ =	swait.ge [sflag:s25], $0x2000  }
0x1bf: {  	[sflag:s25] =	ssyncset.done $0x0  }
0x1c0: {  	[sflag:s25] =	ssyncadd.s32 $0xFFFFE000  }
0x1c1: {  	_ =	swait.ge [sflag:s26], $0x2000  }
0x1c2: {  	p0 =	sgt.u32 s12, $0x49;
	[sflag:s26] =	ssyncset.done $0x0  }
0x1c3: {  	s1 =	sshra.s32 @!p0 s30, $0x2;
	s8 =	rddreg [dreg:$0xd];
	[sflag:s26] =	ssyncadd.s32 $0xFFFFE000  }
0x1c4: {  	[spmem:s2] =	stream.indirect.scatter.add.bf16 [tilespmem:s20], [sflag:$0x8], $0x40, s8, s13, $0xb8;
	[tilespmem:$0x15000] =	vst v63  }
0x1c5: {  	s5 =	simm.s32 @!p0 $0x80;
	s6 =	simm.s32 @!p0 $0x7000;
	s1 =	sadd.s32 @!p0 $0x700, s1  }
0x1c6: {  	[tilespmem:s6], [sflag:$0x3] =	stream.indirect.gather @!p0 [hbm4b:s4+s5], $0x40, s1, s5, $0xb8;
	[tilespmem:$0x15000] =	vst v63  }
0x1c7: {  	_ =	swait.ge [sflag:s19], $0x2000  }
0x1c8: {  	[sflag:s19] =	ssyncset.done $0x0  }
0x1c9: {  	[sflag:s19] =	ssyncadd.s32 $0xFFFFE000  }
0x1ca: {  	_ =	swait.ge [sflag:s28], $0x2000  }
0x1cb: {  	[sflag:s28] =	ssyncset.done $0x0  }
0x1cc: {  	s9 =	rddreg [dreg:$0xe];
	[sflag:s28] =	ssyncadd.s32 $0xFFFFE000  }
0x1cd: {  	[spmem:s2] =	stream.indirect.scatter.add.bf16 [tilespmem:s14], [sflag:$0x5], $0x40, s9, s13, $0xb8;
	[tilespmem:$0x15000] =	vst v63  }
0x1ce: {  	s0 =	sadd.s32 $0x780, s0  }
0x1cf: {  	[tilespmem:s20], [sflag:$0x4] =	stream.indirect.gather [hbm4b:s4+s13], $0x40, s0, s13, $0xb8;
	[tilespmem:$0x15000] =	vst v63  }
0x1d0: {  	_ =	swait.ge [sflag:s21], $0x2000  }
0x1d1: {  	[sflag:s21] =	ssyncset.done $0x0  }
0x1d2: {  	[sflag:s21] =	ssyncadd.s32 $0xFFFFE000  }
0x1d3: {  	_ =	swait.ge [sflag:s22], $0x2000  }
0x1d4: {  	p0 =	sgt.u32 s31, $0x4B;
	[sflag:s22] =	ssyncset.done $0x0  }
0x1d5: {  	s1 =	sshra.s32 @!p0 s30, $0x2;
	s11 =	rddreg [dreg:$0xf];
	[sflag:s22] =	ssyncadd.s32 $0xFFFFE000  }
0x1d6: {  	[spmem:s2] =	stream.indirect.scatter.add.bf16 [tilespmem:s15], [sflag:$0x6], $0x40, s11, s13, $0xb8;
	[tilespmem:$0x15000] =	vst v63  }
0x1d7: {  	s5 =	simm.s32 @!p0 $0x3000;
	s1 =	sadd.s32 @!p0 $0x800, s1;
	s0 =	simm.s32 @!p0 $0x80  }
0x1d8: {  	[tilespmem:s5], [sflag:$0x1] =	stream.indirect.gather @!p0 [hbm4b:s4+s0], $0x40, s1, s0, $0xb8;
	[tilespmem:$0x15000] =	vst v63  }
0x1d9: {  	_ =	swait.ge [sflag:s23], $0x2000  }
0x1da: {  	[sflag:s23] =	ssyncset.done $0x0  }
0x1db: {  	[sflag:s23] =	ssyncadd.s32 $0xFFFFE000  }
0x1dc: {  	_ =	swait.ge [sflag:s24], $0x2000  }
0x1dd: {  	p0 =	sgt.u32 s31, $0x4A;
	[sflag:s24] =	ssyncset.done $0x0  }
0x1de: {  	s1 =	sshra.s32 @!p0 s30, $0x2;
	s12 =	rddreg [dreg:$0x10];
	[sflag:s24] =	ssyncadd.s32 $0xFFFFE000  }
0x1df: {  	[spmem:s2] =	stream.indirect.scatter.add.bf16 [tilespmem:s17], [sflag:$0x7], $0x40, s12, s13, $0xb8;
	[tilespmem:$0x15000] =	vst v63  }
0x1e0: {  	s0 =	simm.s32 @!p0 $0x80;
	s5 =	simm.s32 @!p0 $0x5000;
	s1 =	sadd.s32 @!p0 $0x880, s1  }
0x1e1: {  	[tilespmem:s5], [sflag:$0x2] =	stream.indirect.gather @!p0 [hbm4b:s4+s0], $0x40, s1, s0, $0xb8;
	[tilespmem:$0x15000] =	vst v63  }
0x1e2: {  	_ =	swait.ge [sflag:s25], $0x2000  }
0x1e3: {  	[sflag:s25] =	ssyncset.done $0x0  }
0x1e4: {  	[sflag:s25] =	ssyncadd.s32 $0xFFFFE000  }
0x1e5: {  	_ =	swait.ge [sflag:s26], $0x2000  }
0x1e6: {  	p0 =	sgt.u32 s31, $0x49;
	[sflag:s26] =	ssyncset.done $0x0  }
0x1e7: {  	s1 =	sshra.s32 @!p0 s30, $0x2;
	s16 =	rddreg [dreg:$0x11];
	[sflag:s26] =	ssyncadd.s32 $0xFFFFE000  }
0x1e8: {  	[spmem:s2] =	stream.indirect.scatter.add.bf16 [tilespmem:s20], [sflag:$0x8], $0x40, s16, s13, $0xb8;
	[tilespmem:$0x15000] =	vst v63  }
0x1e9: {  	s0 =	simm.s32 @!p0 $0x7000;
	s5 =	simm.s32 @!p0 $0x80;
	s1 =	sadd.s32 @!p0 $0x900, s1  }
0x1ea: {  	[tilespmem:s0], [sflag:$0x3] =	stream.indirect.gather @!p0 [hbm4b:s4+s5], $0x40, s1, s5, $0xb8;
	[tilespmem:$0x15000] =	vst v63  }
0x1eb: {  	_ =	swait.ge [sflag:s28], $0x2000  }
0x1ec: {  	[sflag:s28] =	ssyncset.done $0x0  }
0x1ed: {  	[sflag:s28] =	ssyncadd.s32 $0xFFFFE000  }
0x1ee: {  	[bflag:$0x0] =	sbarrier.arrive $0xFFFF  }
0x1ef: {  	s30 =	rddreg [dreg:$0x14]  }
0x1f0: {  	s5 =	rddreg [dreg:$0x17]  }
0x1f1: {  	s1 =	rddreg [dreg:$0x18]  }
0x1f2: {  	[hbm:s30], [sflag:s5] =	dma.local [spmem:s1], $0x1400  }
0x1f3: {  	_ =	swait.ge [sflag:s10], $0x1400  }
0x1f4: {  	s29 =	sadd.s32 $0x1, s29;
	s31 =	rddreg [dreg:$0x15]  }
0x1f5: {  	p0 =	sne.s32 s29, s31  }
.Ltmp1:
0x1f6: {  	_ = 	snop;
	(pc) =	sbr.rel @p0 .LBB2_1-.Ltmp1, $3  }
0x1f7: {  	_ =	sdelay $0x1  }
0x1f8: {  	[sflag:s10] =	ssyncset.done $0x0  }
0x1f9: {  	[sflag:s10] =	ssyncadd.s32 $0xFFFFEC00  }
0x1fa: {  	_ =	sfence.sel $0x180000  }
0x1fb: {  	[bflag:$0x0] =	sbarrier.arrive $0xFFFF  }
0x1fc: {  	_ =	strace $0x9000004A  }
0x1fd: {  	s0 =	stileid.u32;
	[bflag:$0x2] =	sbarrier.arrive $0xFFFF  }
0x1fe: {  	p0 =	sne.s32 s0, $0x0;
	s0 =	rddreg [dreg:$0x2]  }
0x1ff: {  	s0 =	sadd.s32 @!p0 $0x100000, s0  }
0x200: {  	[sflag:s0] =	ssyncadd.tile.s32 @!p0 $0x1;
	_ =	shalt  }
.Lfunc_end2:
_tile_overlayer_lowered:
.L_overlay_start_2:
0x201: {  	(tag) =	ssettag $0x2  }
0x202: {  	s0 =	rddreg [dreg:$0x0];
	s2 =	stileid.u32  }
0x203: {  	s1 =	rddreg [dreg:$0x1];
	p0 =	sne.s32 s2, $0x0  }
0x204: {  	s3 =	rddreg [dreg:$0x2];
	[bflag:$0x3] =	sbarrier.arrive $0xFFFF;
	s2 =	simm.s32 @!p0 $0x1C09  }
0x205: {  	[timem:s3], [sflag:s2] =	dma.local @!p0 [hbm:s0], s1  }
0x206: {  	s0 =	simm.s32 @!p0 $0x9  }
0x207: {  	_ =	swait.ge @!p0 [sflag:s0], s1  }
0x208: {  	s1 =	ssub.s32 @!p0 $0x0, s1;
	[sflag:s0] =	ssyncset.done @!p0 $0x0  }
0x209: {  	[sflag:s0] =	ssyncadd.s32 @!p0 s1  }
0x20a: {  	[bflag:$0x3] =	sbarrier.arrive $0xFFFF  }
0x20b: {  	_ =	shalt  }

// kernel: kernel.16.cloned.1.call-start
scs
__scs_entry_jumppad:
0x0: {  	(pc) =	sbr.rel $0x88, $3  }
0x1: {  	(tag) =	ssettag $0x0;
	lr =	simm.s32 $0x1  }
0x2: {  	[smem:$0x3F94] =	sst lr;
	_ =	strace $0xD0000000  }
0x3: {  	_ = 	snop  }
0x4: {  	_ = 	snop  }
0x5: {  	_ = 	snop  }
0x6: {  	_ = 	snop  }
0x7: {  	_ = 	snop  }
__scs_overlays_trampoline_lowered:
0x8: {  	[smem:$0x3FA3] =	sst s0  }
0x9: {  	[smem:$0x3FA4] =	sst s1  }
0xa: {  	[smem:$0x3FA5] =	sst s2  }
0xb: {  	[smem:$0x3FA6] =	sst s3  }
0xc: {  	[smem:$0x3FA7] =	sst s4  }
0xd: {  	[smem:$0x3FA8] =	sst s5  }
0xe: {  	[smem:$0x3FA9] =	sst s6  }
0xf: {  	[smem:$0x3FAA] =	sst s7  }
0x10: {  	[smem:$0x3FAB] =	sst s8  }
0x11: {  	[smem:$0x3FAC] =	sst s9;
	s0 =	simm.s32 @!p0 $0x0  }
0x12: {  	s1 =	sld [smem:$0x3F92];
	s0 =	simm.s32 @p0 $0x1  }
0x13: {  	[smem:$0x3FAD] =	sst s0;
	s0 =	simm.s32 @!p1 $0x0  }
0x14: {  	s2 =	sld [smem:$0x3F91];
	s0 =	simm.s32 @p1 $0x1  }
0x15: {  	[smem:$0x3FAE] =	sst s0;
	s0 =	simm.s32 @!p2 $0x0  }
0x16: {  	s3 =	sld [smem:$0x3FDB];
	s0 =	simm.s32 @p2 $0x1  }
0x17: {  	s4 =	simm.s32 $0x1BF5;
	[smem:$0x3FB0] =	sst s0  }
0x18: {  	s0 =	sld [smem:$0x3F93];
	_ =	swait.ge [sflag:s4], $0x0  }
0x19: {  	s7 =	sld [smem:$0x3F94]  }
0x1a: {  	s8 =	sadd.s32 $0xFFFFE003, lr  }
0x1b: {  	s9 =	sadd.s32 $0xFFFFFEF7, lr;
	s5 =	simm.s32 $0xFFFFFFFF;
	p2 =	slt.u32 s8, $0xFFFFF086  }
0x1c: {  	p1 =	slt.u32 s9, $0xF7A;
	s5 =	simm.s32 @!p2 $0x0  }
0x1d: {  	s5 =	simm.s32 @p1 $0x1;
	p0 =	seq.s32 s7, s2  }
0x1e: {  	s7 =	smul.u32 @!p0 $0xF7A, s2;
	p2 =	seq.s32 @!p0 s5, $0x0  }
0x1f: {  	s9 =	smul.u32 $0xF7A, s1;
	s8 =	simm.s32 @!p0 $0x1BF5;
	p2 =	por !p2, p0  }
0x20: {  	[sflag:s8] =	ssyncset.s32 @!p0 $0xFFFFF086;
	s6 =	sadd.s32 @!p0 s3, s7;
	s7 =	simm.s32 @!p0 $0x108  }
0x21: {  	s3 =	sadd.s32 s3, s9;
	s6 =	sadd.s32 @!p0 $0x88, s6;
	s7 =	simm.s32 @p2 $0x1082  }
0x22: {  	[simem:s7], [sflag:s8] =	dma.local @!p0 [hbm:s6], $0xF7A  }
0x23: {  	s9 =	sor.u32 $0xD0000000, s2;
	s6 =	simm.s32 $0x108;
	_ =	swait.ge @!p0 [sflag:s8], $0x0  }
0x24: {  	s3 =	sadd.s32 $0x88, s3;
	s6 =	simm.s32 @!p1 $0x1082;
	[sflag:s4] =	ssyncset.s32 $0xFFFFF086  }
0x25: {  	[simem:s6], [sflag:s4] =	dma.local [hbm:s3], $0xF7A  }
0x26: {  	[smem:$0x3F94] =	sst s1;
	(tag) =	ssettag s2;
	_ =	strace s9  }
0x27: {  	s1 =	sld [smem:$0x3FA4]  }
0x28: {  	s2 =	sld [smem:$0x3FA5]  }
0x29: {  	s4 =	sld [smem:$0x3FA7]  }
0x2a: {  	p0 =	seq.s32 s5, $0x0;
	s5 =	sld [smem:$0x3FA8]  }
0x2b: {  	s6 =	sld [smem:$0x3FA9]  }
0x2c: {  	s7 =	sld [smem:$0x3FAA]  }
0x2d: {  	s3 =	simm.s32 $0x108;
	s8 =	sld [smem:$0x3FAB]  }
0x2e: {  	s3 =	simm.s32 @!p0 $0x1082;
	s9 =	sld [smem:$0x3FAC]  }
0x2f: {  	lr =	sadd.s32 s0, s3;
	s0 =	sld [smem:$0x3FA3]  }
0x30: {  	s3 =	sld [smem:$0x3FA6]  }
0x31: {  	[smem:$0x3FAF] =	sst s10  }
0x32: {  	s10 =	sld [smem:$0x3FAD];
	_ =	sdelay $0x3  }
0x33: {  	p0 =	seq.s32 s10, $0x1;
	s10 =	sld [smem:$0x3FAF];
	_ =	sdelay $0x3  }
0x34: {  	[smem:$0x3FAF] =	sst s10  }
0x35: {  	s10 =	sld [smem:$0x3FAE];
	_ =	sdelay $0x3  }
0x36: {  	p1 =	seq.s32 s10, $0x1;
	s10 =	sld [smem:$0x3FAF];
	_ =	sdelay $0x3  }
0x37: {  	[smem:$0x3FAF] =	sst s10  }
0x38: {  	s10 =	sld [smem:$0x3FB0]  }
0x39: {  	_ = 	snop;
	(pc) =	sbr.ind lr, $3  }
0x3a: {  	_ = 	snop  }
0x3b: {  	_ = 	snop  }
0x3c: {  	p2 =	seq.s32 s10, $0x1;
	s10 =	sld [smem:$0x3FAF]  }
0x3d: {  	_ =	shalt  }
0x3e: {  	_ =	shalt  }
0x3f: {  	_ =	shalt  }
0x40: {  	_ =	shalt  }
0x41: {  	_ =	shalt  }
0x42: {  	_ =	shalt  }
0x43: {  	_ =	shalt  }
0x44: {  	_ =	shalt  }
0x45: {  	_ =	shalt  }
0x46: {  	_ =	shalt  }
0x47: {  	_ =	shalt  }
0x48: {  	_ =	shalt  }
0x49: {  	_ =	shalt  }
0x4a: {  	_ =	shalt  }
0x4b: {  	_ =	shalt  }
0x4c: {  	_ =	shalt  }
0x4d: {  	_ =	shalt  }
0x4e: {  	_ =	shalt  }
0x4f: {  	_ =	shalt  }
0x50: {  	_ =	shalt  }
0x51: {  	_ =	shalt  }
0x52: {  	_ =	shalt  }
0x53: {  	_ =	shalt  }
0x54: {  	_ =	shalt  }
0x55: {  	_ =	shalt  }
0x56: {  	_ =	shalt  }
0x57: {  	_ =	shalt  }
0x58: {  	_ =	shalt  }
0x59: {  	_ =	shalt  }
0x5a: {  	_ =	shalt  }
0x5b: {  	_ =	shalt  }
0x5c: {  	_ =	shalt  }
0x5d: {  	_ =	shalt  }
0x5e: {  	_ =	shalt  }
0x5f: {  	_ =	shalt  }
0x60: {  	_ =	shalt  }
0x61: {  	_ =	shalt  }
0x62: {  	_ =	shalt  }
0x63: {  	_ =	shalt  }
0x64: {  	_ =	shalt  }
0x65: {  	_ =	shalt  }
0x66: {  	_ =	shalt  }
0x67: {  	_ =	shalt  }
0x68: {  	_ =	shalt  }
0x69: {  	_ =	shalt  }
0x6a: {  	_ =	shalt  }
0x6b: {  	_ =	shalt  }
0x6c: {  	_ =	shalt  }
0x6d: {  	_ =	shalt  }
0x6e: {  	_ =	shalt  }
0x6f: {  	_ =	shalt  }
0x70: {  	_ =	shalt  }
0x71: {  	_ =	shalt  }
0x72: {  	_ =	shalt  }
0x73: {  	_ =	shalt  }
0x74: {  	_ =	shalt  }
0x75: {  	_ =	shalt  }
0x76: {  	_ =	shalt  }
0x77: {  	_ =	shalt  }
0x78: {  	_ =	shalt  }
0x79: {  	_ =	shalt  }
0x7a: {  	_ =	shalt  }
0x7b: {  	_ =	shalt  }
0x7c: {  	_ =	shalt  }
0x7d: {  	_ =	shalt  }
0x7e: {  	_ =	shalt  }
0x7f: {  	_ =	shalt  }
0x80: {  	_ =	shalt  }
0x81: {  	_ =	shalt  }
0x82: {  	_ =	shalt  }
0x83: {  	_ =	shalt  }
0x84: {  	_ =	shalt  }
0x85: {  	_ =	shalt  }
0x86: {  	_ =	shalt  }
0x87: {  	_ =	shalt  }
.Lfunc_end0:
.L_simem_size_0:
called_computation.2_lowered:
.L_overlay_start_0:
0x88: {  	s2 =	sld [smem:$0x3FD9]  }
0x89: {  	s3 =	sld [smem:$0x3FFE];
	_ =	sdelay $0x1  }
0x8a: {  	s1 =	srdreg.scid  }
0x8b: {  	s0 =	sand.u32 $0x1, s1  }
0x8c: {  	s16 =	sshll.u32 s0, $0xA;
	s2 =	sadd.s32 s3, s2  }
0x8d: {  	s2 =	sadd.s32 s2, s16  }
0x8e: {  	[smem:$0x3FBB] =	sst s2  }
0x8f: {  	_ = 	snop  }
0x90: {  	(tm) =	ssettm $0x1  }
0x91: {  	s17 =	sld [smem:$0x3FFB];
	_ =	sdelay $0x3  }
0x92: {  	_ =	strace s17  }
0x93: {  	s2 =	sld [smem:$0x3FFC];
	_ =	sdelay $0x3  }
0x94: {  	_ =	strace s2  }
0x95: {  	s2 =	sld [smem:$0x3FFD];
	_ =	sdelay $0x3  }
0x96: {  	_ =	strace s2  }
0x97: {  	_ =	strace $0x8FFFFFFF  }
0x98: {  	s18 =	sld [smem:$0x3FDB];
	_ =	sdelay $0x1  }
0x99: {  	s19 =	simm.s32 $_scs_section_size  }
0x9a: {  	s4 =	simm.s32 $_size__tile_overlayer_lowered;
	s5 =	simm.s32 $_tile_overlayer_lowered  }
0x9b: {  	s22 =	simm.s32 $0x1BFF;
	s21 =	sshll.u32 s5, $0x1;
	s2 =	sadd.s32 s19, s18  }
0x9c: {  	s6 =	simm.s32 $0x0;
	s20 =	sshll.u32 s4, $0x1;
	s4 =	sadd.s32 s21, s2  }
0x9d: {  	[timem:s6], [sflag:s22] =	dma.local [hbm:s4], s20  }
0x9e: {  	_ =	swait.ge [sflag:s22], s20  }
0x9f: {  	s3 =	ssub.s32 $0x0, s20;
	[sflag:s22] =	ssyncset.done $0x0  }
0xa0: {  	[sflag:s22] =	ssyncadd.s32 s3;
	_ =	sdelay $0x1  }
0xa1: {  	s23 =	simm.s32 $0x1B8B  }
0xa2: {  	_ =	swait.ge [sflag:s23], $0x1  }
0xa3: {  	[sflag:s23] =	ssyncset.done $0x0  }
0xa4: {  	s25 =	simm.s32 $0x1B8E;
	s24 =	sld [smem:$0x3FFE];
	[sflag:s23] =	ssyncadd.s32 $0xFFFFFFFF  }
0xa5: {  	s26 =	simm.s32 $execute0_lowered;
	[smem:$0x3FD2] =	sst s25  }
0xa6: {  	s4 =	sshll.u32 s26, $0x1;
	_ =	strace $0x8000004C;
	[dreg:$0x1] =	wrdreg $0xFFFFFFFF  }
0xa7: {  	s28 =	simm.s32 $_size_execute0_lowered;
	s2 =	sadd.s32 s2, s4;
	[dreg:$0x0] =	wrdreg $0x0  }
0xa8: {  	s4 =	sshll.u32 s28, $0x1;
	[dreg:$0x2] =	wrdreg s2  }
0xa9: {  	[dreg:$0x3] =	wrdreg s4  }
0xaa: {  	[dreg:$0x4] =	wrdreg $0xC0  }
0xab: {  	_ =	task [dreg:s6], $0x5FFFF  }
0xac: {  	[dreg:$0x1] =	wrdreg $0xFFFFFFFF  }
0xad: {  	[dreg:$0x0] =	wrdreg $0x60  }
0xae: {  	[dreg:$0x2] =	wrdreg s24  }
0xaf: {  	[dreg:$0x3] =	wrdreg $0xB0000  }
0xb0: {  	[dreg:$0x4] =	wrdreg $0x9  }
0xb1: {  	_ =	task.clear_ibuf [dreg:s6], $0x5FFFF;
	_ =	strace $0x9000004C  }
0xb2: {  	s29 =	simm.s32 $0x9;
	_ =	strace $0x8000004E  }
0xb3: {  	_ =	swait.ge [sflag:s29], $0x1  }
0xb4: {  	[sflag:s29] =	ssyncadd.s32 $0xFFFFFFFF  }
0xb5: {  	_ =	strace $0x9000004E  }
0xb6: {  	_ =	sfence  }
0xb7: {  	s30 =	sld [smem:$0x0];
	_ =	sdelay $0x2  }
0xb8: {  	s31 =	sshll.u32 s1, $0xD;
	s1 =	sshrl.u32 s1, $0x2  }
0xb9: {  	s3 =	sand.u32 $0x4000, s31;
	s1 =	sadd.s32 s1, s30  }
0xba: {  	s0 =	sor.u32 s3, s0;
	s1 =	sshll.u32 s1, $0x11  }
0xbb: {  	s0 =	sor.u32 s1, s0  }
0xbc: {  	s0 =	sadd.s32 $0x8F2B, s0  }
0xbd: {  	[sflag:s0] =	ssyncadd.remote.s32 $0x1  }
0xbe: {  	_ =	sfence.sel $0xFFFF  }
0xbf: {  	[dreg:$0x0] =	wrdreg $0xFFFFFFFF;
	(pc) =	sbr.abs _section_cstart, $3  }
0xc0: {  	[dreg:$0x1] =	wrdreg $0xFFFFFFFF  }
0xc1: {  	_ =	task.clear_ibuf [dreg:s6], $0x2FFFF;
	_ =	strace $0x9FFFFFFF  }
0xc2: {  	(tm) =	ssettm $0x7FFFFFFF  }
0xc3: {  	_ =	shalt  }
tec
execute0_lowered:
.L_overlay_start_1:
0x0: {  	(tag) =	ssettag $0x1  }
0x1: {  	s0 =	srdreg.scid  }
0x2: {  	s11 =	stileid.u32;
	s5 =	rddreg [dreg:$0x0]  }
0x3: {  	s2 =	rddreg [dreg:$0x1];
	s3 =	simm.s32 $0x0;
	s13 =	simm.s32 $0x2880  }
0x4: {  	s15 =	simm.s32 $0x2900;
	s16 =	simm.s32 $0x2980;
	s17 =	simm.s32 $0x2A00  }
0x5: {  	s18 =	simm.s32 $0x2A80;
	s19 =	simm.s32 $0x2B00;
	s20 =	simm.s32 $0x2B80  }
0x6: {  	s21 =	simm.s32 $0x2C00;
	s22 =	simm.s32 $0x2C80;
	[smem:$0x7FF] =	sst s3  }
0x7: {  	s23 =	simm.s32 $0x2D00;
	_ =	strace $0x8000004D;
	[dreg:$0x3] =	wrdreg s13  }
0x8: {  	s24 =	simm.s32 $0x2D80;
	s25 =	simm.s32 $0x2E00;
	[dreg:$0x4] =	wrdreg s15  }
0x9: {  	s26 =	simm.s32 $0x2E80;
	s30 =	simm.s32 $0x2F00;
	[dreg:$0x5] =	wrdreg s16  }
0xa: {  	s28 =	simm.s32 $0x8;
	s29 =	simm.s32 $0x0;
	[dreg:$0x6] =	wrdreg s17  }
0xb: {  	s0 =	sand.u32 $0x1, s0;
	s7 =	smul.u32 $0x14000, s11;
	[dreg:$0x7] =	wrdreg s18  }
0xc: {  	s4 =	sadd.s32 $0x2A800, s5;
	s10 =	smul.u32 $0x500, s11;
	[dreg:$0x8] =	wrdreg s19  }
0xd: {  	s14 =	sshll.u32 s11, $0x6;
	s6 =	smul.u32 $0x5000, s0;
	[dreg:$0x9] =	wrdreg s20  }
0xe: {  	s1 =	sshll.u32 s0, $0x4;
	s8 =	smul.u32 $0x140000, s0;
	[dreg:$0xa] =	wrdreg s21  }
0xf: {  	s0 =	ssub.s32 $0x2, s0;
	s13 =	simm.s32 $0x80;
	[dreg:$0xb] =	wrdreg s22  }
0x10: {  	s15 =	simm.s32 $0x5000;
	s17 =	simm.s32 $0x7000;
	[dreg:$0xc] =	wrdreg s23  }
0x11: {  	s18 =	simm.s32 $0x2800;
	s19 =	simm.s32 $0x1;
	[dreg:$0xd] =	wrdreg s24  }
0x12: {  	s20 =	simm.s32 $0x9000;
	s21 =	simm.s32 $0x2;
	[dreg:$0xe] =	wrdreg s25  }
0x13: {  	s22 =	simm.s32 $0x5;
	[dreg:$0xf] =	wrdreg s26;
	s23 =	simm.s32 $0x3  }
0x14: {  	[dreg:$0x10] =	wrdreg s30;
	s24 =	simm.s32 $0x6;
	s25 =	simm.s32 $0x4  }
0x15: {  	s1 =	sor.u32 s11, s1;
	s9 =	sshrl.u32 s7, $0x4;
	s31 =	sshrl.u32 s0, $0x1  }
0x16: {  	s1 =	smul.u32 $0x500, s1;
	s6 =	sadd.s32 s6, s5;
	s8 =	sadd.s32 s7, s8  }
0x17: {  	s9 =	sadd.s32 s9, s5;
	s0 =	ssub.s32 s0, s31;
	s31 =	simm.s32 $0x2F80  }
0x18: {  	s8 =	sshrl.u32 s8, $0x4;
	s9 =	sadd.s32 $0x16800, s9;
	[dreg:$0x11] =	wrdreg s31  }
0x19: {  	s0 =	smax.u32 s0, $0x1;
	s12 =	sadd.s32 s10, s6;
	[dreg:$0x13] =	wrdreg s9  }
0x1a: {  	s1 =	sadd.s32 s1, s5;
	[dreg:$0x15] =	wrdreg s0;
	s0 =	sadd.s32 $0x2200, s12  }
0x1b: {  	s5 =	sadd.s32 s8, s5;
	s1 =	sadd.s32 $0xC200, s1;
	[dreg:$0x16] =	wrdreg s0  }
0x1c: {  	s7 =	sshrl.u32 s7, $0x1;
	s5 =	sadd.s32 $0x3E200, s5;
	[dreg:$0x12] =	wrdreg s1  }
0x1d: {  	s8 =	sadd.s32 s7, s2;
	[dreg:$0x14] =	wrdreg s5;
	s5 =	sor.u32 $0x1C09, s14  }
0x1e: {  	s26 =	simm.s32 $0x7;
	s1 =	sshrl.u32 s8, $0x3;
	[dreg:$0x17] =	wrdreg s5  }
0x1f: {  	s10 =	simm.s32 $0x9;
	s14 =	simm.s32 $0x3000;
	[dreg:$0x18] =	wrdreg s1  }
.LBB2_1:
0x20: {  	s0 =	rddreg [dreg:$0x12]  }
0x21: {  	[tilespmem:s3], [sflag:$0x9] =	stream.linear.gather [hbm4b:s0+s3], $0x2800, $0x38;
	[tilespmem:$0x15000] =	vst v63  }
0x22: {  	_ =	swait.ge [sflag:s10], $0x2800  }
0x23: {  	[sflag:s10] =	ssyncset.done $0x0  }
0x24: {  	s6 =	rddreg [dreg:$0x13];
	[sflag:s10] =	ssyncadd.s32 $0xFFFFD800  }
0x25: {  	[spmem:s1], [sflag:s5] =	dma.local [hbm:s6], $0x1400  }
0x26: {  	_ =	swait.ge [sflag:s10], $0x1400  }
0x27: {  	[sflag:s10] =	ssyncset.done $0x0  }
0x28: {  	[sflag:s10] =	ssyncadd.s32 $0xFFFFEC00  }
0x29: {  	[bflag:$0x0] =	sbarrier.arrive $0xFFFF  }
0x2a: {  	[tilespmem:s14], [sflag:$0x1] =	stream.indirect.gather [hbm4b:s4+s13], $0x40, s3, s13, $0xb8;
	[tilespmem:$0x15000] =	vst v63  }
0x2b: {  	p0 =	por $0x1, $0x1  }
0x2c: {  	[tilespmem:s15], [sflag:$0x2] =	stream.indirect.gather [hbm4b:s4+s13], $0x40, s13, s13, $0xb8;
	[tilespmem:$0x15000] =	vst v63  }
0x2d: {  	s7 =	simm.s32 $0x100;
	s0 =	simm.s32 @!p0 $0x8  }
0x2e: {  	[tilespmem:s17], [sflag:$0x3] =	stream.indirect.gather [hbm4b:s4+s13], $0x40, s7, s13, $0xb8;
	[tilespmem:$0x15000] =	vst v63  }
0x2f: {  	_ =	swait.ge @!p0 [sflag:s0], $0x2000  }
0x30: {  	[sflag:s0] =	ssyncset.done @!p0 $0x0  }
0x31: {  	s6 =	rddreg [dreg:$0x16];
	[sflag:s0] =	ssyncadd.s32 @!p0 $0xFFFFE000  }
0x32: {  	[tilespmem:s18], [sflag:$0x9] =	stream.linear.gather [hbm4b:s6+s3], $0x800, $0x38;
	[tilespmem:$0x15000] =	vst v63  }
0x33: {  	_ =	swait.ge [sflag:s10], $0x800  }
0x34: {  	[sflag:s10] =	ssyncset.done $0x0  }
0x35: {  	[sflag:s10] =	ssyncadd.s32 $0xFFFFF800  }
0x36: {  	_ =	swait.ge [sflag:s19], $0x2000  }
0x37: {  	[sflag:s19] =	ssyncset.done $0x0  }
0x38: {  	[sflag:s19] =	ssyncadd.s32 $0xFFFFE000  }
0x39: {  	[spmem:s2] =	stream.indirect.scatter.add.bf16 [tilespmem:s14], [sflag:$0x5], $0x40, s18, s13, $0xb8;
	[tilespmem:$0x15000] =	vst v63  }
0x3a: {  	s8 =	simm.s32 $0x180  }
0x3b: {  	[tilespmem:s20], [sflag:$0x4] =	stream.indirect.gather [hbm4b:s4+s13], $0x40, s8, s13, $0xb8;
	[tilespmem:$0x15000] =	vst v63  }
0x3c: {  	_ =	swait.ge [sflag:s21], $0x2000  }
0x3d: {  	[sflag:s21] =	ssyncset.done $0x0  }
0x3e: {  	[sflag:s21] =	ssyncadd.s32 $0xFFFFE000  }
0x3f: {  	_ =	swait.ge [sflag:s22], $0x2000  }
0x40: {  	[sflag:s22] =	ssyncset.done $0x0  }
0x41: {  	s9 =	rddreg [dreg:$0x3];
	[sflag:s22] =	ssyncadd.s32 $0xFFFFE000  }
0x42: {  	[spmem:s2] =	stream.indirect.scatter.add.bf16 [tilespmem:s15], [sflag:$0x6], $0x40, s9, s13, $0xb8;
	[tilespmem:$0x15000] =	vst v63  }
0x43: {  	s11 =	simm.s32 $0x200  }
0x44: {  	[tilespmem:s14], [sflag:$0x1] =	stream.indirect.gather [hbm4b:s4+s13], $0x40, s11, s13, $0xb8;
	[tilespmem:$0x15000] =	vst v63  }
0x45: {  	_ =	swait.ge [sflag:s23], $0x2000  }
0x46: {  	[sflag:s23] =	ssyncset.done $0x0  }
0x47: {  	[sflag:s23] =	ssyncadd.s32 $0xFFFFE000  }
0x48: {  	_ =	swait.ge [sflag:s24], $0x2000  }
0x49: {  	[sflag:s24] =	ssyncset.done $0x0  }
0x4a: {  	s12 =	rddreg [dreg:$0x4];
	[sflag:s24] =	ssyncadd.s32 $0xFFFFE000  }
0x4b: {  	[spmem:s2] =	stream.indirect.scatter.add.bf16 [tilespmem:s17], [sflag:$0x7], $0x40, s12, s13, $0xb8;
	[tilespmem:$0x15000] =	vst v63  }
0x4c: {  	s16 =	simm.s32 $0x280  }
0x4d: {  	[tilespmem:s15], [sflag:$0x2] =	stream.indirect.gather [hbm4b:s4+s13], $0x40, s16, s13, $0xb8;
	[tilespmem:$0x15000] =	vst v63  }
0x4e: {  	_ =	swait.ge [sflag:s25], $0x2000  }
0x4f: {  	[sflag:s25] =	ssyncset.done $0x0  }
0x50: {  	[sflag:s25] =	ssyncadd.s32 $0xFFFFE000  }
0x51: {  	_ =	swait.ge [sflag:s26], $0x2000  }
0x52: {  	[sflag:s26] =	ssyncset.done $0x0  }
0x53: {  	s1 =	rddreg [dreg:$0x5];
	[sflag:s26] =	ssyncadd.s32 $0xFFFFE000  }
0x54: {  	[spmem:s2] =	stream.indirect.scatter.add.bf16 [tilespmem:s20], [sflag:$0x8], $0x40, s1, s13, $0xb8;
	[tilespmem:$0x15000] =	vst v63  }
0x55: {  	s5 =	simm.s32 $0x300  }
0x56: {  	[tilespmem:s17], [sflag:$0x3] =	stream.indirect.gather [hbm4b:s4+s13], $0x40, s5, s13, $0xb8;
	[tilespmem:$0x15000] =	vst v63  }
0x57: {  	_ =	swait.ge [sflag:s19], $0x2000  }
0x58: {  	[sflag:s19] =	ssyncset.done $0x0  }
0x59: {  	[sflag:s19] =	ssyncadd.s32 $0xFFFFE000  }
0x5a: {  	_ =	swait.ge [sflag:s28], $0x2000  }
0x5b: {  	[sflag:s28] =	ssyncset.done $0x0  }
0x5c: {  	s7 =	rddreg [dreg:$0x6];
	[sflag:s28] =	ssyncadd.s32 $0xFFFFE000  }
0x5d: {  	[spmem:s2] =	stream.indirect.scatter.add.bf16 [tilespmem:s14], [sflag:$0x5], $0x40, s7, s13, $0xb8;
	[tilespmem:$0x15000] =	vst v63  }
0x5e: {  	s8 =	simm.s32 $0x380  }
0x5f: {  	[tilespmem:s20], [sflag:$0x4] =	stream.indirect.gather [hbm4b:s4+s13], $0x40, s8, s13, $0xb8;
	[tilespmem:$0x15000] =	vst v63  }
0x60: {  	_ =	swait.ge [sflag:s21], $0x2000  }
0x61: {  	[sflag:s21] =	ssyncset.done $0x0  }
0x62: {  	[sflag:s21] =	ssyncadd.s32 $0xFFFFE000  }
0x63: {  	_ =	swait.ge [sflag:s22], $0x2000  }
0x64: {  	[sflag:s22] =	ssyncset.done $0x0  }
0x65: {  	p0 =	por $0x0, $0x0;
	s9 =	rddreg [dreg:$0x7];
	[sflag:s22] =	ssyncadd.s32 $0xFFFFE000  }
0x66: {  	[spmem:s2] =	stream.indirect.scatter.add.bf16 [tilespmem:s15], [sflag:$0x6], $0x40, s9, s13, $0xb8;
	[tilespmem:$0x15000] =	vst v63  }
0x67: {  	s0 =	simm.s32 @!p0 $0x80;
	s1 =	simm.s32 @!p0 $0x3000;
	s5 =	simm.s32 @!p0 $0x400  }
0x68: {  	[tilespmem:s1], [sflag:$0x1] =	stream.indirect.gather @!p0 [hbm4b:s4+s0], $0x40, s5, s0, $0xb8;
	[tilespmem:$0x15000] =	vst v63  }
0x69: {  	_ =	swait.ge [sflag:s23], $0x2000  }
0x6a: {  	[sflag:s23] =	ssyncset.done $0x0  }
0x6b: {  	[sflag:s23] =	ssyncadd.s32 $0xFFFFE000  }
0x6c: {  	_ =	swait.ge [sflag:s24], $0x2000  }
0x6d: {  	[sflag:s24] =	ssyncset.done $0x0  }
0x6e: {  	p0 =	por $0x0, $0x0;
	s11 =	rddreg [dreg:$0x8];
	[sflag:s24] =	ssyncadd.s32 $0xFFFFE000  }
0x6f: {  	[spmem:s2] =	stream.indirect.scatter.add.bf16 [tilespmem:s17], [sflag:$0x7], $0x40, s11, s13, $0xb8;
	[tilespmem:$0x15000] =	vst v63  }
0x70: {  	s0 =	simm.s32 @!p0 $0x80;
	s1 =	simm.s32 @!p0 $0x5000;
	s5 =	simm.s32 @!p0 $0x480  }
0x71: {  	[tilespmem:s1], [sflag:$0x2] =	stream.indirect.gather @!p0 [hbm4b:s4+s0], $0x40, s5, s0, $0xb8;
	[tilespmem:$0x15000] =	vst v63  }
0x72: {  	_ =	swait.ge [sflag:s25], $0x2000  }
0x73: {  	[sflag:s25] =	ssyncset.done $0x0  }
0x74: {  	[sflag:s25] =	ssyncadd.s32 $0xFFFFE000  }
0x75: {  	_ =	swait.ge [sflag:s26], $0x2000  }
0x76: {  	[sflag:s26] =	ssyncset.done $0x0  }
0x77: {  	p0 =	por $0x0, $0x0;
	s12 =	rddreg [dreg:$0x9];
	[sflag:s26] =	ssyncadd.s32 $0xFFFFE000  }
0x78: {  	[spmem:s2] =	stream.indirect.scatter.add.bf16 [tilespmem:s20], [sflag:$0x8], $0x40, s12, s13, $0xb8;
	[tilespmem:$0x15000] =	vst v63  }
0x79: {  	s0 =	simm.s32 @!p0 $0x80;
	s1 =	simm.s32 @!p0 $0x7000;
	s5 =	simm.s32 @!p0 $0x500  }
0x7a: {  	[tilespmem:s1], [sflag:$0x3] =	stream.indirect.gather @!p0 [hbm4b:s4+s0], $0x40, s5, s0, $0xb8;
	[tilespmem:$0x15000] =	vst v63  }
0x7b: {  	_ =	swait.ge [sflag:s19], $0x2000  }
0x7c: {  	[sflag:s19] =	ssyncset.done $0x0  }
0x7d: {  	[sflag:s19] =	ssyncadd.s32 $0xFFFFE000  }
0x7e: {  	_ =	swait.ge [sflag:s28], $0x2000  }
0x7f: {  	[sflag:s28] =	ssyncset.done $0x0  }
0x80: {  	s16 =	rddreg [dreg:$0xa];
	[sflag:s28] =	ssyncadd.s32 $0xFFFFE000  }
0x81: {  	[spmem:s2] =	stream.indirect.scatter.add.bf16 [tilespmem:s14], [sflag:$0x5], $0x40, s16, s13, $0xb8;
	[tilespmem:$0x15000] =	vst v63  }
0x82: {  	s1 =	simm.s32 $0x580  }
0x83: {  	[tilespmem:s20], [sflag:$0x4] =	stream.indirect.gather [hbm4b:s4+s13], $0x40, s1, s13, $0xb8;
	[tilespmem:$0x15000] =	vst v63  }
0x84: {  	_ =	swait.ge [sflag:s21], $0x2000  }
0x85: {  	[sflag:s21] =	ssyncset.done $0x0  }
0x86: {  	[sflag:s21] =	ssyncadd.s32 $0xFFFFE000  }
0x87: {  	_ =	swait.ge [sflag:s22], $0x2000  }
0x88: {  	[sflag:s22] =	ssyncset.done $0x0  }
0x89: {  	p0 =	por $0x0, $0x0;
	s5 =	rddreg [dreg:$0xb];
	[sflag:s22] =	ssyncadd.s32 $0xFFFFE000  }
0x8a: {  	[spmem:s2] =	stream.indirect.scatter.add.bf16 [tilespmem:s15], [sflag:$0x6], $0x40, s5, s13, $0xb8;
	[tilespmem:$0x15000] =	vst v63  }
0x8b: {  	s0 =	simm.s32 @!p0 $0x80;
	s1 =	simm.s32 @!p0 $0x3000;
	s5 =	simm.s32 @!p0 $0x600  }
0x8c: {  	[tilespmem:s1], [sflag:$0x1] =	stream.indirect.gather @!p0 [hbm4b:s4+s0], $0x40, s5, s0, $0xb8;
	[tilespmem:$0x15000] =	vst v63  }
0x8d: {  	_ =	swait.ge [sflag:s23], $0x2000  }
0x8e: {  	[sflag:s23] =	ssyncset.done $0x0  }
0x8f: {  	[sflag:s23] =	ssyncadd.s32 $0xFFFFE000  }
0x90: {  	_ =	swait.ge [sflag:s24], $0x2000  }
0x91: {  	[sflag:s24] =	ssyncset.done $0x0  }
0x92: {  	p0 =	por $0x0, $0x0;
	s7 =	rddreg [dreg:$0xc];
	[sflag:s24] =	ssyncadd.s32 $0xFFFFE000  }
0x93: {  	[spmem:s2] =	stream.indirect.scatter.add.bf16 [tilespmem:s17], [sflag:$0x7], $0x40, s7, s13, $0xb8;
	[tilespmem:$0x15000] =	vst v63  }
0x94: {  	s0 =	simm.s32 @!p0 $0x80;
	s1 =	simm.s32 @!p0 $0x5000;
	s5 =	simm.s32 @!p0 $0x680  }
0x95: {  	[tilespmem:s1], [sflag:$0x2] =	stream.indirect.gather @!p0 [hbm4b:s4+s0], $0x40, s5, s0, $0xb8;
	[tilespmem:$0x15000] =	vst v63  }
0x96: {  	_ =	swait.ge [sflag:s25], $0x2000  }
0x97: {  	[sflag:s25] =	ssyncset.done $0x0  }
0x98: {  	[sflag:s25] =	ssyncadd.s32 $0xFFFFE000  }
0x99: {  	_ =	swait.ge [sflag:s26], $0x2000  }
0x9a: {  	[sflag:s26] =	ssyncset.done $0x0  }
0x9b: {  	p0 =	por $0x0, $0x0;
	s8 =	rddreg [dreg:$0xd];
	[sflag:s26] =	ssyncadd.s32 $0xFFFFE000  }
0x9c: {  	[spmem:s2] =	stream.indirect.scatter.add.bf16 [tilespmem:s20], [sflag:$0x8], $0x40, s8, s13, $0xb8;
	[tilespmem:$0x15000] =	vst v63  }
0x9d: {  	s0 =	simm.s32 @!p0 $0x80;
	s1 =	simm.s32 @!p0 $0x7000;
	s5 =	simm.s32 @!p0 $0x700  }
0x9e: {  	[tilespmem:s1], [sflag:$0x3] =	stream.indirect.gather @!p0 [hbm4b:s4+s0], $0x40, s5, s0, $0xb8;
	[tilespmem:$0x15000] =	vst v63  }
0x9f: {  	_ =	swait.ge [sflag:s19], $0x2000  }
0xa0: {  	[sflag:s19] =	ssyncset.done $0x0  }
0xa1: {  	[sflag:s19] =	ssyncadd.s32 $0xFFFFE000  }
0xa2: {  	_ =	swait.ge [sflag:s28], $0x2000  }
0xa3: {  	[sflag:s28] =	ssyncset.done $0x0  }
0xa4: {  	s9 =	rddreg [dreg:$0xe];
	[sflag:s28] =	ssyncadd.s32 $0xFFFFE000  }
0xa5: {  	[spmem:s2] =	stream.indirect.scatter.add.bf16 [tilespmem:s14], [sflag:$0x5], $0x40, s9, s13, $0xb8;
	[tilespmem:$0x15000] =	vst v63  }
0xa6: {  	s11 =	simm.s32 $0x780  }
0xa7: {  	[tilespmem:s20], [sflag:$0x4] =	stream.indirect.gather [hbm4b:s4+s13], $0x40, s11, s13, $0xb8;
	[tilespmem:$0x15000] =	vst v63  }
0xa8: {  	_ =	swait.ge [sflag:s21], $0x2000  }
0xa9: {  	[sflag:s21] =	ssyncset.done $0x0  }
0xaa: {  	[sflag:s21] =	ssyncadd.s32 $0xFFFFE000  }
0xab: {  	_ =	swait.ge [sflag:s22], $0x2000  }
0xac: {  	[sflag:s22] =	ssyncset.done $0x0  }
0xad: {  	p0 =	por $0x0, $0x0;
	s12 =	rddreg [dreg:$0xf];
	[sflag:s22] =	ssyncadd.s32 $0xFFFFE000  }
0xae: {  	[spmem:s2] =	stream.indirect.scatter.add.bf16 [tilespmem:s15], [sflag:$0x6], $0x40, s12, s13, $0xb8;
	[tilespmem:$0x15000] =	vst v63  }
0xaf: {  	s0 =	simm.s32 @!p0 $0x80;
	s1 =	simm.s32 @!p0 $0x3000;
	s5 =	simm.s32 @!p0 $0x800  }
0xb0: {  	[tilespmem:s1], [sflag:$0x1] =	stream.indirect.gather @!p0 [hbm4b:s4+s0], $0x40, s5, s0, $0xb8;
	[tilespmem:$0x15000] =	vst v63  }
0xb1: {  	_ =	swait.ge [sflag:s23], $0x2000  }
0xb2: {  	[sflag:s23] =	ssyncset.done $0x0  }
0xb3: {  	[sflag:s23] =	ssyncadd.s32 $0xFFFFE000  }
0xb4: {  	_ =	swait.ge [sflag:s24], $0x2000  }
0xb5: {  	[sflag:s24] =	ssyncset.done $0x0  }
0xb6: {  	p0 =	por $0x0, $0x0;
	s16 =	rddreg [dreg:$0x10];
	[sflag:s24] =	ssyncadd.s32 $0xFFFFE000  }
0xb7: {  	[spmem:s2] =	stream.indirect.scatter.add.bf16 [tilespmem:s17], [sflag:$0x7], $0x40, s16, s13, $0xb8;
	[tilespmem:$0x15000] =	vst v63  }
0xb8: {  	s0 =	simm.s32 @!p0 $0x80;
	s1 =	simm.s32 @!p0 $0x5000;
	s5 =	simm.s32 @!p0 $0x880  }
0xb9: {  	[tilespmem:s1], [sflag:$0x2] =	stream.indirect.gather @!p0 [hbm4b:s4+s0], $0x40, s5, s0, $0xb8;
	[tilespmem:$0x15000] =	vst v63  }
0xba: {  	s30 =	simm.s32 $0x2000;
	_ =	swait.ge [sflag:s25], $0x2000  }
0xbb: {  	s31 =	simm.s32 $0x1C;
	p2 =	por $0x0, $0x0;
	[sflag:s25] =	ssyncset.done $0x0  }
0xbc: {  	p1 =	por $0x0, $0x0;
	s7 =	simm.s32 @!p2 $0x7000;
	[sflag:s25] =	ssyncadd.s32 $0xFFFFE000  }
0xbd: {  	s0 =	simm.s32 $0x4000;
	s1 =	sadd.s32 $0x100, s6;
	_ =	swait.ge [sflag:s26], $0x2000  }
0xbe: {  	s5 =	simm.s32 @!p2 $0x0;
	s6 =	rddreg [dreg:$0x11];
	[sflag:s26] =	ssyncset.done $0x0  }
.LBB2_2:
0xbf: {  	[sflag:s26] =	ssyncadd.s32 $0xFFFFE000  }
0xc0: {  	[spmem:s2] =	stream.indirect.scatter.add.bf16 [tilespmem:s20], [sflag:$0x8], $0x40, s6, s13, $0xb8;
	[tilespmem:$0x15000] =	vst v63  }
0xc1: {  	s8 =	sadd.s32 @!p2 $0x900, s5;
	s9 =	simm.s32 @!p2 $0x80;
	s6 =	simm.s32 @!p1 $0x8  }
0xc2: {  	[tilespmem:s7], [sflag:$0x3] =	stream.indirect.gather @!p2 [hbm4b:s4+s9], $0x40, s8, s9, $0xb8;
	[tilespmem:$0x15000] =	vst v63  }
0xc3: {  	_ =	swait.ge @!p1 [sflag:s6], $0x2000  }
0xc4: {  	[sflag:s6] =	ssyncset.done @!p1 $0x0  }
0xc5: {  	[sflag:s6] =	ssyncadd.s32 @!p1 $0xFFFFE000  }
0xc6: {  	[tilespmem:s18], [sflag:$0x9] =	stream.linear.gather [hbm4b:s1+s3], $0x800, $0x38;
	[tilespmem:$0x15000] =	vst v63  }
0xc7: {  	_ =	swait.ge [sflag:s10], $0x800  }
0xc8: {  	[sflag:s10] =	ssyncset.done $0x0  }
0xc9: {  	[sflag:s10] =	ssyncadd.s32 $0xFFFFF800  }
0xca: {  	_ =	swait.ge [sflag:s19], $0x2000  }
0xcb: {  	s16 =	smov.u32 s30;
	[sflag:s19] =	ssyncset.done $0x0  }
0xcc: {  	s6 =	sshra.s32 s16, $0x2;
	[sflag:s19] =	ssyncadd.s32 $0xFFFFE000  }
0xcd: {  	[spmem:s2] =	stream.indirect.scatter.add.bf16 [tilespmem:s14], [sflag:$0x5], $0x40, s18, s13, $0xb8;
	[tilespmem:$0x15000] =	vst v63  }
0xce: {  	s11 =	sadd.s32 $0x180, s6  }
0xcf: {  	[tilespmem:s20], [sflag:$0x4] =	stream.indirect.gather [hbm4b:s4+s13], $0x40, s11, s13, $0xb8;
	[tilespmem:$0x15000] =	vst v63  }
0xd0: {  	_ =	swait.ge [sflag:s21], $0x2000  }
0xd1: {  	[sflag:s21] =	ssyncset.done $0x0  }
0xd2: {  	[sflag:s21] =	ssyncadd.s32 $0xFFFFE000  }
0xd3: {  	_ =	swait.ge [sflag:s22], $0x2000  }
0xd4: {  	[sflag:s22] =	ssyncset.done $0x0  }
0xd5: {  	s12 =	rddreg [dreg:$0x3];
	[sflag:s22] =	ssyncadd.s32 $0xFFFFE000  }
0xd6: {  	[spmem:s2] =	stream.indirect.scatter.add.bf16 [tilespmem:s15], [sflag:$0x6], $0x40, s12, s13, $0xb8;
	[tilespmem:$0x15000] =	vst v63  }
0xd7: {  	s8 =	sadd.s32 $0x200, s6  }
0xd8: {  	[tilespmem:s14], [sflag:$0x1] =	stream.indirect.gather [hbm4b:s4+s13], $0x40, s8, s13, $0xb8;
	[tilespmem:$0x15000] =	vst v63  }
0xd9: {  	_ =	swait.ge [sflag:s23], $0x2000  }
0xda: {  	[sflag:s23] =	ssyncset.done $0x0  }
0xdb: {  	[sflag:s23] =	ssyncadd.s32 $0xFFFFE000  }
0xdc: {  	_ =	swait.ge [sflag:s24], $0x2000  }
0xdd: {  	[sflag:s24] =	ssyncset.done $0x0  }
0xde: {  	s9 =	rddreg [dreg:$0x4];
	[sflag:s24] =	ssyncadd.s32 $0xFFFFE000  }
0xdf: {  	[spmem:s2] =	stream.indirect.scatter.add.bf16 [tilespmem:s17], [sflag:$0x7], $0x40, s9, s13, $0xb8;
	[tilespmem:$0x15000] =	vst v63  }
0xe0: {  	s11 =	sadd.s32 $0x280, s6  }
0xe1: {  	[tilespmem:s15], [sflag:$0x2] =	stream.indirect.gather [hbm4b:s4+s13], $0x40, s11, s13, $0xb8;
	[tilespmem:$0x15000] =	vst v63  }
0xe2: {  	_ =	swait.ge [sflag:s25], $0x2000  }
0xe3: {  	[sflag:s25] =	ssyncset.done $0x0  }
0xe4: {  	[sflag:s25] =	ssyncadd.s32 $0xFFFFE000  }
0xe5: {  	_ =	swait.ge [sflag:s26], $0x2000  }
0xe6: {  	[sflag:s26] =	ssyncset.done $0x0  }
0xe7: {  	s12 =	rddreg [dreg:$0x5];
	[sflag:s26] =	ssyncadd.s32 $0xFFFFE000  }
0xe8: {  	[spmem:s2] =	stream.indirect.scatter.add.bf16 [tilespmem:s20], [sflag:$0x8], $0x40, s12, s13, $0xb8;
	[tilespmem:$0x15000] =	vst v63  }
0xe9: {  	s8 =	sadd.s32 $0x300, s6  }
0xea: {  	[tilespmem:s17], [sflag:$0x3] =	stream.indirect.gather [hbm4b:s4+s13], $0x40, s8, s13, $0xb8;
	[tilespmem:$0x15000] =	vst v63  }
0xeb: {  	_ =	swait.ge [sflag:s19], $0x2000  }
0xec: {  	[sflag:s19] =	ssyncset.done $0x0  }
0xed: {  	[sflag:s19] =	ssyncadd.s32 $0xFFFFE000  }
0xee: {  	_ =	swait.ge [sflag:s28], $0x2000  }
0xef: {  	[sflag:s28] =	ssyncset.done $0x0  }
0xf0: {  	s9 =	rddreg [dreg:$0x6];
	[sflag:s28] =	ssyncadd.s32 $0xFFFFE000  }
0xf1: {  	[spmem:s2] =	stream.indirect.scatter.add.bf16 [tilespmem:s14], [sflag:$0x5], $0x40, s9, s13, $0xb8;
	[tilespmem:$0x15000] =	vst v63  }
0xf2: {  	s11 =	sadd.s32 $0x380, s6  }
0xf3: {  	[tilespmem:s20], [sflag:$0x4] =	stream.indirect.gather [hbm4b:s4+s13], $0x40, s11, s13, $0xb8;
	[tilespmem:$0x15000] =	vst v63  }
0xf4: {  	_ =	swait.ge [sflag:s21], $0x2000  }
0xf5: {  	[sflag:s21] =	ssyncset.done $0x0  }
0xf6: {  	[sflag:s21] =	ssyncadd.s32 $0xFFFFE000  }
0xf7: {  	s7 =	sadd.s32 $0xFFFFFFF8, s31;
	_ =	swait.ge [sflag:s22], $0x2000  }
0xf8: {  	p1 =	sgt.u32 s7, $0x4B;
	[sflag:s22] =	ssyncset.done $0x0  }
0xf9: {  	s9 =	sshra.s32 @!p1 s16, $0x2;
	s8 =	rddreg [dreg:$0x7];
	[sflag:s22] =	ssyncadd.s32 $0xFFFFE000  }
0xfa: {  	[spmem:s2] =	stream.indirect.scatter.add.bf16 [tilespmem:s15], [sflag:$0x6], $0x40, s8, s13, $0xb8;
	[tilespmem:$0x15000] =	vst v63  }
0xfb: {  	s12 =	simm.s32 @!p1 $0x3000;
	s9 =	sadd.s32 @!p1 $0x400, s9;
	s11 =	simm.s32 @!p1 $0x80  }
0xfc: {  	[tilespmem:s12], [sflag:$0x1] =	stream.indirect.gather @!p1 [hbm4b:s4+s11], $0x40, s9, s11, $0xb8;
	[tilespmem:$0x15000] =	vst v63  }
0xfd: {  	_ =	swait.ge [sflag:s23], $0x2000  }
0xfe: {  	[sflag:s23] =	ssyncset.done $0x0  }
0xff: {  	[sflag:s23] =	ssyncadd.s32 $0xFFFFE000  }
0x100: {  	_ =	swait.ge [sflag:s24], $0x2000  }
0x101: {  	p1 =	sgt.u32 s7, $0x4A;
	[sflag:s24] =	ssyncset.done $0x0  }
0x102: {  	s9 =	sshra.s32 @!p1 s16, $0x2;
	s8 =	rddreg [dreg:$0x8];
	[sflag:s24] =	ssyncadd.s32 $0xFFFFE000  }
0x103: {  	[spmem:s2] =	stream.indirect.scatter.add.bf16 [tilespmem:s17], [sflag:$0x7], $0x40, s8, s13, $0xb8;
	[tilespmem:$0x15000] =	vst v63  }
0x104: {  	s11 =	simm.s32 @!p1 $0x80;
	s12 =	simm.s32 @!p1 $0x5000;
	s9 =	sadd.s32 @!p1 $0x480, s9  }
0x105: {  	[tilespmem:s12], [sflag:$0x2] =	stream.indirect.gather @!p1 [hbm4b:s4+s11], $0x40, s9, s11, $0xb8;
	[tilespmem:$0x15000] =	vst v63  }
0x106: {  	_ =	swait.ge [sflag:s25], $0x2000  }
0x107: {  	[sflag:s25] =	ssyncset.done $0x0  }
0x108: {  	[sflag:s25] =	ssyncadd.s32 $0xFFFFE000  }
0x109: {  	_ =	swait.ge [sflag:s26], $0x2000  }
0x10a: {  	p1 =	sgt.u32 s7, $0x49;
	[sflag:s26] =	ssyncset.done $0x0  }
0x10b: {  	s7 =	sshra.s32 @!p1 s16, $0x2;
	s12 =	rddreg [dreg:$0x9];
	[sflag:s26] =	ssyncadd.s32 $0xFFFFE000  }
0x10c: {  	[spmem:s2] =	stream.indirect.scatter.add.bf16 [tilespmem:s20], [sflag:$0x8], $0x40, s12, s13, $0xb8;
	[tilespmem:$0x15000] =	vst v63  }
0x10d: {  	s9 =	simm.s32 @!p1 $0x80;
	s11 =	simm.s32 @!p1 $0x7000;
	s7 =	sadd.s32 @!p1 $0x500, s7  }
0x10e: {  	[tilespmem:s11], [sflag:$0x3] =	stream.indirect.gather @!p1 [hbm4b:s4+s9], $0x40, s7, s9, $0xb8;
	[tilespmem:$0x15000] =	vst v63  }
0x10f: {  	_ =	swait.ge [sflag:s19], $0x2000  }
0x110: {  	[sflag:s19] =	ssyncset.done $0x0  }
0x111: {  	[sflag:s19] =	ssyncadd.s32 $0xFFFFE000  }
0x112: {  	_ =	swait.ge [sflag:s28], $0x2000  }
0x113: {  	[sflag:s28] =	ssyncset.done $0x0  }
0x114: {  	s9 =	rddreg [dreg:$0xa];
	[sflag:s28] =	ssyncadd.s32 $0xFFFFE000  }
0x115: {  	[spmem:s2] =	stream.indirect.scatter.add.bf16 [tilespmem:s14], [sflag:$0x5], $0x40, s9, s13, $0xb8;
	[tilespmem:$0x15000] =	vst v63  }
0x116: {  	s11 =	sadd.s32 $0x580, s6  }
0x117: {  	[tilespmem:s20], [sflag:$0x4] =	stream.indirect.gather [hbm4b:s4+s13], $0x40, s11, s13, $0xb8;
	[tilespmem:$0x15000] =	vst v63  }
0x118: {  	_ =	swait.ge [sflag:s21], $0x2000  }
0x119: {  	[sflag:s21] =	ssyncset.done $0x0  }
0x11a: {  	[sflag:s21] =	ssyncadd.s32 $0xFFFFE000  }
0x11b: {  	s7 =	sadd.s32 $0xFFFFFFFC, s31;
	_ =	swait.ge [sflag:s22], $0x2000  }
0x11c: {  	p1 =	sgt.u32 s7, $0x4B;
	[sflag:s22] =	ssyncset.done $0x0  }
0x11d: {  	s9 =	sshra.s32 @!p1 s16, $0x2;
	s8 =	rddreg [dreg:$0xb];
	[sflag:s22] =	ssyncadd.s32 $0xFFFFE000  }
0x11e: {  	[spmem:s2] =	stream.indirect.scatter.add.bf16 [tilespmem:s15], [sflag:$0x6], $0x40, s8, s13, $0xb8;
	[tilespmem:$0x15000] =	vst v63  }
0x11f: {  	s12 =	simm.s32 @!p1 $0x3000;
	s9 =	sadd.s32 @!p1 $0x600, s9;
	s11 =	simm.s32 @!p1 $0x80  }
0x120: {  	[tilespmem:s12], [sflag:$0x1] =	stream.indirect.gather @!p1 [hbm4b:s4+s11], $0x40, s9, s11, $0xb8;
	[tilespmem:$0x15000] =	vst v63  }
0x121: {  	_ =	swait.ge [sflag:s23], $0x2000  }
0x122: {  	[sflag:s23] =	ssyncset.done $0x0  }
0x123: {  	[sflag:s23] =	ssyncadd.s32 $0xFFFFE000  }
0x124: {  	_ =	swait.ge [sflag:s24], $0x2000  }
0x125: {  	p1 =	sgt.u32 s7, $0x4A;
	[sflag:s24] =	ssyncset.done $0x0  }
0x126: {  	s9 =	sshra.s32 @!p1 s16, $0x2;
	s8 =	rddreg [dreg:$0xc];
	[sflag:s24] =	ssyncadd.s32 $0xFFFFE000  }
0x127: {  	[spmem:s2] =	stream.indirect.scatter.add.bf16 [tilespmem:s17], [sflag:$0x7], $0x40, s8, s13, $0xb8;
	[tilespmem:$0x15000] =	vst v63  }
0x128: {  	s11 =	simm.s32 @!p1 $0x80;
	s12 =	simm.s32 @!p1 $0x5000;
	s9 =	sadd.s32 @!p1 $0x680, s9  }
0x129: {  	[tilespmem:s12], [sflag:$0x2] =	stream.indirect.gather @!p1 [hbm4b:s4+s11], $0x40, s9, s11, $0xb8;
	[tilespmem:$0x15000] =	vst v63  }
0x12a: {  	_ =	swait.ge [sflag:s25], $0x2000  }
0x12b: {  	[sflag:s25] =	ssyncset.done $0x0  }
0x12c: {  	[sflag:s25] =	ssyncadd.s32 $0xFFFFE000  }
0x12d: {  	_ =	swait.ge [sflag:s26], $0x2000  }
0x12e: {  	p1 =	sgt.u32 s7, $0x49;
	[sflag:s26] =	ssyncset.done $0x0  }
0x12f: {  	s7 =	sshra.s32 @!p1 s16, $0x2;
	s12 =	rddreg [dreg:$0xd];
	[sflag:s26] =	ssyncadd.s32 $0xFFFFE000  }
0x130: {  	[spmem:s2] =	stream.indirect.scatter.add.bf16 [tilespmem:s20], [sflag:$0x8], $0x40, s12, s13, $0xb8;
	[tilespmem:$0x15000] =	vst v63  }
0x131: {  	s9 =	simm.s32 @!p1 $0x80;
	s11 =	simm.s32 @!p1 $0x7000;
	s7 =	sadd.s32 @!p1 $0x700, s7  }
0x132: {  	[tilespmem:s11], [sflag:$0x3] =	stream.indirect.gather @!p1 [hbm4b:s4+s9], $0x40, s7, s9, $0xb8;
	[tilespmem:$0x15000] =	vst v63  }
0x133: {  	_ =	swait.ge [sflag:s19], $0x2000  }
0x134: {  	[sflag:s19] =	ssyncset.done $0x0  }
0x135: {  	[sflag:s19] =	ssyncadd.s32 $0xFFFFE000  }
0x136: {  	_ =	swait.ge [sflag:s28], $0x2000  }
0x137: {  	[sflag:s28] =	ssyncset.done $0x0  }
0x138: {  	s9 =	rddreg [dreg:$0xe];
	[sflag:s28] =	ssyncadd.s32 $0xFFFFE000  }
0x139: {  	[spmem:s2] =	stream.indirect.scatter.add.bf16 [tilespmem:s14], [sflag:$0x5], $0x40, s9, s13, $0xb8;
	[tilespmem:$0x15000] =	vst v63  }
0x13a: {  	s6 =	sadd.s32 $0x780, s6  }
0x13b: {  	[tilespmem:s20], [sflag:$0x4] =	stream.indirect.gather [hbm4b:s4+s13], $0x40, s6, s13, $0xb8;
	[tilespmem:$0x15000] =	vst v63  }
0x13c: {  	_ =	swait.ge [sflag:s21], $0x2000  }
0x13d: {  	[sflag:s21] =	ssyncset.done $0x0  }
0x13e: {  	[sflag:s21] =	ssyncadd.s32 $0xFFFFE000  }
0x13f: {  	_ =	swait.ge [sflag:s22], $0x2000  }
0x140: {  	p1 =	sgt.u32 s31, $0x4B;
	[sflag:s22] =	ssyncset.done $0x0  }
0x141: {  	s7 =	sshra.s32 @!p1 s16, $0x2;
	s11 =	rddreg [dreg:$0xf];
	[sflag:s22] =	ssyncadd.s32 $0xFFFFE000  }
0x142: {  	[spmem:s2] =	stream.indirect.scatter.add.bf16 [tilespmem:s15], [sflag:$0x6], $0x40, s11, s13, $0xb8;
	[tilespmem:$0x15000] =	vst v63  }
0x143: {  	s8 =	simm.s32 @!p1 $0x80;
	s7 =	sadd.s32 @!p1 $0x800, s7;
	s9 =	simm.s32 @!p1 $0x3000  }
0x144: {  	[tilespmem:s9], [sflag:$0x1] =	stream.indirect.gather @!p1 [hbm4b:s4+s8], $0x40, s7, s8, $0xb8;
	[tilespmem:$0x15000] =	vst v63  }
0x145: {  	_ =	swait.ge [sflag:s23], $0x2000  }
0x146: {  	[sflag:s23] =	ssyncset.done $0x0  }
0x147: {  	[sflag:s23] =	ssyncadd.s32 $0xFFFFE000  }
0x148: {  	s30 =	smov.u32 s0;
	s0 =	sadd.s32 $0x2000, s0;
	_ =	swait.ge [sflag:s24], $0x2000  }
0x149: {  	p0 =	sne.s32 s0, $0xA000;
	p1 =	sgt.u32 s31, $0x4A;
	[sflag:s24] =	ssyncset.done $0x0  }
0x14a: {  	s7 =	sshra.s32 @!p1 s16, $0x2;
	s12 =	rddreg [dreg:$0x10];
	[sflag:s24] =	ssyncadd.s32 $0xFFFFE000  }
0x14b: {  	[spmem:s2] =	stream.indirect.scatter.add.bf16 [tilespmem:s17], [sflag:$0x7], $0x40, s12, s13, $0xb8;
	[tilespmem:$0x15000] =	vst v63  }
0x14c: {  	s8 =	simm.s32 @!p1 $0x80;
	s9 =	simm.s32 @!p1 $0x5000;
	s7 =	sadd.s32 @!p1 $0x880, s7  }
0x14d: {  	[tilespmem:s9], [sflag:$0x2] =	stream.indirect.gather @!p1 [hbm4b:s4+s8], $0x40, s7, s8, $0xb8;
	[tilespmem:$0x15000] =	vst v63  }
.Ltmp0:
0x14e: {  	s5 =	smov.u32 s31;
	_ =	swait.ge [sflag:s25], $0x2000;
	(pc) =	sbr.rel @p0 .LBB2_2-.Ltmp0, $4  }
0x14f: {  	p2 =	sgt.u32 s5, $0x49;
	[sflag:s25] =	ssyncset.done $0x0  }
0x150: {  	s5 =	sshra.s32 @!p2 s16, $0x2;
	s1 =	sadd.s32 $0x100, s1;
	[sflag:s25] =	ssyncadd.s32 $0xFFFFE000  }
0x151: {  	s31 =	sadd.s32 $0x10, s31;
	p1 =	seq.s32 s30, $0x0;
	_ =	swait.ge [sflag:s26], $0x2000  }
0x152: {  	s7 =	simm.s32 @!p2 $0x7000;
	s6 =	rddreg [dreg:$0x11];
	[sflag:s26] =	ssyncset.done $0x0  }
0x153: {  	[sflag:s26] =	ssyncadd.s32 $0xFFFFE000  }
0x154: {  	[spmem:s2] =	stream.indirect.scatter.add.bf16 [tilespmem:s20], [sflag:$0x8], $0x40, s6, s13, $0xb8;
	[tilespmem:$0x15000] =	vst v63  }
0x155: {  	s0 =	sadd.s32 @!p2 $0x900, s5;
	s5 =	simm.s32 @!p2 $0x80;
	s6 =	simm.s32 @!p1 $0x8  }
0x156: {  	[tilespmem:s7], [sflag:$0x3] =	stream.indirect.gather @!p2 [hbm4b:s4+s5], $0x40, s0, s5, $0xb8;
	[tilespmem:$0x15000] =	vst v63  }
0x157: {  	_ =	swait.ge @!p1 [sflag:s6], $0x2000  }
0x158: {  	[sflag:s6] =	ssyncset.done @!p1 $0x0  }
0x159: {  	[sflag:s6] =	ssyncadd.s32 @!p1 $0xFFFFE000  }
0x15a: {  	[tilespmem:s18], [sflag:$0x9] =	stream.linear.gather [hbm4b:s1+s3], $0x800, $0x38;
	[tilespmem:$0x15000] =	vst v63  }
0x15b: {  	_ =	swait.ge [sflag:s10], $0x800  }
0x15c: {  	[sflag:s10] =	ssyncset.done $0x0  }
0x15d: {  	[sflag:s10] =	ssyncadd.s32 $0xFFFFF800  }
0x15e: {  	_ =	swait.ge [sflag:s19], $0x2000  }
0x15f: {  	[sflag:s19] =	ssyncset.done $0x0  }
0x160: {  	s0 =	sshra.s32 s30, $0x2;
	[sflag:s19] =	ssyncadd.s32 $0xFFFFE000  }
0x161: {  	[spmem:s2] =	stream.indirect.scatter.add.bf16 [tilespmem:s14], [sflag:$0x5], $0x40, s18, s13, $0xb8;
	[tilespmem:$0x15000] =	vst v63  }
0x162: {  	s11 =	sadd.s32 $0x180, s0  }
0x163: {  	[tilespmem:s20], [sflag:$0x4] =	stream.indirect.gather [hbm4b:s4+s13], $0x40, s11, s13, $0xb8;
	[tilespmem:$0x15000] =	vst v63  }
0x164: {  	_ =	swait.ge [sflag:s21], $0x2000  }
0x165: {  	[sflag:s21] =	ssyncset.done $0x0  }
0x166: {  	[sflag:s21] =	ssyncadd.s32 $0xFFFFE000  }
0x167: {  	_ =	swait.ge [sflag:s22], $0x2000  }
0x168: {  	[sflag:s22] =	ssyncset.done $0x0  }
0x169: {  	s12 =	rddreg [dreg:$0x3];
	[sflag:s22] =	ssyncadd.s32 $0xFFFFE000  }
0x16a: {  	[spmem:s2] =	stream.indirect.scatter.add.bf16 [tilespmem:s15], [sflag:$0x6], $0x40, s12, s13, $0xb8;
	[tilespmem:$0x15000] =	vst v63  }
0x16b: {  	s16 =	sadd.s32 $0x200, s0  }
0x16c: {  	[tilespmem:s14], [sflag:$0x1] =	stream.indirect.gather [hbm4b:s4+s13], $0x40, s16, s13, $0xb8;
	[tilespmem:$0x15000] =	vst v63  }
0x16d: {  	_ =	swait.ge [sflag:s23], $0x2000  }
0x16e: {  	[sflag:s23] =	ssyncset.done $0x0  }
0x16f: {  	[sflag:s23] =	ssyncadd.s32 $0xFFFFE000  }
0x170: {  	_ =	swait.ge [sflag:s24], $0x2000  }
0x171: {  	[sflag:s24] =	ssyncset.done $0x0  }
0x172: {  	s5 =	rddreg [dreg:$0x4];
	[sflag:s24] =	ssyncadd.s32 $0xFFFFE000  }
0x173: {  	[spmem:s2] =	stream.indirect.scatter.add.bf16 [tilespmem:s17], [sflag:$0x7], $0x40, s5, s13, $0xb8;
	[tilespmem:$0x15000] =	vst v63  }
0x174: {  	s6 =	sadd.s32 $0x280, s0  }
0x175: {  	[tilespmem:s15], [sflag:$0x2] =	stream.indirect.gather [hbm4b:s4+s13], $0x40, s6, s13, $0xb8;
	[tilespmem:$0x15000] =	vst v63  }
0x176: {  	_ =	swait.ge [sflag:s25], $0x2000  }
0x177: {  	[sflag:s25] =	ssyncset.done $0x0  }
0x178: {  	[sflag:s25] =	ssyncadd.s32 $0xFFFFE000  }
0x179: {  	_ =	swait.ge [sflag:s26], $0x2000  }
0x17a: {  	[sflag:s26] =	ssyncset.done $0x0  }
0x17b: {  	s7 =	rddreg [dreg:$0x5];
	[sflag:s26] =	ssyncadd.s32 $0xFFFFE000  }
0x17c: {  	[spmem:s2] =	stream.indirect.scatter.add.bf16 [tilespmem:s20], [sflag:$0x8], $0x40, s7, s13, $0xb8;
	[tilespmem:$0x15000] =	vst v63  }
0x17d: {  	s8 =	sadd.s32 $0x300, s0  }
0x17e: {  	[tilespmem:s17], [sflag:$0x3] =	stream.indirect.gather [hbm4b:s4+s13], $0x40, s8, s13, $0xb8;
	[tilespmem:$0x15000] =	vst v63  }
0x17f: {  	_ =	swait.ge [sflag:s19], $0x2000  }
0x180: {  	[sflag:s19] =	ssyncset.done $0x0  }
0x181: {  	[sflag:s19] =	ssyncadd.s32 $0xFFFFE000  }
0x182: {  	_ =	swait.ge [sflag:s28], $0x2000  }
0x183: {  	[sflag:s28] =	ssyncset.done $0x0  }
0x184: {  	s9 =	rddreg [dreg:$0x6];
	[sflag:s28] =	ssyncadd.s32 $0xFFFFE000  }
0x185: {  	[spmem:s2] =	stream.indirect.scatter.add.bf16 [tilespmem:s14], [sflag:$0x5], $0x40, s9, s13, $0xb8;
	[tilespmem:$0x15000] =	vst v63  }
0x186: {  	s11 =	sadd.s32 $0x380, s0  }
0x187: {  	[tilespmem:s20], [sflag:$0x4] =	stream.indirect.gather [hbm4b:s4+s13], $0x40, s11, s13, $0xb8;
	[tilespmem:$0x15000] =	vst v63  }
0x188: {  	_ =	swait.ge [sflag:s21], $0x2000  }
0x189: {  	[sflag:s21] =	ssyncset.done $0x0  }
0x18a: {  	[sflag:s21] =	ssyncadd.s32 $0xFFFFE000  }
0x18b: {  	s12 =	sadd.s32 $0xFFFFFFF8, s31;
	_ =	swait.ge [sflag:s22], $0x2000  }
0x18c: {  	p0 =	sgt.u32 s12, $0x4B;
	[sflag:s22] =	ssyncset.done $0x0  }
0x18d: {  	s6 =	sshra.s32 @!p0 s30, $0x2;
	s16 =	rddreg [dreg:$0x7];
	[sflag:s22] =	ssyncadd.s32 $0xFFFFE000  }
0x18e: {  	[spmem:s2] =	stream.indirect.scatter.add.bf16 [tilespmem:s15], [sflag:$0x6], $0x40, s16, s13, $0xb8;
	[tilespmem:$0x15000] =	vst v63  }
0x18f: {  	s5 =	simm.s32 @!p0 $0x80;
	s6 =	sadd.s32 @!p0 $0x400, s6;
	s7 =	simm.s32 @!p0 $0x3000  }
0x190: {  	[tilespmem:s7], [sflag:$0x1] =	stream.indirect.gather @!p0 [hbm4b:s4+s5], $0x40, s6, s5, $0xb8;
	[tilespmem:$0x15000] =	vst v63  }
0x191: {  	_ =	swait.ge [sflag:s23], $0x2000  }
0x192: {  	[sflag:s23] =	ssyncset.done $0x0  }
0x193: {  	[sflag:s23] =	ssyncadd.s32 $0xFFFFE000  }
0x194: {  	_ =	swait.ge [sflag:s24], $0x2000  }
0x195: {  	p0 =	sgt.u32 s12, $0x4A;
	[sflag:s24] =	ssyncset.done $0x0  }
0x196: {  	s6 =	sshra.s32 @!p0 s30, $0x2;
	s7 =	rddreg [dreg:$0x8];
	[sflag:s24] =	ssyncadd.s32 $0xFFFFE000  }
0x197: {  	[spmem:s2] =	stream.indirect.scatter.add.bf16 [tilespmem:s17], [sflag:$0x7], $0x40, s7, s13, $0xb8;
	[tilespmem:$0x15000] =	vst v63  }
0x198: {  	s5 =	simm.s32 @!p0 $0x80;
	s6 =	sadd.s32 @!p0 $0x480, s6;
	s7 =	simm.s32 @!p0 $0x5000  }
0x199: {  	[tilespmem:s7], [sflag:$0x2] =	stream.indirect.gather @!p0 [hbm4b:s4+s5], $0x40, s6, s5, $0xb8;
	[tilespmem:$0x15000] =	vst v63  }
0x19a: {  	_ =	swait.ge [sflag:s25], $0x2000  }
0x19b: {  	[sflag:s25] =	ssyncset.done $0x0  }
0x19c: {  	[sflag:s25] =	ssyncadd.s32 $0xFFFFE000  }
0x19d: {  	_ =	swait.ge [sflag:s26], $0x2000  }
0x19e: {  	p0 =	sgt.u32 s12, $0x49;
	[sflag:s26] =	ssyncset.done $0x0  }
0x19f: {  	s1 =	sshra.s32 @!p0 s30, $0x2;
	s8 =	rddreg [dreg:$0x9];
	[sflag:s26] =	ssyncadd.s32 $0xFFFFE000  }
0x1a0: {  	[spmem:s2] =	stream.indirect.scatter.add.bf16 [tilespmem:s20], [sflag:$0x8], $0x40, s8, s13, $0xb8;
	[tilespmem:$0x15000] =	vst v63  }
0x1a1: {  	s5 =	simm.s32 @!p0 $0x80;
	s6 =	simm.s32 @!p0 $0x7000;
	s1 =	sadd.s32 @!p0 $0x500, s1  }
0x1a2: {  	[tilespmem:s6], [sflag:$0x3] =	stream.indirect.gather @!p0 [hbm4b:s4+s5], $0x40, s1, s5, $0xb8;
	[tilespmem:$0x15000] =	vst v63  }
0x1a3: {  	_ =	swait.ge [sflag:s19], $0x2000  }
0x1a4: {  	[sflag:s19] =	ssyncset.done $0x0  }
0x1a5: {  	[sflag:s19] =	ssyncadd.s32 $0xFFFFE000  }
0x1a6: {  	_ =	swait.ge [sflag:s28], $0x2000  }
0x1a7: {  	[sflag:s28] =	ssyncset.done $0x0  }
0x1a8: {  	s9 =	rddreg [dreg:$0xa];
	[sflag:s28] =	ssyncadd.s32 $0xFFFFE000  }
0x1a9: {  	[spmem:s2] =	stream.indirect.scatter.add.bf16 [tilespmem:s14], [sflag:$0x5], $0x40, s9, s13, $0xb8;
	[tilespmem:$0x15000] =	vst v63  }
0x1aa: {  	s11 =	sadd.s32 $0x580, s0  }
0x1ab: {  	[tilespmem:s20], [sflag:$0x4] =	stream.indirect.gather [hbm4b:s4+s13], $0x40, s11, s13, $0xb8;
	[tilespmem:$0x15000] =	vst v63  }
0x1ac: {  	_ =	swait.ge [sflag:s21], $0x2000  }
0x1ad: {  	[sflag:s21] =	ssyncset.done $0x0  }
0x1ae: {  	[sflag:s21] =	ssyncadd.s32 $0xFFFFE000  }
0x1af: {  	s12 =	sadd.s32 $0xFFFFFFFC, s31;
	_ =	swait.ge [sflag:s22], $0x2000  }
0x1b0: {  	p0 =	sgt.u32 s12, $0x4B;
	[sflag:s22] =	ssyncset.done $0x0  }
0x1b1: {  	s6 =	sshra.s32 @!p0 s30, $0x2;
	s16 =	rddreg [dreg:$0xb];
	[sflag:s22] =	ssyncadd.s32 $0xFFFFE000  }
0x1b2: {  	[spmem:s2] =	stream.indirect.scatter.add.bf16 [tilespmem:s15], [sflag:$0x6], $0x40, s16, s13, $0xb8;
	[tilespmem:$0x15000] =	vst v63  }
0x1b3: {  	s5 =	simm.s32 @!p0 $0x80;
	s7 =	simm.s32 @!p0 $0x3000;
	s6 =	sadd.s32 @!p0 $0x600, s6  }
0x1b4: {  	[tilespmem:s7], [sflag:$0x1] =	stream.indirect.gather @!p0 [hbm4b:s4+s5], $0x40, s6, s5, $0xb8;
	[tilespmem:$0x15000] =	vst v63  }
0x1b5: {  	_ =	swait.ge [sflag:s23], $0x2000  }
0x1b6: {  	[sflag:s23] =	ssyncset.done $0x0  }
0x1b7: {  	[sflag:s23] =	ssyncadd.s32 $0xFFFFE000  }
0x1b8: {  	_ =	swait.ge [sflag:s24], $0x2000  }
0x1b9: {  	p0 =	sgt.u32 s12, $0x4A;
	[sflag:s24] =	ssyncset.done $0x0  }
0x1ba: {  	s6 =	sshra.s32 @!p0 s30, $0x2;
	s7 =	rddreg [dreg:$0xc];
	[sflag:s24] =	ssyncadd.s32 $0xFFFFE000  }
0x1bb: {  	[spmem:s2] =	stream.indirect.scatter.add.bf16 [tilespmem:s17], [sflag:$0x7], $0x40, s7, s13, $0xb8;
	[tilespmem:$0x15000] =	vst v63  }
0x1bc: {  	s5 =	simm.s32 @!p0 $0x80;
	s6 =	sadd.s32 @!p0 $0x680, s6;
	s7 =	simm.s32 @!p0 $0x5000  }
0x1bd: {  	[tilespmem:s7], [sflag:$0x2] =	stream.indirect.gather @!p0 [hbm4b:s4+s5], $0x40, s6, s5, $0xb8;
	[tilespmem:$0x15000] =	vst v63  }
0x1be: {  	_ =	swait.ge [sflag:s25], $0x2000  }
0x1bf: {  	[sflag:s25] =	ssyncset.done $0x0  }
0x1c0: {  	[sflag:s25] =	ssyncadd.s32 $0xFFFFE000  }
0x1c1: {  	_ =	swait.ge [sflag:s26], $0x2000  }
0x1c2: {  	p0 =	sgt.u32 s12, $0x49;
	[sflag:s26] =	ssyncset.done $0x0  }
0x1c3: {  	s1 =	sshra.s32 @!p0 s30, $0x2;
	s8 =	rddreg [dreg:$0xd];
	[sflag:s26] =	ssyncadd.s32 $0xFFFFE000  }
0x1c4: {  	[spmem:s2] =	stream.indirect.scatter.add.bf16 [tilespmem:s20], [sflag:$0x8], $0x40, s8, s13, $0xb8;
	[tilespmem:$0x15000] =	vst v63  }
0x1c5: {  	s5 =	simm.s32 @!p0 $0x80;
	s6 =	simm.s32 @!p0 $0x7000;
	s1 =	sadd.s32 @!p0 $0x700, s1  }
0x1c6: {  	[tilespmem:s6], [sflag:$0x3] =	stream.indirect.gather @!p0 [hbm4b:s4+s5], $0x40, s1, s5, $0xb8;
	[tilespmem:$0x15000] =	vst v63  }
0x1c7: {  	_ =	swait.ge [sflag:s19], $0x2000  }
0x1c8: {  	[sflag:s19] =	ssyncset.done $0x0  }
0x1c9: {  	[sflag:s19] =	ssyncadd.s32 $0xFFFFE000  }
0x1ca: {  	_ =	swait.ge [sflag:s28], $0x2000  }
0x1cb: {  	[sflag:s28] =	ssyncset.done $0x0  }
0x1cc: {  	s9 =	rddreg [dreg:$0xe];
	[sflag:s28] =	ssyncadd.s32 $0xFFFFE000  }
0x1cd: {  	[spmem:s2] =	stream.indirect.scatter.add.bf16 [tilespmem:s14], [sflag:$0x5], $0x40, s9, s13, $0xb8;
	[tilespmem:$0x15000] =	vst v63  }
0x1ce: {  	s0 =	sadd.s32 $0x780, s0  }
0x1cf: {  	[tilespmem:s20], [sflag:$0x4] =	stream.indirect.gather [hbm4b:s4+s13], $0x40, s0, s13, $0xb8;
	[tilespmem:$0x15000] =	vst v63  }
0x1d0: {  	_ =	swait.ge [sflag:s21], $0x2000  }
0x1d1: {  	[sflag:s21] =	ssyncset.done $0x0  }
0x1d2: {  	[sflag:s21] =	ssyncadd.s32 $0xFFFFE000  }
0x1d3: {  	_ =	swait.ge [sflag:s22], $0x2000  }
0x1d4: {  	p0 =	sgt.u32 s31, $0x4B;
	[sflag:s22] =	ssyncset.done $0x0  }
0x1d5: {  	s1 =	sshra.s32 @!p0 s30, $0x2;
	s11 =	rddreg [dreg:$0xf];
	[sflag:s22] =	ssyncadd.s32 $0xFFFFE000  }
0x1d6: {  	[spmem:s2] =	stream.indirect.scatter.add.bf16 [tilespmem:s15], [sflag:$0x6], $0x40, s11, s13, $0xb8;
	[tilespmem:$0x15000] =	vst v63  }
0x1d7: {  	s5 =	simm.s32 @!p0 $0x3000;
	s1 =	sadd.s32 @!p0 $0x800, s1;
	s0 =	simm.s32 @!p0 $0x80  }
0x1d8: {  	[tilespmem:s5], [sflag:$0x1] =	stream.indirect.gather @!p0 [hbm4b:s4+s0], $0x40, s1, s0, $0xb8;
	[tilespmem:$0x15000] =	vst v63  }
0x1d9: {  	_ =	swait.ge [sflag:s23], $0x2000  }
0x1da: {  	[sflag:s23] =	ssyncset.done $0x0  }
0x1db: {  	[sflag:s23] =	ssyncadd.s32 $0xFFFFE000  }
0x1dc: {  	_ =	swait.ge [sflag:s24], $0x2000  }
0x1dd: {  	p0 =	sgt.u32 s31, $0x4A;
	[sflag:s24] =	ssyncset.done $0x0  }
0x1de: {  	s1 =	sshra.s32 @!p0 s30, $0x2;
	s12 =	rddreg [dreg:$0x10];
	[sflag:s24] =	ssyncadd.s32 $0xFFFFE000  }
0x1df: {  	[spmem:s2] =	stream.indirect.scatter.add.bf16 [tilespmem:s17], [sflag:$0x7], $0x40, s12, s13, $0xb8;
	[tilespmem:$0x15000] =	vst v63  }
0x1e0: {  	s0 =	simm.s32 @!p0 $0x80;
	s5 =	simm.s32 @!p0 $0x5000;
	s1 =	sadd.s32 @!p0 $0x880, s1  }
0x1e1: {  	[tilespmem:s5], [sflag:$0x2] =	stream.indirect.gather @!p0 [hbm4b:s4+s0], $0x40, s1, s0, $0xb8;
	[tilespmem:$0x15000] =	vst v63  }
0x1e2: {  	_ =	swait.ge [sflag:s25], $0x2000  }
0x1e3: {  	[sflag:s25] =	ssyncset.done $0x0  }
0x1e4: {  	[sflag:s25] =	ssyncadd.s32 $0xFFFFE000  }
0x1e5: {  	_ =	swait.ge [sflag:s26], $0x2000  }
0x1e6: {  	p0 =	sgt.u32 s31, $0x49;
	[sflag:s26] =	ssyncset.done $0x0  }
0x1e7: {  	s1 =	sshra.s32 @!p0 s30, $0x2;
	s16 =	rddreg [dreg:$0x11];
	[sflag:s26] =	ssyncadd.s32 $0xFFFFE000  }
0x1e8: {  	[spmem:s2] =	stream.indirect.scatter.add.bf16 [tilespmem:s20], [sflag:$0x8], $0x40, s16, s13, $0xb8;
	[tilespmem:$0x15000] =	vst v63  }
0x1e9: {  	s0 =	simm.s32 @!p0 $0x7000;
	s5 =	simm.s32 @!p0 $0x80;
	s1 =	sadd.s32 @!p0 $0x900, s1  }
0x1ea: {  	[tilespmem:s0], [sflag:$0x3] =	stream.indirect.gather @!p0 [hbm4b:s4+s5], $0x40, s1, s5, $0xb8;
	[tilespmem:$0x15000] =	vst v63  }
0x1eb: {  	_ =	swait.ge [sflag:s28], $0x2000  }
0x1ec: {  	[sflag:s28] =	ssyncset.done $0x0  }
0x1ed: {  	[sflag:s28] =	ssyncadd.s32 $0xFFFFE000  }
0x1ee: {  	[bflag:$0x0] =	sbarrier.arrive $0xFFFF  }
0x1ef: {  	s30 =	rddreg [dreg:$0x14]  }
0x1f0: {  	s5 =	rddreg [dreg:$0x17]  }
0x1f1: {  	s1 =	rddreg [dreg:$0x18]  }
0x1f2: {  	[hbm:s30], [sflag:s5] =	dma.local [spmem:s1], $0x1400  }
0x1f3: {  	_ =	swait.ge [sflag:s10], $0x1400  }
0x1f4: {  	s29 =	sadd.s32 $0x1, s29;
	s31 =	rddreg [dreg:$0x15]  }
0x1f5: {  	p0 =	sne.s32 s29, s31  }
.Ltmp1:
0x1f6: {  	_ = 	snop;
	(pc) =	sbr.rel @p0 .LBB2_1-.Ltmp1, $3  }
0x1f7: {  	_ =	sdelay $0x1  }
0x1f8: {  	[sflag:s10] =	ssyncset.done $0x0  }
0x1f9: {  	[sflag:s10] =	ssyncadd.s32 $0xFFFFEC00  }
0x1fa: {  	_ =	sfence.sel $0x180000  }
0x1fb: {  	[bflag:$0x0] =	sbarrier.arrive $0xFFFF  }
0x1fc: {  	_ =	strace $0x9000004D  }
0x1fd: {  	s0 =	stileid.u32;
	[bflag:$0x2] =	sbarrier.arrive $0xFFFF  }
0x1fe: {  	p0 =	sne.s32 s0, $0x0;
	s0 =	rddreg [dreg:$0x2]  }
0x1ff: {  	s0 =	sadd.s32 @!p0 $0x100000, s0  }
0x200: {  	[sflag:s0] =	ssyncadd.tile.s32 @!p0 $0x1;
	_ =	shalt  }
.Lfunc_end2:
_tile_overlayer_lowered:
.L_overlay_start_2:
0x201: {  	(tag) =	ssettag $0x2  }
0x202: {  	s0 =	rddreg [dreg:$0x0];
	s2 =	stileid.u32  }
0x203: {  	s1 =	rddreg [dreg:$0x1];
	p0 =	sne.s32 s2, $0x0  }
0x204: {  	s3 =	rddreg [dreg:$0x2];
	[bflag:$0x3] =	sbarrier.arrive $0xFFFF;
	s2 =	simm.s32 @!p0 $0x1C09  }
0x205: {  	[timem:s3], [sflag:s2] =	dma.local @!p0 [hbm:s0], s1  }
0x206: {  	s0 =	simm.s32 @!p0 $0x9  }
0x207: {  	_ =	swait.ge @!p0 [sflag:s0], s1  }
0x208: {  	s1 =	ssub.s32 @!p0 $0x0, s1;
	[sflag:s0] =	ssyncset.done @!p0 $0x0  }
0x209: {  	[sflag:s0] =	ssyncadd.s32 @!p0 s1  }
0x20a: {  	[bflag:$0x3] =	sbarrier.arrive $0xFFFF  }
0x20b: {  	_ =	shalt  }

// kernel: kernel.19.cloned.1.call-start
scs
__scs_entry_jumppad:
0x0: {  	(pc) =	sbr.rel $0x88, $3  }
0x1: {  	(tag) =	ssettag $0x0;
	lr =	simm.s32 $0x1  }
0x2: {  	[smem:$0x3F94] =	sst lr;
	_ =	strace $0xD0000000  }
0x3: {  	_ = 	snop  }
0x4: {  	_ = 	snop  }
0x5: {  	_ = 	snop  }
0x6: {  	_ = 	snop  }
0x7: {  	_ = 	snop  }
__scs_overlays_trampoline_lowered:
0x8: {  	[smem:$0x3FA3] =	sst s0  }
0x9: {  	[smem:$0x3FA4] =	sst s1  }
0xa: {  	[smem:$0x3FA5] =	sst s2  }
0xb: {  	[smem:$0x3FA6] =	sst s3  }
0xc: {  	[smem:$0x3FA7] =	sst s4  }
0xd: {  	[smem:$0x3FA8] =	sst s5  }
0xe: {  	[smem:$0x3FA9] =	sst s6  }
0xf: {  	[smem:$0x3FAA] =	sst s7  }
0x10: {  	[smem:$0x3FAB] =	sst s8  }
0x11: {  	[smem:$0x3FAC] =	sst s9;
	s0 =	simm.s32 @!p0 $0x0  }
0x12: {  	s1 =	sld [smem:$0x3F92];
	s0 =	simm.s32 @p0 $0x1  }
0x13: {  	[smem:$0x3FAD] =	sst s0;
	s0 =	simm.s32 @!p1 $0x0  }
0x14: {  	s2 =	sld [smem:$0x3F91];
	s0 =	simm.s32 @p1 $0x1  }
0x15: {  	[smem:$0x3FAE] =	sst s0;
	s0 =	simm.s32 @!p2 $0x0  }
0x16: {  	s3 =	sld [smem:$0x3FDB];
	s0 =	simm.s32 @p2 $0x1  }
0x17: {  	s4 =	simm.s32 $0x1BF5;
	[smem:$0x3FB0] =	sst s0  }
0x18: {  	s0 =	sld [smem:$0x3F93];
	_ =	swait.ge [sflag:s4], $0x0  }
0x19: {  	s7 =	sld [smem:$0x3F94]  }
0x1a: {  	s8 =	sadd.s32 $0xFFFFE003, lr  }
0x1b: {  	s9 =	sadd.s32 $0xFFFFFEF7, lr;
	s5 =	simm.s32 $0xFFFFFFFF;
	p2 =	slt.u32 s8, $0xFFFFF086  }
0x1c: {  	p1 =	slt.u32 s9, $0xF7A;
	s5 =	simm.s32 @!p2 $0x0  }
0x1d: {  	s5 =	simm.s32 @p1 $0x1;
	p0 =	seq.s32 s7, s2  }
0x1e: {  	s7 =	smul.u32 @!p0 $0xF7A, s2;
	p2 =	seq.s32 @!p0 s5, $0x0  }
0x1f: {  	s9 =	smul.u32 $0xF7A, s1;
	s8 =	simm.s32 @!p0 $0x1BF5;
	p2 =	por !p2, p0  }
0x20: {  	[sflag:s8] =	ssyncset.s32 @!p0 $0xFFFFF086;
	s6 =	sadd.s32 @!p0 s3, s7;
	s7 =	simm.s32 @!p0 $0x108  }
0x21: {  	s3 =	sadd.s32 s3, s9;
	s6 =	sadd.s32 @!p0 $0x88, s6;
	s7 =	simm.s32 @p2 $0x1082  }
0x22: {  	[simem:s7], [sflag:s8] =	dma.local @!p0 [hbm:s6], $0xF7A  }
0x23: {  	s9 =	sor.u32 $0xD0000000, s2;
	s6 =	simm.s32 $0x108;
	_ =	swait.ge @!p0 [sflag:s8], $0x0  }
0x24: {  	s3 =	sadd.s32 $0x88, s3;
	s6 =	simm.s32 @!p1 $0x1082;
	[sflag:s4] =	ssyncset.s32 $0xFFFFF086  }
0x25: {  	[simem:s6], [sflag:s4] =	dma.local [hbm:s3], $0xF7A  }
0x26: {  	[smem:$0x3F94] =	sst s1;
	(tag) =	ssettag s2;
	_ =	strace s9  }
0x27: {  	s1 =	sld [smem:$0x3FA4]  }
0x28: {  	s2 =	sld [smem:$0x3FA5]  }
0x29: {  	s4 =	sld [smem:$0x3FA7]  }
0x2a: {  	p0 =	seq.s32 s5, $0x0;
	s5 =	sld [smem:$0x3FA8]  }
0x2b: {  	s6 =	sld [smem:$0x3FA9]  }
0x2c: {  	s7 =	sld [smem:$0x3FAA]  }
0x2d: {  	s3 =	simm.s32 $0x108;
	s8 =	sld [smem:$0x3FAB]  }
0x2e: {  	s3 =	simm.s32 @!p0 $0x1082;
	s9 =	sld [smem:$0x3FAC]  }
0x2f: {  	lr =	sadd.s32 s0, s3;
	s0 =	sld [smem:$0x3FA3]  }
0x30: {  	s3 =	sld [smem:$0x3FA6]  }
0x31: {  	[smem:$0x3FAF] =	sst s10  }
0x32: {  	s10 =	sld [smem:$0x3FAD];
	_ =	sdelay $0x3  }
0x33: {  	p0 =	seq.s32 s10, $0x1;
	s10 =	sld [smem:$0x3FAF];
	_ =	sdelay $0x3  }
0x34: {  	[smem:$0x3FAF] =	sst s10  }
0x35: {  	s10 =	sld [smem:$0x3FAE];
	_ =	sdelay $0x3  }
0x36: {  	p1 =	seq.s32 s10, $0x1;
	s10 =	sld [smem:$0x3FAF];
	_ =	sdelay $0x3  }
0x37: {  	[smem:$0x3FAF] =	sst s10  }
0x38: {  	s10 =	sld [smem:$0x3FB0]  }
0x39: {  	_ = 	snop;
	(pc) =	sbr.ind lr, $3  }
0x3a: {  	_ = 	snop  }
0x3b: {  	_ = 	snop  }
0x3c: {  	p2 =	seq.s32 s10, $0x1;
	s10 =	sld [smem:$0x3FAF]  }
0x3d: {  	_ =	shalt  }
0x3e: {  	_ =	shalt  }
0x3f: {  	_ =	shalt  }
0x40: {  	_ =	shalt  }
0x41: {  	_ =	shalt  }
0x42: {  	_ =	shalt  }
0x43: {  	_ =	shalt  }
0x44: {  	_ =	shalt  }
0x45: {  	_ =	shalt  }
0x46: {  	_ =	shalt  }
0x47: {  	_ =	shalt  }
0x48: {  	_ =	shalt  }
0x49: {  	_ =	shalt  }
0x4a: {  	_ =	shalt  }
0x4b: {  	_ =	shalt  }
0x4c: {  	_ =	shalt  }
0x4d: {  	_ =	shalt  }
0x4e: {  	_ =	shalt  }
0x4f: {  	_ =	shalt  }
0x50: {  	_ =	shalt  }
0x51: {  	_ =	shalt  }
0x52: {  	_ =	shalt  }
0x53: {  	_ =	shalt  }
0x54: {  	_ =	shalt  }
0x55: {  	_ =	shalt  }
0x56: {  	_ =	shalt  }
0x57: {  	_ =	shalt  }
0x58: {  	_ =	shalt  }
0x59: {  	_ =	shalt  }
0x5a: {  	_ =	shalt  }
0x5b: {  	_ =	shalt  }
0x5c: {  	_ =	shalt  }
0x5d: {  	_ =	shalt  }
0x5e: {  	_ =	shalt  }
0x5f: {  	_ =	shalt  }
0x60: {  	_ =	shalt  }
0x61: {  	_ =	shalt  }
0x62: {  	_ =	shalt  }
0x63: {  	_ =	shalt  }
0x64: {  	_ =	shalt  }
0x65: {  	_ =	shalt  }
0x66: {  	_ =	shalt  }
0x67: {  	_ =	shalt  }
0x68: {  	_ =	shalt  }
0x69: {  	_ =	shalt  }
0x6a: {  	_ =	shalt  }
0x6b: {  	_ =	shalt  }
0x6c: {  	_ =	shalt  }
0x6d: {  	_ =	shalt  }
0x6e: {  	_ =	shalt  }
0x6f: {  	_ =	shalt  }
0x70: {  	_ =	shalt  }
0x71: {  	_ =	shalt  }
0x72: {  	_ =	shalt  }
0x73: {  	_ =	shalt  }
0x74: {  	_ =	shalt  }
0x75: {  	_ =	shalt  }
0x76: {  	_ =	shalt  }
0x77: {  	_ =	shalt  }
0x78: {  	_ =	shalt  }
0x79: {  	_ =	shalt  }
0x7a: {  	_ =	shalt  }
0x7b: {  	_ =	shalt  }
0x7c: {  	_ =	shalt  }
0x7d: {  	_ =	shalt  }
0x7e: {  	_ =	shalt  }
0x7f: {  	_ =	shalt  }
0x80: {  	_ =	shalt  }
0x81: {  	_ =	shalt  }
0x82: {  	_ =	shalt  }
0x83: {  	_ =	shalt  }
0x84: {  	_ =	shalt  }
0x85: {  	_ =	shalt  }
0x86: {  	_ =	shalt  }
0x87: {  	_ =	shalt  }
.Lfunc_end0:
.L_simem_size_0:
called_computation.3_lowered:
.L_overlay_start_0:
0x88: {  	s2 =	sld [smem:$0x3FD9]  }
0x89: {  	s3 =	sld [smem:$0x3FFE];
	_ =	sdelay $0x1  }
0x8a: {  	s1 =	srdreg.scid  }
0x8b: {  	s0 =	sand.u32 $0x1, s1  }
0x8c: {  	s16 =	sshll.u32 s0, $0xA;
	s2 =	sadd.s32 s3, s2  }
0x8d: {  	s2 =	sadd.s32 s2, s16  }
0x8e: {  	[smem:$0x3FBB] =	sst s2  }
0x8f: {  	_ = 	snop  }
0x90: {  	(tm) =	ssettm $0x1  }
0x91: {  	s17 =	sld [smem:$0x3FFB];
	_ =	sdelay $0x3  }
0x92: {  	_ =	strace s17  }
0x93: {  	s2 =	sld [smem:$0x3FFC];
	_ =	sdelay $0x3  }
0x94: {  	_ =	strace s2  }
0x95: {  	s2 =	sld [smem:$0x3FFD];
	_ =	sdelay $0x3  }
0x96: {  	_ =	strace s2  }
0x97: {  	_ =	strace $0x8FFFFFFF  }
0x98: {  	s18 =	sld [smem:$0x3FDB];
	_ =	sdelay $0x1  }
0x99: {  	s19 =	simm.s32 $_scs_section_size  }
0x9a: {  	s4 =	simm.s32 $_size__tile_overlayer_lowered;
	s5 =	simm.s32 $_tile_overlayer_lowered  }
0x9b: {  	s22 =	simm.s32 $0x1BFF;
	s21 =	sshll.u32 s5, $0x1;
	s2 =	sadd.s32 s19, s18  }
0x9c: {  	s6 =	simm.s32 $0x0;
	s20 =	sshll.u32 s4, $0x1;
	s4 =	sadd.s32 s21, s2  }
0x9d: {  	[timem:s6], [sflag:s22] =	dma.local [hbm:s4], s20  }
0x9e: {  	_ =	swait.ge [sflag:s22], s20  }
0x9f: {  	s3 =	ssub.s32 $0x0, s20;
	[sflag:s22] =	ssyncset.done $0x0  }
0xa0: {  	[sflag:s22] =	ssyncadd.s32 s3;
	_ =	sdelay $0x1  }
0xa1: {  	s23 =	simm.s32 $0x1B8B  }
0xa2: {  	_ =	swait.ge [sflag:s23], $0x1  }
0xa3: {  	[sflag:s23] =	ssyncset.done $0x0  }
0xa4: {  	s25 =	simm.s32 $0x1B8E;
	s24 =	sld [smem:$0x3FFE];
	[sflag:s23] =	ssyncadd.s32 $0xFFFFFFFF  }
0xa5: {  	s26 =	simm.s32 $execute0_lowered;
	[smem:$0x3FD2] =	sst s25  }
0xa6: {  	s4 =	sshll.u32 s26, $0x1;
	_ =	strace $0x8000004F;
	[dreg:$0x1] =	wrdreg $0xFFFFFFFF  }
0xa7: {  	s28 =	simm.s32 $_size_execute0_lowered;
	s2 =	sadd.s32 s2, s4;
	[dreg:$0x0] =	wrdreg $0x0  }
0xa8: {  	s4 =	sshll.u32 s28, $0x1;
	[dreg:$0x2] =	wrdreg s2  }
0xa9: {  	[dreg:$0x3] =	wrdreg s4  }
0xaa: {  	[dreg:$0x4] =	wrdreg $0xC0  }
0xab: {  	_ =	task [dreg:s6], $0x5FFFF  }
0xac: {  	[dreg:$0x1] =	wrdreg $0xFFFFFFFF  }
0xad: {  	[dreg:$0x0] =	wrdreg $0x60  }
0xae: {  	[dreg:$0x2] =	wrdreg s24  }
0xaf: {  	[dreg:$0x3] =	wrdreg $0xB0000  }
0xb0: {  	[dreg:$0x4] =	wrdreg $0x9  }
0xb1: {  	_ =	task.clear_ibuf [dreg:s6], $0x5FFFF;
	_ =	strace $0x9000004F  }
0xb2: {  	s29 =	simm.s32 $0x9;
	_ =	strace $0x80000051  }
0xb3: {  	_ =	swait.ge [sflag:s29], $0x1  }
0xb4: {  	[sflag:s29] =	ssyncadd.s32 $0xFFFFFFFF  }
0xb5: {  	_ =	strace $0x90000051  }
0xb6: {  	_ =	sfence  }
0xb7: {  	s30 =	sld [smem:$0x0];
	_ =	sdelay $0x2  }
0xb8: {  	s31 =	sshll.u32 s1, $0xD;
	s1 =	sshrl.u32 s1, $0x2  }
0xb9: {  	s3 =	sand.u32 $0x4000, s31;
	s1 =	sadd.s32 s1, s30  }
0xba: {  	s0 =	sor.u32 s3, s0;
	s1 =	sshll.u32 s1, $0x11  }
0xbb: {  	s0 =	sor.u32 s1, s0  }
0xbc: {  	s0 =	sadd.s32 $0x8F2B, s0  }
0xbd: {  	[sflag:s0] =	ssyncadd.remote.s32 $0x1  }
0xbe: {  	_ =	sfence.sel $0xFFFF  }
0xbf: {  	[dreg:$0x0] =	wrdreg $0xFFFFFFFF;
	(pc) =	sbr.abs _section_cstart, $3  }
0xc0: {  	[dreg:$0x1] =	wrdreg $0xFFFFFFFF  }
0xc1: {  	_ =	task.clear_ibuf [dreg:s6], $0x2FFFF;
	_ =	strace $0x9FFFFFFF  }
0xc2: {  	(tm) =	ssettm $0x7FFFFFFF  }
0xc3: {  	_ =	shalt  }
tec
execute0_lowered:
.L_overlay_start_1:
0x0: {  	(tag) =	ssettag $0x1  }
0x1: {  	s0 =	srdreg.scid  }
0x2: {  	s11 =	stileid.u32;
	s5 =	rddreg [dreg:$0x0]  }
0x3: {  	s2 =	rddreg [dreg:$0x1];
	s3 =	simm.s32 $0x0;
	s13 =	simm.s32 $0x2880  }
0x4: {  	s15 =	simm.s32 $0x2900;
	s16 =	simm.s32 $0x2980;
	s17 =	simm.s32 $0x2A00  }
0x5: {  	s18 =	simm.s32 $0x2A80;
	s19 =	simm.s32 $0x2B00;
	s20 =	simm.s32 $0x2B80  }
0x6: {  	s21 =	simm.s32 $0x2C00;
	s22 =	simm.s32 $0x2C80;
	[smem:$0x7FF] =	sst s3  }
0x7: {  	s23 =	simm.s32 $0x2D00;
	_ =	strace $0x80000050;
	[dreg:$0x3] =	wrdreg s13  }
0x8: {  	s24 =	simm.s32 $0x2D80;
	s25 =	simm.s32 $0x2E00;
	[dreg:$0x4] =	wrdreg s15  }
0x9: {  	s26 =	simm.s32 $0x2E80;
	s30 =	simm.s32 $0x2F00;
	[dreg:$0x5] =	wrdreg s16  }
0xa: {  	s28 =	simm.s32 $0x8;
	s29 =	simm.s32 $0x0;
	[dreg:$0x6] =	wrdreg s17  }
0xb: {  	s0 =	sand.u32 $0x1, s0;
	s7 =	smul.u32 $0x14000, s11;
	[dreg:$0x7] =	wrdreg s18  }
0xc: {  	s4 =	sadd.s32 $0x2A800, s5;
	s10 =	smul.u32 $0x500, s11;
	[dreg:$0x8] =	wrdreg s19  }
0xd: {  	s14 =	sshll.u32 s11, $0x6;
	s6 =	smul.u32 $0x5000, s0;
	[dreg:$0x9] =	wrdreg s20  }
0xe: {  	s1 =	sshll.u32 s0, $0x4;
	s8 =	smul.u32 $0x140000, s0;
	[dreg:$0xa] =	wrdreg s21  }
0xf: {  	s0 =	ssub.s32 $0x2, s0;
	s13 =	simm.s32 $0x80;
	[dreg:$0xb] =	wrdreg s22  }
0x10: {  	s15 =	simm.s32 $0x5000;
	s17 =	simm.s32 $0x7000;
	[dreg:$0xc] =	wrdreg s23  }
0x11: {  	s18 =	simm.s32 $0x2800;
	s19 =	simm.s32 $0x1;
	[dreg:$0xd] =	wrdreg s24  }
0x12: {  	s20 =	simm.s32 $0x9000;
	s21 =	simm.s32 $0x2;
	[dreg:$0xe] =	wrdreg s25  }
0x13: {  	s22 =	simm.s32 $0x5;
	[dreg:$0xf] =	wrdreg s26;
	s23 =	simm.s32 $0x3  }
0x14: {  	[dreg:$0x10] =	wrdreg s30;
	s24 =	simm.s32 $0x6;
	s25 =	simm.s32 $0x4  }
0x15: {  	s1 =	sor.u32 s11, s1;
	s9 =	sshrl.u32 s7, $0x4;
	s31 =	sshrl.u32 s0, $0x1  }
0x16: {  	s1 =	smul.u32 $0x500, s1;
	s6 =	sadd.s32 s6, s5;
	s8 =	sadd.s32 s7, s8  }
0x17: {  	s9 =	sadd.s32 s9, s5;
	s0 =	ssub.s32 s0, s31;
	s31 =	simm.s32 $0x2F80  }
0x18: {  	s8 =	sshrl.u32 s8, $0x4;
	s9 =	sadd.s32 $0x16800, s9;
	[dreg:$0x11] =	wrdreg s31  }
0x19: {  	s0 =	smax.u32 s0, $0x1;
	s12 =	sadd.s32 s10, s6;
	[dreg:$0x13] =	wrdreg s9  }
0x1a: {  	s1 =	sadd.s32 s1, s5;
	[dreg:$0x15] =	wrdreg s0;
	s0 =	sadd.s32 $0x2200, s12  }
0x1b: {  	s5 =	sadd.s32 s8, s5;
	s1 =	sadd.s32 $0xC200, s1;
	[dreg:$0x16] =	wrdreg s0  }
0x1c: {  	s7 =	sshrl.u32 s7, $0x1;
	s5 =	sadd.s32 $0x3E200, s5;
	[dreg:$0x12] =	wrdreg s1  }
0x1d: {  	s8 =	sadd.s32 s7, s2;
	[dreg:$0x14] =	wrdreg s5;
	s5 =	sor.u32 $0x1C09, s14  }
0x1e: {  	s26 =	simm.s32 $0x7;
	s1 =	sshrl.u32 s8, $0x3;
	[dreg:$0x17] =	wrdreg s5  }
0x1f: {  	s10 =	simm.s32 $0x9;
	s14 =	simm.s32 $0x3000;
	[dreg:$0x18] =	wrdreg s1  }
.LBB2_1:
0x20: {  	s0 =	rddreg [dreg:$0x12]  }
0x21: {  	[tilespmem:s3], [sflag:$0x9] =	stream.linear.gather [hbm4b:s0+s3], $0x2800, $0x38;
	[tilespmem:$0x15000] =	vst v63  }
0x22: {  	_ =	swait.ge [sflag:s10], $0x2800  }
0x23: {  	[sflag:s10] =	ssyncset.done $0x0  }
0x24: {  	s6 =	rddreg [dreg:$0x13];
	[sflag:s10] =	ssyncadd.s32 $0xFFFFD800  }
0x25: {  	[spmem:s1], [sflag:s5] =	dma.local [hbm:s6], $0x1400  }
0x26: {  	_ =	swait.ge [sflag:s10], $0x1400  }
0x27: {  	[sflag:s10] =	ssyncset.done $0x0  }
0x28: {  	[sflag:s10] =	ssyncadd.s32 $0xFFFFEC00  }
0x29: {  	[bflag:$0x0] =	sbarrier.arrive $0xFFFF  }
0x2a: {  	[tilespmem:s14], [sflag:$0x1] =	stream.indirect.gather [hbm4b:s4+s13], $0x40, s3, s13, $0xb8;
	[tilespmem:$0x15000] =	vst v63  }
0x2b: {  	p0 =	por $0x1, $0x1  }
0x2c: {  	[tilespmem:s15], [sflag:$0x2] =	stream.indirect.gather [hbm4b:s4+s13], $0x40, s13, s13, $0xb8;
	[tilespmem:$0x15000] =	vst v63  }
0x2d: {  	s7 =	simm.s32 $0x100;
	s0 =	simm.s32 @!p0 $0x8  }
0x2e: {  	[tilespmem:s17], [sflag:$0x3] =	stream.indirect.gather [hbm4b:s4+s13], $0x40, s7, s13, $0xb8;
	[tilespmem:$0x15000] =	vst v63  }
0x2f: {  	_ =	swait.ge @!p0 [sflag:s0], $0x2000  }
0x30: {  	[sflag:s0] =	ssyncset.done @!p0 $0x0  }
0x31: {  	s6 =	rddreg [dreg:$0x16];
	[sflag:s0] =	ssyncadd.s32 @!p0 $0xFFFFE000  }
0x32: {  	[tilespmem:s18], [sflag:$0x9] =	stream.linear.gather [hbm4b:s6+s3], $0x800, $0x38;
	[tilespmem:$0x15000] =	vst v63  }
0x33: {  	_ =	swait.ge [sflag:s10], $0x800  }
0x34: {  	[sflag:s10] =	ssyncset.done $0x0  }
0x35: {  	[sflag:s10] =	ssyncadd.s32 $0xFFFFF800  }
0x36: {  	_ =	swait.ge [sflag:s19], $0x2000  }
0x37: {  	[sflag:s19] =	ssyncset.done $0x0  }
0x38: {  	[sflag:s19] =	ssyncadd.s32 $0xFFFFE000  }
0x39: {  	[spmem:s2] =	stream.indirect.scatter.add.bf16 [tilespmem:s14], [sflag:$0x5], $0x40, s18, s13, $0xb8;
	[tilespmem:$0x15000] =	vst v63  }
0x3a: {  	s8 =	simm.s32 $0x180  }
0x3b: {  	[tilespmem:s20], [sflag:$0x4] =	stream.indirect.gather [hbm4b:s4+s13], $0x40, s8, s13, $0xb8;
	[tilespmem:$0x15000] =	vst v63  }
0x3c: {  	_ =	swait.ge [sflag:s21], $0x2000  }
0x3d: {  	[sflag:s21] =	ssyncset.done $0x0  }
0x3e: {  	[sflag:s21] =	ssyncadd.s32 $0xFFFFE000  }
0x3f: {  	_ =	swait.ge [sflag:s22], $0x2000  }
0x40: {  	[sflag:s22] =	ssyncset.done $0x0  }
0x41: {  	s9 =	rddreg [dreg:$0x3];
	[sflag:s22] =	ssyncadd.s32 $0xFFFFE000  }
0x42: {  	[spmem:s2] =	stream.indirect.scatter.add.bf16 [tilespmem:s15], [sflag:$0x6], $0x40, s9, s13, $0xb8;
	[tilespmem:$0x15000] =	vst v63  }
0x43: {  	s11 =	simm.s32 $0x200  }
0x44: {  	[tilespmem:s14], [sflag:$0x1] =	stream.indirect.gather [hbm4b:s4+s13], $0x40, s11, s13, $0xb8;
	[tilespmem:$0x15000] =	vst v63  }
0x45: {  	_ =	swait.ge [sflag:s23], $0x2000  }
0x46: {  	[sflag:s23] =	ssyncset.done $0x0  }
0x47: {  	[sflag:s23] =	ssyncadd.s32 $0xFFFFE000  }
0x48: {  	_ =	swait.ge [sflag:s24], $0x2000  }
0x49: {  	[sflag:s24] =	ssyncset.done $0x0  }
0x4a: {  	s12 =	rddreg [dreg:$0x4];
	[sflag:s24] =	ssyncadd.s32 $0xFFFFE000  }
0x4b: {  	[spmem:s2] =	stream.indirect.scatter.add.bf16 [tilespmem:s17], [sflag:$0x7], $0x40, s12, s13, $0xb8;
	[tilespmem:$0x15000] =	vst v63  }
0x4c: {  	s16 =	simm.s32 $0x280  }
0x4d: {  	[tilespmem:s15], [sflag:$0x2] =	stream.indirect.gather [hbm4b:s4+s13], $0x40, s16, s13, $0xb8;
	[tilespmem:$0x15000] =	vst v63  }
0x4e: {  	_ =	swait.ge [sflag:s25], $0x2000  }
0x4f: {  	[sflag:s25] =	ssyncset.done $0x0  }
0x50: {  	[sflag:s25] =	ssyncadd.s32 $0xFFFFE000  }
0x51: {  	_ =	swait.ge [sflag:s26], $0x2000  }
0x52: {  	[sflag:s26] =	ssyncset.done $0x0  }
0x53: {  	s1 =	rddreg [dreg:$0x5];
	[sflag:s26] =	ssyncadd.s32 $0xFFFFE000  }
0x54: {  	[spmem:s2] =	stream.indirect.scatter.add.bf16 [tilespmem:s20], [sflag:$0x8], $0x40, s1, s13, $0xb8;
	[tilespmem:$0x15000] =	vst v63  }
0x55: {  	s5 =	simm.s32 $0x300  }
0x56: {  	[tilespmem:s17], [sflag:$0x3] =	stream.indirect.gather [hbm4b:s4+s13], $0x40, s5, s13, $0xb8;
	[tilespmem:$0x15000] =	vst v63  }
0x57: {  	_ =	swait.ge [sflag:s19], $0x2000  }
0x58: {  	[sflag:s19] =	ssyncset.done $0x0  }
0x59: {  	[sflag:s19] =	ssyncadd.s32 $0xFFFFE000  }
0x5a: {  	_ =	swait.ge [sflag:s28], $0x2000  }
0x5b: {  	[sflag:s28] =	ssyncset.done $0x0  }
0x5c: {  	s7 =	rddreg [dreg:$0x6];
	[sflag:s28] =	ssyncadd.s32 $0xFFFFE000  }
0x5d: {  	[spmem:s2] =	stream.indirect.scatter.add.bf16 [tilespmem:s14], [sflag:$0x5], $0x40, s7, s13, $0xb8;
	[tilespmem:$0x15000] =	vst v63  }
0x5e: {  	s8 =	simm.s32 $0x380  }
0x5f: {  	[tilespmem:s20], [sflag:$0x4] =	stream.indirect.gather [hbm4b:s4+s13], $0x40, s8, s13, $0xb8;
	[tilespmem:$0x15000] =	vst v63  }
0x60: {  	_ =	swait.ge [sflag:s21], $0x2000  }
0x61: {  	[sflag:s21] =	ssyncset.done $0x0  }
0x62: {  	[sflag:s21] =	ssyncadd.s32 $0xFFFFE000  }
0x63: {  	_ =	swait.ge [sflag:s22], $0x2000  }
0x64: {  	[sflag:s22] =	ssyncset.done $0x0  }
0x65: {  	p0 =	por $0x0, $0x0;
	s9 =	rddreg [dreg:$0x7];
	[sflag:s22] =	ssyncadd.s32 $0xFFFFE000  }
0x66: {  	[spmem:s2] =	stream.indirect.scatter.add.bf16 [tilespmem:s15], [sflag:$0x6], $0x40, s9, s13, $0xb8;
	[tilespmem:$0x15000] =	vst v63  }
0x67: {  	s0 =	simm.s32 @!p0 $0x80;
	s1 =	simm.s32 @!p0 $0x3000;
	s5 =	simm.s32 @!p0 $0x400  }
0x68: {  	[tilespmem:s1], [sflag:$0x1] =	stream.indirect.gather @!p0 [hbm4b:s4+s0], $0x40, s5, s0, $0xb8;
	[tilespmem:$0x15000] =	vst v63  }
0x69: {  	_ =	swait.ge [sflag:s23], $0x2000  }
0x6a: {  	[sflag:s23] =	ssyncset.done $0x0  }
0x6b: {  	[sflag:s23] =	ssyncadd.s32 $0xFFFFE000  }
0x6c: {  	_ =	swait.ge [sflag:s24], $0x2000  }
0x6d: {  	[sflag:s24] =	ssyncset.done $0x0  }
0x6e: {  	p0 =	por $0x0, $0x0;
	s11 =	rddreg [dreg:$0x8];
	[sflag:s24] =	ssyncadd.s32 $0xFFFFE000  }
0x6f: {  	[spmem:s2] =	stream.indirect.scatter.add.bf16 [tilespmem:s17], [sflag:$0x7], $0x40, s11, s13, $0xb8;
	[tilespmem:$0x15000] =	vst v63  }
0x70: {  	s0 =	simm.s32 @!p0 $0x80;
	s1 =	simm.s32 @!p0 $0x5000;
	s5 =	simm.s32 @!p0 $0x480  }
0x71: {  	[tilespmem:s1], [sflag:$0x2] =	stream.indirect.gather @!p0 [hbm4b:s4+s0], $0x40, s5, s0, $0xb8;
	[tilespmem:$0x15000] =	vst v63  }
0x72: {  	_ =	swait.ge [sflag:s25], $0x2000  }
0x73: {  	[sflag:s25] =	ssyncset.done $0x0  }
0x74: {  	[sflag:s25] =	ssyncadd.s32 $0xFFFFE000  }
0x75: {  	_ =	swait.ge [sflag:s26], $0x2000  }
0x76: {  	[sflag:s26] =	ssyncset.done $0x0  }
0x77: {  	p0 =	por $0x0, $0x0;
	s12 =	rddreg [dreg:$0x9];
	[sflag:s26] =	ssyncadd.s32 $0xFFFFE000  }
0x78: {  	[spmem:s2] =	stream.indirect.scatter.add.bf16 [tilespmem:s20], [sflag:$0x8], $0x40, s12, s13, $0xb8;
	[tilespmem:$0x15000] =	vst v63  }
0x79: {  	s0 =	simm.s32 @!p0 $0x80;
	s1 =	simm.s32 @!p0 $0x7000;
	s5 =	simm.s32 @!p0 $0x500  }
0x7a: {  	[tilespmem:s1], [sflag:$0x3] =	stream.indirect.gather @!p0 [hbm4b:s4+s0], $0x40, s5, s0, $0xb8;
	[tilespmem:$0x15000] =	vst v63  }
0x7b: {  	_ =	swait.ge [sflag:s19], $0x2000  }
0x7c: {  	[sflag:s19] =	ssyncset.done $0x0  }
0x7d: {  	[sflag:s19] =	ssyncadd.s32 $0xFFFFE000  }
0x7e: {  	_ =	swait.ge [sflag:s28], $0x2000  }
0x7f: {  	[sflag:s28] =	ssyncset.done $0x0  }
0x80: {  	s16 =	rddreg [dreg:$0xa];
	[sflag:s28] =	ssyncadd.s32 $0xFFFFE000  }
0x81: {  	[spmem:s2] =	stream.indirect.scatter.add.bf16 [tilespmem:s14], [sflag:$0x5], $0x40, s16, s13, $0xb8;
	[tilespmem:$0x15000] =	vst v63  }
0x82: {  	s1 =	simm.s32 $0x580  }
0x83: {  	[tilespmem:s20], [sflag:$0x4] =	stream.indirect.gather [hbm4b:s4+s13], $0x40, s1, s13, $0xb8;
	[tilespmem:$0x15000] =	vst v63  }
0x84: {  	_ =	swait.ge [sflag:s21], $0x2000  }
0x85: {  	[sflag:s21] =	ssyncset.done $0x0  }
0x86: {  	[sflag:s21] =	ssyncadd.s32 $0xFFFFE000  }
0x87: {  	_ =	swait.ge [sflag:s22], $0x2000  }
0x88: {  	[sflag:s22] =	ssyncset.done $0x0  }
0x89: {  	p0 =	por $0x0, $0x0;
	s5 =	rddreg [dreg:$0xb];
	[sflag:s22] =	ssyncadd.s32 $0xFFFFE000  }
0x8a: {  	[spmem:s2] =	stream.indirect.scatter.add.bf16 [tilespmem:s15], [sflag:$0x6], $0x40, s5, s13, $0xb8;
	[tilespmem:$0x15000] =	vst v63  }
0x8b: {  	s0 =	simm.s32 @!p0 $0x80;
	s1 =	simm.s32 @!p0 $0x3000;
	s5 =	simm.s32 @!p0 $0x600  }
0x8c: {  	[tilespmem:s1], [sflag:$0x1] =	stream.indirect.gather @!p0 [hbm4b:s4+s0], $0x40, s5, s0, $0xb8;
	[tilespmem:$0x15000] =	vst v63  }
0x8d: {  	_ =	swait.ge [sflag:s23], $0x2000  }
0x8e: {  	[sflag:s23] =	ssyncset.done $0x0  }
0x8f: {  	[sflag:s23] =	ssyncadd.s32 $0xFFFFE000  }
0x90: {  	_ =	swait.ge [sflag:s24], $0x2000  }
0x91: {  	[sflag:s24] =	ssyncset.done $0x0  }
0x92: {  	p0 =	por $0x0, $0x0;
	s7 =	rddreg [dreg:$0xc];
	[sflag:s24] =	ssyncadd.s32 $0xFFFFE000  }
0x93: {  	[spmem:s2] =	stream.indirect.scatter.add.bf16 [tilespmem:s17], [sflag:$0x7], $0x40, s7, s13, $0xb8;
	[tilespmem:$0x15000] =	vst v63  }
0x94: {  	s0 =	simm.s32 @!p0 $0x80;
	s1 =	simm.s32 @!p0 $0x5000;
	s5 =	simm.s32 @!p0 $0x680  }
0x95: {  	[tilespmem:s1], [sflag:$0x2] =	stream.indirect.gather @!p0 [hbm4b:s4+s0], $0x40, s5, s0, $0xb8;
	[tilespmem:$0x15000] =	vst v63  }
0x96: {  	_ =	swait.ge [sflag:s25], $0x2000  }
0x97: {  	[sflag:s25] =	ssyncset.done $0x0  }
0x98: {  	[sflag:s25] =	ssyncadd.s32 $0xFFFFE000  }
0x99: {  	_ =	swait.ge [sflag:s26], $0x2000  }
0x9a: {  	[sflag:s26] =	ssyncset.done $0x0  }
0x9b: {  	p0 =	por $0x0, $0x0;
	s8 =	rddreg [dreg:$0xd];
	[sflag:s26] =	ssyncadd.s32 $0xFFFFE000  }
0x9c: {  	[spmem:s2] =	stream.indirect.scatter.add.bf16 [tilespmem:s20], [sflag:$0x8], $0x40, s8, s13, $0xb8;
	[tilespmem:$0x15000] =	vst v63  }
0x9d: {  	s0 =	simm.s32 @!p0 $0x80;
	s1 =	simm.s32 @!p0 $0x7000;
	s5 =	simm.s32 @!p0 $0x700  }
0x9e: {  	[tilespmem:s1], [sflag:$0x3] =	stream.indirect.gather @!p0 [hbm4b:s4+s0], $0x40, s5, s0, $0xb8;
	[tilespmem:$0x15000] =	vst v63  }
0x9f: {  	_ =	swait.ge [sflag:s19], $0x2000  }
0xa0: {  	[sflag:s19] =	ssyncset.done $0x0  }
0xa1: {  	[sflag:s19] =	ssyncadd.s32 $0xFFFFE000  }
0xa2: {  	_ =	swait.ge [sflag:s28], $0x2000  }
0xa3: {  	[sflag:s28] =	ssyncset.done $0x0  }
0xa4: {  	s9 =	rddreg [dreg:$0xe];
	[sflag:s28] =	ssyncadd.s32 $0xFFFFE000  }
0xa5: {  	[spmem:s2] =	stream.indirect.scatter.add.bf16 [tilespmem:s14], [sflag:$0x5], $0x40, s9, s13, $0xb8;
	[tilespmem:$0x15000] =	vst v63  }
0xa6: {  	s11 =	simm.s32 $0x780  }
0xa7: {  	[tilespmem:s20], [sflag:$0x4] =	stream.indirect.gather [hbm4b:s4+s13], $0x40, s11, s13, $0xb8;
	[tilespmem:$0x15000] =	vst v63  }
0xa8: {  	_ =	swait.ge [sflag:s21], $0x2000  }
0xa9: {  	[sflag:s21] =	ssyncset.done $0x0  }
0xaa: {  	[sflag:s21] =	ssyncadd.s32 $0xFFFFE000  }
0xab: {  	_ =	swait.ge [sflag:s22], $0x2000  }
0xac: {  	[sflag:s22] =	ssyncset.done $0x0  }
0xad: {  	p0 =	por $0x0, $0x0;
	s12 =	rddreg [dreg:$0xf];
	[sflag:s22] =	ssyncadd.s32 $0xFFFFE000  }
0xae: {  	[spmem:s2] =	stream.indirect.scatter.add.bf16 [tilespmem:s15], [sflag:$0x6], $0x40, s12, s13, $0xb8;
	[tilespmem:$0x15000] =	vst v63  }
0xaf: {  	s0 =	simm.s32 @!p0 $0x80;
	s1 =	simm.s32 @!p0 $0x3000;
	s5 =	simm.s32 @!p0 $0x800  }
0xb0: {  	[tilespmem:s1], [sflag:$0x1] =	stream.indirect.gather @!p0 [hbm4b:s4+s0], $0x40, s5, s0, $0xb8;
	[tilespmem:$0x15000] =	vst v63  }
0xb1: {  	_ =	swait.ge [sflag:s23], $0x2000  }
0xb2: {  	[sflag:s23] =	ssyncset.done $0x0  }
0xb3: {  	[sflag:s23] =	ssyncadd.s32 $0xFFFFE000  }
0xb4: {  	_ =	swait.ge [sflag:s24], $0x2000  }
0xb5: {  	[sflag:s24] =	ssyncset.done $0x0  }
0xb6: {  	p0 =	por $0x0, $0x0;
	s16 =	rddreg [dreg:$0x10];
	[sflag:s24] =	ssyncadd.s32 $0xFFFFE000  }
0xb7: {  	[spmem:s2] =	stream.indirect.scatter.add.bf16 [tilespmem:s17], [sflag:$0x7], $0x40, s16, s13, $0xb8;
	[tilespmem:$0x15000] =	vst v63  }
0xb8: {  	s0 =	simm.s32 @!p0 $0x80;
	s1 =	simm.s32 @!p0 $0x5000;
	s5 =	simm.s32 @!p0 $0x880  }
0xb9: {  	[tilespmem:s1], [sflag:$0x2] =	stream.indirect.gather @!p0 [hbm4b:s4+s0], $0x40, s5, s0, $0xb8;
	[tilespmem:$0x15000] =	vst v63  }
0xba: {  	s30 =	simm.s32 $0x2000;
	_ =	swait.ge [sflag:s25], $0x2000  }
0xbb: {  	s31 =	simm.s32 $0x1C;
	p2 =	por $0x0, $0x0;
	[sflag:s25] =	ssyncset.done $0x0  }
0xbc: {  	p1 =	por $0x0, $0x0;
	s7 =	simm.s32 @!p2 $0x7000;
	[sflag:s25] =	ssyncadd.s32 $0xFFFFE000  }
0xbd: {  	s0 =	simm.s32 $0x4000;
	s1 =	sadd.s32 $0x100, s6;
	_ =	swait.ge [sflag:s26], $0x2000  }
0xbe: {  	s5 =	simm.s32 @!p2 $0x0;
	s6 =	rddreg [dreg:$0x11];
	[sflag:s26] =	ssyncset.done $0x0  }
.LBB2_2:
0xbf: {  	[sflag:s26] =	ssyncadd.s32 $0xFFFFE000  }
0xc0: {  	[spmem:s2] =	stream.indirect.scatter.add.bf16 [tilespmem:s20], [sflag:$0x8], $0x40, s6, s13, $0xb8;
	[tilespmem:$0x15000] =	vst v63  }
0xc1: {  	s8 =	sadd.s32 @!p2 $0x900, s5;
	s9 =	simm.s32 @!p2 $0x80;
	s6 =	simm.s32 @!p1 $0x8  }
0xc2: {  	[tilespmem:s7], [sflag:$0x3] =	stream.indirect.gather @!p2 [hbm4b:s4+s9], $0x40, s8, s9, $0xb8;
	[tilespmem:$0x15000] =	vst v63  }
0xc3: {  	_ =	swait.ge @!p1 [sflag:s6], $0x2000  }
0xc4: {  	[sflag:s6] =	ssyncset.done @!p1 $0x0  }
0xc5: {  	[sflag:s6] =	ssyncadd.s32 @!p1 $0xFFFFE000  }
0xc6: {  	[tilespmem:s18], [sflag:$0x9] =	stream.linear.gather [hbm4b:s1+s3], $0x800, $0x38;
	[tilespmem:$0x15000] =	vst v63  }
0xc7: {  	_ =	swait.ge [sflag:s10], $0x800  }
0xc8: {  	[sflag:s10] =	ssyncset.done $0x0  }
0xc9: {  	[sflag:s10] =	ssyncadd.s32 $0xFFFFF800  }
0xca: {  	_ =	swait.ge [sflag:s19], $0x2000  }
0xcb: {  	s16 =	smov.u32 s30;
	[sflag:s19] =	ssyncset.done $0x0  }
0xcc: {  	s6 =	sshra.s32 s16, $0x2;
	[sflag:s19] =	ssyncadd.s32 $0xFFFFE000  }
0xcd: {  	[spmem:s2] =	stream.indirect.scatter.add.bf16 [tilespmem:s14], [sflag:$0x5], $0x40, s18, s13, $0xb8;
	[tilespmem:$0x15000] =	vst v63  }
0xce: {  	s11 =	sadd.s32 $0x180, s6  }
0xcf: {  	[tilespmem:s20], [sflag:$0x4] =	stream.indirect.gather [hbm4b:s4+s13], $0x40, s11, s13, $0xb8;
	[tilespmem:$0x15000] =	vst v63  }
0xd0: {  	_ =	swait.ge [sflag:s21], $0x2000  }
0xd1: {  	[sflag:s21] =	ssyncset.done $0x0  }
0xd2: {  	[sflag:s21] =	ssyncadd.s32 $0xFFFFE000  }
0xd3: {  	_ =	swait.ge [sflag:s22], $0x2000  }
0xd4: {  	[sflag:s22] =	ssyncset.done $0x0  }
0xd5: {  	s12 =	rddreg [dreg:$0x3];
	[sflag:s22] =	ssyncadd.s32 $0xFFFFE000  }
0xd6: {  	[spmem:s2] =	stream.indirect.scatter.add.bf16 [tilespmem:s15], [sflag:$0x6], $0x40, s12, s13, $0xb8;
	[tilespmem:$0x15000] =	vst v63  }
0xd7: {  	s8 =	sadd.s32 $0x200, s6  }
0xd8: {  	[tilespmem:s14], [sflag:$0x1] =	stream.indirect.gather [hbm4b:s4+s13], $0x40, s8, s13, $0xb8;
	[tilespmem:$0x15000] =	vst v63  }
0xd9: {  	_ =	swait.ge [sflag:s23], $0x2000  }
0xda: {  	[sflag:s23] =	ssyncset.done $0x0  }
0xdb: {  	[sflag:s23] =	ssyncadd.s32 $0xFFFFE000  }
0xdc: {  	_ =	swait.ge [sflag:s24], $0x2000  }
0xdd: {  	[sflag:s24] =	ssyncset.done $0x0  }
0xde: {  	s9 =	rddreg [dreg:$0x4];
	[sflag:s24] =	ssyncadd.s32 $0xFFFFE000  }
0xdf: {  	[spmem:s2] =	stream.indirect.scatter.add.bf16 [tilespmem:s17], [sflag:$0x7], $0x40, s9, s13, $0xb8;
	[tilespmem:$0x15000] =	vst v63  }
0xe0: {  	s11 =	sadd.s32 $0x280, s6  }
0xe1: {  	[tilespmem:s15], [sflag:$0x2] =	stream.indirect.gather [hbm4b:s4+s13], $0x40, s11, s13, $0xb8;
	[tilespmem:$0x15000] =	vst v63  }
0xe2: {  	_ =	swait.ge [sflag:s25], $0x2000  }
0xe3: {  	[sflag:s25] =	ssyncset.done $0x0  }
0xe4: {  	[sflag:s25] =	ssyncadd.s32 $0xFFFFE000  }
0xe5: {  	_ =	swait.ge [sflag:s26], $0x2000  }
0xe6: {  	[sflag:s26] =	ssyncset.done $0x0  }
0xe7: {  	s12 =	rddreg [dreg:$0x5];
	[sflag:s26] =	ssyncadd.s32 $0xFFFFE000  }
0xe8: {  	[spmem:s2] =	stream.indirect.scatter.add.bf16 [tilespmem:s20], [sflag:$0x8], $0x40, s12, s13, $0xb8;
	[tilespmem:$0x15000] =	vst v63  }
0xe9: {  	s8 =	sadd.s32 $0x300, s6  }
0xea: {  	[tilespmem:s17], [sflag:$0x3] =	stream.indirect.gather [hbm4b:s4+s13], $0x40, s8, s13, $0xb8;
	[tilespmem:$0x15000] =	vst v63  }
0xeb: {  	_ =	swait.ge [sflag:s19], $0x2000  }
0xec: {  	[sflag:s19] =	ssyncset.done $0x0  }
0xed: {  	[sflag:s19] =	ssyncadd.s32 $0xFFFFE000  }
0xee: {  	_ =	swait.ge [sflag:s28], $0x2000  }
0xef: {  	[sflag:s28] =	ssyncset.done $0x0  }
0xf0: {  	s9 =	rddreg [dreg:$0x6];
	[sflag:s28] =	ssyncadd.s32 $0xFFFFE000  }
0xf1: {  	[spmem:s2] =	stream.indirect.scatter.add.bf16 [tilespmem:s14], [sflag:$0x5], $0x40, s9, s13, $0xb8;
	[tilespmem:$0x15000] =	vst v63  }
0xf2: {  	s11 =	sadd.s32 $0x380, s6  }
0xf3: {  	[tilespmem:s20], [sflag:$0x4] =	stream.indirect.gather [hbm4b:s4+s13], $0x40, s11, s13, $0xb8;
	[tilespmem:$0x15000] =	vst v63  }
0xf4: {  	_ =	swait.ge [sflag:s21], $0x2000  }
0xf5: {  	[sflag:s21] =	ssyncset.done $0x0  }
0xf6: {  	[sflag:s21] =	ssyncadd.s32 $0xFFFFE000  }
0xf7: {  	s7 =	sadd.s32 $0xFFFFFFF8, s31;
	_ =	swait.ge [sflag:s22], $0x2000  }
0xf8: {  	p1 =	sgt.u32 s7, $0x4B;
	[sflag:s22] =	ssyncset.done $0x0  }
0xf9: {  	s9 =	sshra.s32 @!p1 s16, $0x2;
	s8 =	rddreg [dreg:$0x7];
	[sflag:s22] =	ssyncadd.s32 $0xFFFFE000  }
0xfa: {  	[spmem:s2] =	stream.indirect.scatter.add.bf16 [tilespmem:s15], [sflag:$0x6], $0x40, s8, s13, $0xb8;
	[tilespmem:$0x15000] =	vst v63  }
0xfb: {  	s12 =	simm.s32 @!p1 $0x3000;
	s9 =	sadd.s32 @!p1 $0x400, s9;
	s11 =	simm.s32 @!p1 $0x80  }
0xfc: {  	[tilespmem:s12], [sflag:$0x1] =	stream.indirect.gather @!p1 [hbm4b:s4+s11], $0x40, s9, s11, $0xb8;
	[tilespmem:$0x15000] =	vst v63  }
0xfd: {  	_ =	swait.ge [sflag:s23], $0x2000  }
0xfe: {  	[sflag:s23] =	ssyncset.done $0x0  }
0xff: {  	[sflag:s23] =	ssyncadd.s32 $0xFFFFE000  }
0x100: {  	_ =	swait.ge [sflag:s24], $0x2000  }
0x101: {  	p1 =	sgt.u32 s7, $0x4A;
	[sflag:s24] =	ssyncset.done $0x0  }
0x102: {  	s9 =	sshra.s32 @!p1 s16, $0x2;
	s8 =	rddreg [dreg:$0x8];
	[sflag:s24] =	ssyncadd.s32 $0xFFFFE000  }
0x103: {  	[spmem:s2] =	stream.indirect.scatter.add.bf16 [tilespmem:s17], [sflag:$0x7], $0x40, s8, s13, $0xb8;
	[tilespmem:$0x15000] =	vst v63  }
0x104: {  	s11 =	simm.s32 @!p1 $0x80;
	s12 =	simm.s32 @!p1 $0x5000;
	s9 =	sadd.s32 @!p1 $0x480, s9  }
0x105: {  	[tilespmem:s12], [sflag:$0x2] =	stream.indirect.gather @!p1 [hbm4b:s4+s11], $0x40, s9, s11, $0xb8;
	[tilespmem:$0x15000] =	vst v63  }
0x106: {  	_ =	swait.ge [sflag:s25], $0x2000  }
0x107: {  	[sflag:s25] =	ssyncset.done $0x0  }
0x108: {  	[sflag:s25] =	ssyncadd.s32 $0xFFFFE000  }
0x109: {  	_ =	swait.ge [sflag:s26], $0x2000  }
0x10a: {  	p1 =	sgt.u32 s7, $0x49;
	[sflag:s26] =	ssyncset.done $0x0  }
0x10b: {  	s7 =	sshra.s32 @!p1 s16, $0x2;
	s12 =	rddreg [dreg:$0x9];
	[sflag:s26] =	ssyncadd.s32 $0xFFFFE000  }
0x10c: {  	[spmem:s2] =	stream.indirect.scatter.add.bf16 [tilespmem:s20], [sflag:$0x8], $0x40, s12, s13, $0xb8;
	[tilespmem:$0x15000] =	vst v63  }
0x10d: {  	s9 =	simm.s32 @!p1 $0x80;
	s11 =	simm.s32 @!p1 $0x7000;
	s7 =	sadd.s32 @!p1 $0x500, s7  }
0x10e: {  	[tilespmem:s11], [sflag:$0x3] =	stream.indirect.gather @!p1 [hbm4b:s4+s9], $0x40, s7, s9, $0xb8;
	[tilespmem:$0x15000] =	vst v63  }
0x10f: {  	_ =	swait.ge [sflag:s19], $0x2000  }
0x110: {  	[sflag:s19] =	ssyncset.done $0x0  }
0x111: {  	[sflag:s19] =	ssyncadd.s32 $0xFFFFE000  }
0x112: {  	_ =	swait.ge [sflag:s28], $0x2000  }
0x113: {  	[sflag:s28] =	ssyncset.done $0x0  }
0x114: {  	s9 =	rddreg [dreg:$0xa];
	[sflag:s28] =	ssyncadd.s32 $0xFFFFE000  }
0x115: {  	[spmem:s2] =	stream.indirect.scatter.add.bf16 [tilespmem:s14], [sflag:$0x5], $0x40, s9, s13, $0xb8;
	[tilespmem:$0x15000] =	vst v63  }
0x116: {  	s11 =	sadd.s32 $0x580, s6  }
0x117: {  	[tilespmem:s20], [sflag:$0x4] =	stream.indirect.gather [hbm4b:s4+s13], $0x40, s11, s13, $0xb8;
	[tilespmem:$0x15000] =	vst v63  }
0x118: {  	_ =	swait.ge [sflag:s21], $0x2000  }
0x119: {  	[sflag:s21] =	ssyncset.done $0x0  }
0x11a: {  	[sflag:s21] =	ssyncadd.s32 $0xFFFFE000  }
0x11b: {  	s7 =	sadd.s32 $0xFFFFFFFC, s31;
	_ =	swait.ge [sflag:s22], $0x2000  }
0x11c: {  	p1 =	sgt.u32 s7, $0x4B;
	[sflag:s22] =	ssyncset.done $0x0  }
0x11d: {  	s9 =	sshra.s32 @!p1 s16, $0x2;
	s8 =	rddreg [dreg:$0xb];
	[sflag:s22] =	ssyncadd.s32 $0xFFFFE000  }
0x11e: {  	[spmem:s2] =	stream.indirect.scatter.add.bf16 [tilespmem:s15], [sflag:$0x6], $0x40, s8, s13, $0xb8;
	[tilespmem:$0x15000] =	vst v63  }
0x11f: {  	s12 =	simm.s32 @!p1 $0x3000;
	s9 =	sadd.s32 @!p1 $0x600, s9;
	s11 =	simm.s32 @!p1 $0x80  }
0x120: {  	[tilespmem:s12], [sflag:$0x1] =	stream.indirect.gather @!p1 [hbm4b:s4+s11], $0x40, s9, s11, $0xb8;
	[tilespmem:$0x15000] =	vst v63  }
0x121: {  	_ =	swait.ge [sflag:s23], $0x2000  }
0x122: {  	[sflag:s23] =	ssyncset.done $0x0  }
0x123: {  	[sflag:s23] =	ssyncadd.s32 $0xFFFFE000  }
0x124: {  	_ =	swait.ge [sflag:s24], $0x2000  }
0x125: {  	p1 =	sgt.u32 s7, $0x4A;
	[sflag:s24] =	ssyncset.done $0x0  }
0x126: {  	s9 =	sshra.s32 @!p1 s16, $0x2;
	s8 =	rddreg [dreg:$0xc];
	[sflag:s24] =	ssyncadd.s32 $0xFFFFE000  }
0x127: {  	[spmem:s2] =	stream.indirect.scatter.add.bf16 [tilespmem:s17], [sflag:$0x7], $0x40, s8, s13, $0xb8;
	[tilespmem:$0x15000] =	vst v63  }
0x128: {  	s11 =	simm.s32 @!p1 $0x80;
	s12 =	simm.s32 @!p1 $0x5000;
	s9 =	sadd.s32 @!p1 $0x680, s9  }
0x129: {  	[tilespmem:s12], [sflag:$0x2] =	stream.indirect.gather @!p1 [hbm4b:s4+s11], $0x40, s9, s11, $0xb8;
	[tilespmem:$0x15000] =	vst v63  }
0x12a: {  	_ =	swait.ge [sflag:s25], $0x2000  }
0x12b: {  	[sflag:s25] =	ssyncset.done $0x0  }
0x12c: {  	[sflag:s25] =	ssyncadd.s32 $0xFFFFE000  }
0x12d: {  	_ =	swait.ge [sflag:s26], $0x2000  }
0x12e: {  	p1 =	sgt.u32 s7, $0x49;
	[sflag:s26] =	ssyncset.done $0x0  }
0x12f: {  	s7 =	sshra.s32 @!p1 s16, $0x2;
	s12 =	rddreg [dreg:$0xd];
	[sflag:s26] =	ssyncadd.s32 $0xFFFFE000  }
0x130: {  	[spmem:s2] =	stream.indirect.scatter.add.bf16 [tilespmem:s20], [sflag:$0x8], $0x40, s12, s13, $0xb8;
	[tilespmem:$0x15000] =	vst v63  }
0x131: {  	s9 =	simm.s32 @!p1 $0x80;
	s11 =	simm.s32 @!p1 $0x7000;
	s7 =	sadd.s32 @!p1 $0x700, s7  }
0x132: {  	[tilespmem:s11], [sflag:$0x3] =	stream.indirect.gather @!p1 [hbm4b:s4+s9], $0x40, s7, s9, $0xb8;
	[tilespmem:$0x15000] =	vst v63  }
0x133: {  	_ =	swait.ge [sflag:s19], $0x2000  }
0x134: {  	[sflag:s19] =	ssyncset.done $0x0  }
0x135: {  	[sflag:s19] =	ssyncadd.s32 $0xFFFFE000  }
0x136: {  	_ =	swait.ge [sflag:s28], $0x2000  }
0x137: {  	[sflag:s28] =	ssyncset.done $0x0  }
0x138: {  	s9 =	rddreg [dreg:$0xe];
	[sflag:s28] =	ssyncadd.s32 $0xFFFFE000  }
0x139: {  	[spmem:s2] =	stream.indirect.scatter.add.bf16 [tilespmem:s14], [sflag:$0x5], $0x40, s9, s13, $0xb8;
	[tilespmem:$0x15000] =	vst v63  }
0x13a: {  	s6 =	sadd.s32 $0x780, s6  }
0x13b: {  	[tilespmem:s20], [sflag:$0x4] =	stream.indirect.gather [hbm4b:s4+s13], $0x40, s6, s13, $0xb8;
	[tilespmem:$0x15000] =	vst v63  }
0x13c: {  	_ =	swait.ge [sflag:s21], $0x2000  }
0x13d: {  	[sflag:s21] =	ssyncset.done $0x0  }
0x13e: {  	[sflag:s21] =	ssyncadd.s32 $0xFFFFE000  }
0x13f: {  	_ =	swait.ge [sflag:s22], $0x2000  }
0x140: {  	p1 =	sgt.u32 s31, $0x4B;
	[sflag:s22] =	ssyncset.done $0x0  }
0x141: {  	s7 =	sshra.s32 @!p1 s16, $0x2;
	s11 =	rddreg [dreg:$0xf];
	[sflag:s22] =	ssyncadd.s32 $0xFFFFE000  }
0x142: {  	[spmem:s2] =	stream.indirect.scatter.add.bf16 [tilespmem:s15], [sflag:$0x6], $0x40, s11, s13, $0xb8;
	[tilespmem:$0x15000] =	vst v63  }
0x143: {  	s8 =	simm.s32 @!p1 $0x80;
	s7 =	sadd.s32 @!p1 $0x800, s7;
	s9 =	simm.s32 @!p1 $0x3000  }
0x144: {  	[tilespmem:s9], [sflag:$0x1] =	stream.indirect.gather @!p1 [hbm4b:s4+s8], $0x40, s7, s8, $0xb8;
	[tilespmem:$0x15000] =	vst v63  }
0x145: {  	_ =	swait.ge [sflag:s23], $0x2000  }
0x146: {  	[sflag:s23] =	ssyncset.done $0x0  }
0x147: {  	[sflag:s23] =	ssyncadd.s32 $0xFFFFE000  }
0x148: {  	s30 =	smov.u32 s0;
	s0 =	sadd.s32 $0x2000, s0;
	_ =	swait.ge [sflag:s24], $0x2000  }
0x149: {  	p0 =	sne.s32 s0, $0xA000;
	p1 =	sgt.u32 s31, $0x4A;
	[sflag:s24] =	ssyncset.done $0x0  }
0x14a: {  	s7 =	sshra.s32 @!p1 s16, $0x2;
	s12 =	rddreg [dreg:$0x10];
	[sflag:s24] =	ssyncadd.s32 $0xFFFFE000  }
0x14b: {  	[spmem:s2] =	stream.indirect.scatter.add.bf16 [tilespmem:s17], [sflag:$0x7], $0x40, s12, s13, $0xb8;
	[tilespmem:$0x15000] =	vst v63  }
0x14c: {  	s8 =	simm.s32 @!p1 $0x80;
	s9 =	simm.s32 @!p1 $0x5000;
	s7 =	sadd.s32 @!p1 $0x880, s7  }
0x14d: {  	[tilespmem:s9], [sflag:$0x2] =	stream.indirect.gather @!p1 [hbm4b:s4+s8], $0x40, s7, s8, $0xb8;
	[tilespmem:$0x15000] =	vst v63  }
.Ltmp0:
0x14e: {  	s5 =	smov.u32 s31;
	_ =	swait.ge [sflag:s25], $0x2000;
	(pc) =	sbr.rel @p0 .LBB2_2-.Ltmp0, $4  }
0x14f: {  	p2 =	sgt.u32 s5, $0x49;
	[sflag:s25] =	ssyncset.done $0x0  }
0x150: {  	s5 =	sshra.s32 @!p2 s16, $0x2;
	s1 =	sadd.s32 $0x100, s1;
	[sflag:s25] =	ssyncadd.s32 $0xFFFFE000  }
0x151: {  	s31 =	sadd.s32 $0x10, s31;
	p1 =	seq.s32 s30, $0x0;
	_ =	swait.ge [sflag:s26], $0x2000  }
0x152: {  	s7 =	simm.s32 @!p2 $0x7000;
	s6 =	rddreg [dreg:$0x11];
	[sflag:s26] =	ssyncset.done $0x0  }
0x153: {  	[sflag:s26] =	ssyncadd.s32 $0xFFFFE000  }
0x154: {  	[spmem:s2] =	stream.indirect.scatter.add.bf16 [tilespmem:s20], [sflag:$0x8], $0x40, s6, s13, $0xb8;
	[tilespmem:$0x15000] =	vst v63  }
0x155: {  	s0 =	sadd.s32 @!p2 $0x900, s5;
	s5 =	simm.s32 @!p2 $0x80;
	s6 =	simm.s32 @!p1 $0x8  }
0x156: {  	[tilespmem:s7], [sflag:$0x3] =	stream.indirect.gather @!p2 [hbm4b:s4+s5], $0x40, s0, s5, $0xb8;
	[tilespmem:$0x15000] =	vst v63  }
0x157: {  	_ =	swait.ge @!p1 [sflag:s6], $0x2000  }
0x158: {  	[sflag:s6] =	ssyncset.done @!p1 $0x0  }
0x159: {  	[sflag:s6] =	ssyncadd.s32 @!p1 $0xFFFFE000  }
0x15a: {  	[tilespmem:s18], [sflag:$0x9] =	stream.linear.gather [hbm4b:s1+s3], $0x800, $0x38;
	[tilespmem:$0x15000] =	vst v63  }
0x15b: {  	_ =	swait.ge [sflag:s10], $0x800  }
0x15c: {  	[sflag:s10] =	ssyncset.done $0x0  }
0x15d: {  	[sflag:s10] =	ssyncadd.s32 $0xFFFFF800  }
0x15e: {  	_ =	swait.ge [sflag:s19], $0x2000  }
0x15f: {  	[sflag:s19] =	ssyncset.done $0x0  }
0x160: {  	s0 =	sshra.s32 s30, $0x2;
	[sflag:s19] =	ssyncadd.s32 $0xFFFFE000  }
0x161: {  	[spmem:s2] =	stream.indirect.scatter.add.bf16 [tilespmem:s14], [sflag:$0x5], $0x40, s18, s13, $0xb8;
	[tilespmem:$0x15000] =	vst v63  }
0x162: {  	s11 =	sadd.s32 $0x180, s0  }
0x163: {  	[tilespmem:s20], [sflag:$0x4] =	stream.indirect.gather [hbm4b:s4+s13], $0x40, s11, s13, $0xb8;
	[tilespmem:$0x15000] =	vst v63  }
0x164: {  	_ =	swait.ge [sflag:s21], $0x2000  }
0x165: {  	[sflag:s21] =	ssyncset.done $0x0  }
0x166: {  	[sflag:s21] =	ssyncadd.s32 $0xFFFFE000  }
0x167: {  	_ =	swait.ge [sflag:s22], $0x2000  }
0x168: {  	[sflag:s22] =	ssyncset.done $0x0  }
0x169: {  	s12 =	rddreg [dreg:$0x3];
	[sflag:s22] =	ssyncadd.s32 $0xFFFFE000  }
0x16a: {  	[spmem:s2] =	stream.indirect.scatter.add.bf16 [tilespmem:s15], [sflag:$0x6], $0x40, s12, s13, $0xb8;
	[tilespmem:$0x15000] =	vst v63  }
0x16b: {  	s16 =	sadd.s32 $0x200, s0  }
0x16c: {  	[tilespmem:s14], [sflag:$0x1] =	stream.indirect.gather [hbm4b:s4+s13], $0x40, s16, s13, $0xb8;
	[tilespmem:$0x15000] =	vst v63  }
0x16d: {  	_ =	swait.ge [sflag:s23], $0x2000  }
0x16e: {  	[sflag:s23] =	ssyncset.done $0x0  }
0x16f: {  	[sflag:s23] =	ssyncadd.s32 $0xFFFFE000  }
0x170: {  	_ =	swait.ge [sflag:s24], $0x2000  }
0x171: {  	[sflag:s24] =	ssyncset.done $0x0  }
0x172: {  	s5 =	rddreg [dreg:$0x4];
	[sflag:s24] =	ssyncadd.s32 $0xFFFFE000  }
0x173: {  	[spmem:s2] =	stream.indirect.scatter.add.bf16 [tilespmem:s17], [sflag:$0x7], $0x40, s5, s13, $0xb8;
	[tilespmem:$0x15000] =	vst v63  }
0x174: {  	s6 =	sadd.s32 $0x280, s0  }
0x175: {  	[tilespmem:s15], [sflag:$0x2] =	stream.indirect.gather [hbm4b:s4+s13], $0x40, s6, s13, $0xb8;
	[tilespmem:$0x15000] =	vst v63  }
0x176: {  	_ =	swait.ge [sflag:s25], $0x2000  }
0x177: {  	[sflag:s25] =	ssyncset.done $0x0  }
0x178: {  	[sflag:s25] =	ssyncadd.s32 $0xFFFFE000  }
0x179: {  	_ =	swait.ge [sflag:s26], $0x2000  }
0x17a: {  	[sflag:s26] =	ssyncset.done $0x0  }
0x17b: {  	s7 =	rddreg [dreg:$0x5];
	[sflag:s26] =	ssyncadd.s32 $0xFFFFE000  }
0x17c: {  	[spmem:s2] =	stream.indirect.scatter.add.bf16 [tilespmem:s20], [sflag:$0x8], $0x40, s7, s13, $0xb8;
	[tilespmem:$0x15000] =	vst v63  }
0x17d: {  	s8 =	sadd.s32 $0x300, s0  }
0x17e: {  	[tilespmem:s17], [sflag:$0x3] =	stream.indirect.gather [hbm4b:s4+s13], $0x40, s8, s13, $0xb8;
	[tilespmem:$0x15000] =	vst v63  }
0x17f: {  	_ =	swait.ge [sflag:s19], $0x2000  }
0x180: {  	[sflag:s19] =	ssyncset.done $0x0  }
0x181: {  	[sflag:s19] =	ssyncadd.s32 $0xFFFFE000  }
0x182: {  	_ =	swait.ge [sflag:s28], $0x2000  }
0x183: {  	[sflag:s28] =	ssyncset.done $0x0  }
0x184: {  	s9 =	rddreg [dreg:$0x6];
	[sflag:s28] =	ssyncadd.s32 $0xFFFFE000  }
0x185: {  	[spmem:s2] =	stream.indirect.scatter.add.bf16 [tilespmem:s14], [sflag:$0x5], $0x40, s9, s13, $0xb8;
	[tilespmem:$0x15000] =	vst v63  }
0x186: {  	s11 =	sadd.s32 $0x380, s0  }
0x187: {  	[tilespmem:s20], [sflag:$0x4] =	stream.indirect.gather [hbm4b:s4+s13], $0x40, s11, s13, $0xb8;
	[tilespmem:$0x15000] =	vst v63  }
0x188: {  	_ =	swait.ge [sflag:s21], $0x2000  }
0x189: {  	[sflag:s21] =	ssyncset.done $0x0  }
0x18a: {  	[sflag:s21] =	ssyncadd.s32 $0xFFFFE000  }
0x18b: {  	s12 =	sadd.s32 $0xFFFFFFF8, s31;
	_ =	swait.ge [sflag:s22], $0x2000  }
0x18c: {  	p0 =	sgt.u32 s12, $0x4B;
	[sflag:s22] =	ssyncset.done $0x0  }
0x18d: {  	s6 =	sshra.s32 @!p0 s30, $0x2;
	s16 =	rddreg [dreg:$0x7];
	[sflag:s22] =	ssyncadd.s32 $0xFFFFE000  }
0x18e: {  	[spmem:s2] =	stream.indirect.scatter.add.bf16 [tilespmem:s15], [sflag:$0x6], $0x40, s16, s13, $0xb8;
	[tilespmem:$0x15000] =	vst v63  }
0x18f: {  	s5 =	simm.s32 @!p0 $0x80;
	s6 =	sadd.s32 @!p0 $0x400, s6;
	s7 =	simm.s32 @!p0 $0x3000  }
0x190: {  	[tilespmem:s7], [sflag:$0x1] =	stream.indirect.gather @!p0 [hbm4b:s4+s5], $0x40, s6, s5, $0xb8;
	[tilespmem:$0x15000] =	vst v63  }
0x191: {  	_ =	swait.ge [sflag:s23], $0x2000  }
0x192: {  	[sflag:s23] =	ssyncset.done $0x0  }
0x193: {  	[sflag:s23] =	ssyncadd.s32 $0xFFFFE000  }
0x194: {  	_ =	swait.ge [sflag:s24], $0x2000  }
0x195: {  	p0 =	sgt.u32 s12, $0x4A;
	[sflag:s24] =	ssyncset.done $0x0  }
0x196: {  	s6 =	sshra.s32 @!p0 s30, $0x2;
	s7 =	rddreg [dreg:$0x8];
	[sflag:s24] =	ssyncadd.s32 $0xFFFFE000  }
0x197: {  	[spmem:s2] =	stream.indirect.scatter.add.bf16 [tilespmem:s17], [sflag:$0x7], $0x40, s7, s13, $0xb8;
	[tilespmem:$0x15000] =	vst v63  }
0x198: {  	s5 =	simm.s32 @!p0 $0x80;
	s6 =	sadd.s32 @!p0 $0x480, s6;
	s7 =	simm.s32 @!p0 $0x5000  }
0x199: {  	[tilespmem:s7], [sflag:$0x2] =	stream.indirect.gather @!p0 [hbm4b:s4+s5], $0x40, s6, s5, $0xb8;
	[tilespmem:$0x15000] =	vst v63  }
0x19a: {  	_ =	swait.ge [sflag:s25], $0x2000  }
0x19b: {  	[sflag:s25] =	ssyncset.done $0x0  }
0x19c: {  	[sflag:s25] =	ssyncadd.s32 $0xFFFFE000  }
0x19d: {  	_ =	swait.ge [sflag:s26], $0x2000  }
0x19e: {  	p0 =	sgt.u32 s12, $0x49;
	[sflag:s26] =	ssyncset.done $0x0  }
0x19f: {  	s1 =	sshra.s32 @!p0 s30, $0x2;
	s8 =	rddreg [dreg:$0x9];
	[sflag:s26] =	ssyncadd.s32 $0xFFFFE000  }
0x1a0: {  	[spmem:s2] =	stream.indirect.scatter.add.bf16 [tilespmem:s20], [sflag:$0x8], $0x40, s8, s13, $0xb8;
	[tilespmem:$0x15000] =	vst v63  }
0x1a1: {  	s5 =	simm.s32 @!p0 $0x80;
	s6 =	simm.s32 @!p0 $0x7000;
	s1 =	sadd.s32 @!p0 $0x500, s1  }
0x1a2: {  	[tilespmem:s6], [sflag:$0x3] =	stream.indirect.gather @!p0 [hbm4b:s4+s5], $0x40, s1, s5, $0xb8;
	[tilespmem:$0x15000] =	vst v63  }
0x1a3: {  	_ =	swait.ge [sflag:s19], $0x2000  }
0x1a4: {  	[sflag:s19] =	ssyncset.done $0x0  }
0x1a5: {  	[sflag:s19] =	ssyncadd.s32 $0xFFFFE000  }
0x1a6: {  	_ =	swait.ge [sflag:s28], $0x2000  }
0x1a7: {  	[sflag:s28] =	ssyncset.done $0x0  }
0x1a8: {  	s9 =	rddreg [dreg:$0xa];
	[sflag:s28] =	ssyncadd.s32 $0xFFFFE000  }
0x1a9: {  	[spmem:s2] =	stream.indirect.scatter.add.bf16 [tilespmem:s14], [sflag:$0x5], $0x40, s9, s13, $0xb8;
	[tilespmem:$0x15000] =	vst v63  }
0x1aa: {  	s11 =	sadd.s32 $0x580, s0  }
0x1ab: {  	[tilespmem:s20], [sflag:$0x4] =	stream.indirect.gather [hbm4b:s4+s13], $0x40, s11, s13, $0xb8;
	[tilespmem:$0x15000] =	vst v63  }
0x1ac: {  	_ =	swait.ge [sflag:s21], $0x2000  }
0x1ad: {  	[sflag:s21] =	ssyncset.done $0x0  }
0x1ae: {  	[sflag:s21] =	ssyncadd.s32 $0xFFFFE000  }
0x1af: {  	s12 =	sadd.s32 $0xFFFFFFFC, s31;
	_ =	swait.ge [sflag:s22], $0x2000  }
0x1b0: {  	p0 =	sgt.u32 s12, $0x4B;
	[sflag:s22] =	ssyncset.done $0x0  }
0x1b1: {  	s6 =	sshra.s32 @!p0 s30, $0x2;
	s16 =	rddreg [dreg:$0xb];
	[sflag:s22] =	ssyncadd.s32 $0xFFFFE000  }
0x1b2: {  	[spmem:s2] =	stream.indirect.scatter.add.bf16 [tilespmem:s15], [sflag:$0x6], $0x40, s16, s13, $0xb8;
	[tilespmem:$0x15000] =	vst v63  }
0x1b3: {  	s5 =	simm.s32 @!p0 $0x80;
	s7 =	simm.s32 @!p0 $0x3000;
	s6 =	sadd.s32 @!p0 $0x600, s6  }
0x1b4: {  	[tilespmem:s7], [sflag:$0x1] =	stream.indirect.gather @!p0 [hbm4b:s4+s5], $0x40, s6, s5, $0xb8;
	[tilespmem:$0x15000] =	vst v63  }
0x1b5: {  	_ =	swait.ge [sflag:s23], $0x2000  }
0x1b6: {  	[sflag:s23] =	ssyncset.done $0x0  }
0x1b7: {  	[sflag:s23] =	ssyncadd.s32 $0xFFFFE000  }
0x1b8: {  	_ =	swait.ge [sflag:s24], $0x2000  }
0x1b9: {  	p0 =	sgt.u32 s12, $0x4A;
	[sflag:s24] =	ssyncset.done $0x0  }
0x1ba: {  	s6 =	sshra.s32 @!p0 s30, $0x2;
	s7 =	rddreg [dreg:$0xc];
	[sflag:s24] =	ssyncadd.s32 $0xFFFFE000  }
0x1bb: {  	[spmem:s2] =	stream.indirect.scatter.add.bf16 [tilespmem:s17], [sflag:$0x7], $0x40, s7, s13, $0xb8;
	[tilespmem:$0x15000] =	vst v63  }
0x1bc: {  	s5 =	simm.s32 @!p0 $0x80;
	s6 =	sadd.s32 @!p0 $0x680, s6;
	s7 =	simm.s32 @!p0 $0x5000  }
0x1bd: {  	[tilespmem:s7], [sflag:$0x2] =	stream.indirect.gather @!p0 [hbm4b:s4+s5], $0x40, s6, s5, $0xb8;
	[tilespmem:$0x15000] =	vst v63  }
0x1be: {  	_ =	swait.ge [sflag:s25], $0x2000  }
0x1bf: {  	[sflag:s25] =	ssyncset.done $0x0  }
0x1c0: {  	[sflag:s25] =	ssyncadd.s32 $0xFFFFE000  }
0x1c1: {  	_ =	swait.ge [sflag:s26], $0x2000  }
0x1c2: {  	p0 =	sgt.u32 s12, $0x49;
	[sflag:s26] =	ssyncset.done $0x0  }
0x1c3: {  	s1 =	sshra.s32 @!p0 s30, $0x2;
	s8 =	rddreg [dreg:$0xd];
	[sflag:s26] =	ssyncadd.s32 $0xFFFFE000  }
0x1c4: {  	[spmem:s2] =	stream.indirect.scatter.add.bf16 [tilespmem:s20], [sflag:$0x8], $0x40, s8, s13, $0xb8;
	[tilespmem:$0x15000] =	vst v63  }
0x1c5: {  	s5 =	simm.s32 @!p0 $0x80;
	s6 =	simm.s32 @!p0 $0x7000;
	s1 =	sadd.s32 @!p0 $0x700, s1  }
0x1c6: {  	[tilespmem:s6], [sflag:$0x3] =	stream.indirect.gather @!p0 [hbm4b:s4+s5], $0x40, s1, s5, $0xb8;
	[tilespmem:$0x15000] =	vst v63  }
0x1c7: {  	_ =	swait.ge [sflag:s19], $0x2000  }
0x1c8: {  	[sflag:s19] =	ssyncset.done $0x0  }
0x1c9: {  	[sflag:s19] =	ssyncadd.s32 $0xFFFFE000  }
0x1ca: {  	_ =	swait.ge [sflag:s28], $0x2000  }
0x1cb: {  	[sflag:s28] =	ssyncset.done $0x0  }
0x1cc: {  	s9 =	rddreg [dreg:$0xe];
	[sflag:s28] =	ssyncadd.s32 $0xFFFFE000  }
0x1cd: {  	[spmem:s2] =	stream.indirect.scatter.add.bf16 [tilespmem:s14], [sflag:$0x5], $0x40, s9, s13, $0xb8;
	[tilespmem:$0x15000] =	vst v63  }
0x1ce: {  	s0 =	sadd.s32 $0x780, s0  }
0x1cf: {  	[tilespmem:s20], [sflag:$0x4] =	stream.indirect.gather [hbm4b:s4+s13], $0x40, s0, s13, $0xb8;
	[tilespmem:$0x15000] =	vst v63  }
0x1d0: {  	_ =	swait.ge [sflag:s21], $0x2000  }
0x1d1: {  	[sflag:s21] =	ssyncset.done $0x0  }
0x1d2: {  	[sflag:s21] =	ssyncadd.s32 $0xFFFFE000  }
0x1d3: {  	_ =	swait.ge [sflag:s22], $0x2000  }
0x1d4: {  	p0 =	sgt.u32 s31, $0x4B;
	[sflag:s22] =	ssyncset.done $0x0  }
0x1d5: {  	s1 =	sshra.s32 @!p0 s30, $0x2;
	s11 =	rddreg [dreg:$0xf];
	[sflag:s22] =	ssyncadd.s32 $0xFFFFE000  }
0x1d6: {  	[spmem:s2] =	stream.indirect.scatter.add.bf16 [tilespmem:s15], [sflag:$0x6], $0x40, s11, s13, $0xb8;
	[tilespmem:$0x15000] =	vst v63  }
0x1d7: {  	s5 =	simm.s32 @!p0 $0x3000;
	s1 =	sadd.s32 @!p0 $0x800, s1;
	s0 =	simm.s32 @!p0 $0x80  }
0x1d8: {  	[tilespmem:s5], [sflag:$0x1] =	stream.indirect.gather @!p0 [hbm4b:s4+s0], $0x40, s1, s0, $0xb8;
	[tilespmem:$0x15000] =	vst v63  }
0x1d9: {  	_ =	swait.ge [sflag:s23], $0x2000  }
0x1da: {  	[sflag:s23] =	ssyncset.done $0x0  }
0x1db: {  	[sflag:s23] =	ssyncadd.s32 $0xFFFFE000  }
0x1dc: {  	_ =	swait.ge [sflag:s24], $0x2000  }
0x1dd: {  	p0 =	sgt.u32 s31, $0x4A;
	[sflag:s24] =	ssyncset.done $0x0  }
0x1de: {  	s1 =	sshra.s32 @!p0 s30, $0x2;
	s12 =	rddreg [dreg:$0x10];
	[sflag:s24] =	ssyncadd.s32 $0xFFFFE000  }
0x1df: {  	[spmem:s2] =	stream.indirect.scatter.add.bf16 [tilespmem:s17], [sflag:$0x7], $0x40, s12, s13, $0xb8;
	[tilespmem:$0x15000] =	vst v63  }
0x1e0: {  	s0 =	simm.s32 @!p0 $0x80;
	s5 =	simm.s32 @!p0 $0x5000;
	s1 =	sadd.s32 @!p0 $0x880, s1  }
0x1e1: {  	[tilespmem:s5], [sflag:$0x2] =	stream.indirect.gather @!p0 [hbm4b:s4+s0], $0x40, s1, s0, $0xb8;
	[tilespmem:$0x15000] =	vst v63  }
0x1e2: {  	_ =	swait.ge [sflag:s25], $0x2000  }
0x1e3: {  	[sflag:s25] =	ssyncset.done $0x0  }
0x1e4: {  	[sflag:s25] =	ssyncadd.s32 $0xFFFFE000  }
0x1e5: {  	_ =	swait.ge [sflag:s26], $0x2000  }
0x1e6: {  	p0 =	sgt.u32 s31, $0x49;
	[sflag:s26] =	ssyncset.done $0x0  }
0x1e7: {  	s1 =	sshra.s32 @!p0 s30, $0x2;
	s16 =	rddreg [dreg:$0x11];
	[sflag:s26] =	ssyncadd.s32 $0xFFFFE000  }
0x1e8: {  	[spmem:s2] =	stream.indirect.scatter.add.bf16 [tilespmem:s20], [sflag:$0x8], $0x40, s16, s13, $0xb8;
	[tilespmem:$0x15000] =	vst v63  }
0x1e9: {  	s0 =	simm.s32 @!p0 $0x7000;
	s5 =	simm.s32 @!p0 $0x80;
	s1 =	sadd.s32 @!p0 $0x900, s1  }
0x1ea: {  	[tilespmem:s0], [sflag:$0x3] =	stream.indirect.gather @!p0 [hbm4b:s4+s5], $0x40, s1, s5, $0xb8;
	[tilespmem:$0x15000] =	vst v63  }
0x1eb: {  	_ =	swait.ge [sflag:s28], $0x2000  }
0x1ec: {  	[sflag:s28] =	ssyncset.done $0x0  }
0x1ed: {  	[sflag:s28] =	ssyncadd.s32 $0xFFFFE000  }
0x1ee: {  	[bflag:$0x0] =	sbarrier.arrive $0xFFFF  }
0x1ef: {  	s30 =	rddreg [dreg:$0x14]  }
0x1f0: {  	s5 =	rddreg [dreg:$0x17]  }
0x1f1: {  	s1 =	rddreg [dreg:$0x18]  }
0x1f2: {  	[hbm:s30], [sflag:s5] =	dma.local [spmem:s1], $0x1400  }
0x1f3: {  	_ =	swait.ge [sflag:s10], $0x1400  }
0x1f4: {  	s29 =	sadd.s32 $0x1, s29;
	s31 =	rddreg [dreg:$0x15]  }
0x1f5: {  	p0 =	sne.s32 s29, s31  }
.Ltmp1:
0x1f6: {  	_ = 	snop;
	(pc) =	sbr.rel @p0 .LBB2_1-.Ltmp1, $3  }
0x1f7: {  	_ =	sdelay $0x1  }
0x1f8: {  	[sflag:s10] =	ssyncset.done $0x0  }
0x1f9: {  	[sflag:s10] =	ssyncadd.s32 $0xFFFFEC00  }
0x1fa: {  	_ =	sfence.sel $0x180000  }
0x1fb: {  	[bflag:$0x0] =	sbarrier.arrive $0xFFFF  }
0x1fc: {  	_ =	strace $0x90000050  }
0x1fd: {  	s0 =	stileid.u32;
	[bflag:$0x2] =	sbarrier.arrive $0xFFFF  }
0x1fe: {  	p0 =	sne.s32 s0, $0x0;
	s0 =	rddreg [dreg:$0x2]  }
0x1ff: {  	s0 =	sadd.s32 @!p0 $0x100000, s0  }
0x200: {  	[sflag:s0] =	ssyncadd.tile.s32 @!p0 $0x1;
	_ =	shalt  }
.Lfunc_end2:
_tile_overlayer_lowered:
.L_overlay_start_2:
0x201: {  	(tag) =	ssettag $0x2  }
0x202: {  	s0 =	rddreg [dreg:$0x0];
	s2 =	stileid.u32  }
0x203: {  	s1 =	rddreg [dreg:$0x1];
	p0 =	sne.s32 s2, $0x0  }
0x204: {  	s3 =	rddreg [dreg:$0x2];
	[bflag:$0x3] =	sbarrier.arrive $0xFFFF;
	s2 =	simm.s32 @!p0 $0x1C09  }
0x205: {  	[timem:s3], [sflag:s2] =	dma.local @!p0 [hbm:s0], s1  }
0x206: {  	s0 =	simm.s32 @!p0 $0x9  }
0x207: {  	_ =	swait.ge @!p0 [sflag:s0], s1  }
0x208: {  	s1 =	ssub.s32 @!p0 $0x0, s1;
	[sflag:s0] =	ssyncset.done @!p0 $0x0  }
0x209: {  	[sflag:s0] =	ssyncadd.s32 @!p0 s1  }
0x20a: {  	[bflag:$0x3] =	sbarrier.arrive $0xFFFF  }
0x20b: {  	_ =	shalt  }

</sc_bundles>
